<compile_context>
chip_gen: v7x
topology: tpu7x:2x2x1
jax: 0.10.2.dev20260603
libtpu: 0.0.44.dev20260713+nightly
codegen_flags: <defaults>
</compile_context>

<pallas_src>
import functools

import jax
import jax.numpy as jnp
from jax import lax
from jax.experimental import pallas as pl
from jax.experimental.pallas import tpu as pltpu
from jax.experimental.pallas import tpu_sc as plsc

K = 2
TAU = 0.01
MAX_ITER = 100
TOL = 1e-3

N_ROWS = 16384
N_COLS = 8
WORKERS = 32
RPW = N_ROWS // WORKERS
VPW = RPW * N_COLS
RCHUNKS = VPW // 16
TCHUNKS = RPW // 16


def _take(x, idx):
    return x.at[idx].get(mode="promise_in_bounds")


def _seg_sum(x, iota):
    x = x + _take(x, iota ^ 1)
    x = x + _take(x, iota ^ 2)
    x = x + _take(x, iota ^ 4)
    return x


def _sigmoid(x):
    return 1.0 / (1.0 + jnp.exp(-x))


def _third_largest_seg(x, iota, p):
    def layer(x, q):
        partner = _take(x, iota - p + q)
        return jnp.where(p < q, jnp.minimum(x, partner),
                         jnp.maximum(x, partner))

    x = layer(x, p ^ 1)
    x = layer(x, p ^ 2)
    sel = (p == 1) | (p == 2) | (p == 5) | (p == 6)
    x = layer(x, jnp.where(sel, p ^ 3, p))
    x = layer(x, p ^ 4)
    x = layer(x, jnp.where((p >= 2) & (p <= 5), p ^ 6, p))
    x = layer(x, jnp.where((p >= 1) & (p <= 6), ((p - 1) ^ 1) + 1, p))
    return _take(x, iota - p + 5)


def _worker_id():
    return lax.axis_index("s") * 2 + lax.axis_index("c")


def _sc_init(s_hbm, theta_hbm, raw, tloc):
    wid = _worker_id()
    iota = jnp.arange(16, dtype=jnp.int32)
    p = iota & 7
    pltpu.sync_copy(s_hbm.at[pl.ds(VPW * wid, VPW)], raw)

    lane_pair = iota >> 1
    odd = (iota & 1) << 3

    def rows16(c, _):
        acc = jnp.zeros(16, jnp.float32)
        for k in range(8):
            t = _third_largest_seg(raw[pl.ds(16 * (8 * c + k), 16)], iota, p)
            acc = jnp.where(lane_pair == k, _take(t, odd), acc)
        tloc[pl.ds(16 * c, 16)] = acc
        return 0
    lax.fori_loop(0, TCHUNKS, rows16, 0)
    pltpu.sync_copy(tloc, theta_hbm.at[pl.ds(RPW * wid, RPW)])


def _sc_pass(s_hbm, th_hbm, ratio_hbm, parts_hbm, raw, tloc, rloc, facc):
    wid = _worker_id()
    iota = jnp.arange(16, dtype=jnp.int32)
    pltpu.sync_copy(s_hbm.at[pl.ds(VPW * wid, VPW)], raw)
    pltpu.sync_copy(th_hbm.at[pl.ds(RPW * wid, RPW)], tloc)
    facc[...] = jnp.zeros(16, jnp.float32)

    lane_pair = iota >> 1
    odd = (iota & 1) << 3
    exp_idx = iota >> 3

    def rows16(c, _):
        th16 = tloc[pl.ds(16 * c, 16)]
        acc = jnp.zeros(16, jnp.float32)
        for k in range(8):
            th = _take(th16, exp_idx + 2 * k)
            sg = _sigmoid((raw[pl.ds(16 * (8 * c + k), 16)] - th) / TAU)
            facc[...] = facc[...] + sg
            f = _seg_sum(sg, iota) - K
            df = -(1.0 / TAU) * _seg_sum(sg * (1.0 - sg), iota)
            step = f / df
            acc = jnp.where(lane_pair == k, _take(step, odd), acc)
        rloc[pl.ds(16 * c, 16)] = acc
        return 0
    lax.fori_loop(0, TCHUNKS, rows16, 0)

    pltpu.sync_copy(rloc, ratio_hbm.at[pl.ds(RPW * wid, RPW)])
    pltpu.sync_copy(facc, parts_hbm.at[pl.ds(16 * wid, 16)])


def _sc_final(s_hbm, th_hbm, g_hbm, raw, tloc, gloc):
    wid = _worker_id()
    iota = jnp.arange(16, dtype=jnp.int32)
    pltpu.sync_copy(s_hbm.at[pl.ds(VPW * wid, VPW)], raw)
    pltpu.sync_copy(th_hbm.at[pl.ds(RPW * wid, RPW)], tloc)

    exp_idx = iota >> 3

    def rows16(c, _):
        th16 = tloc[pl.ds(16 * c, 16)]
        for k in range(8):
            th = _take(th16, exp_idx + 2 * k)
            off = 16 * (8 * c + k)
            gloc[pl.ds(off, 16)] = _sigmoid((raw[pl.ds(off, 16)] - th) / TAU)
        return 0
    lax.fori_loop(0, TCHUNKS, rows16, 0)
    pltpu.sync_copy(gloc, g_hbm.at[pl.ds(VPW * wid, VPW)])


def _mesh():
    return plsc.VectorSubcoreMesh(core_axis_name="c", subcore_axis_name="s")


_init_call = functools.partial(
    pl.kernel,
    mesh=_mesh(),
    out_type=jax.ShapeDtypeStruct((N_ROWS,), jnp.float32),
    scratch_types=[
        pltpu.VMEM((VPW,), jnp.float32),
        pltpu.VMEM((RPW,), jnp.float32),
    ],
)(_sc_init)

_pass_call = functools.partial(
    pl.kernel,
    mesh=_mesh(),
    out_type=(
        jax.ShapeDtypeStruct((N_ROWS,), jnp.float32),
        jax.ShapeDtypeStruct((16 * WORKERS,), jnp.float32),
    ),
    scratch_types=[
        pltpu.VMEM((VPW,), jnp.float32),
        pltpu.VMEM((RPW,), jnp.float32),
        pltpu.VMEM((RPW,), jnp.float32),
        pltpu.VMEM((16,), jnp.float32),
    ],
)(_sc_pass)

_final_call = functools.partial(
    pl.kernel,
    mesh=_mesh(),
    out_type=jax.ShapeDtypeStruct((N_ROWS * N_COLS,), jnp.float32),
    scratch_types=[
        pltpu.VMEM((VPW,), jnp.float32),
        pltpu.VMEM((RPW,), jnp.float32),
        pltpu.VMEM((VPW,), jnp.float32),
    ],
)(_sc_final)


@jax.jit
def kernel(s):
    s_flat = s.reshape(N_ROWS * N_COLS)
    theta0 = _init_call(s_flat)

    def body(carry):
        theta, i, done = carry
        ratio, parts = _pass_call(s_flat, theta)
        mean_f = (jnp.sum(parts) - jnp.float32(K * N_ROWS)) / N_ROWS
        new_done = mean_f < TOL
        theta_out = jnp.where(new_done, theta, theta - ratio)
        return (theta_out, i + 1, new_done)

    def cond(carry):
        _, i, done = carry
        return jnp.logical_and(i < MAX_ITER, jnp.logical_not(done))

    theta, _, _ = lax.while_loop(
        cond, body, (theta0, jnp.int32(0), jnp.bool_(False))
    )
    return _final_call(s_flat, theta).reshape(N_ROWS, N_COLS)

# --- scband reference (transcript-rebuilt; emitter-appended) ---
"""Pipeline reference for scband-smooth-top-kgate-54760833024086 (READ-ONLY COPY).

The authoritative reference and input builder live on the scoring server;
editing this copy changes nothing except your own understanding.
"""

import jax, jax.numpy as jnp
import numpy as np

K = 2
TAU = 0.01
MAX_ITER = 100
TOL = 1e-3

def _compute_threshold(s):
    sorted_s = jnp.sort(s, axis=-1)
    theta = sorted_s[:, -K - 1][:, None]
    # Note: the torch code uses a global bare `k` (== 2) inside the loop; K matches.
    def body(carry):
        theta, i, done = carry
        sigmoid_mask = jax.nn.sigmoid((s - theta) / TAU)
        f_theta = jnp.sum(sigmoid_mask, axis=-1, keepdims=True) - K
        new_done = jnp.mean(f_theta) < TOL
        df_theta = -(1.0 / TAU) * jnp.sum(sigmoid_mask * (1.0 - sigmoid_mask), axis=-1, keepdims=True)
        theta_new = theta - f_theta / df_theta
        theta_out = jnp.where(new_done, theta, theta_new)
        return (theta_out, i + 1, new_done)
    def cond(carry):
        theta, i, done = carry
        return jnp.logical_and(i < MAX_ITER, jnp.logical_not(done))
    theta, _, _ = jax.lax.while_loop(cond, body, (theta, jnp.int32(0), jnp.array(False)))
    return theta

def setup_inputs(seed: int = 0) -> dict:
    key = jax.random.key(seed)
    s = jax.random.normal(key, (16384, 8), dtype=jnp.float32)
    return {"s": s}

def reference(s):
    theta = _compute_threshold(s)
    g = jax.nn.sigmoid((s - theta) / TAU)
    return g

if __name__ == "__main__":
    import jax
    _d = setup_inputs()
    print(jax.jit(kernel)(*tuple(_d.values())))

</pallas_src>

<mosaic_0001>
#map = affine_map<(d0, d1) -> (0)>
module attributes {stable_mosaic.version = 14 : i64} {
  func.func @_sc_init(%arg0: i32, %arg1: i32, %arg2: memref<131072xf32, #tpu.memory_space<hbm>>, %arg3: memref<16384xf32, #tpu.memory_space<hbm>>, %arg4: memref<4096xf32, #tpu.memory_space<vmem>>, %arg5: memref<512xf32, #tpu.memory_space<vmem>>) attributes {dimension_semantics = [#tpu.dimension_semantics<core_parallel>, #tpu.dimension_semantics<subcore_parallel>], iteration_bounds = array<i64: 2, 16>, scalar_prefetch = 0 : i64, scratch_operands = 2 : i64, tpu.core_type = #tpu.core_type<sc_vector_subcore>, window_params = [{transform_indices = #map}, {transform_indices = #map}]} {
    %mul3A = arith.constant 2 : i32
    %mul3A_0 = arith.muli %arg1, %mul3A : i32
    %add3A = arith.addi %mul3A_0, %arg0 : i32
    %iota3A = tpu.iota {dimensions = array<i32: 0>} : vector<16xi32>
    %and3A = arith.constant 7 : i32
    %and3A_1 = vector.broadcast %and3A : i32 to vector<16xi32>
    %and3A_2 = arith.andi %iota3A, %and3A_1 : vector<16xi32>
    %mul3A_3 = arith.constant 4096 : i32
    %mul3A_4 = arith.muli %mul3A_3, %add3A : i32
    "tpu.region"() ({
      %run_scoped3A = tpu.sem_alloc : memref<!tpu.dma_semaphore, #tpu.memory_space<semaphore_mem>>
      %dma_start3A = tpu.memref_slice %arg2[%mul3A_4] : memref<131072xf32, #tpu.memory_space<hbm>> -> memref<4096xf32, #tpu.memory_space<hbm>>
      %dma_start3A_20 = tpu.memref_slice %arg2[%mul3A_4] : memref<131072xf32, #tpu.memory_space<hbm>> -> memref<4096xf32, #tpu.memory_space<hbm>>
      tpu.enqueue_dma source(%dma_start3A_20 : memref<4096xf32, #tpu.memory_space<hbm>>) target(%arg4 : memref<4096xf32, #tpu.memory_space<vmem>>) target_semaphore(%run_scoped3A : memref<!tpu.dma_semaphore, #tpu.memory_space<semaphore_mem>>)
      %dma_wait3A = tpu.memref_slice %arg2[%mul3A_4] : memref<131072xf32, #tpu.memory_space<hbm>> -> memref<4096xf32, #tpu.memory_space<hbm>>
      %dma_wait3A_21 = tpu.memref_slice %arg2[%mul3A_4] : memref<131072xf32, #tpu.memory_space<hbm>> -> memref<4096xf32, #tpu.memory_space<hbm>>
      tpu.wait_dma2 semaphore(%run_scoped3A : memref<!tpu.dma_semaphore, #tpu.memory_space<semaphore_mem>>) src(%dma_wait3A_21 : memref<4096xf32, #tpu.memory_space<hbm>>) dst(%arg4 : memref<4096xf32, #tpu.memory_space<vmem>>)
      tpu.yield
    }) : () -> ()
    %shift_right_arithmetic3A = arith.constant 1 : i32
    %shift_right_arithmetic3A_5 = vector.broadcast %shift_right_arithmetic3A : i32 to vector<16xi32>
    %shift_right_arithmetic3A_6 = arith.shrsi %iota3A, %shift_right_arithmetic3A_5 : vector<16xi32>
    %and3A_7 = arith.constant 1 : i32
    %and3A_8 = vector.broadcast %and3A_7 : i32 to vector<16xi32>
    %and3A_9 = arith.andi %iota3A, %and3A_8 : vector<16xi32>
    %shift_left3A = arith.constant 3 : i32
    %shift_left3A_10 = vector.broadcast %shift_left3A : i32 to vector<16xi32>
    %shift_left3A_11 = arith.shli %and3A_9, %shift_left3A_10 : vector<16xi32>
    %scan3A = arith.constant 0 : i32
    %scan3A_12 = arith.constant 0 : i32
    %scan3A_13 = arith.constant 32 : i32
    %scan3A_14 = arith.addi %scan3A_12, %scan3A_13 : i32
    %scan3A_15 = arith.constant 1 : i32
    %scan3A_16 = scf.for %scan3A_20 = %scan3A_12 to %scan3A_14 step %scan3A_15 iter_args(%scan3A_21 = %scan3A) -> (i32)  : i32 {
      %broadcast_in_dim3A = arith.constant 0.000000e+00 : f32
      %broadcast_in_dim3A_22 = vector.broadcast %broadcast_in_dim3A : f32 to vector<16xf32>
      %mul3A_23 = arith.constant 8 : i32
      %mul3A_24 = arith.muli %mul3A_23, %scan3A_20 : i32
      %add3A_25 = arith.constant 0 : i32
      %add3A_26 = arith.addi %mul3A_24, %add3A_25 : i32
      %mul3A_27 = arith.constant 16 : i32
      %mul3A_28 = arith.muli %mul3A_27, %add3A_26 : i32
      %get3A = arith.index_cast %mul3A_28 : i32 to index
      %get3A_29 = tpu.vector_load %arg4[%get3A] {strides = array<i32>} : memref<4096xf32, #tpu.memory_space<vmem>>, vector<16xf32>,
      %get3A_30 = vector.shape_cast %get3A_29 : vector<16xf32> to vector<16xf32>
      %xor3A = arith.constant 1 : i32
      %xor3A_31 = vector.broadcast %xor3A : i32 to vector<16xi32>
      %xor3A_32 = arith.xori %and3A_2, %xor3A_31 : vector<16xi32>
      %sub3A = arith.subi %iota3A, %and3A_2 : vector<16xi32>
      %add3A_33 = arith.addi %sub3A, %xor3A_32 : vector<16xi32>
      %lt3A = arith.constant 0 : i32
      %lt3A_34 = vector.broadcast %lt3A : i32 to vector<16xi32>
      %lt3A_35 = arith.cmpi slt, %add3A_33, %lt3A_34 : vector<16xi32>
      %add3A_36 = arith.constant 16 : i32
      %add3A_37 = vector.broadcast %add3A_36 : i32 to vector<16xi32>
      %add3A_38 = arith.addi %add3A_33, %add3A_37 : vector<16xi32>
      %select_n3A = arith.select %lt3A_35, %add3A_38, %add3A_33 : vector<16xi1>, vector<16xi32>
      %broadcast_in_dim3A_39 = vector.shape_cast %select_n3A : vector<16xi32> to vector<16x1xi32>
      %gather3A = vector.shape_cast %broadcast_in_dim3A_39 : vector<16x1xi32> to vector<16xi32>
      %gather3A_40 = tpu.dynamic_gather %get3A_30[%gather3A] in [0] : vector<16xf32>, vector<16xi32> -> vector<16xf32>
      %lt3A_41 = arith.cmpi slt, %and3A_2, %xor3A_32 : vector<16xi32>
      %min3A = arith.minimumf %get3A_30, %gather3A_40 : vector<16xf32>
      %max3A = arith.maximumf %get3A_30, %gather3A_40 : vector<16xf32>
      %select_n3A_42 = arith.select %lt3A_41, %min3A, %max3A : vector<16xi1>, vector<16xf32>
      %xor3A_43 = arith.constant 2 : i32
      %xor3A_44 = vector.broadcast %xor3A_43 : i32 to vector<16xi32>
      %xor3A_45 = arith.xori %and3A_2, %xor3A_44 : vector<16xi32>
      %sub3A_46 = arith.subi %iota3A, %and3A_2 : vector<16xi32>
      %add3A_47 = arith.addi %sub3A_46, %xor3A_45 : vector<16xi32>
      %lt3A_48 = arith.constant 0 : i32
      %lt3A_49 = vector.broadcast %lt3A_48 : i32 to vector<16xi32>
      %lt3A_50 = arith.cmpi slt, %add3A_47, %lt3A_49 : vector<16xi32>
      %add3A_51 = arith.constant 16 : i32
      %add3A_52 = vector.broadcast %add3A_51 : i32 to vector<16xi32>
      %add3A_53 = arith.addi %add3A_47, %add3A_52 : vector<16xi32>
      %select_n3A_54 = arith.select %lt3A_50, %add3A_53, %add3A_47 : vector<16xi1>, vector<16xi32>
      %broadcast_in_dim3A_55 = vector.shape_cast %select_n3A_54 : vector<16xi32> to vector<16x1xi32>
      %gather3A_56 = vector.shape_cast %broadcast_in_dim3A_55 : vector<16x1xi32> to vector<16xi32>
      %gather3A_57 = tpu.dynamic_gather %select_n3A_42[%gather3A_56] in [0] : vector<16xf32>, vector<16xi32> -> vector<16xf32>
      %lt3A_58 = arith.cmpi slt, %and3A_2, %xor3A_45 : vector<16xi32>
      %min3A_59 = arith.minimumf %select_n3A_42, %gather3A_57 : vector<16xf32>
      %max3A_60 = arith.maximumf %select_n3A_42, %gather3A_57 : vector<16xf32>
      %select_n3A_61 = arith.select %lt3A_58, %min3A_59, %max3A_60 : vector<16xi1>, vector<16xf32>
      %eq3A = arith.constant 1 : i32
      %eq3A_62 = vector.broadcast %eq3A : i32 to vector<16xi32>
      %eq3A_63 = arith.cmpi eq, %and3A_2, %eq3A_62 : vector<16xi32>
      %eq3A_64 = arith.constant 2 : i32
      %eq3A_65 = vector.broadcast %eq3A_64 : i32 to vector<16xi32>
      %eq3A_66 = arith.cmpi eq, %and3A_2, %eq3A_65 : vector<16xi32>
      %or3A = arith.ori %eq3A_63, %eq3A_66 : vector<16xi1>
      %eq3A_67 = arith.constant 5 : i32
      %eq3A_68 = vector.broadcast %eq3A_67 : i32 to vector<16xi32>
      %eq3A_69 = arith.cmpi eq, %and3A_2, %eq3A_68 : vector<16xi32>
      %or3A_70 = arith.ori %or3A, %eq3A_69 : vector<16xi1>
      %eq3A_71 = arith.constant 6 : i32
      %eq3A_72 = vector.broadcast %eq3A_71 : i32 to vector<16xi32>
      %eq3A_73 = arith.cmpi eq, %and3A_2, %eq3A_72 : vector<16xi32>
      %or3A_74 = arith.ori %or3A_70, %eq3A_73 : vector<16xi1>
      %xor3A_75 = arith.constant 3 : i32
      %xor3A_76 = vector.broadcast %xor3A_75 : i32 to vector<16xi32>
      %xor3A_77 = arith.xori %and3A_2, %xor3A_76 : vector<16xi32>
      %select_n3A_78 = arith.select %or3A_74, %xor3A_77, %and3A_2 : vector<16xi1>, vector<16xi32>
      %sub3A_79 = arith.subi %iota3A, %and3A_2 : vector<16xi32>
      %add3A_80 = arith.addi %sub3A_79, %select_n3A_78 : vector<16xi32>
      %lt3A_81 = arith.constant 0 : i32
      %lt3A_82 = vector.broadcast %lt3A_81 : i32 to vector<16xi32>
      %lt3A_83 = arith.cmpi slt, %add3A_80, %lt3A_82 : vector<16xi32>
      %add3A_84 = arith.constant 16 : i32
      %add3A_85 = vector.broadcast %add3A_84 : i32 to vector<16xi32>
      %add3A_86 = arith.addi %add3A_80, %add3A_85 : vector<16xi32>
      %select_n3A_87 = arith.select %lt3A_83, %add3A_86, %add3A_80 : vector<16xi1>, vector<16xi32>
      %broadcast_in_dim3A_88 = vector.shape_cast %select_n3A_87 : vector<16xi32> to vector<16x1xi32>
      %gather3A_89 = vector.shape_cast %broadcast_in_dim3A_88 : vector<16x1xi32> to vector<16xi32>
      %gather3A_90 = tpu.dynamic_gather %select_n3A_61[%gather3A_89] in [0] : vector<16xf32>, vector<16xi32> -> vector<16xf32>
      %lt3A_91 = arith.cmpi slt, %and3A_2, %select_n3A_78 : vector<16xi32>
      %min3A_92 = arith.minimumf %select_n3A_61, %gather3A_90 : vector<16xf32>
      %max3A_93 = arith.maximumf %select_n3A_61, %gather3A_90 : vector<16xf32>
      %select_n3A_94 = arith.select %lt3A_91, %min3A_92, %max3A_93 : vector<16xi1>, vector<16xf32>
      %xor3A_95 = arith.constant 4 : i32
      %xor3A_96 = vector.broadcast %xor3A_95 : i32 to vector<16xi32>
      %xor3A_97 = arith.xori %and3A_2, %xor3A_96 : vector<16xi32>
      %sub3A_98 = arith.subi %iota3A, %and3A_2 : vector<16xi32>
      %add3A_99 = arith.addi %sub3A_98, %xor3A_97 : vector<16xi32>
      %lt3A_100 = arith.constant 0 : i32
      %lt3A_101 = vector.broadcast %lt3A_100 : i32 to vector<16xi32>
      %lt3A_102 = arith.cmpi slt, %add3A_99, %lt3A_101 : vector<16xi32>
      %add3A_103 = arith.constant 16 : i32
      %add3A_104 = vector.broadcast %add3A_103 : i32 to vector<16xi32>
      %add3A_105 = arith.addi %add3A_99, %add3A_104 : vector<16xi32>
      %select_n3A_106 = arith.select %lt3A_102, %add3A_105, %add3A_99 : vector<16xi1>, vector<16xi32>
      %broadcast_in_dim3A_107 = vector.shape_cast %select_n3A_106 : vector<16xi32> to vector<16x1xi32>
      %gather3A_108 = vector.shape_cast %broadcast_in_dim3A_107 : vector<16x1xi32> to vector<16xi32>
      %gather3A_109 = tpu.dynamic_gather %select_n3A_94[%gather3A_108] in [0] : vector<16xf32>, vector<16xi32> -> vector<16xf32>
      %lt3A_110 = arith.cmpi slt, %and3A_2, %xor3A_97 : vector<16xi32>
      %min3A_111 = arith.minimumf %select_n3A_94, %gather3A_109 : vector<16xf32>
      %max3A_112 = arith.maximumf %select_n3A_94, %gather3A_109 : vector<16xf32>
      %select_n3A_113 = arith.select %lt3A_110, %min3A_111, %max3A_112 : vector<16xi1>, vector<16xf32>
      %ge3A = arith.constant 2 : i32
      %ge3A_114 = vector.broadcast %ge3A : i32 to vector<16xi32>
      %ge3A_115 = arith.cmpi sge, %and3A_2, %ge3A_114 : vector<16xi32>
      %le3A = arith.constant 5 : i32
      %le3A_116 = vector.broadcast %le3A : i32 to vector<16xi32>
      %le3A_117 = arith.cmpi sle, %and3A_2, %le3A_116 : vector<16xi32>
      %and3A_118 = arith.andi %ge3A_115, %le3A_117 : vector<16xi1>
      %xor3A_119 = arith.constant 6 : i32
      %xor3A_120 = vector.broadcast %xor3A_119 : i32 to vector<16xi32>
      %xor3A_121 = arith.xori %and3A_2, %xor3A_120 : vector<16xi32>
      %select_n3A_122 = arith.select %and3A_118, %xor3A_121, %and3A_2 : vector<16xi1>, vector<16xi32>
      %sub3A_123 = arith.subi %iota3A, %and3A_2 : vector<16xi32>
      %add3A_124 = arith.addi %sub3A_123, %select_n3A_122 : vector<16xi32>
      %lt3A_125 = arith.constant 0 : i32
      %lt3A_126 = vector.broadcast %lt3A_125 : i32 to vector<16xi32>
      %lt3A_127 = arith.cmpi slt, %add3A_124, %lt3A_126 : vector<16xi32>
      %add3A_128 = arith.constant 16 : i32
      %add3A_129 = vector.broadcast %add3A_128 : i32 to vector<16xi32>
      %add3A_130 = arith.addi %add3A_124, %add3A_129 : vector<16xi32>
      %select_n3A_131 = arith.select %lt3A_127, %add3A_130, %add3A_124 : vector<16xi1>, vector<16xi32>
      %broadcast_in_dim3A_132 = vector.shape_cast %select_n3A_131 : vector<16xi32> to vector<16x1xi32>
      %gather3A_133 = vector.shape_cast %broadcast_in_dim3A_132 : vector<16x1xi32> to vector<16xi32>
      %gather3A_134 = tpu.dynamic_gather %select_n3A_113[%gather3A_133] in [0] : vector<16xf32>, vector<16xi32> -> vector<16xf32>
      %lt3A_135 = arith.cmpi slt, %and3A_2, %select_n3A_122 : vector<16xi32>
      %min3A_136 = arith.minimumf %select_n3A_113, %gather3A_134 : vector<16xf32>
      %max3A_137 = arith.maximumf %select_n3A_113, %gather3A_134 : vector<16xf32>
      %select_n3A_138 = arith.select %lt3A_135, %min3A_136, %max3A_137 : vector<16xi1>, vector<16xf32>
      %ge3A_139 = arith.constant 1 : i32
      %ge3A_140 = vector.broadcast %ge3A_139 : i32 to vector<16xi32>
      %ge3A_141 = arith.cmpi sge, %and3A_2, %ge3A_140 : vector<16xi32>
      %le3A_142 = arith.constant 6 : i32
      %le3A_143 = vector.broadcast %le3A_142 : i32 to vector<16xi32>
      %le3A_144 = arith.cmpi sle, %and3A_2, %le3A_143 : vector<16xi32>
      %and3A_145 = arith.andi %ge3A_141, %le3A_144 : vector<16xi1>
      %sub3A_146 = arith.constant 1 : i32
      %sub3A_147 = vector.broadcast %sub3A_146 : i32 to vector<16xi32>
      %sub3A_148 = arith.subi %and3A_2, %sub3A_147 : vector<16xi32>
      %xor3A_149 = arith.constant 1 : i32
      %xor3A_150 = vector.broadcast %xor3A_149 : i32 to vector<16xi32>
      %xor3A_151 = arith.xori %sub3A_148, %xor3A_150 : vector<16xi32>
      %add3A_152 = arith.constant 1 : i32
      %add3A_153 = vector.broadcast %add3A_152 : i32 to vector<16xi32>
      %add3A_154 = arith.addi %xor3A_151, %add3A_153 : vector<16xi32>
      %select_n3A_155 = arith.select %and3A_145, %add3A_154, %and3A_2 : vector<16xi1>, vector<16xi32>
      %sub3A_156 = arith.subi %iota3A, %and3A_2 : vector<16xi32>
      %add3A_157 = arith.addi %sub3A_156, %select_n3A_155 : vector<16xi32>
      %lt3A_158 = arith.constant 0 : i32
      %lt3A_159 = vector.broadcast %lt3A_158 : i32 to vector<16xi32>
      %lt3A_160 = arith.cmpi slt, %add3A_157, %lt3A_159 : vector<16xi32>
      %add3A_161 = arith.constant 16 : i32
      %add3A_162 = vector.broadcast %add3A_161 : i32 to vector<16xi32>
      %add3A_163 = arith.addi %add3A_157, %add3A_162 : vector<16xi32>
      %select_n3A_164 = arith.select %lt3A_160, %add3A_163, %add3A_157 : vector<16xi1>, vector<16xi32>
      %broadcast_in_dim3A_165 = vector.shape_cast %select_n3A_164 : vector<16xi32> to vector<16x1xi32>
      %gather3A_166 = vector.shape_cast %broadcast_in_dim3A_165 : vector<16x1xi32> to vector<16xi32>
      %gather3A_167 = tpu.dynamic_gather %select_n3A_138[%gather3A_166] in [0] : vector<16xf32>, vector<16xi32> -> vector<16xf32>
      %lt3A_168 = arith.cmpi slt, %and3A_2, %select_n3A_155 : vector<16xi32>
      %min3A_169 = arith.minimumf %select_n3A_138, %gather3A_167 : vector<16xf32>
      %max3A_170 = arith.maximumf %select_n3A_138, %gather3A_167 : vector<16xf32>
      %select_n3A_171 = arith.select %lt3A_168, %min3A_169, %max3A_170 : vector<16xi1>, vector<16xf32>
      %sub3A_172 = arith.subi %iota3A, %and3A_2 : vector<16xi32>
      %add3A_173 = arith.constant 5 : i32
      %add3A_174 = vector.broadcast %add3A_173 : i32 to vector<16xi32>
      %add3A_175 = arith.addi %sub3A_172, %add3A_174 : vector<16xi32>
      %lt3A_176 = arith.constant 0 : i32
      %lt3A_177 = vector.broadcast %lt3A_176 : i32 to vector<16xi32>
      %lt3A_178 = arith.cmpi slt, %add3A_175, %lt3A_177 : vector<16xi32>
      %add3A_179 = arith.constant 16 : i32
      %add3A_180 = vector.broadcast %add3A_179 : i32 to vector<16xi32>
      %add3A_181 = arith.addi %add3A_175, %add3A_180 : vector<16xi32>
      %select_n3A_182 = arith.select %lt3A_178, %add3A_181, %add3A_175 : vector<16xi1>, vector<16xi32>
      %broadcast_in_dim3A_183 = vector.shape_cast %select_n3A_182 : vector<16xi32> to vector<16x1xi32>
      %gather3A_184 = vector.shape_cast %broadcast_in_dim3A_183 : vector<16x1xi32> to vector<16xi32>
      %gather3A_185 = tpu.dynamic_gather %select_n3A_171[%gather3A_184] in [0] : vector<16xf32>, vector<16xi32> -> vector<16xf32>
      %eq3A_186 = arith.constant 0 : i32
      %eq3A_187 = vector.broadcast %eq3A_186 : i32 to vector<16xi32>
      %eq3A_188 = arith.cmpi eq, %shift_right_arithmetic3A_6, %eq3A_187 : vector<16xi32>
      %lt3A_189 = arith.constant 0 : i32
      %lt3A_190 = vector.broadcast %lt3A_189 : i32 to vector<16xi32>
      %lt3A_191 = arith.cmpi slt, %shift_left3A_11, %lt3A_190 : vector<16xi32>
      %add3A_192 = arith.constant 16 : i32
      %add3A_193 = vector.broadcast %add3A_192 : i32 to vector<16xi32>
      %add3A_194 = arith.addi %shift_left3A_11, %add3A_193 : vector<16xi32>
      %select_n3A_195 = arith.select %lt3A_191, %add3A_194, %shift_left3A_11 : vector<16xi1>, vector<16xi32>
      %broadcast_in_dim3A_196 = vector.shape_cast %select_n3A_195 : vector<16xi32> to vector<16x1xi32>
      %gather3A_197 = vector.shape_cast %broadcast_in_dim3A_196 : vector<16x1xi32> to vector<16xi32>
      %gather3A_198 = tpu.dynamic_gather %gather3A_185[%gather3A_197] in [0] : vector<16xf32>, vector<16xi32> -> vector<16xf32>
      %select_n3A_199 = arith.select %eq3A_188, %gather3A_198, %broadcast_in_dim3A_22 : vector<16xi1>, vector<16xf32>
      %mul3A_200 = arith.constant 8 : i32
      %mul3A_201 = arith.muli %mul3A_200, %scan3A_20 : i32
      %add3A_202 = arith.constant 1 : i32
      %add3A_203 = arith.addi %mul3A_201, %add3A_202 : i32
      %mul3A_204 = arith.constant 16 : i32
      %mul3A_205 = arith.muli %mul3A_204, %add3A_203 : i32
      %get3A_206 = arith.index_cast %mul3A_205 : i32 to index
      %get3A_207 = tpu.vector_load %arg4[%get3A_206] {strides = array<i32>} : memref<4096xf32, #tpu.memory_space<vmem>>, vector<16xf32>,
      %get3A_208 = vector.shape_cast %get3A_207 : vector<16xf32> to vector<16xf32>
      %xor3A_209 = arith.constant 1 : i32
      %xor3A_210 = vector.broadcast %xor3A_209 : i32 to vector<16xi32>
      %xor3A_211 = arith.xori %and3A_2, %xor3A_210 : vector<16xi32>
      %sub3A_212 = arith.subi %iota3A, %and3A_2 : vector<16xi32>
      %add3A_213 = arith.addi %sub3A_212, %xor3A_211 : vector<16xi32>
      %lt3A_214 = arith.constant 0 : i32
      %lt3A_215 = vector.broadcast %lt3A_214 : i32 to vector<16xi32>
      %lt3A_216 = arith.cmpi slt, %add3A_213, %lt3A_215 : vector<16xi32>
      %add3A_217 = arith.constant 16 : i32
      %add3A_218 = vector.broadcast %add3A_217 : i32 to vector<16xi32>
      %add3A_219 = arith.addi %add3A_213, %add3A_218 : vector<16xi32>
      %select_n3A_220 = arith.select %lt3A_216, %add3A_219, %add3A_213 : vector<16xi1>, vector<16xi32>
      %broadcast_in_dim3A_221 = vector.shape_cast %select_n3A_220 : vector<16xi32> to vector<16x1xi32>
      %gather3A_222 = vector.shape_cast %broadcast_in_dim3A_221 : vector<16x1xi32> to vector<16xi32>
      %gather3A_223 = tpu.dynamic_gather %get3A_208[%gather3A_222] in [0] : vector<16xf32>, vector<16xi32> -> vector<16xf32>
      %lt3A_224 = arith.cmpi slt, %and3A_2, %xor3A_211 : vector<16xi32>
      %min3A_225 = arith.minimumf %get3A_208, %gather3A_223 : vector<16xf32>
      %max3A_226 = arith.maximumf %get3A_208, %gather3A_223 : vector<16xf32>
      %select_n3A_227 = arith.select %lt3A_224, %min3A_225, %max3A_226 : vector<16xi1>, vector<16xf32>
      %xor3A_228 = arith.constant 2 : i32
      %xor3A_229 = vector.broadcast %xor3A_228 : i32 to vector<16xi32>
      %xor3A_230 = arith.xori %and3A_2, %xor3A_229 : vector<16xi32>
      %sub3A_231 = arith.subi %iota3A, %and3A_2 : vector<16xi32>
      %add3A_232 = arith.addi %sub3A_231, %xor3A_230 : vector<16xi32>
      %lt3A_233 = arith.constant 0 : i32
      %lt3A_234 = vector.broadcast %lt3A_233 : i32 to vector<16xi32>
      %lt3A_235 = arith.cmpi slt, %add3A_232, %lt3A_234 : vector<16xi32>
      %add3A_236 = arith.constant 16 : i32
      %add3A_237 = vector.broadcast %add3A_236 : i32 to vector<16xi32>
      %add3A_238 = arith.addi %add3A_232, %add3A_237 : vector<16xi32>
      %select_n3A_239 = arith.select %lt3A_235, %add3A_238, %add3A_232 : vector<16xi1>, vector<16xi32>
      %broadcast_in_dim3A_240 = vector.shape_cast %select_n3A_239 : vector<16xi32> to vector<16x1xi32>
      %gather3A_241 = vector.shape_cast %broadcast_in_dim3A_240 : vector<16x1xi32> to vector<16xi32>
      %gather3A_242 = tpu.dynamic_gather %select_n3A_227[%gather3A_241] in [0] : vector<16xf32>, vector<16xi32> -> vector<16xf32>
      %lt3A_243 = arith.cmpi slt, %and3A_2, %xor3A_230 : vector<16xi32>
      %min3A_244 = arith.minimumf %select_n3A_227, %gather3A_242 : vector<16xf32>
      %max3A_245 = arith.maximumf %select_n3A_227, %gather3A_242 : vector<16xf32>
      %select_n3A_246 = arith.select %lt3A_243, %min3A_244, %max3A_245 : vector<16xi1>, vector<16xf32>
      %eq3A_247 = arith.constant 1 : i32
      %eq3A_248 = vector.broadcast %eq3A_247 : i32 to vector<16xi32>
      %eq3A_249 = arith.cmpi eq, %and3A_2, %eq3A_248 : vector<16xi32>
      %eq3A_250 = arith.constant 2 : i32
      %eq3A_251 = vector.broadcast %eq3A_250 : i32 to vector<16xi32>
      %eq3A_252 = arith.cmpi eq, %and3A_2, %eq3A_251 : vector<16xi32>
      %or3A_253 = arith.ori %eq3A_249, %eq3A_252 : vector<16xi1>
      %eq3A_254 = arith.constant 5 : i32
      %eq3A_255 = vector.broadcast %eq3A_254 : i32 to vector<16xi32>
      %eq3A_256 = arith.cmpi eq, %and3A_2, %eq3A_255 : vector<16xi32>
      %or3A_257 = arith.ori %or3A_253, %eq3A_256 : vector<16xi1>
      %eq3A_258 = arith.constant 6 : i32
      %eq3A_259 = vector.broadcast %eq3A_258 : i32 to vector<16xi32>
      %eq3A_260 = arith.cmpi eq, %and3A_2, %eq3A_259 : vector<16xi32>
      %or3A_261 = arith.ori %or3A_257, %eq3A_260 : vector<16xi1>
      %xor3A_262 = arith.constant 3 : i32
      %xor3A_263 = vector.broadcast %xor3A_262 : i32 to vector<16xi32>
      %xor3A_264 = arith.xori %and3A_2, %xor3A_263 : vector<16xi32>
      %select_n3A_265 = arith.select %or3A_261, %xor3A_264, %and3A_2 : vector<16xi1>, vector<16xi32>
      %sub3A_266 = arith.subi %iota3A, %and3A_2 : vector<16xi32>
      %add3A_267 = arith.addi %sub3A_266, %select_n3A_265 : vector<16xi32>
      %lt3A_268 = arith.constant 0 : i32
      %lt3A_269 = vector.broadcast %lt3A_268 : i32 to vector<16xi32>
      %lt3A_270 = arith.cmpi slt, %add3A_267, %lt3A_269 : vector<16xi32>
      %add3A_271 = arith.constant 16 : i32
      %add3A_272 = vector.broadcast %add3A_271 : i32 to vector<16xi32>
      %add3A_273 = arith.addi %add3A_267, %add3A_272 : vector<16xi32>
      %select_n3A_274 = arith.select %lt3A_270, %add3A_273, %add3A_267 : vector<16xi1>, vector<16xi32>
      %broadcast_in_dim3A_275 = vector.shape_cast %select_n3A_274 : vector<16xi32> to vector<16x1xi32>
      %gather3A_276 = vector.shape_cast %broadcast_in_dim3A_275 : vector<16x1xi32> to vector<16xi32>
      %gather3A_277 = tpu.dynamic_gather %select_n3A_246[%gather3A_276] in [0] : vector<16xf32>, vector<16xi32> -> vector<16xf32>
      %lt3A_278 = arith.cmpi slt, %and3A_2, %select_n3A_265 : vector<16xi32>
      %min3A_279 = arith.minimumf %select_n3A_246, %gather3A_277 : vector<16xf32>
      %max3A_280 = arith.maximumf %select_n3A_246, %gather3A_277 : vector<16xf32>
      %select_n3A_281 = arith.select %lt3A_278, %min3A_279, %max3A_280 : vector<16xi1>, vector<16xf32>
      %xor3A_282 = arith.constant 4 : i32
      %xor3A_283 = vector.broadcast %xor3A_282 : i32 to vector<16xi32>
      %xor3A_284 = arith.xori %and3A_2, %xor3A_283 : vector<16xi32>
      %sub3A_285 = arith.subi %iota3A, %and3A_2 : vector<16xi32>
      %add3A_286 = arith.addi %sub3A_285, %xor3A_284 : vector<16xi32>
      %lt3A_287 = arith.constant 0 : i32
      %lt3A_288 = vector.broadcast %lt3A_287 : i32 to vector<16xi32>
      %lt3A_289 = arith.cmpi slt, %add3A_286, %lt3A_288 : vector<16xi32>
      %add3A_290 = arith.constant 16 : i32
      %add3A_291 = vector.broadcast %add3A_290 : i32 to vector<16xi32>
      %add3A_292 = arith.addi %add3A_286, %add3A_291 : vector<16xi32>
      %select_n3A_293 = arith.select %lt3A_289, %add3A_292, %add3A_286 : vector<16xi1>, vector<16xi32>
      %broadcast_in_dim3A_294 = vector.shape_cast %select_n3A_293 : vector<16xi32> to vector<16x1xi32>
      %gather3A_295 = vector.shape_cast %broadcast_in_dim3A_294 : vector<16x1xi32> to vector<16xi32>
      %gather3A_296 = tpu.dynamic_gather %select_n3A_281[%gather3A_295] in [0] : vector<16xf32>, vector<16xi32> -> vector<16xf32>
      %lt3A_297 = arith.cmpi slt, %and3A_2, %xor3A_284 : vector<16xi32>
      %min3A_298 = arith.minimumf %select_n3A_281, %gather3A_296 : vector<16xf32>
      %max3A_299 = arith.maximumf %select_n3A_281, %gather3A_296 : vector<16xf32>
      %select_n3A_300 = arith.select %lt3A_297, %min3A_298, %max3A_299 : vector<16xi1>, vector<16xf32>
      %ge3A_301 = arith.constant 2 : i32
      %ge3A_302 = vector.broadcast %ge3A_301 : i32 to vector<16xi32>
      %ge3A_303 = arith.cmpi sge, %and3A_2, %ge3A_302 : vector<16xi32>
      %le3A_304 = arith.constant 5 : i32
      %le3A_305 = vector.broadcast %le3A_304 : i32 to vector<16xi32>
      %le3A_306 = arith.cmpi sle, %and3A_2, %le3A_305 : vector<16xi32>
      %and3A_307 = arith.andi %ge3A_303, %le3A_306 : vector<16xi1>
      %xor3A_308 = arith.constant 6 : i32
      %xor3A_309 = vector.broadcast %xor3A_308 : i32 to vector<16xi32>
      %xor3A_310 = arith.xori %and3A_2, %xor3A_309 : vector<16xi32>
      %select_n3A_311 = arith.select %and3A_307, %xor3A_310, %and3A_2 : vector<16xi1>, vector<16xi32>
      %sub3A_312 = arith.subi %iota3A, %and3A_2 : vector<16xi32>
      %add3A_313 = arith.addi %sub3A_312, %select_n3A_311 : vector<16xi32>
      %lt3A_314 = arith.constant 0 : i32
      %lt3A_315 = vector.broadcast %lt3A_314 : i32 to vector<16xi32>
      %lt3A_316 = arith.cmpi slt, %add3A_313, %lt3A_315 : vector<16xi32>
      %add3A_317 = arith.constant 16 : i32
      %add3A_318 = vector.broadcast %add3A_317 : i32 to vector<16xi32>
      %add3A_319 = arith.addi %add3A_313, %add3A_318 : vector<16xi32>
      %select_n3A_320 = arith.select %lt3A_316, %add3A_319, %add3A_313 : vector<16xi1>, vector<16xi32>
      %broadcast_in_dim3A_321 = vector.shape_cast %select_n3A_320 : vector<16xi32> to vector<16x1xi32>
      %gather3A_322 = vector.shape_cast %broadcast_in_dim3A_321 : vector<16x1xi32> to vector<16xi32>
      %gather3A_323 = tpu.dynamic_gather %select_n3A_300[%gather3A_322] in [0] : vector<16xf32>, vector<16xi32> -> vector<16xf32>
      %lt3A_324 = arith.cmpi slt, %and3A_2, %select_n3A_311 : vector<16xi32>
      %min3A_325 = arith.minimumf %select_n3A_300, %gather3A_323 : vector<16xf32>
      %max3A_326 = arith.maximumf %select_n3A_300, %gather3A_323 : vector<16xf32>
      %select_n3A_327 = arith.select %lt3A_324, %min3A_325, %max3A_326 : vector<16xi1>, vector<16xf32>
      %ge3A_328 = arith.constant 1 : i32
      %ge3A_329 = vector.broadcast %ge3A_328 : i32 to vector<16xi32>
      %ge3A_330 = arith.cmpi sge, %and3A_2, %ge3A_329 : vector<16xi32>
      %le3A_331 = arith.constant 6 : i32
      %le3A_332 = vector.broadcast %le3A_331 : i32 to vector<16xi32>
      %le3A_333 = arith.cmpi sle, %and3A_2, %le3A_332 : vector<16xi32>
      %and3A_334 = arith.andi %ge3A_330, %le3A_333 : vector<16xi1>
      %sub3A_335 = arith.constant 1 : i32
      %sub3A_336 = vector.broadcast %sub3A_335 : i32 to vector<16xi32>
      %sub3A_337 = arith.subi %and3A_2, %sub3A_336 : vector<16xi32>
      %xor3A_338 = arith.constant 1 : i32
      %xor3A_339 = vector.broadcast %xor3A_338 : i32 to vector<16xi32>
      %xor3A_340 = arith.xori %sub3A_337, %xor3A_339 : vector<16xi32>
      %add3A_341 = arith.constant 1 : i32
      %add3A_342 = vector.broadcast %add3A_341 : i32 to vector<16xi32>
      %add3A_343 = arith.addi %xor3A_340, %add3A_342 : vector<16xi32>
      %select_n3A_344 = arith.select %and3A_334, %add3A_343, %and3A_2 : vector<16xi1>, vector<16xi32>
      %sub3A_345 = arith.subi %iota3A, %and3A_2 : vector<16xi32>
      %add3A_346 = arith.addi %sub3A_345, %select_n3A_344 : vector<16xi32>
      %lt3A_347 = arith.constant 0 : i32
      %lt3A_348 = vector.broadcast %lt3A_347 : i32 to vector<16xi32>
      %lt3A_349 = arith.cmpi slt, %add3A_346, %lt3A_348 : vector<16xi32>
      %add3A_350 = arith.constant 16 : i32
      %add3A_351 = vector.broadcast %add3A_350 : i32 to vector<16xi32>
      %add3A_352 = arith.addi %add3A_346, %add3A_351 : vector<16xi32>
      %select_n3A_353 = arith.select %lt3A_349, %add3A_352, %add3A_346 : vector<16xi1>, vector<16xi32>
      %broadcast_in_dim3A_354 = vector.shape_cast %select_n3A_353 : vector<16xi32> to vector<16x1xi32>
      %gather3A_355 = vector.shape_cast %broadcast_in_dim3A_354 : vector<16x1xi32> to vector<16xi32>
      %gather3A_356 = tpu.dynamic_gather %select_n3A_327[%gather3A_355] in [0] : vector<16xf32>, vector<16xi32> -> vector<16xf32>
      %lt3A_357 = arith.cmpi slt, %and3A_2, %select_n3A_344 : vector<16xi32>
      %min3A_358 = arith.minimumf %select_n3A_327, %gather3A_356 : vector<16xf32>
      %max3A_359 = arith.maximumf %select_n3A_327, %gather3A_356 : vector<16xf32>
      %select_n3A_360 = arith.select %lt3A_357, %min3A_358, %max3A_359 : vector<16xi1>, vector<16xf32>
      %sub3A_361 = arith.subi %iota3A, %and3A_2 : vector<16xi32>
      %add3A_362 = arith.constant 5 : i32
      %add3A_363 = vector.broadcast %add3A_362 : i32 to vector<16xi32>
      %add3A_364 = arith.addi %sub3A_361, %add3A_363 : vector<16xi32>
      %lt3A_365 = arith.constant 0 : i32
      %lt3A_366 = vector.broadcast %lt3A_365 : i32 to vector<16xi32>
      %lt3A_367 = arith.cmpi slt, %add3A_364, %lt3A_366 : vector<16xi32>
      %add3A_368 = arith.constant 16 : i32
      %add3A_369 = vector.broadcast %add3A_368 : i32 to vector<16xi32>
      %add3A_370 = arith.addi %add3A_364, %add3A_369 : vector<16xi32>
      %select_n3A_371 = arith.select %lt3A_367, %add3A_370, %add3A_364 : vector<16xi1>, vector<16xi32>
      %broadcast_in_dim3A_372 = vector.shape_cast %select_n3A_371 : vector<16xi32> to vector<16x1xi32>
      %gather3A_373 = vector.shape_cast %broadcast_in_dim3A_372 : vector<16x1xi32> to vector<16xi32>
      %gather3A_374 = tpu.dynamic_gather %select_n3A_360[%gather3A_373] in [0] : vector<16xf32>, vector<16xi32> -> vector<16xf32>
      %eq3A_375 = arith.constant 1 : i32
      %eq3A_376 = vector.broadcast %eq3A_375 : i32 to vector<16xi32>
      %eq3A_377 = arith.cmpi eq, %shift_right_arithmetic3A_6, %eq3A_376 : vector<16xi32>
      %lt3A_378 = arith.constant 0 : i32
      %lt3A_379 = vector.broadcast %lt3A_378 : i32 to vector<16xi32>
      %lt3A_380 = arith.cmpi slt, %shift_left3A_11, %lt3A_379 : vector<16xi32>
      %add3A_381 = arith.constant 16 : i32
      %add3A_382 = vector.broadcast %add3A_381 : i32 to vector<16xi32>
      %add3A_383 = arith.addi %shift_left3A_11, %add3A_382 : vector<16xi32>
      %select_n3A_384 = arith.select %lt3A_380, %add3A_383, %shift_left3A_11 : vector<16xi1>, vector<16xi32>
      %broadcast_in_dim3A_385 = vector.shape_cast %select_n3A_384 : vector<16xi32> to vector<16x1xi32>
      %gather3A_386 = vector.shape_cast %broadcast_in_dim3A_385 : vector<16x1xi32> to vector<16xi32>
      %gather3A_387 = tpu.dynamic_gather %gather3A_374[%gather3A_386] in [0] : vector<16xf32>, vector<16xi32> -> vector<16xf32>
      %select_n3A_388 = arith.select %eq3A_377, %gather3A_387, %select_n3A_199 : vector<16xi1>, vector<16xf32>
      %mul3A_389 = arith.constant 8 : i32
      %mul3A_390 = arith.muli %mul3A_389, %scan3A_20 : i32
      %add3A_391 = arith.constant 2 : i32
      %add3A_392 = arith.addi %mul3A_390, %add3A_391 : i32
      %mul3A_393 = arith.constant 16 : i32
      %mul3A_394 = arith.muli %mul3A_393, %add3A_392 : i32
      %get3A_395 = arith.index_cast %mul3A_394 : i32 to index
      %get3A_396 = tpu.vector_load %arg4[%get3A_395] {strides = array<i32>} : memref<4096xf32, #tpu.memory_space<vmem>>, vector<16xf32>,
      %get3A_397 = vector.shape_cast %get3A_396 : vector<16xf32> to vector<16xf32>
      %xor3A_398 = arith.constant 1 : i32
      %xor3A_399 = vector.broadcast %xor3A_398 : i32 to vector<16xi32>
      %xor3A_400 = arith.xori %and3A_2, %xor3A_399 : vector<16xi32>
      %sub3A_401 = arith.subi %iota3A, %and3A_2 : vector<16xi32>
      %add3A_402 = arith.addi %sub3A_401, %xor3A_400 : vector<16xi32>
      %lt3A_403 = arith.constant 0 : i32
      %lt3A_404 = vector.broadcast %lt3A_403 : i32 to vector<16xi32>
      %lt3A_405 = arith.cmpi slt, %add3A_402, %lt3A_404 : vector<16xi32>
      %add3A_406 = arith.constant 16 : i32
      %add3A_407 = vector.broadcast %add3A_406 : i32 to vector<16xi32>
      %add3A_408 = arith.addi %add3A_402, %add3A_407 : vector<16xi32>
      %select_n3A_409 = arith.select %lt3A_405, %add3A_408, %add3A_402 : vector<16xi1>, vector<16xi32>
      %broadcast_in_dim3A_410 = vector.shape_cast %select_n3A_409 : vector<16xi32> to vector<16x1xi32>
      %gather3A_411 = vector.shape_cast %broadcast_in_dim3A_410 : vector<16x1xi32> to vector<16xi32>
      %gather3A_412 = tpu.dynamic_gather %get3A_397[%gather3A_411] in [0] : vector<16xf32>, vector<16xi32> -> vector<16xf32>
      %lt3A_413 = arith.cmpi slt, %and3A_2, %xor3A_400 : vector<16xi32>
      %min3A_414 = arith.minimumf %get3A_397, %gather3A_412 : vector<16xf32>
      %max3A_415 = arith.maximumf %get3A_397, %gather3A_412 : vector<16xf32>
      %select_n3A_416 = arith.select %lt3A_413, %min3A_414, %max3A_415 : vector<16xi1>, vector<16xf32>
      %xor3A_417 = arith.constant 2 : i32
      %xor3A_418 = vector.broadcast %xor3A_417 : i32 to vector<16xi32>
      %xor3A_419 = arith.xori %and3A_2, %xor3A_418 : vector<16xi32>
      %sub3A_420 = arith.subi %iota3A, %and3A_2 : vector<16xi32>
      %add3A_421 = arith.addi %sub3A_420, %xor3A_419 : vector<16xi32>
      %lt3A_422 = arith.constant 0 : i32
      %lt3A_423 = vector.broadcast %lt3A_422 : i32 to vector<16xi32>
      %lt3A_424 = arith.cmpi slt, %add3A_421, %lt3A_423 : vector<16xi32>
      %add3A_425 = arith.constant 16 : i32
      %add3A_426 = vector.broadcast %add3A_425 : i32 to vector<16xi32>
      %add3A_427 = arith.addi %add3A_421, %add3A_426 : vector<16xi32>
      %select_n3A_428 = arith.select %lt3A_424, %add3A_427, %add3A_421 : vector<16xi1>, vector<16xi32>
      %broadcast_in_dim3A_429 = vector.shape_cast %select_n3A_428 : vector<16xi32> to vector<16x1xi32>
      %gather3A_430 = vector.shape_cast %broadcast_in_dim3A_429 : vector<16x1xi32> to vector<16xi32>
      %gather3A_431 = tpu.dynamic_gather %select_n3A_416[%gather3A_430] in [0] : vector<16xf32>, vector<16xi32> -> vector<16xf32>
      %lt3A_432 = arith.cmpi slt, %and3A_2, %xor3A_419 : vector<16xi32>
      %min3A_433 = arith.minimumf %select_n3A_416, %gather3A_431 : vector<16xf32>
      %max3A_434 = arith.maximumf %select_n3A_416, %gather3A_431 : vector<16xf32>
      %select_n3A_435 = arith.select %lt3A_432, %min3A_433, %max3A_434 : vector<16xi1>, vector<16xf32>
      %eq3A_436 = arith.constant 1 : i32
      %eq3A_437 = vector.broadcast %eq3A_436 : i32 to vector<16xi32>
      %eq3A_438 = arith.cmpi eq, %and3A_2, %eq3A_437 : vector<16xi32>
      %eq3A_439 = arith.constant 2 : i32
      %eq3A_440 = vector.broadcast %eq3A_439 : i32 to vector<16xi32>
      %eq3A_441 = arith.cmpi eq, %and3A_2, %eq3A_440 : vector<16xi32>
      %or3A_442 = arith.ori %eq3A_438, %eq3A_441 : vector<16xi1>
      %eq3A_443 = arith.constant 5 : i32
      %eq3A_444 = vector.broadcast %eq3A_443 : i32 to vector<16xi32>
      %eq3A_445 = arith.cmpi eq, %and3A_2, %eq3A_444 : vector<16xi32>
      %or3A_446 = arith.ori %or3A_442, %eq3A_445 : vector<16xi1>
      %eq3A_447 = arith.constant 6 : i32
      %eq3A_448 = vector.broadcast %eq3A_447 : i32 to vector<16xi32>
      %eq3A_449 = arith.cmpi eq, %and3A_2, %eq3A_448 : vector<16xi32>
      %or3A_450 = arith.ori %or3A_446, %eq3A_449 : vector<16xi1>
      %xor3A_451 = arith.constant 3 : i32
      %xor3A_452 = vector.broadcast %xor3A_451 : i32 to vector<16xi32>
      %xor3A_453 = arith.xori %and3A_2, %xor3A_452 : vector<16xi32>
      %select_n3A_454 = arith.select %or3A_450, %xor3A_453, %and3A_2 : vector<16xi1>, vector<16xi32>
      %sub3A_455 = arith.subi %iota3A, %and3A_2 : vector<16xi32>
      %add3A_456 = arith.addi %sub3A_455, %select_n3A_454 : vector<16xi32>
      %lt3A_457 = arith.constant 0 : i32
      %lt3A_458 = vector.broadcast %lt3A_457 : i32 to vector<16xi32>
      %lt3A_459 = arith.cmpi slt, %add3A_456, %lt3A_458 : vector<16xi32>
      %add3A_460 = arith.constant 16 : i32
      %add3A_461 = vector.broadcast %add3A_460 : i32 to vector<16xi32>
      %add3A_462 = arith.addi %add3A_456, %add3A_461 : vector<16xi32>
      %select_n3A_463 = arith.select %lt3A_459, %add3A_462, %add3A_456 : vector<16xi1>, vector<16xi32>
      %broadcast_in_dim3A_464 = vector.shape_cast %select_n3A_463 : vector<16xi32> to vector<16x1xi32>
      %gather3A_465 = vector.shape_cast %broadcast_in_dim3A_464 : vector<16x1xi32> to vector<16xi32>
      %gather3A_466 = tpu.dynamic_gather %select_n3A_435[%gather3A_465] in [0] : vector<16xf32>, vector<16xi32> -> vector<16xf32>
      %lt3A_467 = arith.cmpi slt, %and3A_2, %select_n3A_454 : vector<16xi32>
      %min3A_468 = arith.minimumf %select_n3A_435, %gather3A_466 : vector<16xf32>
      %max3A_469 = arith.maximumf %select_n3A_435, %gather3A_466 : vector<16xf32>
      %select_n3A_470 = arith.select %lt3A_467, %min3A_468, %max3A_469 : vector<16xi1>, vector<16xf32>
      %xor3A_471 = arith.constant 4 : i32
      %xor3A_472 = vector.broadcast %xor3A_471 : i32 to vector<16xi32>
      %xor3A_473 = arith.xori %and3A_2, %xor3A_472 : vector<16xi32>
      %sub3A_474 = arith.subi %iota3A, %and3A_2 : vector<16xi32>
      %add3A_475 = arith.addi %sub3A_474, %xor3A_473 : vector<16xi32>
      %lt3A_476 = arith.constant 0 : i32
      %lt3A_477 = vector.broadcast %lt3A_476 : i32 to vector<16xi32>
      %lt3A_478 = arith.cmpi slt, %add3A_475, %lt3A_477 : vector<16xi32>
      %add3A_479 = arith.constant 16 : i32
      %add3A_480 = vector.broadcast %add3A_479 : i32 to vector<16xi32>
      %add3A_481 = arith.addi %add3A_475, %add3A_480 : vector<16xi32>
      %select_n3A_482 = arith.select %lt3A_478, %add3A_481, %add3A_475 : vector<16xi1>, vector<16xi32>
      %broadcast_in_dim3A_483 = vector.shape_cast %select_n3A_482 : vector<16xi32> to vector<16x1xi32>
      %gather3A_484 = vector.shape_cast %broadcast_in_dim3A_483 : vector<16x1xi32> to vector<16xi32>
      %gather3A_485 = tpu.dynamic_gather %select_n3A_470[%gather3A_484] in [0] : vector<16xf32>, vector<16xi32> -> vector<16xf32>
      %lt3A_486 = arith.cmpi slt, %and3A_2, %xor3A_473 : vector<16xi32>
      %min3A_487 = arith.minimumf %select_n3A_470, %gather3A_485 : vector<16xf32>
      %max3A_488 = arith.maximumf %select_n3A_470, %gather3A_485 : vector<16xf32>
      %select_n3A_489 = arith.select %lt3A_486, %min3A_487, %max3A_488 : vector<16xi1>, vector<16xf32>
      %ge3A_490 = arith.constant 2 : i32
      %ge3A_491 = vector.broadcast %ge3A_490 : i32 to vector<16xi32>
      %ge3A_492 = arith.cmpi sge, %and3A_2, %ge3A_491 : vector<16xi32>
      %le3A_493 = arith.constant 5 : i32
      %le3A_494 = vector.broadcast %le3A_493 : i32 to vector<16xi32>
      %le3A_495 = arith.cmpi sle, %and3A_2, %le3A_494 : vector<16xi32>
      %and3A_496 = arith.andi %ge3A_492, %le3A_495 : vector<16xi1>
      %xor3A_497 = arith.constant 6 : i32
      %xor3A_498 = vector.broadcast %xor3A_497 : i32 to vector<16xi32>
      %xor3A_499 = arith.xori %and3A_2, %xor3A_498 : vector<16xi32>
      %select_n3A_500 = arith.select %and3A_496, %xor3A_499, %and3A_2 : vector<16xi1>, vector<16xi32>
      %sub3A_501 = arith.subi %iota3A, %and3A_2 : vector<16xi32>
      %add3A_502 = arith.addi %sub3A_501, %select_n3A_500 : vector<16xi32>
      %lt3A_503 = arith.constant 0 : i32
      %lt3A_504 = vector.broadcast %lt3A_503 : i32 to vector<16xi32>
      %lt3A_505 = arith.cmpi slt, %add3A_502, %lt3A_504 : vector<16xi32>
      %add3A_506 = arith.constant 16 : i32
      %add3A_507 = vector.broadcast %add3A_506 : i32 to vector<16xi32>
      %add3A_508 = arith.addi %add3A_502, %add3A_507 : vector<16xi32>
      %select_n3A_509 = arith.select %lt3A_505, %add3A_508, %add3A_502 : vector<16xi1>, vector<16xi32>
      %broadcast_in_dim3A_510 = vector.shape_cast %select_n3A_509 : vector<16xi32> to vector<16x1xi32>
      %gather3A_511 = vector.shape_cast %broadcast_in_dim3A_510 : vector<16x1xi32> to vector<16xi32>
      %gather3A_512 = tpu.dynamic_gather %select_n3A_489[%gather3A_511] in [0] : vector<16xf32>, vector<16xi32> -> vector<16xf32>
      %lt3A_513 = arith.cmpi slt, %and3A_2, %select_n3A_500 : vector<16xi32>
      %min3A_514 = arith.minimumf %select_n3A_489, %gather3A_512 : vector<16xf32>
      %max3A_515 = arith.maximumf %select_n3A_489, %gather3A_512 : vector<16xf32>
      %select_n3A_516 = arith.select %lt3A_513, %min3A_514, %max3A_515 : vector<16xi1>, vector<16xf32>
      %ge3A_517 = arith.constant 1 : i32
      %ge3A_518 = vector.broadcast %ge3A_517 : i32 to vector<16xi32>
      %ge3A_519 = arith.cmpi sge, %and3A_2, %ge3A_518 : vector<16xi32>
      %le3A_520 = arith.constant 6 : i32
      %le3A_521 = vector.broadcast %le3A_520 : i32 to vector<16xi32>
      %le3A_522 = arith.cmpi sle, %and3A_2, %le3A_521 : vector<16xi32>
      %and3A_523 = arith.andi %ge3A_519, %le3A_522 : vector<16xi1>
      %sub3A_524 = arith.constant 1 : i32
      %sub3A_525 = vector.broadcast %sub3A_524 : i32 to vector<16xi32>
      %sub3A_526 = arith.subi %and3A_2, %sub3A_525 : vector<16xi32>
      %xor3A_527 = arith.constant 1 : i32
      %xor3A_528 = vector.broadcast %xor3A_527 : i32 to vector<16xi32>
      %xor3A_529 = arith.xori %sub3A_526, %xor3A_528 : vector<16xi32>
      %add3A_530 = arith.constant 1 : i32
      %add3A_531 = vector.broadcast %add3A_530 : i32 to vector<16xi32>
      %add3A_532 = arith.addi %xor3A_529, %add3A_531 : vector<16xi32>
      %select_n3A_533 = arith.select %and3A_523, %add3A_532, %and3A_2 : vector<16xi1>, vector<16xi32>
      %sub3A_534 = arith.subi %iota3A, %and3A_2 : vector<16xi32>
      %add3A_535 = arith.addi %sub3A_534, %select_n3A_533 : vector<16xi32>
      %lt3A_536 = arith.constant 0 : i32
      %lt3A_537 = vector.broadcast %lt3A_536 : i32 to vector<16xi32>
      %lt3A_538 = arith.cmpi slt, %add3A_535, %lt3A_537 : vector<16xi32>
      %add3A_539 = arith.constant 16 : i32
      %add3A_540 = vector.broadcast %add3A_539 : i32 to vector<16xi32>
      %add3A_541 = arith.addi %add3A_535, %add3A_540 : vector<16xi32>
      %select_n3A_542 = arith.select %lt3A_538, %add3A_541, %add3A_535 : vector<16xi1>, vector<16xi32>
      %broadcast_in_dim3A_543 = vector.shape_cast %select_n3A_542 : vector<16xi32> to vector<16x1xi32>
      %gather3A_544 = vector.shape_cast %broadcast_in_dim3A_543 : vector<16x1xi32> to vector<16xi32>
      %gather3A_545 = tpu.dynamic_gather %select_n3A_516[%gather3A_544] in [0] : vector<16xf32>, vector<16xi32> -> vector<16xf32>
      %lt3A_546 = arith.cmpi slt, %and3A_2, %select_n3A_533 : vector<16xi32>
      %min3A_547 = arith.minimumf %select_n3A_516, %gather3A_545 : vector<16xf32>
      %max3A_548 = arith.maximumf %select_n3A_516, %gather3A_545 : vector<16xf32>
      %select_n3A_549 = arith.select %lt3A_546, %min3A_547, %max3A_548 : vector<16xi1>, vector<16xf32>
      %sub3A_550 = arith.subi %iota3A, %and3A_2 : vector<16xi32>
      %add3A_551 = arith.constant 5 : i32
      %add3A_552 = vector.broadcast %add3A_551 : i32 to vector<16xi32>
      %add3A_553 = arith.addi %sub3A_550, %add3A_552 : vector<16xi32>
      %lt3A_554 = arith.constant 0 : i32
      %lt3A_555 = vector.broadcast %lt3A_554 : i32 to vector<16xi32>
      %lt3A_556 = arith.cmpi slt, %add3A_553, %lt3A_555 : vector<16xi32>
      %add3A_557 = arith.constant 16 : i32
      %add3A_558 = vector.broadcast %add3A_557 : i32 to vector<16xi32>
      %add3A_559 = arith.addi %add3A_553, %add3A_558 : vector<16xi32>
      %select_n3A_560 = arith.select %lt3A_556, %add3A_559, %add3A_553 : vector<16xi1>, vector<16xi32>
      %broadcast_in_dim3A_561 = vector.shape_cast %select_n3A_560 : vector<16xi32> to vector<16x1xi32>
      %gather3A_562 = vector.shape_cast %broadcast_in_dim3A_561 : vector<16x1xi32> to vector<16xi32>
      %gather3A_563 = tpu.dynamic_gather %select_n3A_549[%gather3A_562] in [0] : vector<16xf32>, vector<16xi32> -> vector<16xf32>
      %eq3A_564 = arith.constant 2 : i32
      %eq3A_565 = vector.broadcast %eq3A_564 : i32 to vector<16xi32>
      %eq3A_566 = arith.cmpi eq, %shift_right_arithmetic3A_6, %eq3A_565 : vector<16xi32>
      %lt3A_567 = arith.constant 0 : i32
      %lt3A_568 = vector.broadcast %lt3A_567 : i32 to vector<16xi32>
      %lt3A_569 = arith.cmpi slt, %shift_left3A_11, %lt3A_568 : vector<16xi32>
      %add3A_570 = arith.constant 16 : i32
      %add3A_571 = vector.broadcast %add3A_570 : i32 to vector<16xi32>
      %add3A_572 = arith.addi %shift_left3A_11, %add3A_571 : vector<16xi32>
      %select_n3A_573 = arith.select %lt3A_569, %add3A_572, %shift_left3A_11 : vector<16xi1>, vector<16xi32>
      %broadcast_in_dim3A_574 = vector.shape_cast %select_n3A_573 : vector<16xi32> to vector<16x1xi32>
      %gather3A_575 = vector.shape_cast %broadcast_in_dim3A_574 : vector<16x1xi32> to vector<16xi32>
      %gather3A_576 = tpu.dynamic_gather %gather3A_563[%gather3A_575] in [0] : vector<16xf32>, vector<16xi32> -> vector<16xf32>
      %select_n3A_577 = arith.select %eq3A_566, %gather3A_576, %select_n3A_388 : vector<16xi1>, vector<16xf32>
      %mul3A_578 = arith.constant 8 : i32
      %mul3A_579 = arith.muli %mul3A_578, %scan3A_20 : i32
      %add3A_580 = arith.constant 3 : i32
      %add3A_581 = arith.addi %mul3A_579, %add3A_580 : i32
      %mul3A_582 = arith.constant 16 : i32
      %mul3A_583 = arith.muli %mul3A_582, %add3A_581 : i32
      %get3A_584 = arith.index_cast %mul3A_583 : i32 to index
      %get3A_585 = tpu.vector_load %arg4[%get3A_584] {strides = array<i32>} : memref<4096xf32, #tpu.memory_space<vmem>>, vector<16xf32>,
      %get3A_586 = vector.shape_cast %get3A_585 : vector<16xf32> to vector<16xf32>
      %xor3A_587 = arith.constant 1 : i32
      %xor3A_588 = vector.broadcast %xor3A_587 : i32 to vector<16xi32>
      %xor3A_589 = arith.xori %and3A_2, %xor3A_588 : vector<16xi32>
      %sub3A_590 = arith.subi %iota3A, %and3A_2 : vector<16xi32>
      %add3A_591 = arith.addi %sub3A_590, %xor3A_589 : vector<16xi32>
      %lt3A_592 = arith.constant 0 : i32
      %lt3A_593 = vector.broadcast %lt3A_592 : i32 to vector<16xi32>
      %lt3A_594 = arith.cmpi slt, %add3A_591, %lt3A_593 : vector<16xi32>
      %add3A_595 = arith.constant 16 : i32
      %add3A_596 = vector.broadcast %add3A_595 : i32 to vector<16xi32>
      %add3A_597 = arith.addi %add3A_591, %add3A_596 : vector<16xi32>
      %select_n3A_598 = arith.select %lt3A_594, %add3A_597, %add3A_591 : vector<16xi1>, vector<16xi32>
      %broadcast_in_dim3A_599 = vector.shape_cast %select_n3A_598 : vector<16xi32> to vector<16x1xi32>
      %gather3A_600 = vector.shape_cast %broadcast_in_dim3A_599 : vector<16x1xi32> to vector<16xi32>
      %gather3A_601 = tpu.dynamic_gather %get3A_586[%gather3A_600] in [0] : vector<16xf32>, vector<16xi32> -> vector<16xf32>
      %lt3A_602 = arith.cmpi slt, %and3A_2, %xor3A_589 : vector<16xi32>
      %min3A_603 = arith.minimumf %get3A_586, %gather3A_601 : vector<16xf32>
      %max3A_604 = arith.maximumf %get3A_586, %gather3A_601 : vector<16xf32>
      %select_n3A_605 = arith.select %lt3A_602, %min3A_603, %max3A_604 : vector<16xi1>, vector<16xf32>
      %xor3A_606 = arith.constant 2 : i32
      %xor3A_607 = vector.broadcast %xor3A_606 : i32 to vector<16xi32>
      %xor3A_608 = arith.xori %and3A_2, %xor3A_607 : vector<16xi32>
      %sub3A_609 = arith.subi %iota3A, %and3A_2 : vector<16xi32>
      %add3A_610 = arith.addi %sub3A_609, %xor3A_608 : vector<16xi32>
      %lt3A_611 = arith.constant 0 : i32
      %lt3A_612 = vector.broadcast %lt3A_611 : i32 to vector<16xi32>
      %lt3A_613 = arith.cmpi slt, %add3A_610, %lt3A_612 : vector<16xi32>
      %add3A_614 = arith.constant 16 : i32
      %add3A_615 = vector.broadcast %add3A_614 : i32 to vector<16xi32>
      %add3A_616 = arith.addi %add3A_610, %add3A_615 : vector<16xi32>
      %select_n3A_617 = arith.select %lt3A_613, %add3A_616, %add3A_610 : vector<16xi1>, vector<16xi32>
      %broadcast_in_dim3A_618 = vector.shape_cast %select_n3A_617 : vector<16xi32> to vector<16x1xi32>
      %gather3A_619 = vector.shape_cast %broadcast_in_dim3A_618 : vector<16x1xi32> to vector<16xi32>
      %gather3A_620 = tpu.dynamic_gather %select_n3A_605[%gather3A_619] in [0] : vector<16xf32>, vector<16xi32> -> vector<16xf32>
      %lt3A_621 = arith.cmpi slt, %and3A_2, %xor3A_608 : vector<16xi32>
      %min3A_622 = arith.minimumf %select_n3A_605, %gather3A_620 : vector<16xf32>
      %max3A_623 = arith.maximumf %select_n3A_605, %gather3A_620 : vector<16xf32>
      %select_n3A_624 = arith.select %lt3A_621, %min3A_622, %max3A_623 : vector<16xi1>, vector<16xf32>
      %eq3A_625 = arith.constant 1 : i32
      %eq3A_626 = vector.broadcast %eq3A_625 : i32 to vector<16xi32>
      %eq3A_627 = arith.cmpi eq, %and3A_2, %eq3A_626 : vector<16xi32>
      %eq3A_628 = arith.constant 2 : i32
      %eq3A_629 = vector.broadcast %eq3A_628 : i32 to vector<16xi32>
      %eq3A_630 = arith.cmpi eq, %and3A_2, %eq3A_629 : vector<16xi32>
      %or3A_631 = arith.ori %eq3A_627, %eq3A_630 : vector<16xi1>
      %eq3A_632 = arith.constant 5 : i32
      %eq3A_633 = vector.broadcast %eq3A_632 : i32 to vector<16xi32>
      %eq3A_634 = arith.cmpi eq, %and3A_2, %eq3A_633 : vector<16xi32>
      %or3A_635 = arith.ori %or3A_631, %eq3A_634 : vector<16xi1>
      %eq3A_636 = arith.constant 6 : i32
      %eq3A_637 = vector.broadcast %eq3A_636 : i32 to vector<16xi32>
      %eq3A_638 = arith.cmpi eq, %and3A_2, %eq3A_637 : vector<16xi32>
      %or3A_639 = arith.ori %or3A_635, %eq3A_638 : vector<16xi1>
      %xor3A_640 = arith.constant 3 : i32
      %xor3A_641 = vector.broadcast %xor3A_640 : i32 to vector<16xi32>
      %xor3A_642 = arith.xori %and3A_2, %xor3A_641 : vector<16xi32>
      %select_n3A_643 = arith.select %or3A_639, %xor3A_642, %and3A_2 : vector<16xi1>, vector<16xi32>
      %sub3A_644 = arith.subi %iota3A, %and3A_2 : vector<16xi32>
      %add3A_645 = arith.addi %sub3A_644, %select_n3A_643 : vector<16xi32>
      %lt3A_646 = arith.constant 0 : i32
      %lt3A_647 = vector.broadcast %lt3A_646 : i32 to vector<16xi32>
      %lt3A_648 = arith.cmpi slt, %add3A_645, %lt3A_647 : vector<16xi32>
      %add3A_649 = arith.constant 16 : i32
      %add3A_650 = vector.broadcast %add3A_649 : i32 to vector<16xi32>
      %add3A_651 = arith.addi %add3A_645, %add3A_650 : vector<16xi32>
      %select_n3A_652 = arith.select %lt3A_648, %add3A_651, %add3A_645 : vector<16xi1>, vector<16xi32>
      %broadcast_in_dim3A_653 = vector.shape_cast %select_n3A_652 : vector<16xi32> to vector<16x1xi32>
      %gather3A_654 = vector.shape_cast %broadcast_in_dim3A_653 : vector<16x1xi32> to vector<16xi32>
      %gather3A_655 = tpu.dynamic_gather %select_n3A_624[%gather3A_654] in [0] : vector<16xf32>, vector<16xi32> -> vector<16xf32>
      %lt3A_656 = arith.cmpi slt, %and3A_2, %select_n3A_643 : vector<16xi32>
      %min3A_657 = arith.minimumf %select_n3A_624, %gather3A_655 : vector<16xf32>
      %max3A_658 = arith.maximumf %select_n3A_624, %gather3A_655 : vector<16xf32>
      %select_n3A_659 = arith.select %lt3A_656, %min3A_657, %max3A_658 : vector<16xi1>, vector<16xf32>
      %xor3A_660 = arith.constant 4 : i32
      %xor3A_661 = vector.broadcast %xor3A_660 : i32 to vector<16xi32>
      %xor3A_662 = arith.xori %and3A_2, %xor3A_661 : vector<16xi32>
      %sub3A_663 = arith.subi %iota3A, %and3A_2 : vector<16xi32>
      %add3A_664 = arith.addi %sub3A_663, %xor3A_662 : vector<16xi32>
      %lt3A_665 = arith.constant 0 : i32
      %lt3A_666 = vector.broadcast %lt3A_665 : i32 to vector<16xi32>
      %lt3A_667 = arith.cmpi slt, %add3A_664, %lt3A_666 : vector<16xi32>
      %add3A_668 = arith.constant 16 : i32
      %add3A_669 = vector.broadcast %add3A_668 : i32 to vector<16xi32>
      %add3A_670 = arith.addi %add3A_664, %add3A_669 : vector<16xi32>
      %select_n3A_671 = arith.select %lt3A_667, %add3A_670, %add3A_664 : vector<16xi1>, vector<16xi32>
      %broadcast_in_dim3A_672 = vector.shape_cast %select_n3A_671 : vector<16xi32> to vector<16x1xi32>
      %gather3A_673 = vector.shape_cast %broadcast_in_dim3A_672 : vector<16x1xi32> to vector<16xi32>
      %gather3A_674 = tpu.dynamic_gather %select_n3A_659[%gather3A_673] in [0] : vector<16xf32>, vector<16xi32> -> vector<16xf32>
      %lt3A_675 = arith.cmpi slt, %and3A_2, %xor3A_662 : vector<16xi32>
      %min3A_676 = arith.minimumf %select_n3A_659, %gather3A_674 : vector<16xf32>
      %max3A_677 = arith.maximumf %select_n3A_659, %gather3A_674 : vector<16xf32>
      %select_n3A_678 = arith.select %lt3A_675, %min3A_676, %max3A_677 : vector<16xi1>, vector<16xf32>
      %ge3A_679 = arith.constant 2 : i32
      %ge3A_680 = vector.broadcast %ge3A_679 : i32 to vector<16xi32>
      %ge3A_681 = arith.cmpi sge, %and3A_2, %ge3A_680 : vector<16xi32>
      %le3A_682 = arith.constant 5 : i32
      %le3A_683 = vector.broadcast %le3A_682 : i32 to vector<16xi32>
      %le3A_684 = arith.cmpi sle, %and3A_2, %le3A_683 : vector<16xi32>
      %and3A_685 = arith.andi %ge3A_681, %le3A_684 : vector<16xi1>
      %xor3A_686 = arith.constant 6 : i32
      %xor3A_687 = vector.broadcast %xor3A_686 : i32 to vector<16xi32>
      %xor3A_688 = arith.xori %and3A_2, %xor3A_687 : vector<16xi32>
      %select_n3A_689 = arith.select %and3A_685, %xor3A_688, %and3A_2 : vector<16xi1>, vector<16xi32>
      %sub3A_690 = arith.subi %iota3A, %and3A_2 : vector<16xi32>
      %add3A_691 = arith.addi %sub3A_690, %select_n3A_689 : vector<16xi32>
      %lt3A_692 = arith.constant 0 : i32
      %lt3A_693 = vector.broadcast %lt3A_692 : i32 to vector<16xi32>
      %lt3A_694 = arith.cmpi slt, %add3A_691, %lt3A_693 : vector<16xi32>
      %add3A_695 = arith.constant 16 : i32
      %add3A_696 = vector.broadcast %add3A_695 : i32 to vector<16xi32>
      %add3A_697 = arith.addi %add3A_691, %add3A_696 : vector<16xi32>
      %select_n3A_698 = arith.select %lt3A_694, %add3A_697, %add3A_691 : vector<16xi1>, vector<16xi32>
      %broadcast_in_dim3A_699 = vector.shape_cast %select_n3A_698 : vector<16xi32> to vector<16x1xi32>
      %gather3A_700 = vector.shape_cast %broadcast_in_dim3A_699 : vector<16x1xi32> to vector<16xi32>
      %gather3A_701 = tpu.dynamic_gather %select_n3A_678[%gather3A_700] in [0] : vector<16xf32>, vector<16xi32> -> vector<16xf32>
      %lt3A_702 = arith.cmpi slt, %and3A_2, %select_n3A_689 : vector<16xi32>
      %min3A_703 = arith.minimumf %select_n3A_678, %gather3A_701 : vector<16xf32>
      %max3A_704 = arith.maximumf %select_n3A_678, %gather3A_701 : vector<16xf32>
      %select_n3A_705 = arith.select %lt3A_702, %min3A_703, %max3A_704 : vector<16xi1>, vector<16xf32>
      %ge3A_706 = arith.constant 1 : i32
      %ge3A_707 = vector.broadcast %ge3A_706 : i32 to vector<16xi32>
      %ge3A_708 = arith.cmpi sge, %and3A_2, %ge3A_707 : vector<16xi32>
      %le3A_709 = arith.constant 6 : i32
      %le3A_710 = vector.broadcast %le3A_709 : i32 to vector<16xi32>
      %le3A_711 = arith.cmpi sle, %and3A_2, %le3A_710 : vector<16xi32>
      %and3A_712 = arith.andi %ge3A_708, %le3A_711 : vector<16xi1>
      %sub3A_713 = arith.constant 1 : i32
      %sub3A_714 = vector.broadcast %sub3A_713 : i32 to vector<16xi32>
      %sub3A_715 = arith.subi %and3A_2, %sub3A_714 : vector<16xi32>
      %xor3A_716 = arith.constant 1 : i32
      %xor3A_717 = vector.broadcast %xor3A_716 : i32 to vector<16xi32>
      %xor3A_718 = arith.xori %sub3A_715, %xor3A_717 : vector<16xi32>
      %add3A_719 = arith.constant 1 : i32
      %add3A_720 = vector.broadcast %add3A_719 : i32 to vector<16xi32>
      %add3A_721 = arith.addi %xor3A_718, %add3A_720 : vector<16xi32>
      %select_n3A_722 = arith.select %and3A_712, %add3A_721, %and3A_2 : vector<16xi1>, vector<16xi32>
      %sub3A_723 = arith.subi %iota3A, %and3A_2 : vector<16xi32>
      %add3A_724 = arith.addi %sub3A_723, %select_n3A_722 : vector<16xi32>
      %lt3A_725 = arith.constant 0 : i32
      %lt3A_726 = vector.broadcast %lt3A_725 : i32 to vector<16xi32>
      %lt3A_727 = arith.cmpi slt, %add3A_724, %lt3A_726 : vector<16xi32>
      %add3A_728 = arith.constant 16 : i32
      %add3A_729 = vector.broadcast %add3A_728 : i32 to vector<16xi32>
      %add3A_730 = arith.addi %add3A_724, %add3A_729 : vector<16xi32>
      %select_n3A_731 = arith.select %lt3A_727, %add3A_730, %add3A_724 : vector<16xi1>, vector<16xi32>
      %broadcast_in_dim3A_732 = vector.shape_cast %select_n3A_731 : vector<16xi32> to vector<16x1xi32>
      %gather3A_733 = vector.shape_cast %broadcast_in_dim3A_732 : vector<16x1xi32> to vector<16xi32>
      %gather3A_734 = tpu.dynamic_gather %select_n3A_705[%gather3A_733] in [0] : vector<16xf32>, vector<16xi32> -> vector<16xf32>
      %lt3A_735 = arith.cmpi slt, %and3A_2, %select_n3A_722 : vector<16xi32>
      %min3A_736 = arith.minimumf %select_n3A_705, %gather3A_734 : vector<16xf32>
      %max3A_737 = arith.maximumf %select_n3A_705, %gather3A_734 : vector<16xf32>
      %select_n3A_738 = arith.select %lt3A_735, %min3A_736, %max3A_737 : vector<16xi1>, vector<16xf32>
      %sub3A_739 = arith.subi %iota3A, %and3A_2 : vector<16xi32>
      %add3A_740 = arith.constant 5 : i32
      %add3A_741 = vector.broadcast %add3A_740 : i32 to vector<16xi32>
      %add3A_742 = arith.addi %sub3A_739, %add3A_741 : vector<16xi32>
      %lt3A_743 = arith.constant 0 : i32
      %lt3A_744 = vector.broadcast %lt3A_743 : i32 to vector<16xi32>
      %lt3A_745 = arith.cmpi slt, %add3A_742, %lt3A_744 : vector<16xi32>
      %add3A_746 = arith.constant 16 : i32
      %add3A_747 = vector.broadcast %add3A_746 : i32 to vector<16xi32>
      %add3A_748 = arith.addi %add3A_742, %add3A_747 : vector<16xi32>
      %select_n3A_749 = arith.select %lt3A_745, %add3A_748, %add3A_742 : vector<16xi1>, vector<16xi32>
      %broadcast_in_dim3A_750 = vector.shape_cast %select_n3A_749 : vector<16xi32> to vector<16x1xi32>
      %gather3A_751 = vector.shape_cast %broadcast_in_dim3A_750 : vector<16x1xi32> to vector<16xi32>
      %gather3A_752 = tpu.dynamic_gather %select_n3A_738[%gather3A_751] in [0] : vector<16xf32>, vector<16xi32> -> vector<16xf32>
      %eq3A_753 = arith.constant 3 : i32
      %eq3A_754 = vector.broadcast %eq3A_753 : i32 to vector<16xi32>
      %eq3A_755 = arith.cmpi eq, %shift_right_arithmetic3A_6, %eq3A_754 : vector<16xi32>
      %lt3A_756 = arith.constant 0 : i32
      %lt3A_757 = vector.broadcast %lt3A_756 : i32 to vector<16xi32>
      %lt3A_758 = arith.cmpi slt, %shift_left3A_11, %lt3A_757 : vector<16xi32>
      %add3A_759 = arith.constant 16 : i32
      %add3A_760 = vector.broadcast %add3A_759 : i32 to vector<16xi32>
      %add3A_761 = arith.addi %shift_left3A_11, %add3A_760 : vector<16xi32>
      %select_n3A_762 = arith.select %lt3A_758, %add3A_761, %shift_left3A_11 : vector<16xi1>, vector<16xi32>
      %broadcast_in_dim3A_763 = vector.shape_cast %select_n3A_762 : vector<16xi32> to vector<16x1xi32>
      %gather3A_764 = vector.shape_cast %broadcast_in_dim3A_763 : vector<16x1xi32> to vector<16xi32>
      %gather3A_765 = tpu.dynamic_gather %gather3A_752[%gather3A_764] in [0] : vector<16xf32>, vector<16xi32> -> vector<16xf32>
      %select_n3A_766 = arith.select %eq3A_755, %gather3A_765, %select_n3A_577 : vector<16xi1>, vector<16xf32>
      %mul3A_767 = arith.constant 8 : i32
      %mul3A_768 = arith.muli %mul3A_767, %scan3A_20 : i32
      %add3A_769 = arith.constant 4 : i32
      %add3A_770 = arith.addi %mul3A_768, %add3A_769 : i32
      %mul3A_771 = arith.constant 16 : i32
      %mul3A_772 = arith.muli %mul3A_771, %add3A_770 : i32
      %get3A_773 = arith.index_cast %mul3A_772 : i32 to index
      %get3A_774 = tpu.vector_load %arg4[%get3A_773] {strides = array<i32>} : memref<4096xf32, #tpu.memory_space<vmem>>, vector<16xf32>,
      %get3A_775 = vector.shape_cast %get3A_774 : vector<16xf32> to vector<16xf32>
      %xor3A_776 = arith.constant 1 : i32
      %xor3A_777 = vector.broadcast %xor3A_776 : i32 to vector<16xi32>
      %xor3A_778 = arith.xori %and3A_2, %xor3A_777 : vector<16xi32>
      %sub3A_779 = arith.subi %iota3A, %and3A_2 : vector<16xi32>
      %add3A_780 = arith.addi %sub3A_779, %xor3A_778 : vector<16xi32>
      %lt3A_781 = arith.constant 0 : i32
      %lt3A_782 = vector.broadcast %lt3A_781 : i32 to vector<16xi32>
      %lt3A_783 = arith.cmpi slt, %add3A_780, %lt3A_782 : vector<16xi32>
      %add3A_784 = arith.constant 16 : i32
      %add3A_785 = vector.broadcast %add3A_784 : i32 to vector<16xi32>
      %add3A_786 = arith.addi %add3A_780, %add3A_785 : vector<16xi32>
      %select_n3A_787 = arith.select %lt3A_783, %add3A_786, %add3A_780 : vector<16xi1>, vector<16xi32>
      %broadcast_in_dim3A_788 = vector.shape_cast %select_n3A_787 : vector<16xi32> to vector<16x1xi32>
      %gather3A_789 = vector.shape_cast %broadcast_in_dim3A_788 : vector<16x1xi32> to vector<16xi32>
      %gather3A_790 = tpu.dynamic_gather %get3A_775[%gather3A_789] in [0] : vector<16xf32>, vector<16xi32> -> vector<16xf32>
      %lt3A_791 = arith.cmpi slt, %and3A_2, %xor3A_778 : vector<16xi32>
      %min3A_792 = arith.minimumf %get3A_775, %gather3A_790 : vector<16xf32>
      %max3A_793 = arith.maximumf %get3A_775, %gather3A_790 : vector<16xf32>
      %select_n3A_794 = arith.select %lt3A_791, %min3A_792, %max3A_793 : vector<16xi1>, vector<16xf32>
      %xor3A_795 = arith.constant 2 : i32
      %xor3A_796 = vector.broadcast %xor3A_795 : i32 to vector<16xi32>
      %xor3A_797 = arith.xori %and3A_2, %xor3A_796 : vector<16xi32>
      %sub3A_798 = arith.subi %iota3A, %and3A_2 : vector<16xi32>
      %add3A_799 = arith.addi %sub3A_798, %xor3A_797 : vector<16xi32>
      %lt3A_800 = arith.constant 0 : i32
      %lt3A_801 = vector.broadcast %lt3A_800 : i32 to vector<16xi32>
      %lt3A_802 = arith.cmpi slt, %add3A_799, %lt3A_801 : vector<16xi32>
      %add3A_803 = arith.constant 16 : i32
      %add3A_804 = vector.broadcast %add3A_803 : i32 to vector<16xi32>
      %add3A_805 = arith.addi %add3A_799, %add3A_804 : vector<16xi32>
      %select_n3A_806 = arith.select %lt3A_802, %add3A_805, %add3A_799 : vector<16xi1>, vector<16xi32>
      %broadcast_in_dim3A_807 = vector.shape_cast %select_n3A_806 : vector<16xi32> to vector<16x1xi32>
      %gather3A_808 = vector.shape_cast %broadcast_in_dim3A_807 : vector<16x1xi32> to vector<16xi32>
      %gather3A_809 = tpu.dynamic_gather %select_n3A_794[%gather3A_808] in [0] : vector<16xf32>, vector<16xi32> -> vector<16xf32>
      %lt3A_810 = arith.cmpi slt, %and3A_2, %xor3A_797 : vector<16xi32>
      %min3A_811 = arith.minimumf %select_n3A_794, %gather3A_809 : vector<16xf32>
      %max3A_812 = arith.maximumf %select_n3A_794, %gather3A_809 : vector<16xf32>
      %select_n3A_813 = arith.select %lt3A_810, %min3A_811, %max3A_812 : vector<16xi1>, vector<16xf32>
      %eq3A_814 = arith.constant 1 : i32
      %eq3A_815 = vector.broadcast %eq3A_814 : i32 to vector<16xi32>
      %eq3A_816 = arith.cmpi eq, %and3A_2, %eq3A_815 : vector<16xi32>
      %eq3A_817 = arith.constant 2 : i32
      %eq3A_818 = vector.broadcast %eq3A_817 : i32 to vector<16xi32>
      %eq3A_819 = arith.cmpi eq, %and3A_2, %eq3A_818 : vector<16xi32>
      %or3A_820 = arith.ori %eq3A_816, %eq3A_819 : vector<16xi1>
      %eq3A_821 = arith.constant 5 : i32
      %eq3A_822 = vector.broadcast %eq3A_821 : i32 to vector<16xi32>
      %eq3A_823 = arith.cmpi eq, %and3A_2, %eq3A_822 : vector<16xi32>
      %or3A_824 = arith.ori %or3A_820, %eq3A_823 : vector<16xi1>
      %eq3A_825 = arith.constant 6 : i32
      %eq3A_826 = vector.broadcast %eq3A_825 : i32 to vector<16xi32>
      %eq3A_827 = arith.cmpi eq, %and3A_2, %eq3A_826 : vector<16xi32>
      %or3A_828 = arith.ori %or3A_824, %eq3A_827 : vector<16xi1>
      %xor3A_829 = arith.constant 3 : i32
      %xor3A_830 = vector.broadcast %xor3A_829 : i32 to vector<16xi32>
      %xor3A_831 = arith.xori %and3A_2, %xor3A_830 : vector<16xi32>
      %select_n3A_832 = arith.select %or3A_828, %xor3A_831, %and3A_2 : vector<16xi1>, vector<16xi32>
      %sub3A_833 = arith.subi %iota3A, %and3A_2 : vector<16xi32>
      %add3A_834 = arith.addi %sub3A_833, %select_n3A_832 : vector<16xi32>
      %lt3A_835 = arith.constant 0 : i32
      %lt3A_836 = vector.broadcast %lt3A_835 : i32 to vector<16xi32>
      %lt3A_837 = arith.cmpi slt, %add3A_834, %lt3A_836 : vector<16xi32>
      %add3A_838 = arith.constant 16 : i32
      %add3A_839 = vector.broadcast %add3A_838 : i32 to vector<16xi32>
      %add3A_840 = arith.addi %add3A_834, %add3A_839 : vector<16xi32>
      %select_n3A_841 = arith.select %lt3A_837, %add3A_840, %add3A_834 : vector<16xi1>, vector<16xi32>
      %broadcast_in_dim3A_842 = vector.shape_cast %select_n3A_841 : vector<16xi32> to vector<16x1xi32>
      %gather3A_843 = vector.shape_cast %broadcast_in_dim3A_842 : vector<16x1xi32> to vector<16xi32>
      %gather3A_844 = tpu.dynamic_gather %select_n3A_813[%gather3A_843] in [0] : vector<16xf32>, vector<16xi32> -> vector<16xf32>
      %lt3A_845 = arith.cmpi slt, %and3A_2, %select_n3A_832 : vector<16xi32>
      %min3A_846 = arith.minimumf %select_n3A_813, %gather3A_844 : vector<16xf32>
      %max3A_847 = arith.maximumf %select_n3A_813, %gather3A_844 : vector<16xf32>
      %select_n3A_848 = arith.select %lt3A_845, %min3A_846, %max3A_847 : vector<16xi1>, vector<16xf32>
      %xor3A_849 = arith.constant 4 : i32
      %xor3A_850 = vector.broadcast %xor3A_849 : i32 to vector<16xi32>
      %xor3A_851 = arith.xori %and3A_2, %xor3A_850 : vector<16xi32>
      %sub3A_852 = arith.subi %iota3A, %and3A_2 : vector<16xi32>
      %add3A_853 = arith.addi %sub3A_852, %xor3A_851 : vector<16xi32>
      %lt3A_854 = arith.constant 0 : i32
      %lt3A_855 = vector.broadcast %lt3A_854 : i32 to vector<16xi32>
      %lt3A_856 = arith.cmpi slt, %add3A_853, %lt3A_855 : vector<16xi32>
      %add3A_857 = arith.constant 16 : i32
      %add3A_858 = vector.broadcast %add3A_857 : i32 to vector<16xi32>
      %add3A_859 = arith.addi %add3A_853, %add3A_858 : vector<16xi32>
      %select_n3A_860 = arith.select %lt3A_856, %add3A_859, %add3A_853 : vector<16xi1>, vector<16xi32>
      %broadcast_in_dim3A_861 = vector.shape_cast %select_n3A_860 : vector<16xi32> to vector<16x1xi32>
      %gather3A_862 = vector.shape_cast %broadcast_in_dim3A_861 : vector<16x1xi32> to vector<16xi32>
      %gather3A_863 = tpu.dynamic_gather %select_n3A_848[%gather3A_862] in [0] : vector<16xf32>, vector<16xi32> -> vector<16xf32>
      %lt3A_864 = arith.cmpi slt, %and3A_2, %xor3A_851 : vector<16xi32>
      %min3A_865 = arith.minimumf %select_n3A_848, %gather3A_863 : vector<16xf32>
      %max3A_866 = arith.maximumf %select_n3A_848, %gather3A_863 : vector<16xf32>
      %select_n3A_867 = arith.select %lt3A_864, %min3A_865, %max3A_866 : vector<16xi1>, vector<16xf32>
      %ge3A_868 = arith.constant 2 : i32
      %ge3A_869 = vector.broadcast %ge3A_868 : i32 to vector<16xi32>
      %ge3A_870 = arith.cmpi sge, %and3A_2, %ge3A_869 : vector<16xi32>
      %le3A_871 = arith.constant 5 : i32
      %le3A_872 = vector.broadcast %le3A_871 : i32 to vector<16xi32>
      %le3A_873 = arith.cmpi sle, %and3A_2, %le3A_872 : vector<16xi32>
      %and3A_874 = arith.andi %ge3A_870, %le3A_873 : vector<16xi1>
      %xor3A_875 = arith.constant 6 : i32
      %xor3A_876 = vector.broadcast %xor3A_875 : i32 to vector<16xi32>
      %xor3A_877 = arith.xori %and3A_2, %xor3A_876 : vector<16xi32>
      %select_n3A_878 = arith.select %and3A_874, %xor3A_877, %and3A_2 : vector<16xi1>, vector<16xi32>
      %sub3A_879 = arith.subi %iota3A, %and3A_2 : vector<16xi32>
      %add3A_880 = arith.addi %sub3A_879, %select_n3A_878 : vector<16xi32>
      %lt3A_881 = arith.constant 0 : i32
      %lt3A_882 = vector.broadcast %lt3A_881 : i32 to vector<16xi32>
      %lt3A_883 = arith.cmpi slt, %add3A_880, %lt3A_882 : vector<16xi32>
      %add3A_884 = arith.constant 16 : i32
      %add3A_885 = vector.broadcast %add3A_884 : i32 to vector<16xi32>
      %add3A_886 = arith.addi %add3A_880, %add3A_885 : vector<16xi32>
      %select_n3A_887 = arith.select %lt3A_883, %add3A_886, %add3A_880 : vector<16xi1>, vector<16xi32>
      %broadcast_in_dim3A_888 = vector.shape_cast %select_n3A_887 : vector<16xi32> to vector<16x1xi32>
      %gather3A_889 = vector.shape_cast %broadcast_in_dim3A_888 : vector<16x1xi32> to vector<16xi32>
      %gather3A_890 = tpu.dynamic_gather %select_n3A_867[%gather3A_889] in [0] : vector<16xf32>, vector<16xi32> -> vector<16xf32>
      %lt3A_891 = arith.cmpi slt, %and3A_2, %select_n3A_878 : vector<16xi32>
      %min3A_892 = arith.minimumf %select_n3A_867, %gather3A_890 : vector<16xf32>
      %max3A_893 = arith.maximumf %select_n3A_867, %gather3A_890 : vector<16xf32>
      %select_n3A_894 = arith.select %lt3A_891, %min3A_892, %max3A_893 : vector<16xi1>, vector<16xf32>
      %ge3A_895 = arith.constant 1 : i32
      %ge3A_896 = vector.broadcast %ge3A_895 : i32 to vector<16xi32>
      %ge3A_897 = arith.cmpi sge, %and3A_2, %ge3A_896 : vector<16xi32>
      %le3A_898 = arith.constant 6 : i32
      %le3A_899 = vector.broadcast %le3A_898 : i32 to vector<16xi32>
      %le3A_900 = arith.cmpi sle, %and3A_2, %le3A_899 : vector<16xi32>
      %and3A_901 = arith.andi %ge3A_897, %le3A_900 : vector<16xi1>
      %sub3A_902 = arith.constant 1 : i32
      %sub3A_903 = vector.broadcast %sub3A_902 : i32 to vector<16xi32>
      %sub3A_904 = arith.subi %and3A_2, %sub3A_903 : vector<16xi32>
      %xor3A_905 = arith.constant 1 : i32
      %xor3A_906 = vector.broadcast %xor3A_905 : i32 to vector<16xi32>
      %xor3A_907 = arith.xori %sub3A_904, %xor3A_906 : vector<16xi32>
      %add3A_908 = arith.constant 1 : i32
      %add3A_909 = vector.broadcast %add3A_908 : i32 to vector<16xi32>
      %add3A_910 = arith.addi %xor3A_907, %add3A_909 : vector<16xi32>
      %select_n3A_911 = arith.select %and3A_901, %add3A_910, %and3A_2 : vector<16xi1>, vector<16xi32>
      %sub3A_912 = arith.subi %iota3A, %and3A_2 : vector<16xi32>
      %add3A_913 = arith.addi %sub3A_912, %select_n3A_911 : vector<16xi32>
      %lt3A_914 = arith.constant 0 : i32
      %lt3A_915 = vector.broadcast %lt3A_914 : i32 to vector<16xi32>
      %lt3A_916 = arith.cmpi slt, %add3A_913, %lt3A_915 : vector<16xi32>
      %add3A_917 = arith.constant 16 : i32
      %add3A_918 = vector.broadcast %add3A_917 : i32 to vector<16xi32>
      %add3A_919 = arith.addi %add3A_913, %add3A_918 : vector<16xi32>
      %select_n3A_920 = arith.select %lt3A_916, %add3A_919, %add3A_913 : vector<16xi1>, vector<16xi32>
      %broadcast_in_dim3A_921 = vector.shape_cast %select_n3A_920 : vector<16xi32> to vector<16x1xi32>
      %gather3A_922 = vector.shape_cast %broadcast_in_dim3A_921 : vector<16x1xi32> to vector<16xi32>
      %gather3A_923 = tpu.dynamic_gather %select_n3A_894[%gather3A_922] in [0] : vector<16xf32>, vector<16xi32> -> vector<16xf32>
      %lt3A_924 = arith.cmpi slt, %and3A_2, %select_n3A_911 : vector<16xi32>
      %min3A_925 = arith.minimumf %select_n3A_894, %gather3A_923 : vector<16xf32>
      %max3A_926 = arith.maximumf %select_n3A_894, %gather3A_923 : vector<16xf32>
      %select_n3A_927 = arith.select %lt3A_924, %min3A_925, %max3A_926 : vector<16xi1>, vector<16xf32>
      %sub3A_928 = arith.subi %iota3A, %and3A_2 : vector<16xi32>
      %add3A_929 = arith.constant 5 : i32
      %add3A_930 = vector.broadcast %add3A_929 : i32 to vector<16xi32>
      %add3A_931 = arith.addi %sub3A_928, %add3A_930 : vector<16xi32>
      %lt3A_932 = arith.constant 0 : i32
      %lt3A_933 = vector.broadcast %lt3A_932 : i32 to vector<16xi32>
      %lt3A_934 = arith.cmpi slt, %add3A_931, %lt3A_933 : vector<16xi32>
      %add3A_935 = arith.constant 16 : i32
      %add3A_936 = vector.broadcast %add3A_935 : i32 to vector<16xi32>
      %add3A_937 = arith.addi %add3A_931, %add3A_936 : vector<16xi32>
      %select_n3A_938 = arith.select %lt3A_934, %add3A_937, %add3A_931 : vector<16xi1>, vector<16xi32>
      %broadcast_in_dim3A_939 = vector.shape_cast %select_n3A_938 : vector<16xi32> to vector<16x1xi32>
      %gather3A_940 = vector.shape_cast %broadcast_in_dim3A_939 : vector<16x1xi32> to vector<16xi32>
      %gather3A_941 = tpu.dynamic_gather %select_n3A_927[%gather3A_940] in [0] : vector<16xf32>, vector<16xi32> -> vector<16xf32>
      %eq3A_942 = arith.constant 4 : i32
      %eq3A_943 = vector.broadcast %eq3A_942 : i32 to vector<16xi32>
      %eq3A_944 = arith.cmpi eq, %shift_right_arithmetic3A_6, %eq3A_943 : vector<16xi32>
      %lt3A_945 = arith.constant 0 : i32
      %lt3A_946 = vector.broadcast %lt3A_945 : i32 to vector<16xi32>
      %lt3A_947 = arith.cmpi slt, %shift_left3A_11, %lt3A_946 : vector<16xi32>
      %add3A_948 = arith.constant 16 : i32
      %add3A_949 = vector.broadcast %add3A_948 : i32 to vector<16xi32>
      %add3A_950 = arith.addi %shift_left3A_11, %add3A_949 : vector<16xi32>
      %select_n3A_951 = arith.select %lt3A_947, %add3A_950, %shift_left3A_11 : vector<16xi1>, vector<16xi32>
      %broadcast_in_dim3A_952 = vector.shape_cast %select_n3A_951 : vector<16xi32> to vector<16x1xi32>
      %gather3A_953 = vector.shape_cast %broadcast_in_dim3A_952 : vector<16x1xi32> to vector<16xi32>
      %gather3A_954 = tpu.dynamic_gather %gather3A_941[%gather3A_953] in [0] : vector<16xf32>, vector<16xi32> -> vector<16xf32>
      %select_n3A_955 = arith.select %eq3A_944, %gather3A_954, %select_n3A_766 : vector<16xi1>, vector<16xf32>
      %mul3A_956 = arith.constant 8 : i32
      %mul3A_957 = arith.muli %mul3A_956, %scan3A_20 : i32
      %add3A_958 = arith.constant 5 : i32
      %add3A_959 = arith.addi %mul3A_957, %add3A_958 : i32
      %mul3A_960 = arith.constant 16 : i32
      %mul3A_961 = arith.muli %mul3A_960, %add3A_959 : i32
      %get3A_962 = arith.index_cast %mul3A_961 : i32 to index
      %get3A_963 = tpu.vector_load %arg4[%get3A_962] {strides = array<i32>} : memref<4096xf32, #tpu.memory_space<vmem>>, vector<16xf32>,
      %get3A_964 = vector.shape_cast %get3A_963 : vector<16xf32> to vector<16xf32>
      %xor3A_965 = arith.constant 1 : i32
      %xor3A_966 = vector.broadcast %xor3A_965 : i32 to vector<16xi32>
      %xor3A_967 = arith.xori %and3A_2, %xor3A_966 : vector<16xi32>
      %sub3A_968 = arith.subi %iota3A, %and3A_2 : vector<16xi32>
      %add3A_969 = arith.addi %sub3A_968, %xor3A_967 : vector<16xi32>
      %lt3A_970 = arith.constant 0 : i32
      %lt3A_971 = vector.broadcast %lt3A_970 : i32 to vector<16xi32>
      %lt3A_972 = arith.cmpi slt, %add3A_969, %lt3A_971 : vector<16xi32>
      %add3A_973 = arith.constant 16 : i32
      %add3A_974 = vector.broadcast %add3A_973 : i32 to vector<16xi32>
      %add3A_975 = arith.addi %add3A_969, %add3A_974 : vector<16xi32>
      %select_n3A_976 = arith.select %lt3A_972, %add3A_975, %add3A_969 : vector<16xi1>, vector<16xi32>
      %broadcast_in_dim3A_977 = vector.shape_cast %select_n3A_976 : vector<16xi32> to vector<16x1xi32>
      %gather3A_978 = vector.shape_cast %broadcast_in_dim3A_977 : vector<16x1xi32> to vector<16xi32>
      %gather3A_979 = tpu.dynamic_gather %get3A_964[%gather3A_978] in [0] : vector<16xf32>, vector<16xi32> -> vector<16xf32>
      %lt3A_980 = arith.cmpi slt, %and3A_2, %xor3A_967 : vector<16xi32>
      %min3A_981 = arith.minimumf %get3A_964, %gather3A_979 : vector<16xf32>
      %max3A_982 = arith.maximumf %get3A_964, %gather3A_979 : vector<16xf32>
      %select_n3A_983 = arith.select %lt3A_980, %min3A_981, %max3A_982 : vector<16xi1>, vector<16xf32>
      %xor3A_984 = arith.constant 2 : i32
      %xor3A_985 = vector.broadcast %xor3A_984 : i32 to vector<16xi32>
      %xor3A_986 = arith.xori %and3A_2, %xor3A_985 : vector<16xi32>
      %sub3A_987 = arith.subi %iota3A, %and3A_2 : vector<16xi32>
      %add3A_988 = arith.addi %sub3A_987, %xor3A_986 : vector<16xi32>
      %lt3A_989 = arith.constant 0 : i32
      %lt3A_990 = vector.broadcast %lt3A_989 : i32 to vector<16xi32>
      %lt3A_991 = arith.cmpi slt, %add3A_988, %lt3A_990 : vector<16xi32>
      %add3A_992 = arith.constant 16 : i32
      %add3A_993 = vector.broadcast %add3A_992 : i32 to vector<16xi32>
      %add3A_994 = arith.addi %add3A_988, %add3A_993 : vector<16xi32>
      %select_n3A_995 = arith.select %lt3A_991, %add3A_994, %add3A_988 : vector<16xi1>, vector<16xi32>
      %broadcast_in_dim3A_996 = vector.shape_cast %select_n3A_995 : vector<16xi32> to vector<16x1xi32>
      %gather3A_997 = vector.shape_cast %broadcast_in_dim3A_996 : vector<16x1xi32> to vector<16xi32>
      %gather3A_998 = tpu.dynamic_gather %select_n3A_983[%gather3A_997] in [0] : vector<16xf32>, vector<16xi32> -> vector<16xf32>
      %lt3A_999 = arith.cmpi slt, %and3A_2, %xor3A_986 : vector<16xi32>
      %min3A_1000 = arith.minimumf %select_n3A_983, %gather3A_998 : vector<16xf32>
      %max3A_1001 = arith.maximumf %select_n3A_983, %gather3A_998 : vector<16xf32>
      %select_n3A_1002 = arith.select %lt3A_999, %min3A_1000, %max3A_1001 : vector<16xi1>, vector<16xf32>
      %eq3A_1003 = arith.constant 1 : i32
      %eq3A_1004 = vector.broadcast %eq3A_1003 : i32 to vector<16xi32>
      %eq3A_1005 = arith.cmpi eq, %and3A_2, %eq3A_1004 : vector<16xi32>
      %eq3A_1006 = arith.constant 2 : i32
      %eq3A_1007 = vector.broadcast %eq3A_1006 : i32 to vector<16xi32>
      %eq3A_1008 = arith.cmpi eq, %and3A_2, %eq3A_1007 : vector<16xi32>
      %or3A_1009 = arith.ori %eq3A_1005, %eq3A_1008 : vector<16xi1>
      %eq3A_1010 = arith.constant 5 : i32
      %eq3A_1011 = vector.broadcast %eq3A_1010 : i32 to vector<16xi32>
      %eq3A_1012 = arith.cmpi eq, %and3A_2, %eq3A_1011 : vector<16xi32>
      %or3A_1013 = arith.ori %or3A_1009, %eq3A_1012 : vector<16xi1>
      %eq3A_1014 = arith.constant 6 : i32
      %eq3A_1015 = vector.broadcast %eq3A_1014 : i32 to vector<16xi32>
      %eq3A_1016 = arith.cmpi eq, %and3A_2, %eq3A_1015 : vector<16xi32>
      %or3A_1017 = arith.ori %or3A_1013, %eq3A_1016 : vector<16xi1>
      %xor3A_1018 = arith.constant 3 : i32
      %xor3A_1019 = vector.broadcast %xor3A_1018 : i32 to vector<16xi32>
      %xor3A_1020 = arith.xori %and3A_2, %xor3A_1019 : vector<16xi32>
      %select_n3A_1021 = arith.select %or3A_1017, %xor3A_1020, %and3A_2 : vector<16xi1>, vector<16xi32>
      %sub3A_1022 = arith.subi %iota3A, %and3A_2 : vector<16xi32>
      %add3A_1023 = arith.addi %sub3A_1022, %select_n3A_1021 : vector<16xi32>
      %lt3A_1024 = arith.constant 0 : i32
      %lt3A_1025 = vector.broadcast %lt3A_1024 : i32 to vector<16xi32>
      %lt3A_1026 = arith.cmpi slt, %add3A_1023, %lt3A_1025 : vector<16xi32>
      %add3A_1027 = arith.constant 16 : i32
      %add3A_1028 = vector.broadcast %add3A_1027 : i32 to vector<16xi32>
      %add3A_1029 = arith.addi %add3A_1023, %add3A_1028 : vector<16xi32>
      %select_n3A_1030 = arith.select %lt3A_1026, %add3A_1029, %add3A_1023 : vector<16xi1>, vector<16xi32>
      %broadcast_in_dim3A_1031 = vector.shape_cast %select_n3A_1030 : vector<16xi32> to vector<16x1xi32>
      %gather3A_1032 = vector.shape_cast %broadcast_in_dim3A_1031 : vector<16x1xi32> to vector<16xi32>
      %gather3A_1033 = tpu.dynamic_gather %select_n3A_1002[%gather3A_1032] in [0] : vector<16xf32>, vector<16xi32> -> vector<16xf32>
      %lt3A_1034 = arith.cmpi slt, %and3A_2, %select_n3A_1021 : vector<16xi32>
      %min3A_1035 = arith.minimumf %select_n3A_1002, %gather3A_1033 : vector<16xf32>
      %max3A_1036 = arith.maximumf %select_n3A_1002, %gather3A_1033 : vector<16xf32>
      %select_n3A_1037 = arith.select %lt3A_1034, %min3A_1035, %max3A_1036 : vector<16xi1>, vector<16xf32>
      %xor3A_1038 = arith.constant 4 : i32
      %xor3A_1039 = vector.broadcast %xor3A_1038 : i32 to vector<16xi32>
      %xor3A_1040 = arith.xori %and3A_2, %xor3A_1039 : vector<16xi32>
      %sub3A_1041 = arith.subi %iota3A, %and3A_2 : vector<16xi32>
      %add3A_1042 = arith.addi %sub3A_1041, %xor3A_1040 : vector<16xi32>
      %lt3A_1043 = arith.constant 0 : i32
      %lt3A_1044 = vector.broadcast %lt3A_1043 : i32 to vector<16xi32>
      %lt3A_1045 = arith.cmpi slt, %add3A_1042, %lt3A_1044 : vector<16xi32>
      %add3A_1046 = arith.constant 16 : i32
      %add3A_1047 = vector.broadcast %add3A_1046 : i32 to vector<16xi32>
      %add3A_1048 = arith.addi %add3A_1042, %add3A_1047 : vector<16xi32>
      %select_n3A_1049 = arith.select %lt3A_1045, %add3A_1048, %add3A_1042 : vector<16xi1>, vector<16xi32>
      %broadcast_in_dim3A_1050 = vector.shape_cast %select_n3A_1049 : vector<16xi32> to vector<16x1xi32>
      %gather3A_1051 = vector.shape_cast %broadcast_in_dim3A_1050 : vector<16x1xi32> to vector<16xi32>
      %gather3A_1052 = tpu.dynamic_gather %select_n3A_1037[%gather3A_1051] in [0] : vector<16xf32>, vector<16xi32> -> vector<16xf32>
      %lt3A_1053 = arith.cmpi slt, %and3A_2, %xor3A_1040 : vector<16xi32>
      %min3A_1054 = arith.minimumf %select_n3A_1037, %gather3A_1052 : vector<16xf32>
      %max3A_1055 = arith.maximumf %select_n3A_1037, %gather3A_1052 : vector<16xf32>
      %select_n3A_1056 = arith.select %lt3A_1053, %min3A_1054, %max3A_1055 : vector<16xi1>, vector<16xf32>
      %ge3A_1057 = arith.constant 2 : i32
      %ge3A_1058 = vector.broadcast %ge3A_1057 : i32 to vector<16xi32>
      %ge3A_1059 = arith.cmpi sge, %and3A_2, %ge3A_1058 : vector<16xi32>
      %le3A_1060 = arith.constant 5 : i32
      %le3A_1061 = vector.broadcast %le3A_1060 : i32 to vector<16xi32>
      %le3A_1062 = arith.cmpi sle, %and3A_2, %le3A_1061 : vector<16xi32>
      %and3A_1063 = arith.andi %ge3A_1059, %le3A_1062 : vector<16xi1>
      %xor3A_1064 = arith.constant 6 : i32
      %xor3A_1065 = vector.broadcast %xor3A_1064 : i32 to vector<16xi32>
      %xor3A_1066 = arith.xori %and3A_2, %xor3A_1065 : vector<16xi32>
      %select_n3A_1067 = arith.select %and3A_1063, %xor3A_1066, %and3A_2 : vector<16xi1>, vector<16xi32>
      %sub3A_1068 = arith.subi %iota3A, %and3A_2 : vector<16xi32>
      %add3A_1069 = arith.addi %sub3A_1068, %select_n3A_1067 : vector<16xi32>
      %lt3A_1070 = arith.constant 0 : i32
      %lt3A_1071 = vector.broadcast %lt3A_1070 : i32 to vector<16xi32>
      %lt3A_1072 = arith.cmpi slt, %add3A_1069, %lt3A_1071 : vector<16xi32>
      %add3A_1073 = arith.constant 16 : i32
      %add3A_1074 = vector.broadcast %add3A_1073 : i32 to vector<16xi32>
      %add3A_1075 = arith.addi %add3A_1069, %add3A_1074 : vector<16xi32>
      %select_n3A_1076 = arith.select %lt3A_1072, %add3A_1075, %add3A_1069 : vector<16xi1>, vector<16xi32>
      %broadcast_in_dim3A_1077 = vector.shape_cast %select_n3A_1076 : vector<16xi32> to vector<16x1xi32>
      %gather3A_1078 = vector.shape_cast %broadcast_in_dim3A_1077 : vector<16x1xi32> to vector<16xi32>
      %gather3A_1079 = tpu.dynamic_gather %select_n3A_1056[%gather3A_1078] in [0] : vector<16xf32>, vector<16xi32> -> vector<16xf32>
      %lt3A_1080 = arith.cmpi slt, %and3A_2, %select_n3A_1067 : vector<16xi32>
      %min3A_1081 = arith.minimumf %select_n3A_1056, %gather3A_1079 : vector<16xf32>
      %max3A_1082 = arith.maximumf %select_n3A_1056, %gather3A_1079 : vector<16xf32>
      %select_n3A_1083 = arith.select %lt3A_1080, %min3A_1081, %max3A_1082 : vector<16xi1>, vector<16xf32>
      %ge3A_1084 = arith.constant 1 : i32
      %ge3A_1085 = vector.broadcast %ge3A_1084 : i32 to vector<16xi32>
      %ge3A_1086 = arith.cmpi sge, %and3A_2, %ge3A_1085 : vector<16xi32>
      %le3A_1087 = arith.constant 6 : i32
      %le3A_1088 = vector.broadcast %le3A_1087 : i32 to vector<16xi32>
      %le3A_1089 = arith.cmpi sle, %and3A_2, %le3A_1088 : vector<16xi32>
      %and3A_1090 = arith.andi %ge3A_1086, %le3A_1089 : vector<16xi1>
      %sub3A_1091 = arith.constant 1 : i32
      %sub3A_1092 = vector.broadcast %sub3A_1091 : i32 to vector<16xi32>
      %sub3A_1093 = arith.subi %and3A_2, %sub3A_1092 : vector<16xi32>
      %xor3A_1094 = arith.constant 1 : i32
      %xor3A_1095 = vector.broadcast %xor3A_1094 : i32 to vector<16xi32>
      %xor3A_1096 = arith.xori %sub3A_1093, %xor3A_1095 : vector<16xi32>
      %add3A_1097 = arith.constant 1 : i32
      %add3A_1098 = vector.broadcast %add3A_1097 : i32 to vector<16xi32>
      %add3A_1099 = arith.addi %xor3A_1096, %add3A_1098 : vector<16xi32>
      %select_n3A_1100 = arith.select %and3A_1090, %add3A_1099, %and3A_2 : vector<16xi1>, vector<16xi32>
      %sub3A_1101 = arith.subi %iota3A, %and3A_2 : vector<16xi32>
      %add3A_1102 = arith.addi %sub3A_1101, %select_n3A_1100 : vector<16xi32>
      %lt3A_1103 = arith.constant 0 : i32
      %lt3A_1104 = vector.broadcast %lt3A_1103 : i32 to vector<16xi32>
      %lt3A_1105 = arith.cmpi slt, %add3A_1102, %lt3A_1104 : vector<16xi32>
      %add3A_1106 = arith.constant 16 : i32
      %add3A_1107 = vector.broadcast %add3A_1106 : i32 to vector<16xi32>
      %add3A_1108 = arith.addi %add3A_1102, %add3A_1107 : vector<16xi32>
      %select_n3A_1109 = arith.select %lt3A_1105, %add3A_1108, %add3A_1102 : vector<16xi1>, vector<16xi32>
      %broadcast_in_dim3A_1110 = vector.shape_cast %select_n3A_1109 : vector<16xi32> to vector<16x1xi32>
      %gather3A_1111 = vector.shape_cast %broadcast_in_dim3A_1110 : vector<16x1xi32> to vector<16xi32>
      %gather3A_1112 = tpu.dynamic_gather %select_n3A_1083[%gather3A_1111] in [0] : vector<16xf32>, vector<16xi32> -> vector<16xf32>
      %lt3A_1113 = arith.cmpi slt, %and3A_2, %select_n3A_1100 : vector<16xi32>
      %min3A_1114 = arith.minimumf %select_n3A_1083, %gather3A_1112 : vector<16xf32>
      %max3A_1115 = arith.maximumf %select_n3A_1083, %gather3A_1112 : vector<16xf32>
      %select_n3A_1116 = arith.select %lt3A_1113, %min3A_1114, %max3A_1115 : vector<16xi1>, vector<16xf32>
      %sub3A_1117 = arith.subi %iota3A, %and3A_2 : vector<16xi32>
      %add3A_1118 = arith.constant 5 : i32
      %add3A_1119 = vector.broadcast %add3A_1118 : i32 to vector<16xi32>
      %add3A_1120 = arith.addi %sub3A_1117, %add3A_1119 : vector<16xi32>
      %lt3A_1121 = arith.constant 0 : i32
      %lt3A_1122 = vector.broadcast %lt3A_1121 : i32 to vector<16xi32>
      %lt3A_1123 = arith.cmpi slt, %add3A_1120, %lt3A_1122 : vector<16xi32>
      %add3A_1124 = arith.constant 16 : i32
      %add3A_1125 = vector.broadcast %add3A_1124 : i32 to vector<16xi32>
      %add3A_1126 = arith.addi %add3A_1120, %add3A_1125 : vector<16xi32>
      %select_n3A_1127 = arith.select %lt3A_1123, %add3A_1126, %add3A_1120 : vector<16xi1>, vector<16xi32>
      %broadcast_in_dim3A_1128 = vector.shape_cast %select_n3A_1127 : vector<16xi32> to vector<16x1xi32>
      %gather3A_1129 = vector.shape_cast %broadcast_in_dim3A_1128 : vector<16x1xi32> to vector<16xi32>
      %gather3A_1130 = tpu.dynamic_gather %select_n3A_1116[%gather3A_1129] in [0] : vector<16xf32>, vector<16xi32> -> vector<16xf32>
      %eq3A_1131 = arith.constant 5 : i32
      %eq3A_1132 = vector.broadcast %eq3A_1131 : i32 to vector<16xi32>
      %eq3A_1133 = arith.cmpi eq, %shift_right_arithmetic3A_6, %eq3A_1132 : vector<16xi32>
      %lt3A_1134 = arith.constant 0 : i32
      %lt3A_1135 = vector.broadcast %lt3A_1134 : i32 to vector<16xi32>
      %lt3A_1136 = arith.cmpi slt, %shift_left3A_11, %lt3A_1135 : vector<16xi32>
      %add3A_1137 = arith.constant 16 : i32
      %add3A_1138 = vector.broadcast %add3A_1137 : i32 to vector<16xi32>
      %add3A_1139 = arith.addi %shift_left3A_11, %add3A_1138 : vector<16xi32>
      %select_n3A_1140 = arith.select %lt3A_1136, %add3A_1139, %shift_left3A_11 : vector<16xi1>, vector<16xi32>
      %broadcast_in_dim3A_1141 = vector.shape_cast %select_n3A_1140 : vector<16xi32> to vector<16x1xi32>
      %gather3A_1142 = vector.shape_cast %broadcast_in_dim3A_1141 : vector<16x1xi32> to vector<16xi32>
      %gather3A_1143 = tpu.dynamic_gather %gather3A_1130[%gather3A_1142] in [0] : vector<16xf32>, vector<16xi32> -> vector<16xf32>
      %select_n3A_1144 = arith.select %eq3A_1133, %gather3A_1143, %select_n3A_955 : vector<16xi1>, vector<16xf32>
      %mul3A_1145 = arith.constant 8 : i32
      %mul3A_1146 = arith.muli %mul3A_1145, %scan3A_20 : i32
      %add3A_1147 = arith.constant 6 : i32
      %add3A_1148 = arith.addi %mul3A_1146, %add3A_1147 : i32
      %mul3A_1149 = arith.constant 16 : i32
      %mul3A_1150 = arith.muli %mul3A_1149, %add3A_1148 : i32
      %get3A_1151 = arith.index_cast %mul3A_1150 : i32 to index
      %get3A_1152 = tpu.vector_load %arg4[%get3A_1151] {strides = array<i32>} : memref<4096xf32, #tpu.memory_space<vmem>>, vector<16xf32>,
      %get3A_1153 = vector.shape_cast %get3A_1152 : vector<16xf32> to vector<16xf32>
      %xor3A_1154 = arith.constant 1 : i32
      %xor3A_1155 = vector.broadcast %xor3A_1154 : i32 to vector<16xi32>
      %xor3A_1156 = arith.xori %and3A_2, %xor3A_1155 : vector<16xi32>
      %sub3A_1157 = arith.subi %iota3A, %and3A_2 : vector<16xi32>
      %add3A_1158 = arith.addi %sub3A_1157, %xor3A_1156 : vector<16xi32>
      %lt3A_1159 = arith.constant 0 : i32
      %lt3A_1160 = vector.broadcast %lt3A_1159 : i32 to vector<16xi32>
      %lt3A_1161 = arith.cmpi slt, %add3A_1158, %lt3A_1160 : vector<16xi32>
      %add3A_1162 = arith.constant 16 : i32
      %add3A_1163 = vector.broadcast %add3A_1162 : i32 to vector<16xi32>
      %add3A_1164 = arith.addi %add3A_1158, %add3A_1163 : vector<16xi32>
      %select_n3A_1165 = arith.select %lt3A_1161, %add3A_1164, %add3A_1158 : vector<16xi1>, vector<16xi32>
      %broadcast_in_dim3A_1166 = vector.shape_cast %select_n3A_1165 : vector<16xi32> to vector<16x1xi32>
      %gather3A_1167 = vector.shape_cast %broadcast_in_dim3A_1166 : vector<16x1xi32> to vector<16xi32>
      %gather3A_1168 = tpu.dynamic_gather %get3A_1153[%gather3A_1167] in [0] : vector<16xf32>, vector<16xi32> -> vector<16xf32>
      %lt3A_1169 = arith.cmpi slt, %and3A_2, %xor3A_1156 : vector<16xi32>
      %min3A_1170 = arith.minimumf %get3A_1153, %gather3A_1168 : vector<16xf32>
      %max3A_1171 = arith.maximumf %get3A_1153, %gather3A_1168 : vector<16xf32>
      %select_n3A_1172 = arith.select %lt3A_1169, %min3A_1170, %max3A_1171 : vector<16xi1>, vector<16xf32>
      %xor3A_1173 = arith.constant 2 : i32
      %xor3A_1174 = vector.broadcast %xor3A_1173 : i32 to vector<16xi32>
      %xor3A_1175 = arith.xori %and3A_2, %xor3A_1174 : vector<16xi32>
      %sub3A_1176 = arith.subi %iota3A, %and3A_2 : vector<16xi32>
      %add3A_1177 = arith.addi %sub3A_1176, %xor3A_1175 : vector<16xi32>
      %lt3A_1178 = arith.constant 0 : i32
      %lt3A_1179 = vector.broadcast %lt3A_1178 : i32 to vector<16xi32>
      %lt3A_1180 = arith.cmpi slt, %add3A_1177, %lt3A_1179 : vector<16xi32>
      %add3A_1181 = arith.constant 16 : i32
      %add3A_1182 = vector.broadcast %add3A_1181 : i32 to vector<16xi32>
      %add3A_1183 = arith.addi %add3A_1177, %add3A_1182 : vector<16xi32>
      %select_n3A_1184 = arith.select %lt3A_1180, %add3A_1183, %add3A_1177 : vector<16xi1>, vector<16xi32>
      %broadcast_in_dim3A_1185 = vector.shape_cast %select_n3A_1184 : vector<16xi32> to vector<16x1xi32>
      %gather3A_1186 = vector.shape_cast %broadcast_in_dim3A_1185 : vector<16x1xi32> to vector<16xi32>
      %gather3A_1187 = tpu.dynamic_gather %select_n3A_1172[%gather3A_1186] in [0] : vector<16xf32>, vector<16xi32> -> vector<16xf32>
      %lt3A_1188 = arith.cmpi slt, %and3A_2, %xor3A_1175 : vector<16xi32>
      %min3A_1189 = arith.minimumf %select_n3A_1172, %gather3A_1187 : vector<16xf32>
      %max3A_1190 = arith.maximumf %select_n3A_1172, %gather3A_1187 : vector<16xf32>
      %select_n3A_1191 = arith.select %lt3A_1188, %min3A_1189, %max3A_1190 : vector<16xi1>, vector<16xf32>
      %eq3A_1192 = arith.constant 1 : i32
      %eq3A_1193 = vector.broadcast %eq3A_1192 : i32 to vector<16xi32>
      %eq3A_1194 = arith.cmpi eq, %and3A_2, %eq3A_1193 : vector<16xi32>
      %eq3A_1195 = arith.constant 2 : i32
      %eq3A_1196 = vector.broadcast %eq3A_1195 : i32 to vector<16xi32>
      %eq3A_1197 = arith.cmpi eq, %and3A_2, %eq3A_1196 : vector<16xi32>
      %or3A_1198 = arith.ori %eq3A_1194, %eq3A_1197 : vector<16xi1>
      %eq3A_1199 = arith.constant 5 : i32
      %eq3A_1200 = vector.broadcast %eq3A_1199 : i32 to vector<16xi32>
      %eq3A_1201 = arith.cmpi eq, %and3A_2, %eq3A_1200 : vector<16xi32>
      %or3A_1202 = arith.ori %or3A_1198, %eq3A_1201 : vector<16xi1>
      %eq3A_1203 = arith.constant 6 : i32
      %eq3A_1204 = vector.broadcast %eq3A_1203 : i32 to vector<16xi32>
      %eq3A_1205 = arith.cmpi eq, %and3A_2, %eq3A_1204 : vector<16xi32>
      %or3A_1206 = arith.ori %or3A_1202, %eq3A_1205 : vector<16xi1>
      %xor3A_1207 = arith.constant 3 : i32
      %xor3A_1208 = vector.broadcast %xor3A_1207 : i32 to vector<16xi32>
      %xor3A_1209 = arith.xori %and3A_2, %xor3A_1208 : vector<16xi32>
      %select_n3A_1210 = arith.select %or3A_1206, %xor3A_1209, %and3A_2 : vector<16xi1>, vector<16xi32>
      %sub3A_1211 = arith.subi %iota3A, %and3A_2 : vector<16xi32>
      %add3A_1212 = arith.addi %sub3A_1211, %select_n3A_1210 : vector<16xi32>
      %lt3A_1213 = arith.constant 0 : i32
      %lt3A_1214 = vector.broadcast %lt3A_1213 : i32 to vector<16xi32>
      %lt3A_1215 = arith.cmpi slt, %add3A_1212, %lt3A_1214 : vector<16xi32>
      %add3A_1216 = arith.constant 16 : i32
      %add3A_1217 = vector.broadcast %add3A_1216 : i32 to vector<16xi32>
      %add3A_1218 = arith.addi %add3A_1212, %add3A_1217 : vector<16xi32>
      %select_n3A_1219 = arith.select %lt3A_1215, %add3A_1218, %add3A_1212 : vector<16xi1>, vector<16xi32>
      %broadcast_in_dim3A_1220 = vector.shape_cast %select_n3A_1219 : vector<16xi32> to vector<16x1xi32>
      %gather3A_1221 = vector.shape_cast %broadcast_in_dim3A_1220 : vector<16x1xi32> to vector<16xi32>
      %gather3A_1222 = tpu.dynamic_gather %select_n3A_1191[%gather3A_1221] in [0] : vector<16xf32>, vector<16xi32> -> vector<16xf32>
      %lt3A_1223 = arith.cmpi slt, %and3A_2, %select_n3A_1210 : vector<16xi32>
      %min3A_1224 = arith.minimumf %select_n3A_1191, %gather3A_1222 : vector<16xf32>
      %max3A_1225 = arith.maximumf %select_n3A_1191, %gather3A_1222 : vector<16xf32>
      %select_n3A_1226 = arith.select %lt3A_1223, %min3A_1224, %max3A_1225 : vector<16xi1>, vector<16xf32>
      %xor3A_1227 = arith.constant 4 : i32
      %xor3A_1228 = vector.broadcast %xor3A_1227 : i32 to vector<16xi32>
      %xor3A_1229 = arith.xori %and3A_2, %xor3A_1228 : vector<16xi32>
      %sub3A_1230 = arith.subi %iota3A, %and3A_2 : vector<16xi32>
      %add3A_1231 = arith.addi %sub3A_1230, %xor3A_1229 : vector<16xi32>
      %lt3A_1232 = arith.constant 0 : i32
      %lt3A_1233 = vector.broadcast %lt3A_1232 : i32 to vector<16xi32>
      %lt3A_1234 = arith.cmpi slt, %add3A_1231, %lt3A_1233 : vector<16xi32>
      %add3A_1235 = arith.constant 16 : i32
      %add3A_1236 = vector.broadcast %add3A_1235 : i32 to vector<16xi32>
      %add3A_1237 = arith.addi %add3A_1231, %add3A_1236 : vector<16xi32>
      %select_n3A_1238 = arith.select %lt3A_1234, %add3A_1237, %add3A_1231 : vector<16xi1>, vector<16xi32>
      %broadcast_in_dim3A_1239 = vector.shape_cast %select_n3A_1238 : vector<16xi32> to vector<16x1xi32>
      %gather3A_1240 = vector.shape_cast %broadcast_in_dim3A_1239 : vector<16x1xi32> to vector<16xi32>
      %gather3A_1241 = tpu.dynamic_gather %select_n3A_1226[%gather3A_1240] in [0] : vector<16xf32>, vector<16xi32> -> vector<16xf32>
      %lt3A_1242 = arith.cmpi slt, %and3A_2, %xor3A_1229 : vector<16xi32>
      %min3A_1243 = arith.minimumf %select_n3A_1226, %gather3A_1241 : vector<16xf32>
      %max3A_1244 = arith.maximumf %select_n3A_1226, %gather3A_1241 : vector<16xf32>
      %select_n3A_1245 = arith.select %lt3A_1242, %min3A_1243, %max3A_1244 : vector<16xi1>, vector<16xf32>
      %ge3A_1246 = arith.constant 2 : i32
      %ge3A_1247 = vector.broadcast %ge3A_1246 : i32 to vector<16xi32>
      %ge3A_1248 = arith.cmpi sge, %and3A_2, %ge3A_1247 : vector<16xi32>
      %le3A_1249 = arith.constant 5 : i32
      %le3A_1250 = vector.broadcast %le3A_1249 : i32 to vector<16xi32>
      %le3A_1251 = arith.cmpi sle, %and3A_2, %le3A_1250 : vector<16xi32>
      %and3A_1252 = arith.andi %ge3A_1248, %le3A_1251 : vector<16xi1>
      %xor3A_1253 = arith.constant 6 : i32
      %xor3A_1254 = vector.broadcast %xor3A_1253 : i32 to vector<16xi32>
      %xor3A_1255 = arith.xori %and3A_2, %xor3A_1254 : vector<16xi32>
      %select_n3A_1256 = arith.select %and3A_1252, %xor3A_1255, %and3A_2 : vector<16xi1>, vector<16xi32>
      %sub3A_1257 = arith.subi %iota3A, %and3A_2 : vector<16xi32>
      %add3A_1258 = arith.addi %sub3A_1257, %select_n3A_1256 : vector<16xi32>
      %lt3A_1259 = arith.constant 0 : i32
      %lt3A_1260 = vector.broadcast %lt3A_1259 : i32 to vector<16xi32>
      %lt3A_1261 = arith.cmpi slt, %add3A_1258, %lt3A_1260 : vector<16xi32>
      %add3A_1262 = arith.constant 16 : i32
      %add3A_1263 = vector.broadcast %add3A_1262 : i32 to vector<16xi32>
      %add3A_1264 = arith.addi %add3A_1258, %add3A_1263 : vector<16xi32>
      %select_n3A_1265 = arith.select %lt3A_1261, %add3A_1264, %add3A_1258 : vector<16xi1>, vector<16xi32>
      %broadcast_in_dim3A_1266 = vector.shape_cast %select_n3A_1265 : vector<16xi32> to vector<16x1xi32>
      %gather3A_1267 = vector.shape_cast %broadcast_in_dim3A_1266 : vector<16x1xi32> to vector<16xi32>
      %gather3A_1268 = tpu.dynamic_gather %select_n3A_1245[%gather3A_1267] in [0] : vector<16xf32>, vector<16xi32> -> vector<16xf32>
      %lt3A_1269 = arith.cmpi slt, %and3A_2, %select_n3A_1256 : vector<16xi32>
      %min3A_1270 = arith.minimumf %select_n3A_1245, %gather3A_1268 : vector<16xf32>
      %max3A_1271 = arith.maximumf %select_n3A_1245, %gather3A_1268 : vector<16xf32>
      %select_n3A_1272 = arith.select %lt3A_1269, %min3A_1270, %max3A_1271 : vector<16xi1>, vector<16xf32>
      %ge3A_1273 = arith.constant 1 : i32
      %ge3A_1274 = vector.broadcast %ge3A_1273 : i32 to vector<16xi32>
      %ge3A_1275 = arith.cmpi sge, %and3A_2, %ge3A_1274 : vector<16xi32>
      %le3A_1276 = arith.constant 6 : i32
      %le3A_1277 = vector.broadcast %le3A_1276 : i32 to vector<16xi32>
      %le3A_1278 = arith.cmpi sle, %and3A_2, %le3A_1277 : vector<16xi32>
      %and3A_1279 = arith.andi %ge3A_1275, %le3A_1278 : vector<16xi1>
      %sub3A_1280 = arith.constant 1 : i32
      %sub3A_1281 = vector.broadcast %sub3A_1280 : i32 to vector<16xi32>
      %sub3A_1282 = arith.subi %and3A_2, %sub3A_1281 : vector<16xi32>
      %xor3A_1283 = arith.constant 1 : i32
      %xor3A_1284 = vector.broadcast %xor3A_1283 : i32 to vector<16xi32>
      %xor3A_1285 = arith.xori %sub3A_1282, %xor3A_1284 : vector<16xi32>
      %add3A_1286 = arith.constant 1 : i32
      %add3A_1287 = vector.broadcast %add3A_1286 : i32 to vector<16xi32>
      %add3A_1288 = arith.addi %xor3A_1285, %add3A_1287 : vector<16xi32>
      %select_n3A_1289 = arith.select %and3A_1279, %add3A_1288, %and3A_2 : vector<16xi1>, vector<16xi32>
      %sub3A_1290 = arith.subi %iota3A, %and3A_2 : vector<16xi32>
      %add3A_1291 = arith.addi %sub3A_1290, %select_n3A_1289 : vector<16xi32>
      %lt3A_1292 = arith.constant 0 : i32
      %lt3A_1293 = vector.broadcast %lt3A_1292 : i32 to vector<16xi32>
      %lt3A_1294 = arith.cmpi slt, %add3A_1291, %lt3A_1293 : vector<16xi32>
      %add3A_1295 = arith.constant 16 : i32
      %add3A_1296 = vector.broadcast %add3A_1295 : i32 to vector<16xi32>
      %add3A_1297 = arith.addi %add3A_1291, %add3A_1296 : vector<16xi32>
      %select_n3A_1298 = arith.select %lt3A_1294, %add3A_1297, %add3A_1291 : vector<16xi1>, vector<16xi32>
      %broadcast_in_dim3A_1299 = vector.shape_cast %select_n3A_1298 : vector<16xi32> to vector<16x1xi32>
      %gather3A_1300 = vector.shape_cast %broadcast_in_dim3A_1299 : vector<16x1xi32> to vector<16xi32>
      %gather3A_1301 = tpu.dynamic_gather %select_n3A_1272[%gather3A_1300] in [0] : vector<16xf32>, vector<16xi32> -> vector<16xf32>
      %lt3A_1302 = arith.cmpi slt, %and3A_2, %select_n3A_1289 : vector<16xi32>
      %min3A_1303 = arith.minimumf %select_n3A_1272, %gather3A_1301 : vector<16xf32>
      %max3A_1304 = arith.maximumf %select_n3A_1272, %gather3A_1301 : vector<16xf32>
      %select_n3A_1305 = arith.select %lt3A_1302, %min3A_1303, %max3A_1304 : vector<16xi1>, vector<16xf32>
      %sub3A_1306 = arith.subi %iota3A, %and3A_2 : vector<16xi32>
      %add3A_1307 = arith.constant 5 : i32
      %add3A_1308 = vector.broadcast %add3A_1307 : i32 to vector<16xi32>
      %add3A_1309 = arith.addi %sub3A_1306, %add3A_1308 : vector<16xi32>
      %lt3A_1310 = arith.constant 0 : i32
      %lt3A_1311 = vector.broadcast %lt3A_1310 : i32 to vector<16xi32>
      %lt3A_1312 = arith.cmpi slt, %add3A_1309, %lt3A_1311 : vector<16xi32>
      %add3A_1313 = arith.constant 16 : i32
      %add3A_1314 = vector.broadcast %add3A_1313 : i32 to vector<16xi32>
      %add3A_1315 = arith.addi %add3A_1309, %add3A_1314 : vector<16xi32>
      %select_n3A_1316 = arith.select %lt3A_1312, %add3A_1315, %add3A_1309 : vector<16xi1>, vector<16xi32>
      %broadcast_in_dim3A_1317 = vector.shape_cast %select_n3A_1316 : vector<16xi32> to vector<16x1xi32>
      %gather3A_1318 = vector.shape_cast %broadcast_in_dim3A_1317 : vector<16x1xi32> to vector<16xi32>
      %gather3A_1319 = tpu.dynamic_gather %select_n3A_1305[%gather3A_1318] in [0] : vector<16xf32>, vector<16xi32> -> vector<16xf32>
      %eq3A_1320 = arith.constant 6 : i32
      %eq3A_1321 = vector.broadcast %eq3A_1320 : i32 to vector<16xi32>
      %eq3A_1322 = arith.cmpi eq, %shift_right_arithmetic3A_6, %eq3A_1321 : vector<16xi32>
      %lt3A_1323 = arith.constant 0 : i32
      %lt3A_1324 = vector.broadcast %lt3A_1323 : i32 to vector<16xi32>
      %lt3A_1325 = arith.cmpi slt, %shift_left3A_11, %lt3A_1324 : vector<16xi32>
      %add3A_1326 = arith.constant 16 : i32
      %add3A_1327 = vector.broadcast %add3A_1326 : i32 to vector<16xi32>
      %add3A_1328 = arith.addi %shift_left3A_11, %add3A_1327 : vector<16xi32>
      %select_n3A_1329 = arith.select %lt3A_1325, %add3A_1328, %shift_left3A_11 : vector<16xi1>, vector<16xi32>
      %broadcast_in_dim3A_1330 = vector.shape_cast %select_n3A_1329 : vector<16xi32> to vector<16x1xi32>
      %gather3A_1331 = vector.shape_cast %broadcast_in_dim3A_1330 : vector<16x1xi32> to vector<16xi32>
      %gather3A_1332 = tpu.dynamic_gather %gather3A_1319[%gather3A_1331] in [0] : vector<16xf32>, vector<16xi32> -> vector<16xf32>
      %select_n3A_1333 = arith.select %eq3A_1322, %gather3A_1332, %select_n3A_1144 : vector<16xi1>, vector<16xf32>
      %mul3A_1334 = arith.constant 8 : i32
      %mul3A_1335 = arith.muli %mul3A_1334, %scan3A_20 : i32
      %add3A_1336 = arith.constant 7 : i32
      %add3A_1337 = arith.addi %mul3A_1335, %add3A_1336 : i32
      %mul3A_1338 = arith.constant 16 : i32
      %mul3A_1339 = arith.muli %mul3A_1338, %add3A_1337 : i32
      %get3A_1340 = arith.index_cast %mul3A_1339 : i32 to index
      %get3A_1341 = tpu.vector_load %arg4[%get3A_1340] {strides = array<i32>} : memref<4096xf32, #tpu.memory_space<vmem>>, vector<16xf32>,
      %get3A_1342 = vector.shape_cast %get3A_1341 : vector<16xf32> to vector<16xf32>
      %xor3A_1343 = arith.constant 1 : i32
      %xor3A_1344 = vector.broadcast %xor3A_1343 : i32 to vector<16xi32>
      %xor3A_1345 = arith.xori %and3A_2, %xor3A_1344 : vector<16xi32>
      %sub3A_1346 = arith.subi %iota3A, %and3A_2 : vector<16xi32>
      %add3A_1347 = arith.addi %sub3A_1346, %xor3A_1345 : vector<16xi32>
      %lt3A_1348 = arith.constant 0 : i32
      %lt3A_1349 = vector.broadcast %lt3A_1348 : i32 to vector<16xi32>
      %lt3A_1350 = arith.cmpi slt, %add3A_1347, %lt3A_1349 : vector<16xi32>
      %add3A_1351 = arith.constant 16 : i32
      %add3A_1352 = vector.broadcast %add3A_1351 : i32 to vector<16xi32>
      %add3A_1353 = arith.addi %add3A_1347, %add3A_1352 : vector<16xi32>
      %select_n3A_1354 = arith.select %lt3A_1350, %add3A_1353, %add3A_1347 : vector<16xi1>, vector<16xi32>
      %broadcast_in_dim3A_1355 = vector.shape_cast %select_n3A_1354 : vector<16xi32> to vector<16x1xi32>
      %gather3A_1356 = vector.shape_cast %broadcast_in_dim3A_1355 : vector<16x1xi32> to vector<16xi32>
      %gather3A_1357 = tpu.dynamic_gather %get3A_1342[%gather3A_1356] in [0] : vector<16xf32>, vector<16xi32> -> vector<16xf32>
      %lt3A_1358 = arith.cmpi slt, %and3A_2, %xor3A_1345 : vector<16xi32>
      %min3A_1359 = arith.minimumf %get3A_1342, %gather3A_1357 : vector<16xf32>
      %max3A_1360 = arith.maximumf %get3A_1342, %gather3A_1357 : vector<16xf32>
      %select_n3A_1361 = arith.select %lt3A_1358, %min3A_1359, %max3A_1360 : vector<16xi1>, vector<16xf32>
      %xor3A_1362 = arith.constant 2 : i32
      %xor3A_1363 = vector.broadcast %xor3A_1362 : i32 to vector<16xi32>
      %xor3A_1364 = arith.xori %and3A_2, %xor3A_1363 : vector<16xi32>
      %sub3A_1365 = arith.subi %iota3A, %and3A_2 : vector<16xi32>
      %add3A_1366 = arith.addi %sub3A_1365, %xor3A_1364 : vector<16xi32>
      %lt3A_1367 = arith.constant 0 : i32
      %lt3A_1368 = vector.broadcast %lt3A_1367 : i32 to vector<16xi32>
      %lt3A_1369 = arith.cmpi slt, %add3A_1366, %lt3A_1368 : vector<16xi32>
      %add3A_1370 = arith.constant 16 : i32
      %add3A_1371 = vector.broadcast %add3A_1370 : i32 to vector<16xi32>
      %add3A_1372 = arith.addi %add3A_1366, %add3A_1371 : vector<16xi32>
      %select_n3A_1373 = arith.select %lt3A_1369, %add3A_1372, %add3A_1366 : vector<16xi1>, vector<16xi32>
      %broadcast_in_dim3A_1374 = vector.shape_cast %select_n3A_1373 : vector<16xi32> to vector<16x1xi32>
      %gather3A_1375 = vector.shape_cast %broadcast_in_dim3A_1374 : vector<16x1xi32> to vector<16xi32>
      %gather3A_1376 = tpu.dynamic_gather %select_n3A_1361[%gather3A_1375] in [0] : vector<16xf32>, vector<16xi32> -> vector<16xf32>
      %lt3A_1377 = arith.cmpi slt, %and3A_2, %xor3A_1364 : vector<16xi32>
      %min3A_1378 = arith.minimumf %select_n3A_1361, %gather3A_1376 : vector<16xf32>
      %max3A_1379 = arith.maximumf %select_n3A_1361, %gather3A_1376 : vector<16xf32>
      %select_n3A_1380 = arith.select %lt3A_1377, %min3A_1378, %max3A_1379 : vector<16xi1>, vector<16xf32>
      %eq3A_1381 = arith.constant 1 : i32
      %eq3A_1382 = vector.broadcast %eq3A_1381 : i32 to vector<16xi32>
      %eq3A_1383 = arith.cmpi eq, %and3A_2, %eq3A_1382 : vector<16xi32>
      %eq3A_1384 = arith.constant 2 : i32
      %eq3A_1385 = vector.broadcast %eq3A_1384 : i32 to vector<16xi32>
      %eq3A_1386 = arith.cmpi eq, %and3A_2, %eq3A_1385 : vector<16xi32>
      %or3A_1387 = arith.ori %eq3A_1383, %eq3A_1386 : vector<16xi1>
      %eq3A_1388 = arith.constant 5 : i32
      %eq3A_1389 = vector.broadcast %eq3A_1388 : i32 to vector<16xi32>
      %eq3A_1390 = arith.cmpi eq, %and3A_2, %eq3A_1389 : vector<16xi32>
      %or3A_1391 = arith.ori %or3A_1387, %eq3A_1390 : vector<16xi1>
      %eq3A_1392 = arith.constant 6 : i32
      %eq3A_1393 = vector.broadcast %eq3A_1392 : i32 to vector<16xi32>
      %eq3A_1394 = arith.cmpi eq, %and3A_2, %eq3A_1393 : vector<16xi32>
      %or3A_1395 = arith.ori %or3A_1391, %eq3A_1394 : vector<16xi1>
      %xor3A_1396 = arith.constant 3 : i32
      %xor3A_1397 = vector.broadcast %xor3A_1396 : i32 to vector<16xi32>
      %xor3A_1398 = arith.xori %and3A_2, %xor3A_1397 : vector<16xi32>
      %select_n3A_1399 = arith.select %or3A_1395, %xor3A_1398, %and3A_2 : vector<16xi1>, vector<16xi32>
      %sub3A_1400 = arith.subi %iota3A, %and3A_2 : vector<16xi32>
      %add3A_1401 = arith.addi %sub3A_1400, %select_n3A_1399 : vector<16xi32>
      %lt3A_1402 = arith.constant 0 : i32
      %lt3A_1403 = vector.broadcast %lt3A_1402 : i32 to vector<16xi32>
      %lt3A_1404 = arith.cmpi slt, %add3A_1401, %lt3A_1403 : vector<16xi32>
      %add3A_1405 = arith.constant 16 : i32
      %add3A_1406 = vector.broadcast %add3A_1405 : i32 to vector<16xi32>
      %add3A_1407 = arith.addi %add3A_1401, %add3A_1406 : vector<16xi32>
      %select_n3A_1408 = arith.select %lt3A_1404, %add3A_1407, %add3A_1401 : vector<16xi1>, vector<16xi32>
      %broadcast_in_dim3A_1409 = vector.shape_cast %select_n3A_1408 : vector<16xi32> to vector<16x1xi32>
      %gather3A_1410 = vector.shape_cast %broadcast_in_dim3A_1409 : vector<16x1xi32> to vector<16xi32>
      %gather3A_1411 = tpu.dynamic_gather %select_n3A_1380[%gather3A_1410] in [0] : vector<16xf32>, vector<16xi32> -> vector<16xf32>
      %lt3A_1412 = arith.cmpi slt, %and3A_2, %select_n3A_1399 : vector<16xi32>
      %min3A_1413 = arith.minimumf %select_n3A_1380, %gather3A_1411 : vector<16xf32>
      %max3A_1414 = arith.maximumf %select_n3A_1380, %gather3A_1411 : vector<16xf32>
      %select_n3A_1415 = arith.select %lt3A_1412, %min3A_1413, %max3A_1414 : vector<16xi1>, vector<16xf32>
      %xor3A_1416 = arith.constant 4 : i32
      %xor3A_1417 = vector.broadcast %xor3A_1416 : i32 to vector<16xi32>
      %xor3A_1418 = arith.xori %and3A_2, %xor3A_1417 : vector<16xi32>
      %sub3A_1419 = arith.subi %iota3A, %and3A_2 : vector<16xi32>
      %add3A_1420 = arith.addi %sub3A_1419, %xor3A_1418 : vector<16xi32>
      %lt3A_1421 = arith.constant 0 : i32
      %lt3A_1422 = vector.broadcast %lt3A_1421 : i32 to vector<16xi32>
      %lt3A_1423 = arith.cmpi slt, %add3A_1420, %lt3A_1422 : vector<16xi32>
      %add3A_1424 = arith.constant 16 : i32
      %add3A_1425 = vector.broadcast %add3A_1424 : i32 to vector<16xi32>
      %add3A_1426 = arith.addi %add3A_1420, %add3A_1425 : vector<16xi32>
      %select_n3A_1427 = arith.select %lt3A_1423, %add3A_1426, %add3A_1420 : vector<16xi1>, vector<16xi32>
      %broadcast_in_dim3A_1428 = vector.shape_cast %select_n3A_1427 : vector<16xi32> to vector<16x1xi32>
      %gather3A_1429 = vector.shape_cast %broadcast_in_dim3A_1428 : vector<16x1xi32> to vector<16xi32>
      %gather3A_1430 = tpu.dynamic_gather %select_n3A_1415[%gather3A_1429] in [0] : vector<16xf32>, vector<16xi32> -> vector<16xf32>
      %lt3A_1431 = arith.cmpi slt, %and3A_2, %xor3A_1418 : vector<16xi32>
      %min3A_1432 = arith.minimumf %select_n3A_1415, %gather3A_1430 : vector<16xf32>
      %max3A_1433 = arith.maximumf %select_n3A_1415, %gather3A_1430 : vector<16xf32>
      %select_n3A_1434 = arith.select %lt3A_1431, %min3A_1432, %max3A_1433 : vector<16xi1>, vector<16xf32>
      %ge3A_1435 = arith.constant 2 : i32
      %ge3A_1436 = vector.broadcast %ge3A_1435 : i32 to vector<16xi32>
      %ge3A_1437 = arith.cmpi sge, %and3A_2, %ge3A_1436 : vector<16xi32>
      %le3A_1438 = arith.constant 5 : i32
      %le3A_1439 = vector.broadcast %le3A_1438 : i32 to vector<16xi32>
      %le3A_1440 = arith.cmpi sle, %and3A_2, %le3A_1439 : vector<16xi32>
      %and3A_1441 = arith.andi %ge3A_1437, %le3A_1440 : vector<16xi1>
      %xor3A_1442 = arith.constant 6 : i32
      %xor3A_1443 = vector.broadcast %xor3A_1442 : i32 to vector<16xi32>
      %xor3A_1444 = arith.xori %and3A_2, %xor3A_1443 : vector<16xi32>
      %select_n3A_1445 = arith.select %and3A_1441, %xor3A_1444, %and3A_2 : vector<16xi1>, vector<16xi32>
      %sub3A_1446 = arith.subi %iota3A, %and3A_2 : vector<16xi32>
      %add3A_1447 = arith.addi %sub3A_1446, %select_n3A_1445 : vector<16xi32>
      %lt3A_1448 = arith.constant 0 : i32
      %lt3A_1449 = vector.broadcast %lt3A_1448 : i32 to vector<16xi32>
      %lt3A_1450 = arith.cmpi slt, %add3A_1447, %lt3A_1449 : vector<16xi32>
      %add3A_1451 = arith.constant 16 : i32
      %add3A_1452 = vector.broadcast %add3A_1451 : i32 to vector<16xi32>
      %add3A_1453 = arith.addi %add3A_1447, %add3A_1452 : vector<16xi32>
      %select_n3A_1454 = arith.select %lt3A_1450, %add3A_1453, %add3A_1447 : vector<16xi1>, vector<16xi32>
      %broadcast_in_dim3A_1455 = vector.shape_cast %select_n3A_1454 : vector<16xi32> to vector<16x1xi32>
      %gather3A_1456 = vector.shape_cast %broadcast_in_dim3A_1455 : vector<16x1xi32> to vector<16xi32>
      %gather3A_1457 = tpu.dynamic_gather %select_n3A_1434[%gather3A_1456] in [0] : vector<16xf32>, vector<16xi32> -> vector<16xf32>
      %lt3A_1458 = arith.cmpi slt, %and3A_2, %select_n3A_1445 : vector<16xi32>
      %min3A_1459 = arith.minimumf %select_n3A_1434, %gather3A_1457 : vector<16xf32>
      %max3A_1460 = arith.maximumf %select_n3A_1434, %gather3A_1457 : vector<16xf32>
      %select_n3A_1461 = arith.select %lt3A_1458, %min3A_1459, %max3A_1460 : vector<16xi1>, vector<16xf32>
      %ge3A_1462 = arith.constant 1 : i32
      %ge3A_1463 = vector.broadcast %ge3A_1462 : i32 to vector<16xi32>
      %ge3A_1464 = arith.cmpi sge, %and3A_2, %ge3A_1463 : vector<16xi32>
      %le3A_1465 = arith.constant 6 : i32
      %le3A_1466 = vector.broadcast %le3A_1465 : i32 to vector<16xi32>
      %le3A_1467 = arith.cmpi sle, %and3A_2, %le3A_1466 : vector<16xi32>
      %and3A_1468 = arith.andi %ge3A_1464, %le3A_1467 : vector<16xi1>
      %sub3A_1469 = arith.constant 1 : i32
      %sub3A_1470 = vector.broadcast %sub3A_1469 : i32 to vector<16xi32>
      %sub3A_1471 = arith.subi %and3A_2, %sub3A_1470 : vector<16xi32>
      %xor3A_1472 = arith.constant 1 : i32
      %xor3A_1473 = vector.broadcast %xor3A_1472 : i32 to vector<16xi32>
      %xor3A_1474 = arith.xori %sub3A_1471, %xor3A_1473 : vector<16xi32>
      %add3A_1475 = arith.constant 1 : i32
      %add3A_1476 = vector.broadcast %add3A_1475 : i32 to vector<16xi32>
      %add3A_1477 = arith.addi %xor3A_1474, %add3A_1476 : vector<16xi32>
      %select_n3A_1478 = arith.select %and3A_1468, %add3A_1477, %and3A_2 : vector<16xi1>, vector<16xi32>
      %sub3A_1479 = arith.subi %iota3A, %and3A_2 : vector<16xi32>
      %add3A_1480 = arith.addi %sub3A_1479, %select_n3A_1478 : vector<16xi32>
      %lt3A_1481 = arith.constant 0 : i32
      %lt3A_1482 = vector.broadcast %lt3A_1481 : i32 to vector<16xi32>
      %lt3A_1483 = arith.cmpi slt, %add3A_1480, %lt3A_1482 : vector<16xi32>
      %add3A_1484 = arith.constant 16 : i32
      %add3A_1485 = vector.broadcast %add3A_1484 : i32 to vector<16xi32>
      %add3A_1486 = arith.addi %add3A_1480, %add3A_1485 : vector<16xi32>
      %select_n3A_1487 = arith.select %lt3A_1483, %add3A_1486, %add3A_1480 : vector<16xi1>, vector<16xi32>
      %broadcast_in_dim3A_1488 = vector.shape_cast %select_n3A_1487 : vector<16xi32> to vector<16x1xi32>
      %gather3A_1489 = vector.shape_cast %broadcast_in_dim3A_1488 : vector<16x1xi32> to vector<16xi32>
      %gather3A_1490 = tpu.dynamic_gather %select_n3A_1461[%gather3A_1489] in [0] : vector<16xf32>, vector<16xi32> -> vector<16xf32>
      %lt3A_1491 = arith.cmpi slt, %and3A_2, %select_n3A_1478 : vector<16xi32>
      %min3A_1492 = arith.minimumf %select_n3A_1461, %gather3A_1490 : vector<16xf32>
      %max3A_1493 = arith.maximumf %select_n3A_1461, %gather3A_1490 : vector<16xf32>
      %select_n3A_1494 = arith.select %lt3A_1491, %min3A_1492, %max3A_1493 : vector<16xi1>, vector<16xf32>
      %sub3A_1495 = arith.subi %iota3A, %and3A_2 : vector<16xi32>
      %add3A_1496 = arith.constant 5 : i32
      %add3A_1497 = vector.broadcast %add3A_1496 : i32 to vector<16xi32>
      %add3A_1498 = arith.addi %sub3A_1495, %add3A_1497 : vector<16xi32>
      %lt3A_1499 = arith.constant 0 : i32
      %lt3A_1500 = vector.broadcast %lt3A_1499 : i32 to vector<16xi32>
      %lt3A_1501 = arith.cmpi slt, %add3A_1498, %lt3A_1500 : vector<16xi32>
      %add3A_1502 = arith.constant 16 : i32
      %add3A_1503 = vector.broadcast %add3A_1502 : i32 to vector<16xi32>
      %add3A_1504 = arith.addi %add3A_1498, %add3A_1503 : vector<16xi32>
      %select_n3A_1505 = arith.select %lt3A_1501, %add3A_1504, %add3A_1498 : vector<16xi1>, vector<16xi32>
      %broadcast_in_dim3A_1506 = vector.shape_cast %select_n3A_1505 : vector<16xi32> to vector<16x1xi32>
      %gather3A_1507 = vector.shape_cast %broadcast_in_dim3A_1506 : vector<16x1xi32> to vector<16xi32>
      %gather3A_1508 = tpu.dynamic_gather %select_n3A_1494[%gather3A_1507] in [0] : vector<16xf32>, vector<16xi32> -> vector<16xf32>
      %eq3A_1509 = arith.constant 7 : i32
      %eq3A_1510 = vector.broadcast %eq3A_1509 : i32 to vector<16xi32>
      %eq3A_1511 = arith.cmpi eq, %shift_right_arithmetic3A_6, %eq3A_1510 : vector<16xi32>
      %lt3A_1512 = arith.constant 0 : i32
      %lt3A_1513 = vector.broadcast %lt3A_1512 : i32 to vector<16xi32>
      %lt3A_1514 = arith.cmpi slt, %shift_left3A_11, %lt3A_1513 : vector<16xi32>
      %add3A_1515 = arith.constant 16 : i32
      %add3A_1516 = vector.broadcast %add3A_1515 : i32 to vector<16xi32>
      %add3A_1517 = arith.addi %shift_left3A_11, %add3A_1516 : vector<16xi32>
      %select_n3A_1518 = arith.select %lt3A_1514, %add3A_1517, %shift_left3A_11 : vector<16xi1>, vector<16xi32>
      %broadcast_in_dim3A_1519 = vector.shape_cast %select_n3A_1518 : vector<16xi32> to vector<16x1xi32>
      %gather3A_1520 = vector.shape_cast %broadcast_in_dim3A_1519 : vector<16x1xi32> to vector<16xi32>
      %gather3A_1521 = tpu.dynamic_gather %gather3A_1508[%gather3A_1520] in [0] : vector<16xf32>, vector<16xi32> -> vector<16xf32>
      %select_n3A_1522 = arith.select %eq3A_1511, %gather3A_1521, %select_n3A_1333 : vector<16xi1>, vector<16xf32>
      %mul3A_1523 = arith.constant 16 : i32
      %mul3A_1524 = arith.muli %mul3A_1523, %scan3A_20 : i32
      %swap3A = arith.index_cast %mul3A_1524 : i32 to index
      %swap3A_1525 = tpu.vector_load %arg5[%swap3A] {strides = array<i32>} : memref<512xf32, #tpu.memory_space<vmem>>, vector<16xf32>,
      %swap3A_1526 = vector.shape_cast %swap3A_1525 : vector<16xf32> to vector<16xf32>
      %swap3A_1527 = vector.shape_cast %select_n3A_1522 : vector<16xf32> to vector<16xf32>
      tpu.vector_store %arg5[%swap3A], %swap3A_1527 {strides = array<i32>} : memref<512xf32, #tpu.memory_space<vmem>>, vector<16xf32>,
      %scan3A_1528 = arith.constant 0 : i32
      scf.yield %scan3A_1528 : i32
    }
    %scan3A_17 = arith.constant 32 : i32
    %mul3A_18 = arith.constant 512 : i32
    %mul3A_19 = arith.muli %mul3A_18, %add3A : i32
    "tpu.region"() ({
      %run_scoped3A = tpu.sem_alloc : memref<!tpu.dma_semaphore, #tpu.memory_space<semaphore_mem>>
      %dma_start3A = tpu.memref_slice %arg3[%mul3A_19] : memref<16384xf32, #tpu.memory_space<hbm>> -> memref<512xf32, #tpu.memory_space<hbm>>
      %dma_start3A_20 = tpu.memref_slice %arg3[%mul3A_19] : memref<16384xf32, #tpu.memory_space<hbm>> -> memref<512xf32, #tpu.memory_space<hbm>>
      tpu.enqueue_dma source(%arg5 : memref<512xf32, #tpu.memory_space<vmem>>) target(%dma_start3A_20 : memref<512xf32, #tpu.memory_space<hbm>>) target_semaphore(%run_scoped3A : memref<!tpu.dma_semaphore, #tpu.memory_space<semaphore_mem>>)
      %dma_wait3A = tpu.memref_slice %arg3[%mul3A_19] : memref<16384xf32, #tpu.memory_space<hbm>> -> memref<512xf32, #tpu.memory_space<hbm>>
      %dma_wait3A_21 = tpu.memref_slice %arg3[%mul3A_19] : memref<16384xf32, #tpu.memory_space<hbm>> -> memref<512xf32, #tpu.memory_space<hbm>>
      tpu.wait_dma2 semaphore(%run_scoped3A : memref<!tpu.dma_semaphore, #tpu.memory_space<semaphore_mem>>) src(%arg5 : memref<512xf32, #tpu.memory_space<vmem>>) dst(%dma_wait3A_21 : memref<512xf32, #tpu.memory_space<hbm>>)
      tpu.yield
    }) : () -> ()
    return
  }
}

#map = affine_map<(d0, d1) -> (0)>
module attributes {stable_mosaic.version = 14 : i64} {
  func.func @_sc_pass(%arg0: i32, %arg1: i32, %arg2: memref<131072xf32, #tpu.memory_space<hbm>>, %arg3: memref<16384xf32, #tpu.memory_space<hbm>>, %arg4: memref<16384xf32, #tpu.memory_space<hbm>>, %arg5: memref<512xf32, #tpu.memory_space<hbm>>, %arg6: memref<4096xf32, #tpu.memory_space<vmem>>, %arg7: memref<512xf32, #tpu.memory_space<vmem>>, %arg8: memref<512xf32, #tpu.memory_space<vmem>>, %arg9: memref<16xf32, #tpu.memory_space<vmem>>) attributes {dimension_semantics = [#tpu.dimension_semantics<core_parallel>, #tpu.dimension_semantics<subcore_parallel>], iteration_bounds = array<i64: 2, 16>, scalar_prefetch = 0 : i64, scratch_operands = 4 : i64, tpu.core_type = #tpu.core_type<sc_vector_subcore>, window_params = [{transform_indices = #map}, {transform_indices = #map}, {transform_indices = #map}, {transform_indices = #map}]} {
    %mul3A = arith.constant 2 : i32
    %mul3A_0 = arith.muli %arg1, %mul3A : i32
    %add3A = arith.addi %mul3A_0, %arg0 : i32
    %iota3A = tpu.iota {dimensions = array<i32: 0>} : vector<16xi32>
    %mul3A_1 = arith.constant 4096 : i32
    %mul3A_2 = arith.muli %mul3A_1, %add3A : i32
    "tpu.region"() ({
      %run_scoped3A = tpu.sem_alloc : memref<!tpu.dma_semaphore, #tpu.memory_space<semaphore_mem>>
      %dma_start3A = tpu.memref_slice %arg2[%mul3A_2] : memref<131072xf32, #tpu.memory_space<hbm>> -> memref<4096xf32, #tpu.memory_space<hbm>>
      %dma_start3A_28 = tpu.memref_slice %arg2[%mul3A_2] : memref<131072xf32, #tpu.memory_space<hbm>> -> memref<4096xf32, #tpu.memory_space<hbm>>
      tpu.enqueue_dma source(%dma_start3A_28 : memref<4096xf32, #tpu.memory_space<hbm>>) target(%arg6 : memref<4096xf32, #tpu.memory_space<vmem>>) target_semaphore(%run_scoped3A : memref<!tpu.dma_semaphore, #tpu.memory_space<semaphore_mem>>)
      %dma_wait3A = tpu.memref_slice %arg2[%mul3A_2] : memref<131072xf32, #tpu.memory_space<hbm>> -> memref<4096xf32, #tpu.memory_space<hbm>>
      %dma_wait3A_29 = tpu.memref_slice %arg2[%mul3A_2] : memref<131072xf32, #tpu.memory_space<hbm>> -> memref<4096xf32, #tpu.memory_space<hbm>>
      tpu.wait_dma2 semaphore(%run_scoped3A : memref<!tpu.dma_semaphore, #tpu.memory_space<semaphore_mem>>) src(%dma_wait3A_29 : memref<4096xf32, #tpu.memory_space<hbm>>) dst(%arg6 : memref<4096xf32, #tpu.memory_space<vmem>>)
      tpu.yield
    }) : () -> ()
    %mul3A_3 = arith.constant 512 : i32
    %mul3A_4 = arith.muli %mul3A_3, %add3A : i32
    "tpu.region"() ({
      %run_scoped3A = tpu.sem_alloc : memref<!tpu.dma_semaphore, #tpu.memory_space<semaphore_mem>>
      %dma_start3A = tpu.memref_slice %arg3[%mul3A_4] : memref<16384xf32, #tpu.memory_space<hbm>> -> memref<512xf32, #tpu.memory_space<hbm>>
      %dma_start3A_28 = tpu.memref_slice %arg3[%mul3A_4] : memref<16384xf32, #tpu.memory_space<hbm>> -> memref<512xf32, #tpu.memory_space<hbm>>
      tpu.enqueue_dma source(%dma_start3A_28 : memref<512xf32, #tpu.memory_space<hbm>>) target(%arg7 : memref<512xf32, #tpu.memory_space<vmem>>) target_semaphore(%run_scoped3A : memref<!tpu.dma_semaphore, #tpu.memory_space<semaphore_mem>>)
      %dma_wait3A = tpu.memref_slice %arg3[%mul3A_4] : memref<16384xf32, #tpu.memory_space<hbm>> -> memref<512xf32, #tpu.memory_space<hbm>>
      %dma_wait3A_29 = tpu.memref_slice %arg3[%mul3A_4] : memref<16384xf32, #tpu.memory_space<hbm>> -> memref<512xf32, #tpu.memory_space<hbm>>
      tpu.wait_dma2 semaphore(%run_scoped3A : memref<!tpu.dma_semaphore, #tpu.memory_space<semaphore_mem>>) src(%dma_wait3A_29 : memref<512xf32, #tpu.memory_space<hbm>>) dst(%arg7 : memref<512xf32, #tpu.memory_space<vmem>>)
      tpu.yield
    }) : () -> ()
    %broadcast_in_dim3A = arith.constant 0.000000e+00 : f32
    %broadcast_in_dim3A_5 = vector.broadcast %broadcast_in_dim3A : f32 to vector<16xf32>
    %swap3A = arith.constant 0 : index
    %swap3A_6 = tpu.vector_load %arg9[%swap3A] {strides = array<i32>} : memref<16xf32, #tpu.memory_space<vmem>>, vector<16xf32>,
    %swap3A_7 = vector.shape_cast %swap3A_6 : vector<16xf32> to vector<16xf32>
    %swap3A_8 = vector.shape_cast %broadcast_in_dim3A_5 : vector<16xf32> to vector<16xf32>
    tpu.vector_store %arg9[%swap3A], %swap3A_8 {strides = array<i32>} : memref<16xf32, #tpu.memory_space<vmem>>, vector<16xf32>,
    %shift_right_arithmetic3A = arith.constant 1 : i32
    %shift_right_arithmetic3A_9 = vector.broadcast %shift_right_arithmetic3A : i32 to vector<16xi32>
    %shift_right_arithmetic3A_10 = arith.shrsi %iota3A, %shift_right_arithmetic3A_9 : vector<16xi32>
    %and3A = arith.constant 1 : i32
    %and3A_11 = vector.broadcast %and3A : i32 to vector<16xi32>
    %and3A_12 = arith.andi %iota3A, %and3A_11 : vector<16xi32>
    %shift_left3A = arith.constant 3 : i32
    %shift_left3A_13 = vector.broadcast %shift_left3A : i32 to vector<16xi32>
    %shift_left3A_14 = arith.shli %and3A_12, %shift_left3A_13 : vector<16xi32>
    %shift_right_arithmetic3A_15 = arith.constant 3 : i32
    %shift_right_arithmetic3A_16 = vector.broadcast %shift_right_arithmetic3A_15 : i32 to vector<16xi32>
    %shift_right_arithmetic3A_17 = arith.shrsi %iota3A, %shift_right_arithmetic3A_16 : vector<16xi32>
    %scan3A = arith.constant 0 : i32
    %scan3A_18 = arith.constant 0 : i32
    %scan3A_19 = arith.constant 32 : i32
    %scan3A_20 = arith.addi %scan3A_18, %scan3A_19 : i32
    %scan3A_21 = arith.constant 1 : i32
    %scan3A_22 = scf.for %scan3A_28 = %scan3A_18 to %scan3A_20 step %scan3A_21 iter_args(%scan3A_29 = %scan3A) -> (i32)  : i32 {
      %mul3A_30 = arith.constant 16 : i32
      %mul3A_31 = arith.muli %mul3A_30, %scan3A_28 : i32
      %get3A = arith.index_cast %mul3A_31 : i32 to index
      %get3A_32 = tpu.vector_load %arg7[%get3A] {strides = array<i32>} : memref<512xf32, #tpu.memory_space<vmem>>, vector<16xf32>,
      %get3A_33 = vector.shape_cast %get3A_32 : vector<16xf32> to vector<16xf32>
      %broadcast_in_dim3A_34 = arith.constant 0.000000e+00 : f32
      %broadcast_in_dim3A_35 = vector.broadcast %broadcast_in_dim3A_34 : f32 to vector<16xf32>
      %add3A_36 = arith.constant 0 : i32
      %add3A_37 = vector.broadcast %add3A_36 : i32 to vector<16xi32>
      %add3A_38 = arith.addi %shift_right_arithmetic3A_17, %add3A_37 : vector<16xi32>
      %lt3A = arith.constant 0 : i32
      %lt3A_39 = vector.broadcast %lt3A : i32 to vector<16xi32>
      %lt3A_40 = arith.cmpi slt, %add3A_38, %lt3A_39 : vector<16xi32>
      %add3A_41 = arith.constant 16 : i32
      %add3A_42 = vector.broadcast %add3A_41 : i32 to vector<16xi32>
      %add3A_43 = arith.addi %add3A_38, %add3A_42 : vector<16xi32>
      %select_n3A = arith.select %lt3A_40, %add3A_43, %add3A_38 : vector<16xi1>, vector<16xi32>
      %broadcast_in_dim3A_44 = vector.shape_cast %select_n3A : vector<16xi32> to vector<16x1xi32>
      %gather3A = vector.shape_cast %broadcast_in_dim3A_44 : vector<16x1xi32> to vector<16xi32>
      %gather3A_45 = tpu.dynamic_gather %get3A_33[%gather3A] in [0] : vector<16xf32>, vector<16xi32> -> vector<16xf32>
      %mul3A_46 = arith.constant 8 : i32
      %mul3A_47 = arith.muli %mul3A_46, %scan3A_28 : i32
      %add3A_48 = arith.constant 0 : i32
      %add3A_49 = arith.addi %mul3A_47, %add3A_48 : i32
      %mul3A_50 = arith.constant 16 : i32
      %mul3A_51 = arith.muli %mul3A_50, %add3A_49 : i32
      %get3A_52 = arith.index_cast %mul3A_51 : i32 to index
      %get3A_53 = tpu.vector_load %arg6[%get3A_52] {strides = array<i32>} : memref<4096xf32, #tpu.memory_space<vmem>>, vector<16xf32>,
      %get3A_54 = vector.shape_cast %get3A_53 : vector<16xf32> to vector<16xf32>
      %sub3A = arith.subf %get3A_54, %gather3A_45 : vector<16xf32>
      %div3A = arith.constant 0.00999999977 : f32
      %div3A_55 = vector.broadcast %div3A : f32 to vector<16xf32>
      %div3A_56 = arith.divf %sub3A, %div3A_55 : vector<16xf32>
      %neg3A = arith.constant 0.000000e+00 : f32
      %neg3A_57 = vector.broadcast %neg3A : f32 to vector<16xf32>
      %neg3A_58 = arith.subf %neg3A_57, %div3A_56 : vector<16xf32>
      %exp3A = math.exp %neg3A_58 : vector<16xf32>
      %add3A_59 = arith.constant 1.000000e+00 : f32
      %add3A_60 = vector.broadcast %add3A_59 : f32 to vector<16xf32>
      %add3A_61 = arith.addf %add3A_60, %exp3A : vector<16xf32>
      %div3A_62 = arith.constant 1.000000e+00 : f32
      %div3A_63 = vector.broadcast %div3A_62 : f32 to vector<16xf32>
      %div3A_64 = arith.divf %div3A_63, %add3A_61 : vector<16xf32>
      %get3A_65 = arith.constant 0 : index
      %get3A_66 = tpu.vector_load %arg9[%get3A_65] {strides = array<i32>} : memref<16xf32, #tpu.memory_space<vmem>>, vector<16xf32>,
      %get3A_67 = vector.shape_cast %get3A_66 : vector<16xf32> to vector<16xf32>
      %add3A_68 = arith.addf %get3A_67, %div3A_64 : vector<16xf32>
      %swap3A_69 = arith.constant 0 : index
      %swap3A_70 = tpu.vector_load %arg9[%swap3A_69] {strides = array<i32>} : memref<16xf32, #tpu.memory_space<vmem>>, vector<16xf32>,
      %swap3A_71 = vector.shape_cast %swap3A_70 : vector<16xf32> to vector<16xf32>
      %swap3A_72 = vector.shape_cast %add3A_68 : vector<16xf32> to vector<16xf32>
      tpu.vector_store %arg9[%swap3A_69], %swap3A_72 {strides = array<i32>} : memref<16xf32, #tpu.memory_space<vmem>>, vector<16xf32>,
      %xor3A = arith.constant 1 : i32
      %xor3A_73 = vector.broadcast %xor3A : i32 to vector<16xi32>
      %xor3A_74 = arith.xori %iota3A, %xor3A_73 : vector<16xi32>
      %lt3A_75 = arith.constant 0 : i32
      %lt3A_76 = vector.broadcast %lt3A_75 : i32 to vector<16xi32>
      %lt3A_77 = arith.cmpi slt, %xor3A_74, %lt3A_76 : vector<16xi32>
      %add3A_78 = arith.constant 16 : i32
      %add3A_79 = vector.broadcast %add3A_78 : i32 to vector<16xi32>
      %add3A_80 = arith.addi %xor3A_74, %add3A_79 : vector<16xi32>
      %select_n3A_81 = arith.select %lt3A_77, %add3A_80, %xor3A_74 : vector<16xi1>, vector<16xi32>
      %broadcast_in_dim3A_82 = vector.shape_cast %select_n3A_81 : vector<16xi32> to vector<16x1xi32>
      %gather3A_83 = vector.shape_cast %broadcast_in_dim3A_82 : vector<16x1xi32> to vector<16xi32>
      %gather3A_84 = tpu.dynamic_gather %div3A_64[%gather3A_83] in [0] : vector<16xf32>, vector<16xi32> -> vector<16xf32>
      %add3A_85 = arith.addf %div3A_64, %gather3A_84 : vector<16xf32>
      %xor3A_86 = arith.constant 2 : i32
      %xor3A_87 = vector.broadcast %xor3A_86 : i32 to vector<16xi32>
      %xor3A_88 = arith.xori %iota3A, %xor3A_87 : vector<16xi32>
      %lt3A_89 = arith.constant 0 : i32
      %lt3A_90 = vector.broadcast %lt3A_89 : i32 to vector<16xi32>
      %lt3A_91 = arith.cmpi slt, %xor3A_88, %lt3A_90 : vector<16xi32>
      %add3A_92 = arith.constant 16 : i32
      %add3A_93 = vector.broadcast %add3A_92 : i32 to vector<16xi32>
      %add3A_94 = arith.addi %xor3A_88, %add3A_93 : vector<16xi32>
      %select_n3A_95 = arith.select %lt3A_91, %add3A_94, %xor3A_88 : vector<16xi1>, vector<16xi32>
      %broadcast_in_dim3A_96 = vector.shape_cast %select_n3A_95 : vector<16xi32> to vector<16x1xi32>
      %gather3A_97 = vector.shape_cast %broadcast_in_dim3A_96 : vector<16x1xi32> to vector<16xi32>
      %gather3A_98 = tpu.dynamic_gather %add3A_85[%gather3A_97] in [0] : vector<16xf32>, vector<16xi32> -> vector<16xf32>
      %add3A_99 = arith.addf %add3A_85, %gather3A_98 : vector<16xf32>
      %xor3A_100 = arith.constant 4 : i32
      %xor3A_101 = vector.broadcast %xor3A_100 : i32 to vector<16xi32>
      %xor3A_102 = arith.xori %iota3A, %xor3A_101 : vector<16xi32>
      %lt3A_103 = arith.constant 0 : i32
      %lt3A_104 = vector.broadcast %lt3A_103 : i32 to vector<16xi32>
      %lt3A_105 = arith.cmpi slt, %xor3A_102, %lt3A_104 : vector<16xi32>
      %add3A_106 = arith.constant 16 : i32
      %add3A_107 = vector.broadcast %add3A_106 : i32 to vector<16xi32>
      %add3A_108 = arith.addi %xor3A_102, %add3A_107 : vector<16xi32>
      %select_n3A_109 = arith.select %lt3A_105, %add3A_108, %xor3A_102 : vector<16xi1>, vector<16xi32>
      %broadcast_in_dim3A_110 = vector.shape_cast %select_n3A_109 : vector<16xi32> to vector<16x1xi32>
      %gather3A_111 = vector.shape_cast %broadcast_in_dim3A_110 : vector<16x1xi32> to vector<16xi32>
      %gather3A_112 = tpu.dynamic_gather %add3A_99[%gather3A_111] in [0] : vector<16xf32>, vector<16xi32> -> vector<16xf32>
      %add3A_113 = arith.addf %add3A_99, %gather3A_112 : vector<16xf32>
      %sub3A_114 = arith.constant 2.000000e+00 : f32
      %sub3A_115 = vector.broadcast %sub3A_114 : f32 to vector<16xf32>
      %sub3A_116 = arith.subf %add3A_113, %sub3A_115 : vector<16xf32>
      %sub3A_117 = arith.constant 1.000000e+00 : f32
      %sub3A_118 = vector.broadcast %sub3A_117 : f32 to vector<16xf32>
      %sub3A_119 = arith.subf %sub3A_118, %div3A_64 : vector<16xf32>
      %mul3A_120 = arith.mulf %div3A_64, %sub3A_119 : vector<16xf32>
      %xor3A_121 = arith.constant 1 : i32
      %xor3A_122 = vector.broadcast %xor3A_121 : i32 to vector<16xi32>
      %xor3A_123 = arith.xori %iota3A, %xor3A_122 : vector<16xi32>
      %lt3A_124 = arith.constant 0 : i32
      %lt3A_125 = vector.broadcast %lt3A_124 : i32 to vector<16xi32>
      %lt3A_126 = arith.cmpi slt, %xor3A_123, %lt3A_125 : vector<16xi32>
      %add3A_127 = arith.constant 16 : i32
      %add3A_128 = vector.broadcast %add3A_127 : i32 to vector<16xi32>
      %add3A_129 = arith.addi %xor3A_123, %add3A_128 : vector<16xi32>
      %select_n3A_130 = arith.select %lt3A_126, %add3A_129, %xor3A_123 : vector<16xi1>, vector<16xi32>
      %broadcast_in_dim3A_131 = vector.shape_cast %select_n3A_130 : vector<16xi32> to vector<16x1xi32>
      %gather3A_132 = vector.shape_cast %broadcast_in_dim3A_131 : vector<16x1xi32> to vector<16xi32>
      %gather3A_133 = tpu.dynamic_gather %mul3A_120[%gather3A_132] in [0] : vector<16xf32>, vector<16xi32> -> vector<16xf32>
      %add3A_134 = arith.addf %mul3A_120, %gather3A_133 : vector<16xf32>
      %xor3A_135 = arith.constant 2 : i32
      %xor3A_136 = vector.broadcast %xor3A_135 : i32 to vector<16xi32>
      %xor3A_137 = arith.xori %iota3A, %xor3A_136 : vector<16xi32>
      %lt3A_138 = arith.constant 0 : i32
      %lt3A_139 = vector.broadcast %lt3A_138 : i32 to vector<16xi32>
      %lt3A_140 = arith.cmpi slt, %xor3A_137, %lt3A_139 : vector<16xi32>
      %add3A_141 = arith.constant 16 : i32
      %add3A_142 = vector.broadcast %add3A_141 : i32 to vector<16xi32>
      %add3A_143 = arith.addi %xor3A_137, %add3A_142 : vector<16xi32>
      %select_n3A_144 = arith.select %lt3A_140, %add3A_143, %xor3A_137 : vector<16xi1>, vector<16xi32>
      %broadcast_in_dim3A_145 = vector.shape_cast %select_n3A_144 : vector<16xi32> to vector<16x1xi32>
      %gather3A_146 = vector.shape_cast %broadcast_in_dim3A_145 : vector<16x1xi32> to vector<16xi32>
      %gather3A_147 = tpu.dynamic_gather %add3A_134[%gather3A_146] in [0] : vector<16xf32>, vector<16xi32> -> vector<16xf32>
      %add3A_148 = arith.addf %add3A_134, %gather3A_147 : vector<16xf32>
      %xor3A_149 = arith.constant 4 : i32
      %xor3A_150 = vector.broadcast %xor3A_149 : i32 to vector<16xi32>
      %xor3A_151 = arith.xori %iota3A, %xor3A_150 : vector<16xi32>
      %lt3A_152 = arith.constant 0 : i32
      %lt3A_153 = vector.broadcast %lt3A_152 : i32 to vector<16xi32>
      %lt3A_154 = arith.cmpi slt, %xor3A_151, %lt3A_153 : vector<16xi32>
      %add3A_155 = arith.constant 16 : i32
      %add3A_156 = vector.broadcast %add3A_155 : i32 to vector<16xi32>
      %add3A_157 = arith.addi %xor3A_151, %add3A_156 : vector<16xi32>
      %select_n3A_158 = arith.select %lt3A_154, %add3A_157, %xor3A_151 : vector<16xi1>, vector<16xi32>
      %broadcast_in_dim3A_159 = vector.shape_cast %select_n3A_158 : vector<16xi32> to vector<16x1xi32>
      %gather3A_160 = vector.shape_cast %broadcast_in_dim3A_159 : vector<16x1xi32> to vector<16xi32>
      %gather3A_161 = tpu.dynamic_gather %add3A_148[%gather3A_160] in [0] : vector<16xf32>, vector<16xi32> -> vector<16xf32>
      %add3A_162 = arith.addf %add3A_148, %gather3A_161 : vector<16xf32>
      %mul3A_163 = arith.constant -1.000000e+02 : f32
      %mul3A_164 = vector.broadcast %mul3A_163 : f32 to vector<16xf32>
      %mul3A_165 = arith.mulf %mul3A_164, %add3A_162 : vector<16xf32>
      %div3A_166 = arith.divf %sub3A_116, %mul3A_165 : vector<16xf32>
      %eq3A = arith.constant 0 : i32
      %eq3A_167 = vector.broadcast %eq3A : i32 to vector<16xi32>
      %eq3A_168 = arith.cmpi eq, %shift_right_arithmetic3A_10, %eq3A_167 : vector<16xi32>
      %lt3A_169 = arith.constant 0 : i32
      %lt3A_170 = vector.broadcast %lt3A_169 : i32 to vector<16xi32>
      %lt3A_171 = arith.cmpi slt, %shift_left3A_14, %lt3A_170 : vector<16xi32>
      %add3A_172 = arith.constant 16 : i32
      %add3A_173 = vector.broadcast %add3A_172 : i32 to vector<16xi32>
      %add3A_174 = arith.addi %shift_left3A_14, %add3A_173 : vector<16xi32>
      %select_n3A_175 = arith.select %lt3A_171, %add3A_174, %shift_left3A_14 : vector<16xi1>, vector<16xi32>
      %broadcast_in_dim3A_176 = vector.shape_cast %select_n3A_175 : vector<16xi32> to vector<16x1xi32>
      %gather3A_177 = vector.shape_cast %broadcast_in_dim3A_176 : vector<16x1xi32> to vector<16xi32>
      %gather3A_178 = tpu.dynamic_gather %div3A_166[%gather3A_177] in [0] : vector<16xf32>, vector<16xi32> -> vector<16xf32>
      %select_n3A_179 = arith.select %eq3A_168, %gather3A_178, %broadcast_in_dim3A_35 : vector<16xi1>, vector<16xf32>
      %add3A_180 = arith.constant 2 : i32
      %add3A_181 = vector.broadcast %add3A_180 : i32 to vector<16xi32>
      %add3A_182 = arith.addi %shift_right_arithmetic3A_17, %add3A_181 : vector<16xi32>
      %lt3A_183 = arith.constant 0 : i32
      %lt3A_184 = vector.broadcast %lt3A_183 : i32 to vector<16xi32>
      %lt3A_185 = arith.cmpi slt, %add3A_182, %lt3A_184 : vector<16xi32>
      %add3A_186 = arith.constant 16 : i32
      %add3A_187 = vector.broadcast %add3A_186 : i32 to vector<16xi32>
      %add3A_188 = arith.addi %add3A_182, %add3A_187 : vector<16xi32>
      %select_n3A_189 = arith.select %lt3A_185, %add3A_188, %add3A_182 : vector<16xi1>, vector<16xi32>
      %broadcast_in_dim3A_190 = vector.shape_cast %select_n3A_189 : vector<16xi32> to vector<16x1xi32>
      %gather3A_191 = vector.shape_cast %broadcast_in_dim3A_190 : vector<16x1xi32> to vector<16xi32>
      %gather3A_192 = tpu.dynamic_gather %get3A_33[%gather3A_191] in [0] : vector<16xf32>, vector<16xi32> -> vector<16xf32>
      %mul3A_193 = arith.constant 8 : i32
      %mul3A_194 = arith.muli %mul3A_193, %scan3A_28 : i32
      %add3A_195 = arith.constant 1 : i32
      %add3A_196 = arith.addi %mul3A_194, %add3A_195 : i32
      %mul3A_197 = arith.constant 16 : i32
      %mul3A_198 = arith.muli %mul3A_197, %add3A_196 : i32
      %get3A_199 = arith.index_cast %mul3A_198 : i32 to index
      %get3A_200 = tpu.vector_load %arg6[%get3A_199] {strides = array<i32>} : memref<4096xf32, #tpu.memory_space<vmem>>, vector<16xf32>,
      %get3A_201 = vector.shape_cast %get3A_200 : vector<16xf32> to vector<16xf32>
      %sub3A_202 = arith.subf %get3A_201, %gather3A_192 : vector<16xf32>
      %div3A_203 = arith.constant 0.00999999977 : f32
      %div3A_204 = vector.broadcast %div3A_203 : f32 to vector<16xf32>
      %div3A_205 = arith.divf %sub3A_202, %div3A_204 : vector<16xf32>
      %neg3A_206 = arith.constant 0.000000e+00 : f32
      %neg3A_207 = vector.broadcast %neg3A_206 : f32 to vector<16xf32>
      %neg3A_208 = arith.subf %neg3A_207, %div3A_205 : vector<16xf32>
      %exp3A_209 = math.exp %neg3A_208 : vector<16xf32>
      %add3A_210 = arith.constant 1.000000e+00 : f32
      %add3A_211 = vector.broadcast %add3A_210 : f32 to vector<16xf32>
      %add3A_212 = arith.addf %add3A_211, %exp3A_209 : vector<16xf32>
      %div3A_213 = arith.constant 1.000000e+00 : f32
      %div3A_214 = vector.broadcast %div3A_213 : f32 to vector<16xf32>
      %div3A_215 = arith.divf %div3A_214, %add3A_212 : vector<16xf32>
      %get3A_216 = arith.constant 0 : index
      %get3A_217 = tpu.vector_load %arg9[%get3A_216] {strides = array<i32>} : memref<16xf32, #tpu.memory_space<vmem>>, vector<16xf32>,
      %get3A_218 = vector.shape_cast %get3A_217 : vector<16xf32> to vector<16xf32>
      %add3A_219 = arith.addf %get3A_218, %div3A_215 : vector<16xf32>
      %swap3A_220 = arith.constant 0 : index
      %swap3A_221 = tpu.vector_load %arg9[%swap3A_220] {strides = array<i32>} : memref<16xf32, #tpu.memory_space<vmem>>, vector<16xf32>,
      %swap3A_222 = vector.shape_cast %swap3A_221 : vector<16xf32> to vector<16xf32>
      %swap3A_223 = vector.shape_cast %add3A_219 : vector<16xf32> to vector<16xf32>
      tpu.vector_store %arg9[%swap3A_220], %swap3A_223 {strides = array<i32>} : memref<16xf32, #tpu.memory_space<vmem>>, vector<16xf32>,
      %xor3A_224 = arith.constant 1 : i32
      %xor3A_225 = vector.broadcast %xor3A_224 : i32 to vector<16xi32>
      %xor3A_226 = arith.xori %iota3A, %xor3A_225 : vector<16xi32>
      %lt3A_227 = arith.constant 0 : i32
      %lt3A_228 = vector.broadcast %lt3A_227 : i32 to vector<16xi32>
      %lt3A_229 = arith.cmpi slt, %xor3A_226, %lt3A_228 : vector<16xi32>
      %add3A_230 = arith.constant 16 : i32
      %add3A_231 = vector.broadcast %add3A_230 : i32 to vector<16xi32>
      %add3A_232 = arith.addi %xor3A_226, %add3A_231 : vector<16xi32>
      %select_n3A_233 = arith.select %lt3A_229, %add3A_232, %xor3A_226 : vector<16xi1>, vector<16xi32>
      %broadcast_in_dim3A_234 = vector.shape_cast %select_n3A_233 : vector<16xi32> to vector<16x1xi32>
      %gather3A_235 = vector.shape_cast %broadcast_in_dim3A_234 : vector<16x1xi32> to vector<16xi32>
      %gather3A_236 = tpu.dynamic_gather %div3A_215[%gather3A_235] in [0] : vector<16xf32>, vector<16xi32> -> vector<16xf32>
      %add3A_237 = arith.addf %div3A_215, %gather3A_236 : vector<16xf32>
      %xor3A_238 = arith.constant 2 : i32
      %xor3A_239 = vector.broadcast %xor3A_238 : i32 to vector<16xi32>
      %xor3A_240 = arith.xori %iota3A, %xor3A_239 : vector<16xi32>
      %lt3A_241 = arith.constant 0 : i32
      %lt3A_242 = vector.broadcast %lt3A_241 : i32 to vector<16xi32>
      %lt3A_243 = arith.cmpi slt, %xor3A_240, %lt3A_242 : vector<16xi32>
      %add3A_244 = arith.constant 16 : i32
      %add3A_245 = vector.broadcast %add3A_244 : i32 to vector<16xi32>
      %add3A_246 = arith.addi %xor3A_240, %add3A_245 : vector<16xi32>
      %select_n3A_247 = arith.select %lt3A_243, %add3A_246, %xor3A_240 : vector<16xi1>, vector<16xi32>
      %broadcast_in_dim3A_248 = vector.shape_cast %select_n3A_247 : vector<16xi32> to vector<16x1xi32>
      %gather3A_249 = vector.shape_cast %broadcast_in_dim3A_248 : vector<16x1xi32> to vector<16xi32>
      %gather3A_250 = tpu.dynamic_gather %add3A_237[%gather3A_249] in [0] : vector<16xf32>, vector<16xi32> -> vector<16xf32>
      %add3A_251 = arith.addf %add3A_237, %gather3A_250 : vector<16xf32>
      %xor3A_252 = arith.constant 4 : i32
      %xor3A_253 = vector.broadcast %xor3A_252 : i32 to vector<16xi32>
      %xor3A_254 = arith.xori %iota3A, %xor3A_253 : vector<16xi32>
      %lt3A_255 = arith.constant 0 : i32
      %lt3A_256 = vector.broadcast %lt3A_255 : i32 to vector<16xi32>
      %lt3A_257 = arith.cmpi slt, %xor3A_254, %lt3A_256 : vector<16xi32>
      %add3A_258 = arith.constant 16 : i32
      %add3A_259 = vector.broadcast %add3A_258 : i32 to vector<16xi32>
      %add3A_260 = arith.addi %xor3A_254, %add3A_259 : vector<16xi32>
      %select_n3A_261 = arith.select %lt3A_257, %add3A_260, %xor3A_254 : vector<16xi1>, vector<16xi32>
      %broadcast_in_dim3A_262 = vector.shape_cast %select_n3A_261 : vector<16xi32> to vector<16x1xi32>
      %gather3A_263 = vector.shape_cast %broadcast_in_dim3A_262 : vector<16x1xi32> to vector<16xi32>
      %gather3A_264 = tpu.dynamic_gather %add3A_251[%gather3A_263] in [0] : vector<16xf32>, vector<16xi32> -> vector<16xf32>
      %add3A_265 = arith.addf %add3A_251, %gather3A_264 : vector<16xf32>
      %sub3A_266 = arith.constant 2.000000e+00 : f32
      %sub3A_267 = vector.broadcast %sub3A_266 : f32 to vector<16xf32>
      %sub3A_268 = arith.subf %add3A_265, %sub3A_267 : vector<16xf32>
      %sub3A_269 = arith.constant 1.000000e+00 : f32
      %sub3A_270 = vector.broadcast %sub3A_269 : f32 to vector<16xf32>
      %sub3A_271 = arith.subf %sub3A_270, %div3A_215 : vector<16xf32>
      %mul3A_272 = arith.mulf %div3A_215, %sub3A_271 : vector<16xf32>
      %xor3A_273 = arith.constant 1 : i32
      %xor3A_274 = vector.broadcast %xor3A_273 : i32 to vector<16xi32>
      %xor3A_275 = arith.xori %iota3A, %xor3A_274 : vector<16xi32>
      %lt3A_276 = arith.constant 0 : i32
      %lt3A_277 = vector.broadcast %lt3A_276 : i32 to vector<16xi32>
      %lt3A_278 = arith.cmpi slt, %xor3A_275, %lt3A_277 : vector<16xi32>
      %add3A_279 = arith.constant 16 : i32
      %add3A_280 = vector.broadcast %add3A_279 : i32 to vector<16xi32>
      %add3A_281 = arith.addi %xor3A_275, %add3A_280 : vector<16xi32>
      %select_n3A_282 = arith.select %lt3A_278, %add3A_281, %xor3A_275 : vector<16xi1>, vector<16xi32>
      %broadcast_in_dim3A_283 = vector.shape_cast %select_n3A_282 : vector<16xi32> to vector<16x1xi32>
      %gather3A_284 = vector.shape_cast %broadcast_in_dim3A_283 : vector<16x1xi32> to vector<16xi32>
      %gather3A_285 = tpu.dynamic_gather %mul3A_272[%gather3A_284] in [0] : vector<16xf32>, vector<16xi32> -> vector<16xf32>
      %add3A_286 = arith.addf %mul3A_272, %gather3A_285 : vector<16xf32>
      %xor3A_287 = arith.constant 2 : i32
      %xor3A_288 = vector.broadcast %xor3A_287 : i32 to vector<16xi32>
      %xor3A_289 = arith.xori %iota3A, %xor3A_288 : vector<16xi32>
      %lt3A_290 = arith.constant 0 : i32
      %lt3A_291 = vector.broadcast %lt3A_290 : i32 to vector<16xi32>
      %lt3A_292 = arith.cmpi slt, %xor3A_289, %lt3A_291 : vector<16xi32>
      %add3A_293 = arith.constant 16 : i32
      %add3A_294 = vector.broadcast %add3A_293 : i32 to vector<16xi32>
      %add3A_295 = arith.addi %xor3A_289, %add3A_294 : vector<16xi32>
      %select_n3A_296 = arith.select %lt3A_292, %add3A_295, %xor3A_289 : vector<16xi1>, vector<16xi32>
      %broadcast_in_dim3A_297 = vector.shape_cast %select_n3A_296 : vector<16xi32> to vector<16x1xi32>
      %gather3A_298 = vector.shape_cast %broadcast_in_dim3A_297 : vector<16x1xi32> to vector<16xi32>
      %gather3A_299 = tpu.dynamic_gather %add3A_286[%gather3A_298] in [0] : vector<16xf32>, vector<16xi32> -> vector<16xf32>
      %add3A_300 = arith.addf %add3A_286, %gather3A_299 : vector<16xf32>
      %xor3A_301 = arith.constant 4 : i32
      %xor3A_302 = vector.broadcast %xor3A_301 : i32 to vector<16xi32>
      %xor3A_303 = arith.xori %iota3A, %xor3A_302 : vector<16xi32>
      %lt3A_304 = arith.constant 0 : i32
      %lt3A_305 = vector.broadcast %lt3A_304 : i32 to vector<16xi32>
      %lt3A_306 = arith.cmpi slt, %xor3A_303, %lt3A_305 : vector<16xi32>
      %add3A_307 = arith.constant 16 : i32
      %add3A_308 = vector.broadcast %add3A_307 : i32 to vector<16xi32>
      %add3A_309 = arith.addi %xor3A_303, %add3A_308 : vector<16xi32>
      %select_n3A_310 = arith.select %lt3A_306, %add3A_309, %xor3A_303 : vector<16xi1>, vector<16xi32>
      %broadcast_in_dim3A_311 = vector.shape_cast %select_n3A_310 : vector<16xi32> to vector<16x1xi32>
      %gather3A_312 = vector.shape_cast %broadcast_in_dim3A_311 : vector<16x1xi32> to vector<16xi32>
      %gather3A_313 = tpu.dynamic_gather %add3A_300[%gather3A_312] in [0] : vector<16xf32>, vector<16xi32> -> vector<16xf32>
      %add3A_314 = arith.addf %add3A_300, %gather3A_313 : vector<16xf32>
      %mul3A_315 = arith.constant -1.000000e+02 : f32
      %mul3A_316 = vector.broadcast %mul3A_315 : f32 to vector<16xf32>
      %mul3A_317 = arith.mulf %mul3A_316, %add3A_314 : vector<16xf32>
      %div3A_318 = arith.divf %sub3A_268, %mul3A_317 : vector<16xf32>
      %eq3A_319 = arith.constant 1 : i32
      %eq3A_320 = vector.broadcast %eq3A_319 : i32 to vector<16xi32>
      %eq3A_321 = arith.cmpi eq, %shift_right_arithmetic3A_10, %eq3A_320 : vector<16xi32>
      %lt3A_322 = arith.constant 0 : i32
      %lt3A_323 = vector.broadcast %lt3A_322 : i32 to vector<16xi32>
      %lt3A_324 = arith.cmpi slt, %shift_left3A_14, %lt3A_323 : vector<16xi32>
      %add3A_325 = arith.constant 16 : i32
      %add3A_326 = vector.broadcast %add3A_325 : i32 to vector<16xi32>
      %add3A_327 = arith.addi %shift_left3A_14, %add3A_326 : vector<16xi32>
      %select_n3A_328 = arith.select %lt3A_324, %add3A_327, %shift_left3A_14 : vector<16xi1>, vector<16xi32>
      %broadcast_in_dim3A_329 = vector.shape_cast %select_n3A_328 : vector<16xi32> to vector<16x1xi32>
      %gather3A_330 = vector.shape_cast %broadcast_in_dim3A_329 : vector<16x1xi32> to vector<16xi32>
      %gather3A_331 = tpu.dynamic_gather %div3A_318[%gather3A_330] in [0] : vector<16xf32>, vector<16xi32> -> vector<16xf32>
      %select_n3A_332 = arith.select %eq3A_321, %gather3A_331, %select_n3A_179 : vector<16xi1>, vector<16xf32>
      %add3A_333 = arith.constant 4 : i32
      %add3A_334 = vector.broadcast %add3A_333 : i32 to vector<16xi32>
      %add3A_335 = arith.addi %shift_right_arithmetic3A_17, %add3A_334 : vector<16xi32>
      %lt3A_336 = arith.constant 0 : i32
      %lt3A_337 = vector.broadcast %lt3A_336 : i32 to vector<16xi32>
      %lt3A_338 = arith.cmpi slt, %add3A_335, %lt3A_337 : vector<16xi32>
      %add3A_339 = arith.constant 16 : i32
      %add3A_340 = vector.broadcast %add3A_339 : i32 to vector<16xi32>
      %add3A_341 = arith.addi %add3A_335, %add3A_340 : vector<16xi32>
      %select_n3A_342 = arith.select %lt3A_338, %add3A_341, %add3A_335 : vector<16xi1>, vector<16xi32>
      %broadcast_in_dim3A_343 = vector.shape_cast %select_n3A_342 : vector<16xi32> to vector<16x1xi32>
      %gather3A_344 = vector.shape_cast %broadcast_in_dim3A_343 : vector<16x1xi32> to vector<16xi32>
      %gather3A_345 = tpu.dynamic_gather %get3A_33[%gather3A_344] in [0] : vector<16xf32>, vector<16xi32> -> vector<16xf32>
      %mul3A_346 = arith.constant 8 : i32
      %mul3A_347 = arith.muli %mul3A_346, %scan3A_28 : i32
      %add3A_348 = arith.constant 2 : i32
      %add3A_349 = arith.addi %mul3A_347, %add3A_348 : i32
      %mul3A_350 = arith.constant 16 : i32
      %mul3A_351 = arith.muli %mul3A_350, %add3A_349 : i32
      %get3A_352 = arith.index_cast %mul3A_351 : i32 to index
      %get3A_353 = tpu.vector_load %arg6[%get3A_352] {strides = array<i32>} : memref<4096xf32, #tpu.memory_space<vmem>>, vector<16xf32>,
      %get3A_354 = vector.shape_cast %get3A_353 : vector<16xf32> to vector<16xf32>
      %sub3A_355 = arith.subf %get3A_354, %gather3A_345 : vector<16xf32>
      %div3A_356 = arith.constant 0.00999999977 : f32
      %div3A_357 = vector.broadcast %div3A_356 : f32 to vector<16xf32>
      %div3A_358 = arith.divf %sub3A_355, %div3A_357 : vector<16xf32>
      %neg3A_359 = arith.constant 0.000000e+00 : f32
      %neg3A_360 = vector.broadcast %neg3A_359 : f32 to vector<16xf32>
      %neg3A_361 = arith.subf %neg3A_360, %div3A_358 : vector<16xf32>
      %exp3A_362 = math.exp %neg3A_361 : vector<16xf32>
      %add3A_363 = arith.constant 1.000000e+00 : f32
      %add3A_364 = vector.broadcast %add3A_363 : f32 to vector<16xf32>
      %add3A_365 = arith.addf %add3A_364, %exp3A_362 : vector<16xf32>
      %div3A_366 = arith.constant 1.000000e+00 : f32
      %div3A_367 = vector.broadcast %div3A_366 : f32 to vector<16xf32>
      %div3A_368 = arith.divf %div3A_367, %add3A_365 : vector<16xf32>
      %get3A_369 = arith.constant 0 : index
      %get3A_370 = tpu.vector_load %arg9[%get3A_369] {strides = array<i32>} : memref<16xf32, #tpu.memory_space<vmem>>, vector<16xf32>,
      %get3A_371 = vector.shape_cast %get3A_370 : vector<16xf32> to vector<16xf32>
      %add3A_372 = arith.addf %get3A_371, %div3A_368 : vector<16xf32>
      %swap3A_373 = arith.constant 0 : index
      %swap3A_374 = tpu.vector_load %arg9[%swap3A_373] {strides = array<i32>} : memref<16xf32, #tpu.memory_space<vmem>>, vector<16xf32>,
      %swap3A_375 = vector.shape_cast %swap3A_374 : vector<16xf32> to vector<16xf32>
      %swap3A_376 = vector.shape_cast %add3A_372 : vector<16xf32> to vector<16xf32>
      tpu.vector_store %arg9[%swap3A_373], %swap3A_376 {strides = array<i32>} : memref<16xf32, #tpu.memory_space<vmem>>, vector<16xf32>,
      %xor3A_377 = arith.constant 1 : i32
      %xor3A_378 = vector.broadcast %xor3A_377 : i32 to vector<16xi32>
      %xor3A_379 = arith.xori %iota3A, %xor3A_378 : vector<16xi32>
      %lt3A_380 = arith.constant 0 : i32
      %lt3A_381 = vector.broadcast %lt3A_380 : i32 to vector<16xi32>
      %lt3A_382 = arith.cmpi slt, %xor3A_379, %lt3A_381 : vector<16xi32>
      %add3A_383 = arith.constant 16 : i32
      %add3A_384 = vector.broadcast %add3A_383 : i32 to vector<16xi32>
      %add3A_385 = arith.addi %xor3A_379, %add3A_384 : vector<16xi32>
      %select_n3A_386 = arith.select %lt3A_382, %add3A_385, %xor3A_379 : vector<16xi1>, vector<16xi32>
      %broadcast_in_dim3A_387 = vector.shape_cast %select_n3A_386 : vector<16xi32> to vector<16x1xi32>
      %gather3A_388 = vector.shape_cast %broadcast_in_dim3A_387 : vector<16x1xi32> to vector<16xi32>
      %gather3A_389 = tpu.dynamic_gather %div3A_368[%gather3A_388] in [0] : vector<16xf32>, vector<16xi32> -> vector<16xf32>
      %add3A_390 = arith.addf %div3A_368, %gather3A_389 : vector<16xf32>
      %xor3A_391 = arith.constant 2 : i32
      %xor3A_392 = vector.broadcast %xor3A_391 : i32 to vector<16xi32>
      %xor3A_393 = arith.xori %iota3A, %xor3A_392 : vector<16xi32>
      %lt3A_394 = arith.constant 0 : i32
      %lt3A_395 = vector.broadcast %lt3A_394 : i32 to vector<16xi32>
      %lt3A_396 = arith.cmpi slt, %xor3A_393, %lt3A_395 : vector<16xi32>
      %add3A_397 = arith.constant 16 : i32
      %add3A_398 = vector.broadcast %add3A_397 : i32 to vector<16xi32>
      %add3A_399 = arith.addi %xor3A_393, %add3A_398 : vector<16xi32>
      %select_n3A_400 = arith.select %lt3A_396, %add3A_399, %xor3A_393 : vector<16xi1>, vector<16xi32>
      %broadcast_in_dim3A_401 = vector.shape_cast %select_n3A_400 : vector<16xi32> to vector<16x1xi32>
      %gather3A_402 = vector.shape_cast %broadcast_in_dim3A_401 : vector<16x1xi32> to vector<16xi32>
      %gather3A_403 = tpu.dynamic_gather %add3A_390[%gather3A_402] in [0] : vector<16xf32>, vector<16xi32> -> vector<16xf32>
      %add3A_404 = arith.addf %add3A_390, %gather3A_403 : vector<16xf32>
      %xor3A_405 = arith.constant 4 : i32
      %xor3A_406 = vector.broadcast %xor3A_405 : i32 to vector<16xi32>
      %xor3A_407 = arith.xori %iota3A, %xor3A_406 : vector<16xi32>
      %lt3A_408 = arith.constant 0 : i32
      %lt3A_409 = vector.broadcast %lt3A_408 : i32 to vector<16xi32>
      %lt3A_410 = arith.cmpi slt, %xor3A_407, %lt3A_409 : vector<16xi32>
      %add3A_411 = arith.constant 16 : i32
      %add3A_412 = vector.broadcast %add3A_411 : i32 to vector<16xi32>
      %add3A_413 = arith.addi %xor3A_407, %add3A_412 : vector<16xi32>
      %select_n3A_414 = arith.select %lt3A_410, %add3A_413, %xor3A_407 : vector<16xi1>, vector<16xi32>
      %broadcast_in_dim3A_415 = vector.shape_cast %select_n3A_414 : vector<16xi32> to vector<16x1xi32>
      %gather3A_416 = vector.shape_cast %broadcast_in_dim3A_415 : vector<16x1xi32> to vector<16xi32>
      %gather3A_417 = tpu.dynamic_gather %add3A_404[%gather3A_416] in [0] : vector<16xf32>, vector<16xi32> -> vector<16xf32>
      %add3A_418 = arith.addf %add3A_404, %gather3A_417 : vector<16xf32>
      %sub3A_419 = arith.constant 2.000000e+00 : f32
      %sub3A_420 = vector.broadcast %sub3A_419 : f32 to vector<16xf32>
      %sub3A_421 = arith.subf %add3A_418, %sub3A_420 : vector<16xf32>
      %sub3A_422 = arith.constant 1.000000e+00 : f32
      %sub3A_423 = vector.broadcast %sub3A_422 : f32 to vector<16xf32>
      %sub3A_424 = arith.subf %sub3A_423, %div3A_368 : vector<16xf32>
      %mul3A_425 = arith.mulf %div3A_368, %sub3A_424 : vector<16xf32>
      %xor3A_426 = arith.constant 1 : i32
      %xor3A_427 = vector.broadcast %xor3A_426 : i32 to vector<16xi32>
      %xor3A_428 = arith.xori %iota3A, %xor3A_427 : vector<16xi32>
      %lt3A_429 = arith.constant 0 : i32
      %lt3A_430 = vector.broadcast %lt3A_429 : i32 to vector<16xi32>
      %lt3A_431 = arith.cmpi slt, %xor3A_428, %lt3A_430 : vector<16xi32>
      %add3A_432 = arith.constant 16 : i32
      %add3A_433 = vector.broadcast %add3A_432 : i32 to vector<16xi32>
      %add3A_434 = arith.addi %xor3A_428, %add3A_433 : vector<16xi32>
      %select_n3A_435 = arith.select %lt3A_431, %add3A_434, %xor3A_428 : vector<16xi1>, vector<16xi32>
      %broadcast_in_dim3A_436 = vector.shape_cast %select_n3A_435 : vector<16xi32> to vector<16x1xi32>
      %gather3A_437 = vector.shape_cast %broadcast_in_dim3A_436 : vector<16x1xi32> to vector<16xi32>
      %gather3A_438 = tpu.dynamic_gather %mul3A_425[%gather3A_437] in [0] : vector<16xf32>, vector<16xi32> -> vector<16xf32>
      %add3A_439 = arith.addf %mul3A_425, %gather3A_438 : vector<16xf32>
      %xor3A_440 = arith.constant 2 : i32
      %xor3A_441 = vector.broadcast %xor3A_440 : i32 to vector<16xi32>
      %xor3A_442 = arith.xori %iota3A, %xor3A_441 : vector<16xi32>
      %lt3A_443 = arith.constant 0 : i32
      %lt3A_444 = vector.broadcast %lt3A_443 : i32 to vector<16xi32>
      %lt3A_445 = arith.cmpi slt, %xor3A_442, %lt3A_444 : vector<16xi32>
      %add3A_446 = arith.constant 16 : i32
      %add3A_447 = vector.broadcast %add3A_446 : i32 to vector<16xi32>
      %add3A_448 = arith.addi %xor3A_442, %add3A_447 : vector<16xi32>
      %select_n3A_449 = arith.select %lt3A_445, %add3A_448, %xor3A_442 : vector<16xi1>, vector<16xi32>
      %broadcast_in_dim3A_450 = vector.shape_cast %select_n3A_449 : vector<16xi32> to vector<16x1xi32>
      %gather3A_451 = vector.shape_cast %broadcast_in_dim3A_450 : vector<16x1xi32> to vector<16xi32>
      %gather3A_452 = tpu.dynamic_gather %add3A_439[%gather3A_451] in [0] : vector<16xf32>, vector<16xi32> -> vector<16xf32>
      %add3A_453 = arith.addf %add3A_439, %gather3A_452 : vector<16xf32>
      %xor3A_454 = arith.constant 4 : i32
      %xor3A_455 = vector.broadcast %xor3A_454 : i32 to vector<16xi32>
      %xor3A_456 = arith.xori %iota3A, %xor3A_455 : vector<16xi32>
      %lt3A_457 = arith.constant 0 : i32
      %lt3A_458 = vector.broadcast %lt3A_457 : i32 to vector<16xi32>
      %lt3A_459 = arith.cmpi slt, %xor3A_456, %lt3A_458 : vector<16xi32>
      %add3A_460 = arith.constant 16 : i32
      %add3A_461 = vector.broadcast %add3A_460 : i32 to vector<16xi32>
      %add3A_462 = arith.addi %xor3A_456, %add3A_461 : vector<16xi32>
      %select_n3A_463 = arith.select %lt3A_459, %add3A_462, %xor3A_456 : vector<16xi1>, vector<16xi32>
      %broadcast_in_dim3A_464 = vector.shape_cast %select_n3A_463 : vector<16xi32> to vector<16x1xi32>
      %gather3A_465 = vector.shape_cast %broadcast_in_dim3A_464 : vector<16x1xi32> to vector<16xi32>
      %gather3A_466 = tpu.dynamic_gather %add3A_453[%gather3A_465] in [0] : vector<16xf32>, vector<16xi32> -> vector<16xf32>
      %add3A_467 = arith.addf %add3A_453, %gather3A_466 : vector<16xf32>
      %mul3A_468 = arith.constant -1.000000e+02 : f32
      %mul3A_469 = vector.broadcast %mul3A_468 : f32 to vector<16xf32>
      %mul3A_470 = arith.mulf %mul3A_469, %add3A_467 : vector<16xf32>
      %div3A_471 = arith.divf %sub3A_421, %mul3A_470 : vector<16xf32>
      %eq3A_472 = arith.constant 2 : i32
      %eq3A_473 = vector.broadcast %eq3A_472 : i32 to vector<16xi32>
      %eq3A_474 = arith.cmpi eq, %shift_right_arithmetic3A_10, %eq3A_473 : vector<16xi32>
      %lt3A_475 = arith.constant 0 : i32
      %lt3A_476 = vector.broadcast %lt3A_475 : i32 to vector<16xi32>
      %lt3A_477 = arith.cmpi slt, %shift_left3A_14, %lt3A_476 : vector<16xi32>
      %add3A_478 = arith.constant 16 : i32
      %add3A_479 = vector.broadcast %add3A_478 : i32 to vector<16xi32>
      %add3A_480 = arith.addi %shift_left3A_14, %add3A_479 : vector<16xi32>
      %select_n3A_481 = arith.select %lt3A_477, %add3A_480, %shift_left3A_14 : vector<16xi1>, vector<16xi32>
      %broadcast_in_dim3A_482 = vector.shape_cast %select_n3A_481 : vector<16xi32> to vector<16x1xi32>
      %gather3A_483 = vector.shape_cast %broadcast_in_dim3A_482 : vector<16x1xi32> to vector<16xi32>
      %gather3A_484 = tpu.dynamic_gather %div3A_471[%gather3A_483] in [0] : vector<16xf32>, vector<16xi32> -> vector<16xf32>
      %select_n3A_485 = arith.select %eq3A_474, %gather3A_484, %select_n3A_332 : vector<16xi1>, vector<16xf32>
      %add3A_486 = arith.constant 6 : i32
      %add3A_487 = vector.broadcast %add3A_486 : i32 to vector<16xi32>
      %add3A_488 = arith.addi %shift_right_arithmetic3A_17, %add3A_487 : vector<16xi32>
      %lt3A_489 = arith.constant 0 : i32
      %lt3A_490 = vector.broadcast %lt3A_489 : i32 to vector<16xi32>
      %lt3A_491 = arith.cmpi slt, %add3A_488, %lt3A_490 : vector<16xi32>
      %add3A_492 = arith.constant 16 : i32
      %add3A_493 = vector.broadcast %add3A_492 : i32 to vector<16xi32>
      %add3A_494 = arith.addi %add3A_488, %add3A_493 : vector<16xi32>
      %select_n3A_495 = arith.select %lt3A_491, %add3A_494, %add3A_488 : vector<16xi1>, vector<16xi32>
      %broadcast_in_dim3A_496 = vector.shape_cast %select_n3A_495 : vector<16xi32> to vector<16x1xi32>
      %gather3A_497 = vector.shape_cast %broadcast_in_dim3A_496 : vector<16x1xi32> to vector<16xi32>
      %gather3A_498 = tpu.dynamic_gather %get3A_33[%gather3A_497] in [0] : vector<16xf32>, vector<16xi32> -> vector<16xf32>
      %mul3A_499 = arith.constant 8 : i32
      %mul3A_500 = arith.muli %mul3A_499, %scan3A_28 : i32
      %add3A_501 = arith.constant 3 : i32
      %add3A_502 = arith.addi %mul3A_500, %add3A_501 : i32
      %mul3A_503 = arith.constant 16 : i32
      %mul3A_504 = arith.muli %mul3A_503, %add3A_502 : i32
      %get3A_505 = arith.index_cast %mul3A_504 : i32 to index
      %get3A_506 = tpu.vector_load %arg6[%get3A_505] {strides = array<i32>} : memref<4096xf32, #tpu.memory_space<vmem>>, vector<16xf32>,
      %get3A_507 = vector.shape_cast %get3A_506 : vector<16xf32> to vector<16xf32>
      %sub3A_508 = arith.subf %get3A_507, %gather3A_498 : vector<16xf32>
      %div3A_509 = arith.constant 0.00999999977 : f32
      %div3A_510 = vector.broadcast %div3A_509 : f32 to vector<16xf32>
      %div3A_511 = arith.divf %sub3A_508, %div3A_510 : vector<16xf32>
      %neg3A_512 = arith.constant 0.000000e+00 : f32
      %neg3A_513 = vector.broadcast %neg3A_512 : f32 to vector<16xf32>
      %neg3A_514 = arith.subf %neg3A_513, %div3A_511 : vector<16xf32>
      %exp3A_515 = math.exp %neg3A_514 : vector<16xf32>
      %add3A_516 = arith.constant 1.000000e+00 : f32
      %add3A_517 = vector.broadcast %add3A_516 : f32 to vector<16xf32>
      %add3A_518 = arith.addf %add3A_517, %exp3A_515 : vector<16xf32>
      %div3A_519 = arith.constant 1.000000e+00 : f32
      %div3A_520 = vector.broadcast %div3A_519 : f32 to vector<16xf32>
      %div3A_521 = arith.divf %div3A_520, %add3A_518 : vector<16xf32>
      %get3A_522 = arith.constant 0 : index
      %get3A_523 = tpu.vector_load %arg9[%get3A_522] {strides = array<i32>} : memref<16xf32, #tpu.memory_space<vmem>>, vector<16xf32>,
      %get3A_524 = vector.shape_cast %get3A_523 : vector<16xf32> to vector<16xf32>
      %add3A_525 = arith.addf %get3A_524, %div3A_521 : vector<16xf32>
      %swap3A_526 = arith.constant 0 : index
      %swap3A_527 = tpu.vector_load %arg9[%swap3A_526] {strides = array<i32>} : memref<16xf32, #tpu.memory_space<vmem>>, vector<16xf32>,
      %swap3A_528 = vector.shape_cast %swap3A_527 : vector<16xf32> to vector<16xf32>
      %swap3A_529 = vector.shape_cast %add3A_525 : vector<16xf32> to vector<16xf32>
      tpu.vector_store %arg9[%swap3A_526], %swap3A_529 {strides = array<i32>} : memref<16xf32, #tpu.memory_space<vmem>>, vector<16xf32>,
      %xor3A_530 = arith.constant 1 : i32
      %xor3A_531 = vector.broadcast %xor3A_530 : i32 to vector<16xi32>
      %xor3A_532 = arith.xori %iota3A, %xor3A_531 : vector<16xi32>
      %lt3A_533 = arith.constant 0 : i32
      %lt3A_534 = vector.broadcast %lt3A_533 : i32 to vector<16xi32>
      %lt3A_535 = arith.cmpi slt, %xor3A_532, %lt3A_534 : vector<16xi32>
      %add3A_536 = arith.constant 16 : i32
      %add3A_537 = vector.broadcast %add3A_536 : i32 to vector<16xi32>
      %add3A_538 = arith.addi %xor3A_532, %add3A_537 : vector<16xi32>
      %select_n3A_539 = arith.select %lt3A_535, %add3A_538, %xor3A_532 : vector<16xi1>, vector<16xi32>
      %broadcast_in_dim3A_540 = vector.shape_cast %select_n3A_539 : vector<16xi32> to vector<16x1xi32>
      %gather3A_541 = vector.shape_cast %broadcast_in_dim3A_540 : vector<16x1xi32> to vector<16xi32>
      %gather3A_542 = tpu.dynamic_gather %div3A_521[%gather3A_541] in [0] : vector<16xf32>, vector<16xi32> -> vector<16xf32>
      %add3A_543 = arith.addf %div3A_521, %gather3A_542 : vector<16xf32>
      %xor3A_544 = arith.constant 2 : i32
      %xor3A_545 = vector.broadcast %xor3A_544 : i32 to vector<16xi32>
      %xor3A_546 = arith.xori %iota3A, %xor3A_545 : vector<16xi32>
      %lt3A_547 = arith.constant 0 : i32
      %lt3A_548 = vector.broadcast %lt3A_547 : i32 to vector<16xi32>
      %lt3A_549 = arith.cmpi slt, %xor3A_546, %lt3A_548 : vector<16xi32>
      %add3A_550 = arith.constant 16 : i32
      %add3A_551 = vector.broadcast %add3A_550 : i32 to vector<16xi32>
      %add3A_552 = arith.addi %xor3A_546, %add3A_551 : vector<16xi32>
      %select_n3A_553 = arith.select %lt3A_549, %add3A_552, %xor3A_546 : vector<16xi1>, vector<16xi32>
      %broadcast_in_dim3A_554 = vector.shape_cast %select_n3A_553 : vector<16xi32> to vector<16x1xi32>
      %gather3A_555 = vector.shape_cast %broadcast_in_dim3A_554 : vector<16x1xi32> to vector<16xi32>
      %gather3A_556 = tpu.dynamic_gather %add3A_543[%gather3A_555] in [0] : vector<16xf32>, vector<16xi32> -> vector<16xf32>
      %add3A_557 = arith.addf %add3A_543, %gather3A_556 : vector<16xf32>
      %xor3A_558 = arith.constant 4 : i32
      %xor3A_559 = vector.broadcast %xor3A_558 : i32 to vector<16xi32>
      %xor3A_560 = arith.xori %iota3A, %xor3A_559 : vector<16xi32>
      %lt3A_561 = arith.constant 0 : i32
      %lt3A_562 = vector.broadcast %lt3A_561 : i32 to vector<16xi32>
      %lt3A_563 = arith.cmpi slt, %xor3A_560, %lt3A_562 : vector<16xi32>
      %add3A_564 = arith.constant 16 : i32
      %add3A_565 = vector.broadcast %add3A_564 : i32 to vector<16xi32>
      %add3A_566 = arith.addi %xor3A_560, %add3A_565 : vector<16xi32>
      %select_n3A_567 = arith.select %lt3A_563, %add3A_566, %xor3A_560 : vector<16xi1>, vector<16xi32>
      %broadcast_in_dim3A_568 = vector.shape_cast %select_n3A_567 : vector<16xi32> to vector<16x1xi32>
      %gather3A_569 = vector.shape_cast %broadcast_in_dim3A_568 : vector<16x1xi32> to vector<16xi32>
      %gather3A_570 = tpu.dynamic_gather %add3A_557[%gather3A_569] in [0] : vector<16xf32>, vector<16xi32> -> vector<16xf32>
      %add3A_571 = arith.addf %add3A_557, %gather3A_570 : vector<16xf32>
      %sub3A_572 = arith.constant 2.000000e+00 : f32
      %sub3A_573 = vector.broadcast %sub3A_572 : f32 to vector<16xf32>
      %sub3A_574 = arith.subf %add3A_571, %sub3A_573 : vector<16xf32>
      %sub3A_575 = arith.constant 1.000000e+00 : f32
      %sub3A_576 = vector.broadcast %sub3A_575 : f32 to vector<16xf32>
      %sub3A_577 = arith.subf %sub3A_576, %div3A_521 : vector<16xf32>
      %mul3A_578 = arith.mulf %div3A_521, %sub3A_577 : vector<16xf32>
      %xor3A_579 = arith.constant 1 : i32
      %xor3A_580 = vector.broadcast %xor3A_579 : i32 to vector<16xi32>
      %xor3A_581 = arith.xori %iota3A, %xor3A_580 : vector<16xi32>
      %lt3A_582 = arith.constant 0 : i32
      %lt3A_583 = vector.broadcast %lt3A_582 : i32 to vector<16xi32>
      %lt3A_584 = arith.cmpi slt, %xor3A_581, %lt3A_583 : vector<16xi32>
      %add3A_585 = arith.constant 16 : i32
      %add3A_586 = vector.broadcast %add3A_585 : i32 to vector<16xi32>
      %add3A_587 = arith.addi %xor3A_581, %add3A_586 : vector<16xi32>
      %select_n3A_588 = arith.select %lt3A_584, %add3A_587, %xor3A_581 : vector<16xi1>, vector<16xi32>
      %broadcast_in_dim3A_589 = vector.shape_cast %select_n3A_588 : vector<16xi32> to vector<16x1xi32>
      %gather3A_590 = vector.shape_cast %broadcast_in_dim3A_589 : vector<16x1xi32> to vector<16xi32>
      %gather3A_591 = tpu.dynamic_gather %mul3A_578[%gather3A_590] in [0] : vector<16xf32>, vector<16xi32> -> vector<16xf32>
      %add3A_592 = arith.addf %mul3A_578, %gather3A_591 : vector<16xf32>
      %xor3A_593 = arith.constant 2 : i32
      %xor3A_594 = vector.broadcast %xor3A_593 : i32 to vector<16xi32>
      %xor3A_595 = arith.xori %iota3A, %xor3A_594 : vector<16xi32>
      %lt3A_596 = arith.constant 0 : i32
      %lt3A_597 = vector.broadcast %lt3A_596 : i32 to vector<16xi32>
      %lt3A_598 = arith.cmpi slt, %xor3A_595, %lt3A_597 : vector<16xi32>
      %add3A_599 = arith.constant 16 : i32
      %add3A_600 = vector.broadcast %add3A_599 : i32 to vector<16xi32>
      %add3A_601 = arith.addi %xor3A_595, %add3A_600 : vector<16xi32>
      %select_n3A_602 = arith.select %lt3A_598, %add3A_601, %xor3A_595 : vector<16xi1>, vector<16xi32>
      %broadcast_in_dim3A_603 = vector.shape_cast %select_n3A_602 : vector<16xi32> to vector<16x1xi32>
      %gather3A_604 = vector.shape_cast %broadcast_in_dim3A_603 : vector<16x1xi32> to vector<16xi32>
      %gather3A_605 = tpu.dynamic_gather %add3A_592[%gather3A_604] in [0] : vector<16xf32>, vector<16xi32> -> vector<16xf32>
      %add3A_606 = arith.addf %add3A_592, %gather3A_605 : vector<16xf32>
      %xor3A_607 = arith.constant 4 : i32
      %xor3A_608 = vector.broadcast %xor3A_607 : i32 to vector<16xi32>
      %xor3A_609 = arith.xori %iota3A, %xor3A_608 : vector<16xi32>
      %lt3A_610 = arith.constant 0 : i32
      %lt3A_611 = vector.broadcast %lt3A_610 : i32 to vector<16xi32>
      %lt3A_612 = arith.cmpi slt, %xor3A_609, %lt3A_611 : vector<16xi32>
      %add3A_613 = arith.constant 16 : i32
      %add3A_614 = vector.broadcast %add3A_613 : i32 to vector<16xi32>
      %add3A_615 = arith.addi %xor3A_609, %add3A_614 : vector<16xi32>
      %select_n3A_616 = arith.select %lt3A_612, %add3A_615, %xor3A_609 : vector<16xi1>, vector<16xi32>
      %broadcast_in_dim3A_617 = vector.shape_cast %select_n3A_616 : vector<16xi32> to vector<16x1xi32>
      %gather3A_618 = vector.shape_cast %broadcast_in_dim3A_617 : vector<16x1xi32> to vector<16xi32>
      %gather3A_619 = tpu.dynamic_gather %add3A_606[%gather3A_618] in [0] : vector<16xf32>, vector<16xi32> -> vector<16xf32>
      %add3A_620 = arith.addf %add3A_606, %gather3A_619 : vector<16xf32>
      %mul3A_621 = arith.constant -1.000000e+02 : f32
      %mul3A_622 = vector.broadcast %mul3A_621 : f32 to vector<16xf32>
      %mul3A_623 = arith.mulf %mul3A_622, %add3A_620 : vector<16xf32>
      %div3A_624 = arith.divf %sub3A_574, %mul3A_623 : vector<16xf32>
      %eq3A_625 = arith.constant 3 : i32
      %eq3A_626 = vector.broadcast %eq3A_625 : i32 to vector<16xi32>
      %eq3A_627 = arith.cmpi eq, %shift_right_arithmetic3A_10, %eq3A_626 : vector<16xi32>
      %lt3A_628 = arith.constant 0 : i32
      %lt3A_629 = vector.broadcast %lt3A_628 : i32 to vector<16xi32>
      %lt3A_630 = arith.cmpi slt, %shift_left3A_14, %lt3A_629 : vector<16xi32>
      %add3A_631 = arith.constant 16 : i32
      %add3A_632 = vector.broadcast %add3A_631 : i32 to vector<16xi32>
      %add3A_633 = arith.addi %shift_left3A_14, %add3A_632 : vector<16xi32>
      %select_n3A_634 = arith.select %lt3A_630, %add3A_633, %shift_left3A_14 : vector<16xi1>, vector<16xi32>
      %broadcast_in_dim3A_635 = vector.shape_cast %select_n3A_634 : vector<16xi32> to vector<16x1xi32>
      %gather3A_636 = vector.shape_cast %broadcast_in_dim3A_635 : vector<16x1xi32> to vector<16xi32>
      %gather3A_637 = tpu.dynamic_gather %div3A_624[%gather3A_636] in [0] : vector<16xf32>, vector<16xi32> -> vector<16xf32>
      %select_n3A_638 = arith.select %eq3A_627, %gather3A_637, %select_n3A_485 : vector<16xi1>, vector<16xf32>
      %add3A_639 = arith.constant 8 : i32
      %add3A_640 = vector.broadcast %add3A_639 : i32 to vector<16xi32>
      %add3A_641 = arith.addi %shift_right_arithmetic3A_17, %add3A_640 : vector<16xi32>
      %lt3A_642 = arith.constant 0 : i32
      %lt3A_643 = vector.broadcast %lt3A_642 : i32 to vector<16xi32>
      %lt3A_644 = arith.cmpi slt, %add3A_641, %lt3A_643 : vector<16xi32>
      %add3A_645 = arith.constant 16 : i32
      %add3A_646 = vector.broadcast %add3A_645 : i32 to vector<16xi32>
      %add3A_647 = arith.addi %add3A_641, %add3A_646 : vector<16xi32>
      %select_n3A_648 = arith.select %lt3A_644, %add3A_647, %add3A_641 : vector<16xi1>, vector<16xi32>
      %broadcast_in_dim3A_649 = vector.shape_cast %select_n3A_648 : vector<16xi32> to vector<16x1xi32>
      %gather3A_650 = vector.shape_cast %broadcast_in_dim3A_649 : vector<16x1xi32> to vector<16xi32>
      %gather3A_651 = tpu.dynamic_gather %get3A_33[%gather3A_650] in [0] : vector<16xf32>, vector<16xi32> -> vector<16xf32>
      %mul3A_652 = arith.constant 8 : i32
      %mul3A_653 = arith.muli %mul3A_652, %scan3A_28 : i32
      %add3A_654 = arith.constant 4 : i32
      %add3A_655 = arith.addi %mul3A_653, %add3A_654 : i32
      %mul3A_656 = arith.constant 16 : i32
      %mul3A_657 = arith.muli %mul3A_656, %add3A_655 : i32
      %get3A_658 = arith.index_cast %mul3A_657 : i32 to index
      %get3A_659 = tpu.vector_load %arg6[%get3A_658] {strides = array<i32>} : memref<4096xf32, #tpu.memory_space<vmem>>, vector<16xf32>,
      %get3A_660 = vector.shape_cast %get3A_659 : vector<16xf32> to vector<16xf32>
      %sub3A_661 = arith.subf %get3A_660, %gather3A_651 : vector<16xf32>
      %div3A_662 = arith.constant 0.00999999977 : f32
      %div3A_663 = vector.broadcast %div3A_662 : f32 to vector<16xf32>
      %div3A_664 = arith.divf %sub3A_661, %div3A_663 : vector<16xf32>
      %neg3A_665 = arith.constant 0.000000e+00 : f32
      %neg3A_666 = vector.broadcast %neg3A_665 : f32 to vector<16xf32>
      %neg3A_667 = arith.subf %neg3A_666, %div3A_664 : vector<16xf32>
      %exp3A_668 = math.exp %neg3A_667 : vector<16xf32>
      %add3A_669 = arith.constant 1.000000e+00 : f32
      %add3A_670 = vector.broadcast %add3A_669 : f32 to vector<16xf32>
      %add3A_671 = arith.addf %add3A_670, %exp3A_668 : vector<16xf32>
      %div3A_672 = arith.constant 1.000000e+00 : f32
      %div3A_673 = vector.broadcast %div3A_672 : f32 to vector<16xf32>
      %div3A_674 = arith.divf %div3A_673, %add3A_671 : vector<16xf32>
      %get3A_675 = arith.constant 0 : index
      %get3A_676 = tpu.vector_load %arg9[%get3A_675] {strides = array<i32>} : memref<16xf32, #tpu.memory_space<vmem>>, vector<16xf32>,
      %get3A_677 = vector.shape_cast %get3A_676 : vector<16xf32> to vector<16xf32>
      %add3A_678 = arith.addf %get3A_677, %div3A_674 : vector<16xf32>
      %swap3A_679 = arith.constant 0 : index
      %swap3A_680 = tpu.vector_load %arg9[%swap3A_679] {strides = array<i32>} : memref<16xf32, #tpu.memory_space<vmem>>, vector<16xf32>,
      %swap3A_681 = vector.shape_cast %swap3A_680 : vector<16xf32> to vector<16xf32>
      %swap3A_682 = vector.shape_cast %add3A_678 : vector<16xf32> to vector<16xf32>
      tpu.vector_store %arg9[%swap3A_679], %swap3A_682 {strides = array<i32>} : memref<16xf32, #tpu.memory_space<vmem>>, vector<16xf32>,
      %xor3A_683 = arith.constant 1 : i32
      %xor3A_684 = vector.broadcast %xor3A_683 : i32 to vector<16xi32>
      %xor3A_685 = arith.xori %iota3A, %xor3A_684 : vector<16xi32>
      %lt3A_686 = arith.constant 0 : i32
      %lt3A_687 = vector.broadcast %lt3A_686 : i32 to vector<16xi32>
      %lt3A_688 = arith.cmpi slt, %xor3A_685, %lt3A_687 : vector<16xi32>
      %add3A_689 = arith.constant 16 : i32
      %add3A_690 = vector.broadcast %add3A_689 : i32 to vector<16xi32>
      %add3A_691 = arith.addi %xor3A_685, %add3A_690 : vector<16xi32>
      %select_n3A_692 = arith.select %lt3A_688, %add3A_691, %xor3A_685 : vector<16xi1>, vector<16xi32>
      %broadcast_in_dim3A_693 = vector.shape_cast %select_n3A_692 : vector<16xi32> to vector<16x1xi32>
      %gather3A_694 = vector.shape_cast %broadcast_in_dim3A_693 : vector<16x1xi32> to vector<16xi32>
      %gather3A_695 = tpu.dynamic_gather %div3A_674[%gather3A_694] in [0] : vector<16xf32>, vector<16xi32> -> vector<16xf32>
      %add3A_696 = arith.addf %div3A_674, %gather3A_695 : vector<16xf32>
      %xor3A_697 = arith.constant 2 : i32
      %xor3A_698 = vector.broadcast %xor3A_697 : i32 to vector<16xi32>
      %xor3A_699 = arith.xori %iota3A, %xor3A_698 : vector<16xi32>
      %lt3A_700 = arith.constant 0 : i32
      %lt3A_701 = vector.broadcast %lt3A_700 : i32 to vector<16xi32>
      %lt3A_702 = arith.cmpi slt, %xor3A_699, %lt3A_701 : vector<16xi32>
      %add3A_703 = arith.constant 16 : i32
      %add3A_704 = vector.broadcast %add3A_703 : i32 to vector<16xi32>
      %add3A_705 = arith.addi %xor3A_699, %add3A_704 : vector<16xi32>
      %select_n3A_706 = arith.select %lt3A_702, %add3A_705, %xor3A_699 : vector<16xi1>, vector<16xi32>
      %broadcast_in_dim3A_707 = vector.shape_cast %select_n3A_706 : vector<16xi32> to vector<16x1xi32>
      %gather3A_708 = vector.shape_cast %broadcast_in_dim3A_707 : vector<16x1xi32> to vector<16xi32>
      %gather3A_709 = tpu.dynamic_gather %add3A_696[%gather3A_708] in [0] : vector<16xf32>, vector<16xi32> -> vector<16xf32>
      %add3A_710 = arith.addf %add3A_696, %gather3A_709 : vector<16xf32>
      %xor3A_711 = arith.constant 4 : i32
      %xor3A_712 = vector.broadcast %xor3A_711 : i32 to vector<16xi32>
      %xor3A_713 = arith.xori %iota3A, %xor3A_712 : vector<16xi32>
      %lt3A_714 = arith.constant 0 : i32
      %lt3A_715 = vector.broadcast %lt3A_714 : i32 to vector<16xi32>
      %lt3A_716 = arith.cmpi slt, %xor3A_713, %lt3A_715 : vector<16xi32>
      %add3A_717 = arith.constant 16 : i32
      %add3A_718 = vector.broadcast %add3A_717 : i32 to vector<16xi32>
      %add3A_719 = arith.addi %xor3A_713, %add3A_718 : vector<16xi32>
      %select_n3A_720 = arith.select %lt3A_716, %add3A_719, %xor3A_713 : vector<16xi1>, vector<16xi32>
      %broadcast_in_dim3A_721 = vector.shape_cast %select_n3A_720 : vector<16xi32> to vector<16x1xi32>
      %gather3A_722 = vector.shape_cast %broadcast_in_dim3A_721 : vector<16x1xi32> to vector<16xi32>
      %gather3A_723 = tpu.dynamic_gather %add3A_710[%gather3A_722] in [0] : vector<16xf32>, vector<16xi32> -> vector<16xf32>
      %add3A_724 = arith.addf %add3A_710, %gather3A_723 : vector<16xf32>
      %sub3A_725 = arith.constant 2.000000e+00 : f32
      %sub3A_726 = vector.broadcast %sub3A_725 : f32 to vector<16xf32>
      %sub3A_727 = arith.subf %add3A_724, %sub3A_726 : vector<16xf32>
      %sub3A_728 = arith.constant 1.000000e+00 : f32
      %sub3A_729 = vector.broadcast %sub3A_728 : f32 to vector<16xf32>
      %sub3A_730 = arith.subf %sub3A_729, %div3A_674 : vector<16xf32>
      %mul3A_731 = arith.mulf %div3A_674, %sub3A_730 : vector<16xf32>
      %xor3A_732 = arith.constant 1 : i32
      %xor3A_733 = vector.broadcast %xor3A_732 : i32 to vector<16xi32>
      %xor3A_734 = arith.xori %iota3A, %xor3A_733 : vector<16xi32>
      %lt3A_735 = arith.constant 0 : i32
      %lt3A_736 = vector.broadcast %lt3A_735 : i32 to vector<16xi32>
      %lt3A_737 = arith.cmpi slt, %xor3A_734, %lt3A_736 : vector<16xi32>
      %add3A_738 = arith.constant 16 : i32
      %add3A_739 = vector.broadcast %add3A_738 : i32 to vector<16xi32>
      %add3A_740 = arith.addi %xor3A_734, %add3A_739 : vector<16xi32>
      %select_n3A_741 = arith.select %lt3A_737, %add3A_740, %xor3A_734 : vector<16xi1>, vector<16xi32>
      %broadcast_in_dim3A_742 = vector.shape_cast %select_n3A_741 : vector<16xi32> to vector<16x1xi32>
      %gather3A_743 = vector.shape_cast %broadcast_in_dim3A_742 : vector<16x1xi32> to vector<16xi32>
      %gather3A_744 = tpu.dynamic_gather %mul3A_731[%gather3A_743] in [0] : vector<16xf32>, vector<16xi32> -> vector<16xf32>
      %add3A_745 = arith.addf %mul3A_731, %gather3A_744 : vector<16xf32>
      %xor3A_746 = arith.constant 2 : i32
      %xor3A_747 = vector.broadcast %xor3A_746 : i32 to vector<16xi32>
      %xor3A_748 = arith.xori %iota3A, %xor3A_747 : vector<16xi32>
      %lt3A_749 = arith.constant 0 : i32
      %lt3A_750 = vector.broadcast %lt3A_749 : i32 to vector<16xi32>
      %lt3A_751 = arith.cmpi slt, %xor3A_748, %lt3A_750 : vector<16xi32>
      %add3A_752 = arith.constant 16 : i32
      %add3A_753 = vector.broadcast %add3A_752 : i32 to vector<16xi32>
      %add3A_754 = arith.addi %xor3A_748, %add3A_753 : vector<16xi32>
      %select_n3A_755 = arith.select %lt3A_751, %add3A_754, %xor3A_748 : vector<16xi1>, vector<16xi32>
      %broadcast_in_dim3A_756 = vector.shape_cast %select_n3A_755 : vector<16xi32> to vector<16x1xi32>
      %gather3A_757 = vector.shape_cast %broadcast_in_dim3A_756 : vector<16x1xi32> to vector<16xi32>
      %gather3A_758 = tpu.dynamic_gather %add3A_745[%gather3A_757] in [0] : vector<16xf32>, vector<16xi32> -> vector<16xf32>
      %add3A_759 = arith.addf %add3A_745, %gather3A_758 : vector<16xf32>
      %xor3A_760 = arith.constant 4 : i32
      %xor3A_761 = vector.broadcast %xor3A_760 : i32 to vector<16xi32>
      %xor3A_762 = arith.xori %iota3A, %xor3A_761 : vector<16xi32>
      %lt3A_763 = arith.constant 0 : i32
      %lt3A_764 = vector.broadcast %lt3A_763 : i32 to vector<16xi32>
      %lt3A_765 = arith.cmpi slt, %xor3A_762, %lt3A_764 : vector<16xi32>
      %add3A_766 = arith.constant 16 : i32
      %add3A_767 = vector.broadcast %add3A_766 : i32 to vector<16xi32>
      %add3A_768 = arith.addi %xor3A_762, %add3A_767 : vector<16xi32>
      %select_n3A_769 = arith.select %lt3A_765, %add3A_768, %xor3A_762 : vector<16xi1>, vector<16xi32>
      %broadcast_in_dim3A_770 = vector.shape_cast %select_n3A_769 : vector<16xi32> to vector<16x1xi32>
      %gather3A_771 = vector.shape_cast %broadcast_in_dim3A_770 : vector<16x1xi32> to vector<16xi32>
      %gather3A_772 = tpu.dynamic_gather %add3A_759[%gather3A_771] in [0] : vector<16xf32>, vector<16xi32> -> vector<16xf32>
      %add3A_773 = arith.addf %add3A_759, %gather3A_772 : vector<16xf32>
      %mul3A_774 = arith.constant -1.000000e+02 : f32
      %mul3A_775 = vector.broadcast %mul3A_774 : f32 to vector<16xf32>
      %mul3A_776 = arith.mulf %mul3A_775, %add3A_773 : vector<16xf32>
      %div3A_777 = arith.divf %sub3A_727, %mul3A_776 : vector<16xf32>
      %eq3A_778 = arith.constant 4 : i32
      %eq3A_779 = vector.broadcast %eq3A_778 : i32 to vector<16xi32>
      %eq3A_780 = arith.cmpi eq, %shift_right_arithmetic3A_10, %eq3A_779 : vector<16xi32>
      %lt3A_781 = arith.constant 0 : i32
      %lt3A_782 = vector.broadcast %lt3A_781 : i32 to vector<16xi32>
      %lt3A_783 = arith.cmpi slt, %shift_left3A_14, %lt3A_782 : vector<16xi32>
      %add3A_784 = arith.constant 16 : i32
      %add3A_785 = vector.broadcast %add3A_784 : i32 to vector<16xi32>
      %add3A_786 = arith.addi %shift_left3A_14, %add3A_785 : vector<16xi32>
      %select_n3A_787 = arith.select %lt3A_783, %add3A_786, %shift_left3A_14 : vector<16xi1>, vector<16xi32>
      %broadcast_in_dim3A_788 = vector.shape_cast %select_n3A_787 : vector<16xi32> to vector<16x1xi32>
      %gather3A_789 = vector.shape_cast %broadcast_in_dim3A_788 : vector<16x1xi32> to vector<16xi32>
      %gather3A_790 = tpu.dynamic_gather %div3A_777[%gather3A_789] in [0] : vector<16xf32>, vector<16xi32> -> vector<16xf32>
      %select_n3A_791 = arith.select %eq3A_780, %gather3A_790, %select_n3A_638 : vector<16xi1>, vector<16xf32>
      %add3A_792 = arith.constant 10 : i32
      %add3A_793 = vector.broadcast %add3A_792 : i32 to vector<16xi32>
      %add3A_794 = arith.addi %shift_right_arithmetic3A_17, %add3A_793 : vector<16xi32>
      %lt3A_795 = arith.constant 0 : i32
      %lt3A_796 = vector.broadcast %lt3A_795 : i32 to vector<16xi32>
      %lt3A_797 = arith.cmpi slt, %add3A_794, %lt3A_796 : vector<16xi32>
      %add3A_798 = arith.constant 16 : i32
      %add3A_799 = vector.broadcast %add3A_798 : i32 to vector<16xi32>
      %add3A_800 = arith.addi %add3A_794, %add3A_799 : vector<16xi32>
      %select_n3A_801 = arith.select %lt3A_797, %add3A_800, %add3A_794 : vector<16xi1>, vector<16xi32>
      %broadcast_in_dim3A_802 = vector.shape_cast %select_n3A_801 : vector<16xi32> to vector<16x1xi32>
      %gather3A_803 = vector.shape_cast %broadcast_in_dim3A_802 : vector<16x1xi32> to vector<16xi32>
      %gather3A_804 = tpu.dynamic_gather %get3A_33[%gather3A_803] in [0] : vector<16xf32>, vector<16xi32> -> vector<16xf32>
      %mul3A_805 = arith.constant 8 : i32
      %mul3A_806 = arith.muli %mul3A_805, %scan3A_28 : i32
      %add3A_807 = arith.constant 5 : i32
      %add3A_808 = arith.addi %mul3A_806, %add3A_807 : i32
      %mul3A_809 = arith.constant 16 : i32
      %mul3A_810 = arith.muli %mul3A_809, %add3A_808 : i32
      %get3A_811 = arith.index_cast %mul3A_810 : i32 to index
      %get3A_812 = tpu.vector_load %arg6[%get3A_811] {strides = array<i32>} : memref<4096xf32, #tpu.memory_space<vmem>>, vector<16xf32>,
      %get3A_813 = vector.shape_cast %get3A_812 : vector<16xf32> to vector<16xf32>
      %sub3A_814 = arith.subf %get3A_813, %gather3A_804 : vector<16xf32>
      %div3A_815 = arith.constant 0.00999999977 : f32
      %div3A_816 = vector.broadcast %div3A_815 : f32 to vector<16xf32>
      %div3A_817 = arith.divf %sub3A_814, %div3A_816 : vector<16xf32>
      %neg3A_818 = arith.constant 0.000000e+00 : f32
      %neg3A_819 = vector.broadcast %neg3A_818 : f32 to vector<16xf32>
      %neg3A_820 = arith.subf %neg3A_819, %div3A_817 : vector<16xf32>
      %exp3A_821 = math.exp %neg3A_820 : vector<16xf32>
      %add3A_822 = arith.constant 1.000000e+00 : f32
      %add3A_823 = vector.broadcast %add3A_822 : f32 to vector<16xf32>
      %add3A_824 = arith.addf %add3A_823, %exp3A_821 : vector<16xf32>
      %div3A_825 = arith.constant 1.000000e+00 : f32
      %div3A_826 = vector.broadcast %div3A_825 : f32 to vector<16xf32>
      %div3A_827 = arith.divf %div3A_826, %add3A_824 : vector<16xf32>
      %get3A_828 = arith.constant 0 : index
      %get3A_829 = tpu.vector_load %arg9[%get3A_828] {strides = array<i32>} : memref<16xf32, #tpu.memory_space<vmem>>, vector<16xf32>,
      %get3A_830 = vector.shape_cast %get3A_829 : vector<16xf32> to vector<16xf32>
      %add3A_831 = arith.addf %get3A_830, %div3A_827 : vector<16xf32>
      %swap3A_832 = arith.constant 0 : index
      %swap3A_833 = tpu.vector_load %arg9[%swap3A_832] {strides = array<i32>} : memref<16xf32, #tpu.memory_space<vmem>>, vector<16xf32>,
      %swap3A_834 = vector.shape_cast %swap3A_833 : vector<16xf32> to vector<16xf32>
      %swap3A_835 = vector.shape_cast %add3A_831 : vector<16xf32> to vector<16xf32>
      tpu.vector_store %arg9[%swap3A_832], %swap3A_835 {strides = array<i32>} : memref<16xf32, #tpu.memory_space<vmem>>, vector<16xf32>,
      %xor3A_836 = arith.constant 1 : i32
      %xor3A_837 = vector.broadcast %xor3A_836 : i32 to vector<16xi32>
      %xor3A_838 = arith.xori %iota3A, %xor3A_837 : vector<16xi32>
      %lt3A_839 = arith.constant 0 : i32
      %lt3A_840 = vector.broadcast %lt3A_839 : i32 to vector<16xi32>
      %lt3A_841 = arith.cmpi slt, %xor3A_838, %lt3A_840 : vector<16xi32>
      %add3A_842 = arith.constant 16 : i32
      %add3A_843 = vector.broadcast %add3A_842 : i32 to vector<16xi32>
      %add3A_844 = arith.addi %xor3A_838, %add3A_843 : vector<16xi32>
      %select_n3A_845 = arith.select %lt3A_841, %add3A_844, %xor3A_838 : vector<16xi1>, vector<16xi32>
      %broadcast_in_dim3A_846 = vector.shape_cast %select_n3A_845 : vector<16xi32> to vector<16x1xi32>
      %gather3A_847 = vector.shape_cast %broadcast_in_dim3A_846 : vector<16x1xi32> to vector<16xi32>
      %gather3A_848 = tpu.dynamic_gather %div3A_827[%gather3A_847] in [0] : vector<16xf32>, vector<16xi32> -> vector<16xf32>
      %add3A_849 = arith.addf %div3A_827, %gather3A_848 : vector<16xf32>
      %xor3A_850 = arith.constant 2 : i32
      %xor3A_851 = vector.broadcast %xor3A_850 : i32 to vector<16xi32>
      %xor3A_852 = arith.xori %iota3A, %xor3A_851 : vector<16xi32>
      %lt3A_853 = arith.constant 0 : i32
      %lt3A_854 = vector.broadcast %lt3A_853 : i32 to vector<16xi32>
      %lt3A_855 = arith.cmpi slt, %xor3A_852, %lt3A_854 : vector<16xi32>
      %add3A_856 = arith.constant 16 : i32
      %add3A_857 = vector.broadcast %add3A_856 : i32 to vector<16xi32>
      %add3A_858 = arith.addi %xor3A_852, %add3A_857 : vector<16xi32>
      %select_n3A_859 = arith.select %lt3A_855, %add3A_858, %xor3A_852 : vector<16xi1>, vector<16xi32>
      %broadcast_in_dim3A_860 = vector.shape_cast %select_n3A_859 : vector<16xi32> to vector<16x1xi32>
      %gather3A_861 = vector.shape_cast %broadcast_in_dim3A_860 : vector<16x1xi32> to vector<16xi32>
      %gather3A_862 = tpu.dynamic_gather %add3A_849[%gather3A_861] in [0] : vector<16xf32>, vector<16xi32> -> vector<16xf32>
      %add3A_863 = arith.addf %add3A_849, %gather3A_862 : vector<16xf32>
      %xor3A_864 = arith.constant 4 : i32
      %xor3A_865 = vector.broadcast %xor3A_864 : i32 to vector<16xi32>
      %xor3A_866 = arith.xori %iota3A, %xor3A_865 : vector<16xi32>
      %lt3A_867 = arith.constant 0 : i32
      %lt3A_868 = vector.broadcast %lt3A_867 : i32 to vector<16xi32>
      %lt3A_869 = arith.cmpi slt, %xor3A_866, %lt3A_868 : vector<16xi32>
      %add3A_870 = arith.constant 16 : i32
      %add3A_871 = vector.broadcast %add3A_870 : i32 to vector<16xi32>
      %add3A_872 = arith.addi %xor3A_866, %add3A_871 : vector<16xi32>
      %select_n3A_873 = arith.select %lt3A_869, %add3A_872, %xor3A_866 : vector<16xi1>, vector<16xi32>
      %broadcast_in_dim3A_874 = vector.shape_cast %select_n3A_873 : vector<16xi32> to vector<16x1xi32>
      %gather3A_875 = vector.shape_cast %broadcast_in_dim3A_874 : vector<16x1xi32> to vector<16xi32>
      %gather3A_876 = tpu.dynamic_gather %add3A_863[%gather3A_875] in [0] : vector<16xf32>, vector<16xi32> -> vector<16xf32>
      %add3A_877 = arith.addf %add3A_863, %gather3A_876 : vector<16xf32>
      %sub3A_878 = arith.constant 2.000000e+00 : f32
      %sub3A_879 = vector.broadcast %sub3A_878 : f32 to vector<16xf32>
      %sub3A_880 = arith.subf %add3A_877, %sub3A_879 : vector<16xf32>
      %sub3A_881 = arith.constant 1.000000e+00 : f32
      %sub3A_882 = vector.broadcast %sub3A_881 : f32 to vector<16xf32>
      %sub3A_883 = arith.subf %sub3A_882, %div3A_827 : vector<16xf32>
      %mul3A_884 = arith.mulf %div3A_827, %sub3A_883 : vector<16xf32>
      %xor3A_885 = arith.constant 1 : i32
      %xor3A_886 = vector.broadcast %xor3A_885 : i32 to vector<16xi32>
      %xor3A_887 = arith.xori %iota3A, %xor3A_886 : vector<16xi32>
      %lt3A_888 = arith.constant 0 : i32
      %lt3A_889 = vector.broadcast %lt3A_888 : i32 to vector<16xi32>
      %lt3A_890 = arith.cmpi slt, %xor3A_887, %lt3A_889 : vector<16xi32>
      %add3A_891 = arith.constant 16 : i32
      %add3A_892 = vector.broadcast %add3A_891 : i32 to vector<16xi32>
      %add3A_893 = arith.addi %xor3A_887, %add3A_892 : vector<16xi32>
      %select_n3A_894 = arith.select %lt3A_890, %add3A_893, %xor3A_887 : vector<16xi1>, vector<16xi32>
      %broadcast_in_dim3A_895 = vector.shape_cast %select_n3A_894 : vector<16xi32> to vector<16x1xi32>
      %gather3A_896 = vector.shape_cast %broadcast_in_dim3A_895 : vector<16x1xi32> to vector<16xi32>
      %gather3A_897 = tpu.dynamic_gather %mul3A_884[%gather3A_896] in [0] : vector<16xf32>, vector<16xi32> -> vector<16xf32>
      %add3A_898 = arith.addf %mul3A_884, %gather3A_897 : vector<16xf32>
      %xor3A_899 = arith.constant 2 : i32
      %xor3A_900 = vector.broadcast %xor3A_899 : i32 to vector<16xi32>
      %xor3A_901 = arith.xori %iota3A, %xor3A_900 : vector<16xi32>
      %lt3A_902 = arith.constant 0 : i32
      %lt3A_903 = vector.broadcast %lt3A_902 : i32 to vector<16xi32>
      %lt3A_904 = arith.cmpi slt, %xor3A_901, %lt3A_903 : vector<16xi32>
      %add3A_905 = arith.constant 16 : i32
      %add3A_906 = vector.broadcast %add3A_905 : i32 to vector<16xi32>
      %add3A_907 = arith.addi %xor3A_901, %add3A_906 : vector<16xi32>
      %select_n3A_908 = arith.select %lt3A_904, %add3A_907, %xor3A_901 : vector<16xi1>, vector<16xi32>
      %broadcast_in_dim3A_909 = vector.shape_cast %select_n3A_908 : vector<16xi32> to vector<16x1xi32>
      %gather3A_910 = vector.shape_cast %broadcast_in_dim3A_909 : vector<16x1xi32> to vector<16xi32>
      %gather3A_911 = tpu.dynamic_gather %add3A_898[%gather3A_910] in [0] : vector<16xf32>, vector<16xi32> -> vector<16xf32>
      %add3A_912 = arith.addf %add3A_898, %gather3A_911 : vector<16xf32>
      %xor3A_913 = arith.constant 4 : i32
      %xor3A_914 = vector.broadcast %xor3A_913 : i32 to vector<16xi32>
      %xor3A_915 = arith.xori %iota3A, %xor3A_914 : vector<16xi32>
      %lt3A_916 = arith.constant 0 : i32
      %lt3A_917 = vector.broadcast %lt3A_916 : i32 to vector<16xi32>
      %lt3A_918 = arith.cmpi slt, %xor3A_915, %lt3A_917 : vector<16xi32>
      %add3A_919 = arith.constant 16 : i32
      %add3A_920 = vector.broadcast %add3A_919 : i32 to vector<16xi32>
      %add3A_921 = arith.addi %xor3A_915, %add3A_920 : vector<16xi32>
      %select_n3A_922 = arith.select %lt3A_918, %add3A_921, %xor3A_915 : vector<16xi1>, vector<16xi32>
      %broadcast_in_dim3A_923 = vector.shape_cast %select_n3A_922 : vector<16xi32> to vector<16x1xi32>
      %gather3A_924 = vector.shape_cast %broadcast_in_dim3A_923 : vector<16x1xi32> to vector<16xi32>
      %gather3A_925 = tpu.dynamic_gather %add3A_912[%gather3A_924] in [0] : vector<16xf32>, vector<16xi32> -> vector<16xf32>
      %add3A_926 = arith.addf %add3A_912, %gather3A_925 : vector<16xf32>
      %mul3A_927 = arith.constant -1.000000e+02 : f32
      %mul3A_928 = vector.broadcast %mul3A_927 : f32 to vector<16xf32>
      %mul3A_929 = arith.mulf %mul3A_928, %add3A_926 : vector<16xf32>
      %div3A_930 = arith.divf %sub3A_880, %mul3A_929 : vector<16xf32>
      %eq3A_931 = arith.constant 5 : i32
      %eq3A_932 = vector.broadcast %eq3A_931 : i32 to vector<16xi32>
      %eq3A_933 = arith.cmpi eq, %shift_right_arithmetic3A_10, %eq3A_932 : vector<16xi32>
      %lt3A_934 = arith.constant 0 : i32
      %lt3A_935 = vector.broadcast %lt3A_934 : i32 to vector<16xi32>
      %lt3A_936 = arith.cmpi slt, %shift_left3A_14, %lt3A_935 : vector<16xi32>
      %add3A_937 = arith.constant 16 : i32
      %add3A_938 = vector.broadcast %add3A_937 : i32 to vector<16xi32>
      %add3A_939 = arith.addi %shift_left3A_14, %add3A_938 : vector<16xi32>
      %select_n3A_940 = arith.select %lt3A_936, %add3A_939, %shift_left3A_14 : vector<16xi1>, vector<16xi32>
      %broadcast_in_dim3A_941 = vector.shape_cast %select_n3A_940 : vector<16xi32> to vector<16x1xi32>
      %gather3A_942 = vector.shape_cast %broadcast_in_dim3A_941 : vector<16x1xi32> to vector<16xi32>
      %gather3A_943 = tpu.dynamic_gather %div3A_930[%gather3A_942] in [0] : vector<16xf32>, vector<16xi32> -> vector<16xf32>
      %select_n3A_944 = arith.select %eq3A_933, %gather3A_943, %select_n3A_791 : vector<16xi1>, vector<16xf32>
      %add3A_945 = arith.constant 12 : i32
      %add3A_946 = vector.broadcast %add3A_945 : i32 to vector<16xi32>
      %add3A_947 = arith.addi %shift_right_arithmetic3A_17, %add3A_946 : vector<16xi32>
      %lt3A_948 = arith.constant 0 : i32
      %lt3A_949 = vector.broadcast %lt3A_948 : i32 to vector<16xi32>
      %lt3A_950 = arith.cmpi slt, %add3A_947, %lt3A_949 : vector<16xi32>
      %add3A_951 = arith.constant 16 : i32
      %add3A_952 = vector.broadcast %add3A_951 : i32 to vector<16xi32>
      %add3A_953 = arith.addi %add3A_947, %add3A_952 : vector<16xi32>
      %select_n3A_954 = arith.select %lt3A_950, %add3A_953, %add3A_947 : vector<16xi1>, vector<16xi32>
      %broadcast_in_dim3A_955 = vector.shape_cast %select_n3A_954 : vector<16xi32> to vector<16x1xi32>
      %gather3A_956 = vector.shape_cast %broadcast_in_dim3A_955 : vector<16x1xi32> to vector<16xi32>
      %gather3A_957 = tpu.dynamic_gather %get3A_33[%gather3A_956] in [0] : vector<16xf32>, vector<16xi32> -> vector<16xf32>
      %mul3A_958 = arith.constant 8 : i32
      %mul3A_959 = arith.muli %mul3A_958, %scan3A_28 : i32
      %add3A_960 = arith.constant 6 : i32
      %add3A_961 = arith.addi %mul3A_959, %add3A_960 : i32
      %mul3A_962 = arith.constant 16 : i32
      %mul3A_963 = arith.muli %mul3A_962, %add3A_961 : i32
      %get3A_964 = arith.index_cast %mul3A_963 : i32 to index
      %get3A_965 = tpu.vector_load %arg6[%get3A_964] {strides = array<i32>} : memref<4096xf32, #tpu.memory_space<vmem>>, vector<16xf32>,
      %get3A_966 = vector.shape_cast %get3A_965 : vector<16xf32> to vector<16xf32>
      %sub3A_967 = arith.subf %get3A_966, %gather3A_957 : vector<16xf32>
      %div3A_968 = arith.constant 0.00999999977 : f32
      %div3A_969 = vector.broadcast %div3A_968 : f32 to vector<16xf32>
      %div3A_970 = arith.divf %sub3A_967, %div3A_969 : vector<16xf32>
      %neg3A_971 = arith.constant 0.000000e+00 : f32
      %neg3A_972 = vector.broadcast %neg3A_971 : f32 to vector<16xf32>
      %neg3A_973 = arith.subf %neg3A_972, %div3A_970 : vector<16xf32>
      %exp3A_974 = math.exp %neg3A_973 : vector<16xf32>
      %add3A_975 = arith.constant 1.000000e+00 : f32
      %add3A_976 = vector.broadcast %add3A_975 : f32 to vector<16xf32>
      %add3A_977 = arith.addf %add3A_976, %exp3A_974 : vector<16xf32>
      %div3A_978 = arith.constant 1.000000e+00 : f32
      %div3A_979 = vector.broadcast %div3A_978 : f32 to vector<16xf32>
      %div3A_980 = arith.divf %div3A_979, %add3A_977 : vector<16xf32>
      %get3A_981 = arith.constant 0 : index
      %get3A_982 = tpu.vector_load %arg9[%get3A_981] {strides = array<i32>} : memref<16xf32, #tpu.memory_space<vmem>>, vector<16xf32>,
      %get3A_983 = vector.shape_cast %get3A_982 : vector<16xf32> to vector<16xf32>
      %add3A_984 = arith.addf %get3A_983, %div3A_980 : vector<16xf32>
      %swap3A_985 = arith.constant 0 : index
      %swap3A_986 = tpu.vector_load %arg9[%swap3A_985] {strides = array<i32>} : memref<16xf32, #tpu.memory_space<vmem>>, vector<16xf32>,
      %swap3A_987 = vector.shape_cast %swap3A_986 : vector<16xf32> to vector<16xf32>
      %swap3A_988 = vector.shape_cast %add3A_984 : vector<16xf32> to vector<16xf32>
      tpu.vector_store %arg9[%swap3A_985], %swap3A_988 {strides = array<i32>} : memref<16xf32, #tpu.memory_space<vmem>>, vector<16xf32>,
      %xor3A_989 = arith.constant 1 : i32
      %xor3A_990 = vector.broadcast %xor3A_989 : i32 to vector<16xi32>
      %xor3A_991 = arith.xori %iota3A, %xor3A_990 : vector<16xi32>
      %lt3A_992 = arith.constant 0 : i32
      %lt3A_993 = vector.broadcast %lt3A_992 : i32 to vector<16xi32>
      %lt3A_994 = arith.cmpi slt, %xor3A_991, %lt3A_993 : vector<16xi32>
      %add3A_995 = arith.constant 16 : i32
      %add3A_996 = vector.broadcast %add3A_995 : i32 to vector<16xi32>
      %add3A_997 = arith.addi %xor3A_991, %add3A_996 : vector<16xi32>
      %select_n3A_998 = arith.select %lt3A_994, %add3A_997, %xor3A_991 : vector<16xi1>, vector<16xi32>
      %broadcast_in_dim3A_999 = vector.shape_cast %select_n3A_998 : vector<16xi32> to vector<16x1xi32>
      %gather3A_1000 = vector.shape_cast %broadcast_in_dim3A_999 : vector<16x1xi32> to vector<16xi32>
      %gather3A_1001 = tpu.dynamic_gather %div3A_980[%gather3A_1000] in [0] : vector<16xf32>, vector<16xi32> -> vector<16xf32>
      %add3A_1002 = arith.addf %div3A_980, %gather3A_1001 : vector<16xf32>
      %xor3A_1003 = arith.constant 2 : i32
      %xor3A_1004 = vector.broadcast %xor3A_1003 : i32 to vector<16xi32>
      %xor3A_1005 = arith.xori %iota3A, %xor3A_1004 : vector<16xi32>
      %lt3A_1006 = arith.constant 0 : i32
      %lt3A_1007 = vector.broadcast %lt3A_1006 : i32 to vector<16xi32>
      %lt3A_1008 = arith.cmpi slt, %xor3A_1005, %lt3A_1007 : vector<16xi32>
      %add3A_1009 = arith.constant 16 : i32
      %add3A_1010 = vector.broadcast %add3A_1009 : i32 to vector<16xi32>
      %add3A_1011 = arith.addi %xor3A_1005, %add3A_1010 : vector<16xi32>
      %select_n3A_1012 = arith.select %lt3A_1008, %add3A_1011, %xor3A_1005 : vector<16xi1>, vector<16xi32>
      %broadcast_in_dim3A_1013 = vector.shape_cast %select_n3A_1012 : vector<16xi32> to vector<16x1xi32>
      %gather3A_1014 = vector.shape_cast %broadcast_in_dim3A_1013 : vector<16x1xi32> to vector<16xi32>
      %gather3A_1015 = tpu.dynamic_gather %add3A_1002[%gather3A_1014] in [0] : vector<16xf32>, vector<16xi32> -> vector<16xf32>
      %add3A_1016 = arith.addf %add3A_1002, %gather3A_1015 : vector<16xf32>
      %xor3A_1017 = arith.constant 4 : i32
      %xor3A_1018 = vector.broadcast %xor3A_1017 : i32 to vector<16xi32>
      %xor3A_1019 = arith.xori %iota3A, %xor3A_1018 : vector<16xi32>
      %lt3A_1020 = arith.constant 0 : i32
      %lt3A_1021 = vector.broadcast %lt3A_1020 : i32 to vector<16xi32>
      %lt3A_1022 = arith.cmpi slt, %xor3A_1019, %lt3A_1021 : vector<16xi32>
      %add3A_1023 = arith.constant 16 : i32
      %add3A_1024 = vector.broadcast %add3A_1023 : i32 to vector<16xi32>
      %add3A_1025 = arith.addi %xor3A_1019, %add3A_1024 : vector<16xi32>
      %select_n3A_1026 = arith.select %lt3A_1022, %add3A_1025, %xor3A_1019 : vector<16xi1>, vector<16xi32>
      %broadcast_in_dim3A_1027 = vector.shape_cast %select_n3A_1026 : vector<16xi32> to vector<16x1xi32>
      %gather3A_1028 = vector.shape_cast %broadcast_in_dim3A_1027 : vector<16x1xi32> to vector<16xi32>
      %gather3A_1029 = tpu.dynamic_gather %add3A_1016[%gather3A_1028] in [0] : vector<16xf32>, vector<16xi32> -> vector<16xf32>
      %add3A_1030 = arith.addf %add3A_1016, %gather3A_1029 : vector<16xf32>
      %sub3A_1031 = arith.constant 2.000000e+00 : f32
      %sub3A_1032 = vector.broadcast %sub3A_1031 : f32 to vector<16xf32>
      %sub3A_1033 = arith.subf %add3A_1030, %sub3A_1032 : vector<16xf32>
      %sub3A_1034 = arith.constant 1.000000e+00 : f32
      %sub3A_1035 = vector.broadcast %sub3A_1034 : f32 to vector<16xf32>
      %sub3A_1036 = arith.subf %sub3A_1035, %div3A_980 : vector<16xf32>
      %mul3A_1037 = arith.mulf %div3A_980, %sub3A_1036 : vector<16xf32>
      %xor3A_1038 = arith.constant 1 : i32
      %xor3A_1039 = vector.broadcast %xor3A_1038 : i32 to vector<16xi32>
      %xor3A_1040 = arith.xori %iota3A, %xor3A_1039 : vector<16xi32>
      %lt3A_1041 = arith.constant 0 : i32
      %lt3A_1042 = vector.broadcast %lt3A_1041 : i32 to vector<16xi32>
      %lt3A_1043 = arith.cmpi slt, %xor3A_1040, %lt3A_1042 : vector<16xi32>
      %add3A_1044 = arith.constant 16 : i32
      %add3A_1045 = vector.broadcast %add3A_1044 : i32 to vector<16xi32>
      %add3A_1046 = arith.addi %xor3A_1040, %add3A_1045 : vector<16xi32>
      %select_n3A_1047 = arith.select %lt3A_1043, %add3A_1046, %xor3A_1040 : vector<16xi1>, vector<16xi32>
      %broadcast_in_dim3A_1048 = vector.shape_cast %select_n3A_1047 : vector<16xi32> to vector<16x1xi32>
      %gather3A_1049 = vector.shape_cast %broadcast_in_dim3A_1048 : vector<16x1xi32> to vector<16xi32>
      %gather3A_1050 = tpu.dynamic_gather %mul3A_1037[%gather3A_1049] in [0] : vector<16xf32>, vector<16xi32> -> vector<16xf32>
      %add3A_1051 = arith.addf %mul3A_1037, %gather3A_1050 : vector<16xf32>
      %xor3A_1052 = arith.constant 2 : i32
      %xor3A_1053 = vector.broadcast %xor3A_1052 : i32 to vector<16xi32>
      %xor3A_1054 = arith.xori %iota3A, %xor3A_1053 : vector<16xi32>
      %lt3A_1055 = arith.constant 0 : i32
      %lt3A_1056 = vector.broadcast %lt3A_1055 : i32 to vector<16xi32>
      %lt3A_1057 = arith.cmpi slt, %xor3A_1054, %lt3A_1056 : vector<16xi32>
      %add3A_1058 = arith.constant 16 : i32
      %add3A_1059 = vector.broadcast %add3A_1058 : i32 to vector<16xi32>
      %add3A_1060 = arith.addi %xor3A_1054, %add3A_1059 : vector<16xi32>
      %select_n3A_1061 = arith.select %lt3A_1057, %add3A_1060, %xor3A_1054 : vector<16xi1>, vector<16xi32>
      %broadcast_in_dim3A_1062 = vector.shape_cast %select_n3A_1061 : vector<16xi32> to vector<16x1xi32>
      %gather3A_1063 = vector.shape_cast %broadcast_in_dim3A_1062 : vector<16x1xi32> to vector<16xi32>
      %gather3A_1064 = tpu.dynamic_gather %add3A_1051[%gather3A_1063] in [0] : vector<16xf32>, vector<16xi32> -> vector<16xf32>
      %add3A_1065 = arith.addf %add3A_1051, %gather3A_1064 : vector<16xf32>
      %xor3A_1066 = arith.constant 4 : i32
      %xor3A_1067 = vector.broadcast %xor3A_1066 : i32 to vector<16xi32>
      %xor3A_1068 = arith.xori %iota3A, %xor3A_1067 : vector<16xi32>
      %lt3A_1069 = arith.constant 0 : i32
      %lt3A_1070 = vector.broadcast %lt3A_1069 : i32 to vector<16xi32>
      %lt3A_1071 = arith.cmpi slt, %xor3A_1068, %lt3A_1070 : vector<16xi32>
      %add3A_1072 = arith.constant 16 : i32
      %add3A_1073 = vector.broadcast %add3A_1072 : i32 to vector<16xi32>
      %add3A_1074 = arith.addi %xor3A_1068, %add3A_1073 : vector<16xi32>
      %select_n3A_1075 = arith.select %lt3A_1071, %add3A_1074, %xor3A_1068 : vector<16xi1>, vector<16xi32>
      %broadcast_in_dim3A_1076 = vector.shape_cast %select_n3A_1075 : vector<16xi32> to vector<16x1xi32>
      %gather3A_1077 = vector.shape_cast %broadcast_in_dim3A_1076 : vector<16x1xi32> to vector<16xi32>
      %gather3A_1078 = tpu.dynamic_gather %add3A_1065[%gather3A_1077] in [0] : vector<16xf32>, vector<16xi32> -> vector<16xf32>
      %add3A_1079 = arith.addf %add3A_1065, %gather3A_1078 : vector<16xf32>
      %mul3A_1080 = arith.constant -1.000000e+02 : f32
      %mul3A_1081 = vector.broadcast %mul3A_1080 : f32 to vector<16xf32>
      %mul3A_1082 = arith.mulf %mul3A_1081, %add3A_1079 : vector<16xf32>
      %div3A_1083 = arith.divf %sub3A_1033, %mul3A_1082 : vector<16xf32>
      %eq3A_1084 = arith.constant 6 : i32
      %eq3A_1085 = vector.broadcast %eq3A_1084 : i32 to vector<16xi32>
      %eq3A_1086 = arith.cmpi eq, %shift_right_arithmetic3A_10, %eq3A_1085 : vector<16xi32>
      %lt3A_1087 = arith.constant 0 : i32
      %lt3A_1088 = vector.broadcast %lt3A_1087 : i32 to vector<16xi32>
      %lt3A_1089 = arith.cmpi slt, %shift_left3A_14, %lt3A_1088 : vector<16xi32>
      %add3A_1090 = arith.constant 16 : i32
      %add3A_1091 = vector.broadcast %add3A_1090 : i32 to vector<16xi32>
      %add3A_1092 = arith.addi %shift_left3A_14, %add3A_1091 : vector<16xi32>
      %select_n3A_1093 = arith.select %lt3A_1089, %add3A_1092, %shift_left3A_14 : vector<16xi1>, vector<16xi32>
      %broadcast_in_dim3A_1094 = vector.shape_cast %select_n3A_1093 : vector<16xi32> to vector<16x1xi32>
      %gather3A_1095 = vector.shape_cast %broadcast_in_dim3A_1094 : vector<16x1xi32> to vector<16xi32>
      %gather3A_1096 = tpu.dynamic_gather %div3A_1083[%gather3A_1095] in [0] : vector<16xf32>, vector<16xi32> -> vector<16xf32>
      %select_n3A_1097 = arith.select %eq3A_1086, %gather3A_1096, %select_n3A_944 : vector<16xi1>, vector<16xf32>
      %add3A_1098 = arith.constant 14 : i32
      %add3A_1099 = vector.broadcast %add3A_1098 : i32 to vector<16xi32>
      %add3A_1100 = arith.addi %shift_right_arithmetic3A_17, %add3A_1099 : vector<16xi32>
      %lt3A_1101 = arith.constant 0 : i32
      %lt3A_1102 = vector.broadcast %lt3A_1101 : i32 to vector<16xi32>
      %lt3A_1103 = arith.cmpi slt, %add3A_1100, %lt3A_1102 : vector<16xi32>
      %add3A_1104 = arith.constant 16 : i32
      %add3A_1105 = vector.broadcast %add3A_1104 : i32 to vector<16xi32>
      %add3A_1106 = arith.addi %add3A_1100, %add3A_1105 : vector<16xi32>
      %select_n3A_1107 = arith.select %lt3A_1103, %add3A_1106, %add3A_1100 : vector<16xi1>, vector<16xi32>
      %broadcast_in_dim3A_1108 = vector.shape_cast %select_n3A_1107 : vector<16xi32> to vector<16x1xi32>
      %gather3A_1109 = vector.shape_cast %broadcast_in_dim3A_1108 : vector<16x1xi32> to vector<16xi32>
      %gather3A_1110 = tpu.dynamic_gather %get3A_33[%gather3A_1109] in [0] : vector<16xf32>, vector<16xi32> -> vector<16xf32>
      %mul3A_1111 = arith.constant 8 : i32
      %mul3A_1112 = arith.muli %mul3A_1111, %scan3A_28 : i32
      %add3A_1113 = arith.constant 7 : i32
      %add3A_1114 = arith.addi %mul3A_1112, %add3A_1113 : i32
      %mul3A_1115 = arith.constant 16 : i32
      %mul3A_1116 = arith.muli %mul3A_1115, %add3A_1114 : i32
      %get3A_1117 = arith.index_cast %mul3A_1116 : i32 to index
      %get3A_1118 = tpu.vector_load %arg6[%get3A_1117] {strides = array<i32>} : memref<4096xf32, #tpu.memory_space<vmem>>, vector<16xf32>,
      %get3A_1119 = vector.shape_cast %get3A_1118 : vector<16xf32> to vector<16xf32>
      %sub3A_1120 = arith.subf %get3A_1119, %gather3A_1110 : vector<16xf32>
      %div3A_1121 = arith.constant 0.00999999977 : f32
      %div3A_1122 = vector.broadcast %div3A_1121 : f32 to vector<16xf32>
      %div3A_1123 = arith.divf %sub3A_1120, %div3A_1122 : vector<16xf32>
      %neg3A_1124 = arith.constant 0.000000e+00 : f32
      %neg3A_1125 = vector.broadcast %neg3A_1124 : f32 to vector<16xf32>
      %neg3A_1126 = arith.subf %neg3A_1125, %div3A_1123 : vector<16xf32>
      %exp3A_1127 = math.exp %neg3A_1126 : vector<16xf32>
      %add3A_1128 = arith.constant 1.000000e+00 : f32
      %add3A_1129 = vector.broadcast %add3A_1128 : f32 to vector<16xf32>
      %add3A_1130 = arith.addf %add3A_1129, %exp3A_1127 : vector<16xf32>
      %div3A_1131 = arith.constant 1.000000e+00 : f32
      %div3A_1132 = vector.broadcast %div3A_1131 : f32 to vector<16xf32>
      %div3A_1133 = arith.divf %div3A_1132, %add3A_1130 : vector<16xf32>
      %get3A_1134 = arith.constant 0 : index
      %get3A_1135 = tpu.vector_load %arg9[%get3A_1134] {strides = array<i32>} : memref<16xf32, #tpu.memory_space<vmem>>, vector<16xf32>,
      %get3A_1136 = vector.shape_cast %get3A_1135 : vector<16xf32> to vector<16xf32>
      %add3A_1137 = arith.addf %get3A_1136, %div3A_1133 : vector<16xf32>
      %swap3A_1138 = arith.constant 0 : index
      %swap3A_1139 = tpu.vector_load %arg9[%swap3A_1138] {strides = array<i32>} : memref<16xf32, #tpu.memory_space<vmem>>, vector<16xf32>,
      %swap3A_1140 = vector.shape_cast %swap3A_1139 : vector<16xf32> to vector<16xf32>
      %swap3A_1141 = vector.shape_cast %add3A_1137 : vector<16xf32> to vector<16xf32>
      tpu.vector_store %arg9[%swap3A_1138], %swap3A_1141 {strides = array<i32>} : memref<16xf32, #tpu.memory_space<vmem>>, vector<16xf32>,
      %xor3A_1142 = arith.constant 1 : i32
      %xor3A_1143 = vector.broadcast %xor3A_1142 : i32 to vector<16xi32>
      %xor3A_1144 = arith.xori %iota3A, %xor3A_1143 : vector<16xi32>
      %lt3A_1145 = arith.constant 0 : i32
      %lt3A_1146 = vector.broadcast %lt3A_1145 : i32 to vector<16xi32>
      %lt3A_1147 = arith.cmpi slt, %xor3A_1144, %lt3A_1146 : vector<16xi32>
      %add3A_1148 = arith.constant 16 : i32
      %add3A_1149 = vector.broadcast %add3A_1148 : i32 to vector<16xi32>
      %add3A_1150 = arith.addi %xor3A_1144, %add3A_1149 : vector<16xi32>
      %select_n3A_1151 = arith.select %lt3A_1147, %add3A_1150, %xor3A_1144 : vector<16xi1>, vector<16xi32>
      %broadcast_in_dim3A_1152 = vector.shape_cast %select_n3A_1151 : vector<16xi32> to vector<16x1xi32>
      %gather3A_1153 = vector.shape_cast %broadcast_in_dim3A_1152 : vector<16x1xi32> to vector<16xi32>
      %gather3A_1154 = tpu.dynamic_gather %div3A_1133[%gather3A_1153] in [0] : vector<16xf32>, vector<16xi32> -> vector<16xf32>
      %add3A_1155 = arith.addf %div3A_1133, %gather3A_1154 : vector<16xf32>
      %xor3A_1156 = arith.constant 2 : i32
      %xor3A_1157 = vector.broadcast %xor3A_1156 : i32 to vector<16xi32>
      %xor3A_1158 = arith.xori %iota3A, %xor3A_1157 : vector<16xi32>
      %lt3A_1159 = arith.constant 0 : i32
      %lt3A_1160 = vector.broadcast %lt3A_1159 : i32 to vector<16xi32>
      %lt3A_1161 = arith.cmpi slt, %xor3A_1158, %lt3A_1160 : vector<16xi32>
      %add3A_1162 = arith.constant 16 : i32
      %add3A_1163 = vector.broadcast %add3A_1162 : i32 to vector<16xi32>
      %add3A_1164 = arith.addi %xor3A_1158, %add3A_1163 : vector<16xi32>
      %select_n3A_1165 = arith.select %lt3A_1161, %add3A_1164, %xor3A_1158 : vector<16xi1>, vector<16xi32>
      %broadcast_in_dim3A_1166 = vector.shape_cast %select_n3A_1165 : vector<16xi32> to vector<16x1xi32>
      %gather3A_1167 = vector.shape_cast %broadcast_in_dim3A_1166 : vector<16x1xi32> to vector<16xi32>
      %gather3A_1168 = tpu.dynamic_gather %add3A_1155[%gather3A_1167] in [0] : vector<16xf32>, vector<16xi32> -> vector<16xf32>
      %add3A_1169 = arith.addf %add3A_1155, %gather3A_1168 : vector<16xf32>
      %xor3A_1170 = arith.constant 4 : i32
      %xor3A_1171 = vector.broadcast %xor3A_1170 : i32 to vector<16xi32>
      %xor3A_1172 = arith.xori %iota3A, %xor3A_1171 : vector<16xi32>
      %lt3A_1173 = arith.constant 0 : i32
      %lt3A_1174 = vector.broadcast %lt3A_1173 : i32 to vector<16xi32>
      %lt3A_1175 = arith.cmpi slt, %xor3A_1172, %lt3A_1174 : vector<16xi32>
      %add3A_1176 = arith.constant 16 : i32
      %add3A_1177 = vector.broadcast %add3A_1176 : i32 to vector<16xi32>
      %add3A_1178 = arith.addi %xor3A_1172, %add3A_1177 : vector<16xi32>
      %select_n3A_1179 = arith.select %lt3A_1175, %add3A_1178, %xor3A_1172 : vector<16xi1>, vector<16xi32>
      %broadcast_in_dim3A_1180 = vector.shape_cast %select_n3A_1179 : vector<16xi32> to vector<16x1xi32>
      %gather3A_1181 = vector.shape_cast %broadcast_in_dim3A_1180 : vector<16x1xi32> to vector<16xi32>
      %gather3A_1182 = tpu.dynamic_gather %add3A_1169[%gather3A_1181] in [0] : vector<16xf32>, vector<16xi32> -> vector<16xf32>
      %add3A_1183 = arith.addf %add3A_1169, %gather3A_1182 : vector<16xf32>
      %sub3A_1184 = arith.constant 2.000000e+00 : f32
      %sub3A_1185 = vector.broadcast %sub3A_1184 : f32 to vector<16xf32>
      %sub3A_1186 = arith.subf %add3A_1183, %sub3A_1185 : vector<16xf32>
      %sub3A_1187 = arith.constant 1.000000e+00 : f32
      %sub3A_1188 = vector.broadcast %sub3A_1187 : f32 to vector<16xf32>
      %sub3A_1189 = arith.subf %sub3A_1188, %div3A_1133 : vector<16xf32>
      %mul3A_1190 = arith.mulf %div3A_1133, %sub3A_1189 : vector<16xf32>
      %xor3A_1191 = arith.constant 1 : i32
      %xor3A_1192 = vector.broadcast %xor3A_1191 : i32 to vector<16xi32>
      %xor3A_1193 = arith.xori %iota3A, %xor3A_1192 : vector<16xi32>
      %lt3A_1194 = arith.constant 0 : i32
      %lt3A_1195 = vector.broadcast %lt3A_1194 : i32 to vector<16xi32>
      %lt3A_1196 = arith.cmpi slt, %xor3A_1193, %lt3A_1195 : vector<16xi32>
      %add3A_1197 = arith.constant 16 : i32
      %add3A_1198 = vector.broadcast %add3A_1197 : i32 to vector<16xi32>
      %add3A_1199 = arith.addi %xor3A_1193, %add3A_1198 : vector<16xi32>
      %select_n3A_1200 = arith.select %lt3A_1196, %add3A_1199, %xor3A_1193 : vector<16xi1>, vector<16xi32>
      %broadcast_in_dim3A_1201 = vector.shape_cast %select_n3A_1200 : vector<16xi32> to vector<16x1xi32>
      %gather3A_1202 = vector.shape_cast %broadcast_in_dim3A_1201 : vector<16x1xi32> to vector<16xi32>
      %gather3A_1203 = tpu.dynamic_gather %mul3A_1190[%gather3A_1202] in [0] : vector<16xf32>, vector<16xi32> -> vector<16xf32>
      %add3A_1204 = arith.addf %mul3A_1190, %gather3A_1203 : vector<16xf32>
      %xor3A_1205 = arith.constant 2 : i32
      %xor3A_1206 = vector.broadcast %xor3A_1205 : i32 to vector<16xi32>
      %xor3A_1207 = arith.xori %iota3A, %xor3A_1206 : vector<16xi32>
      %lt3A_1208 = arith.constant 0 : i32
      %lt3A_1209 = vector.broadcast %lt3A_1208 : i32 to vector<16xi32>
      %lt3A_1210 = arith.cmpi slt, %xor3A_1207, %lt3A_1209 : vector<16xi32>
      %add3A_1211 = arith.constant 16 : i32
      %add3A_1212 = vector.broadcast %add3A_1211 : i32 to vector<16xi32>
      %add3A_1213 = arith.addi %xor3A_1207, %add3A_1212 : vector<16xi32>
      %select_n3A_1214 = arith.select %lt3A_1210, %add3A_1213, %xor3A_1207 : vector<16xi1>, vector<16xi32>
      %broadcast_in_dim3A_1215 = vector.shape_cast %select_n3A_1214 : vector<16xi32> to vector<16x1xi32>
      %gather3A_1216 = vector.shape_cast %broadcast_in_dim3A_1215 : vector<16x1xi32> to vector<16xi32>
      %gather3A_1217 = tpu.dynamic_gather %add3A_1204[%gather3A_1216] in [0] : vector<16xf32>, vector<16xi32> -> vector<16xf32>
      %add3A_1218 = arith.addf %add3A_1204, %gather3A_1217 : vector<16xf32>
      %xor3A_1219 = arith.constant 4 : i32
      %xor3A_1220 = vector.broadcast %xor3A_1219 : i32 to vector<16xi32>
      %xor3A_1221 = arith.xori %iota3A, %xor3A_1220 : vector<16xi32>
      %lt3A_1222 = arith.constant 0 : i32
      %lt3A_1223 = vector.broadcast %lt3A_1222 : i32 to vector<16xi32>
      %lt3A_1224 = arith.cmpi slt, %xor3A_1221, %lt3A_1223 : vector<16xi32>
      %add3A_1225 = arith.constant 16 : i32
      %add3A_1226 = vector.broadcast %add3A_1225 : i32 to vector<16xi32>
      %add3A_1227 = arith.addi %xor3A_1221, %add3A_1226 : vector<16xi32>
      %select_n3A_1228 = arith.select %lt3A_1224, %add3A_1227, %xor3A_1221 : vector<16xi1>, vector<16xi32>
      %broadcast_in_dim3A_1229 = vector.shape_cast %select_n3A_1228 : vector<16xi32> to vector<16x1xi32>
      %gather3A_1230 = vector.shape_cast %broadcast_in_dim3A_1229 : vector<16x1xi32> to vector<16xi32>
      %gather3A_1231 = tpu.dynamic_gather %add3A_1218[%gather3A_1230] in [0] : vector<16xf32>, vector<16xi32> -> vector<16xf32>
      %add3A_1232 = arith.addf %add3A_1218, %gather3A_1231 : vector<16xf32>
      %mul3A_1233 = arith.constant -1.000000e+02 : f32
      %mul3A_1234 = vector.broadcast %mul3A_1233 : f32 to vector<16xf32>
      %mul3A_1235 = arith.mulf %mul3A_1234, %add3A_1232 : vector<16xf32>
      %div3A_1236 = arith.divf %sub3A_1186, %mul3A_1235 : vector<16xf32>
      %eq3A_1237 = arith.constant 7 : i32
      %eq3A_1238 = vector.broadcast %eq3A_1237 : i32 to vector<16xi32>
      %eq3A_1239 = arith.cmpi eq, %shift_right_arithmetic3A_10, %eq3A_1238 : vector<16xi32>
      %lt3A_1240 = arith.constant 0 : i32
      %lt3A_1241 = vector.broadcast %lt3A_1240 : i32 to vector<16xi32>
      %lt3A_1242 = arith.cmpi slt, %shift_left3A_14, %lt3A_1241 : vector<16xi32>
      %add3A_1243 = arith.constant 16 : i32
      %add3A_1244 = vector.broadcast %add3A_1243 : i32 to vector<16xi32>
      %add3A_1245 = arith.addi %shift_left3A_14, %add3A_1244 : vector<16xi32>
      %select_n3A_1246 = arith.select %lt3A_1242, %add3A_1245, %shift_left3A_14 : vector<16xi1>, vector<16xi32>
      %broadcast_in_dim3A_1247 = vector.shape_cast %select_n3A_1246 : vector<16xi32> to vector<16x1xi32>
      %gather3A_1248 = vector.shape_cast %broadcast_in_dim3A_1247 : vector<16x1xi32> to vector<16xi32>
      %gather3A_1249 = tpu.dynamic_gather %div3A_1236[%gather3A_1248] in [0] : vector<16xf32>, vector<16xi32> -> vector<16xf32>
      %select_n3A_1250 = arith.select %eq3A_1239, %gather3A_1249, %select_n3A_1097 : vector<16xi1>, vector<16xf32>
      %mul3A_1251 = arith.constant 16 : i32
      %mul3A_1252 = arith.muli %mul3A_1251, %scan3A_28 : i32
      %swap3A_1253 = arith.index_cast %mul3A_1252 : i32 to index
      %swap3A_1254 = tpu.vector_load %arg8[%swap3A_1253] {strides = array<i32>} : memref<512xf32, #tpu.memory_space<vmem>>, vector<16xf32>,
      %swap3A_1255 = vector.shape_cast %swap3A_1254 : vector<16xf32> to vector<16xf32>
      %swap3A_1256 = vector.shape_cast %select_n3A_1250 : vector<16xf32> to vector<16xf32>
      tpu.vector_store %arg8[%swap3A_1253], %swap3A_1256 {strides = array<i32>} : memref<512xf32, #tpu.memory_space<vmem>>, vector<16xf32>,
      %scan3A_1257 = arith.constant 0 : i32
      scf.yield %scan3A_1257 : i32
    }
    %scan3A_23 = arith.constant 32 : i32
    %mul3A_24 = arith.constant 512 : i32
    %mul3A_25 = arith.muli %mul3A_24, %add3A : i32
    "tpu.region"() ({
      %run_scoped3A = tpu.sem_alloc : memref<!tpu.dma_semaphore, #tpu.memory_space<semaphore_mem>>
      %dma_start3A = tpu.memref_slice %arg4[%mul3A_25] : memref<16384xf32, #tpu.memory_space<hbm>> -> memref<512xf32, #tpu.memory_space<hbm>>
      %dma_start3A_28 = tpu.memref_slice %arg4[%mul3A_25] : memref<16384xf32, #tpu.memory_space<hbm>> -> memref<512xf32, #tpu.memory_space<hbm>>
      tpu.enqueue_dma source(%arg8 : memref<512xf32, #tpu.memory_space<vmem>>) target(%dma_start3A_28 : memref<512xf32, #tpu.memory_space<hbm>>) target_semaphore(%run_scoped3A : memref<!tpu.dma_semaphore, #tpu.memory_space<semaphore_mem>>)
      %dma_wait3A = tpu.memref_slice %arg4[%mul3A_25] : memref<16384xf32, #tpu.memory_space<hbm>> -> memref<512xf32, #tpu.memory_space<hbm>>
      %dma_wait3A_29 = tpu.memref_slice %arg4[%mul3A_25] : memref<16384xf32, #tpu.memory_space<hbm>> -> memref<512xf32, #tpu.memory_space<hbm>>
      tpu.wait_dma2 semaphore(%run_scoped3A : memref<!tpu.dma_semaphore, #tpu.memory_space<semaphore_mem>>) src(%arg8 : memref<512xf32, #tpu.memory_space<vmem>>) dst(%dma_wait3A_29 : memref<512xf32, #tpu.memory_space<hbm>>)
      tpu.yield
    }) : () -> ()
    %mul3A_26 = arith.constant 16 : i32
    %mul3A_27 = arith.muli %mul3A_26, %add3A : i32
    "tpu.region"() ({
      %run_scoped3A = tpu.sem_alloc : memref<!tpu.dma_semaphore, #tpu.memory_space<semaphore_mem>>
      %dma_start3A = tpu.memref_slice %arg5[%mul3A_27] : memref<512xf32, #tpu.memory_space<hbm>> -> memref<16xf32, #tpu.memory_space<hbm>>
      %dma_start3A_28 = tpu.memref_slice %arg5[%mul3A_27] : memref<512xf32, #tpu.memory_space<hbm>> -> memref<16xf32, #tpu.memory_space<hbm>>
      tpu.enqueue_dma source(%arg9 : memref<16xf32, #tpu.memory_space<vmem>>) target(%dma_start3A_28 : memref<16xf32, #tpu.memory_space<hbm>>) target_semaphore(%run_scoped3A : memref<!tpu.dma_semaphore, #tpu.memory_space<semaphore_mem>>)
      %dma_wait3A = tpu.memref_slice %arg5[%mul3A_27] : memref<512xf32, #tpu.memory_space<hbm>> -> memref<16xf32, #tpu.memory_space<hbm>>
      %dma_wait3A_29 = tpu.memref_slice %arg5[%mul3A_27] : memref<512xf32, #tpu.memory_space<hbm>> -> memref<16xf32, #tpu.memory_space<hbm>>
      tpu.wait_dma2 semaphore(%run_scoped3A : memref<!tpu.dma_semaphore, #tpu.memory_space<semaphore_mem>>) src(%arg9 : memref<16xf32, #tpu.memory_space<vmem>>) dst(%dma_wait3A_29 : memref<16xf32, #tpu.memory_space<hbm>>)
      tpu.yield
    }) : () -> ()
    return
  }
}

#map = affine_map<(d0, d1) -> (0)>
module attributes {stable_mosaic.version = 14 : i64} {
  func.func @_sc_final(%arg0: i32, %arg1: i32, %arg2: memref<131072xf32, #tpu.memory_space<hbm>>, %arg3: memref<16384xf32, #tpu.memory_space<hbm>>, %arg4: memref<131072xf32, #tpu.memory_space<hbm>>, %arg5: memref<4096xf32, #tpu.memory_space<vmem>>, %arg6: memref<512xf32, #tpu.memory_space<vmem>>, %arg7: memref<4096xf32, #tpu.memory_space<vmem>>) attributes {dimension_semantics = [#tpu.dimension_semantics<core_parallel>, #tpu.dimension_semantics<subcore_parallel>], iteration_bounds = array<i64: 2, 16>, scalar_prefetch = 0 : i64, scratch_operands = 3 : i64, tpu.core_type = #tpu.core_type<sc_vector_subcore>, window_params = [{transform_indices = #map}, {transform_indices = #map}, {transform_indices = #map}]} {
    %mul3A = arith.constant 2 : i32
    %mul3A_0 = arith.muli %arg1, %mul3A : i32
    %add3A = arith.addi %mul3A_0, %arg0 : i32
    %iota3A = tpu.iota {dimensions = array<i32: 0>} : vector<16xi32>
    %mul3A_1 = arith.constant 4096 : i32
    %mul3A_2 = arith.muli %mul3A_1, %add3A : i32
    "tpu.region"() ({
      %run_scoped3A = tpu.sem_alloc : memref<!tpu.dma_semaphore, #tpu.memory_space<semaphore_mem>>
      %dma_start3A = tpu.memref_slice %arg2[%mul3A_2] : memref<131072xf32, #tpu.memory_space<hbm>> -> memref<4096xf32, #tpu.memory_space<hbm>>
      %dma_start3A_15 = tpu.memref_slice %arg2[%mul3A_2] : memref<131072xf32, #tpu.memory_space<hbm>> -> memref<4096xf32, #tpu.memory_space<hbm>>
      tpu.enqueue_dma source(%dma_start3A_15 : memref<4096xf32, #tpu.memory_space<hbm>>) target(%arg5 : memref<4096xf32, #tpu.memory_space<vmem>>) target_semaphore(%run_scoped3A : memref<!tpu.dma_semaphore, #tpu.memory_space<semaphore_mem>>)
      %dma_wait3A = tpu.memref_slice %arg2[%mul3A_2] : memref<131072xf32, #tpu.memory_space<hbm>> -> memref<4096xf32, #tpu.memory_space<hbm>>
      %dma_wait3A_16 = tpu.memref_slice %arg2[%mul3A_2] : memref<131072xf32, #tpu.memory_space<hbm>> -> memref<4096xf32, #tpu.memory_space<hbm>>
      tpu.wait_dma2 semaphore(%run_scoped3A : memref<!tpu.dma_semaphore, #tpu.memory_space<semaphore_mem>>) src(%dma_wait3A_16 : memref<4096xf32, #tpu.memory_space<hbm>>) dst(%arg5 : memref<4096xf32, #tpu.memory_space<vmem>>)
      tpu.yield
    }) : () -> ()
    %mul3A_3 = arith.constant 512 : i32
    %mul3A_4 = arith.muli %mul3A_3, %add3A : i32
    "tpu.region"() ({
      %run_scoped3A = tpu.sem_alloc : memref<!tpu.dma_semaphore, #tpu.memory_space<semaphore_mem>>
      %dma_start3A = tpu.memref_slice %arg3[%mul3A_4] : memref<16384xf32, #tpu.memory_space<hbm>> -> memref<512xf32, #tpu.memory_space<hbm>>
      %dma_start3A_15 = tpu.memref_slice %arg3[%mul3A_4] : memref<16384xf32, #tpu.memory_space<hbm>> -> memref<512xf32, #tpu.memory_space<hbm>>
      tpu.enqueue_dma source(%dma_start3A_15 : memref<512xf32, #tpu.memory_space<hbm>>) target(%arg6 : memref<512xf32, #tpu.memory_space<vmem>>) target_semaphore(%run_scoped3A : memref<!tpu.dma_semaphore, #tpu.memory_space<semaphore_mem>>)
      %dma_wait3A = tpu.memref_slice %arg3[%mul3A_4] : memref<16384xf32, #tpu.memory_space<hbm>> -> memref<512xf32, #tpu.memory_space<hbm>>
      %dma_wait3A_16 = tpu.memref_slice %arg3[%mul3A_4] : memref<16384xf32, #tpu.memory_space<hbm>> -> memref<512xf32, #tpu.memory_space<hbm>>
      tpu.wait_dma2 semaphore(%run_scoped3A : memref<!tpu.dma_semaphore, #tpu.memory_space<semaphore_mem>>) src(%dma_wait3A_16 : memref<512xf32, #tpu.memory_space<hbm>>) dst(%arg6 : memref<512xf32, #tpu.memory_space<vmem>>)
      tpu.yield
    }) : () -> ()
    %shift_right_arithmetic3A = arith.constant 3 : i32
    %shift_right_arithmetic3A_5 = vector.broadcast %shift_right_arithmetic3A : i32 to vector<16xi32>
    %shift_right_arithmetic3A_6 = arith.shrsi %iota3A, %shift_right_arithmetic3A_5 : vector<16xi32>
    %scan3A = arith.constant 0 : i32
    %scan3A_7 = arith.constant 0 : i32
    %scan3A_8 = arith.constant 32 : i32
    %scan3A_9 = arith.addi %scan3A_7, %scan3A_8 : i32
    %scan3A_10 = arith.constant 1 : i32
    %scan3A_11 = scf.for %scan3A_15 = %scan3A_7 to %scan3A_9 step %scan3A_10 iter_args(%scan3A_16 = %scan3A) -> (i32)  : i32 {
      %mul3A_17 = arith.constant 16 : i32
      %mul3A_18 = arith.muli %mul3A_17, %scan3A_15 : i32
      %get3A = arith.index_cast %mul3A_18 : i32 to index
      %get3A_19 = tpu.vector_load %arg6[%get3A] {strides = array<i32>} : memref<512xf32, #tpu.memory_space<vmem>>, vector<16xf32>,
      %get3A_20 = vector.shape_cast %get3A_19 : vector<16xf32> to vector<16xf32>
      %add3A_21 = arith.constant 0 : i32
      %add3A_22 = vector.broadcast %add3A_21 : i32 to vector<16xi32>
      %add3A_23 = arith.addi %shift_right_arithmetic3A_6, %add3A_22 : vector<16xi32>
      %lt3A = arith.constant 0 : i32
      %lt3A_24 = vector.broadcast %lt3A : i32 to vector<16xi32>
      %lt3A_25 = arith.cmpi slt, %add3A_23, %lt3A_24 : vector<16xi32>
      %add3A_26 = arith.constant 16 : i32
      %add3A_27 = vector.broadcast %add3A_26 : i32 to vector<16xi32>
      %add3A_28 = arith.addi %add3A_23, %add3A_27 : vector<16xi32>
      %select_n3A = arith.select %lt3A_25, %add3A_28, %add3A_23 : vector<16xi1>, vector<16xi32>
      %broadcast_in_dim3A = vector.shape_cast %select_n3A : vector<16xi32> to vector<16x1xi32>
      %gather3A = vector.shape_cast %broadcast_in_dim3A : vector<16x1xi32> to vector<16xi32>
      %gather3A_29 = tpu.dynamic_gather %get3A_20[%gather3A] in [0] : vector<16xf32>, vector<16xi32> -> vector<16xf32>
      %mul3A_30 = arith.constant 8 : i32
      %mul3A_31 = arith.muli %mul3A_30, %scan3A_15 : i32
      %add3A_32 = arith.constant 0 : i32
      %add3A_33 = arith.addi %mul3A_31, %add3A_32 : i32
      %mul3A_34 = arith.constant 16 : i32
      %mul3A_35 = arith.muli %mul3A_34, %add3A_33 : i32
      %get3A_36 = arith.index_cast %mul3A_35 : i32 to index
      %get3A_37 = tpu.vector_load %arg5[%get3A_36] {strides = array<i32>} : memref<4096xf32, #tpu.memory_space<vmem>>, vector<16xf32>,
      %get3A_38 = vector.shape_cast %get3A_37 : vector<16xf32> to vector<16xf32>
      %sub3A = arith.subf %get3A_38, %gather3A_29 : vector<16xf32>
      %div3A = arith.constant 0.00999999977 : f32
      %div3A_39 = vector.broadcast %div3A : f32 to vector<16xf32>
      %div3A_40 = arith.divf %sub3A, %div3A_39 : vector<16xf32>
      %neg3A = arith.constant 0.000000e+00 : f32
      %neg3A_41 = vector.broadcast %neg3A : f32 to vector<16xf32>
      %neg3A_42 = arith.subf %neg3A_41, %div3A_40 : vector<16xf32>
      %exp3A = math.exp %neg3A_42 : vector<16xf32>
      %add3A_43 = arith.constant 1.000000e+00 : f32
      %add3A_44 = vector.broadcast %add3A_43 : f32 to vector<16xf32>
      %add3A_45 = arith.addf %add3A_44, %exp3A : vector<16xf32>
      %div3A_46 = arith.constant 1.000000e+00 : f32
      %div3A_47 = vector.broadcast %div3A_46 : f32 to vector<16xf32>
      %div3A_48 = arith.divf %div3A_47, %add3A_45 : vector<16xf32>
      %swap3A = arith.index_cast %mul3A_35 : i32 to index
      %swap3A_49 = tpu.vector_load %arg7[%swap3A] {strides = array<i32>} : memref<4096xf32, #tpu.memory_space<vmem>>, vector<16xf32>,
      %swap3A_50 = vector.shape_cast %swap3A_49 : vector<16xf32> to vector<16xf32>
      %swap3A_51 = vector.shape_cast %div3A_48 : vector<16xf32> to vector<16xf32>
      tpu.vector_store %arg7[%swap3A], %swap3A_51 {strides = array<i32>} : memref<4096xf32, #tpu.memory_space<vmem>>, vector<16xf32>,
      %add3A_52 = arith.constant 2 : i32
      %add3A_53 = vector.broadcast %add3A_52 : i32 to vector<16xi32>
      %add3A_54 = arith.addi %shift_right_arithmetic3A_6, %add3A_53 : vector<16xi32>
      %lt3A_55 = arith.constant 0 : i32
      %lt3A_56 = vector.broadcast %lt3A_55 : i32 to vector<16xi32>
      %lt3A_57 = arith.cmpi slt, %add3A_54, %lt3A_56 : vector<16xi32>
      %add3A_58 = arith.constant 16 : i32
      %add3A_59 = vector.broadcast %add3A_58 : i32 to vector<16xi32>
      %add3A_60 = arith.addi %add3A_54, %add3A_59 : vector<16xi32>
      %select_n3A_61 = arith.select %lt3A_57, %add3A_60, %add3A_54 : vector<16xi1>, vector<16xi32>
      %broadcast_in_dim3A_62 = vector.shape_cast %select_n3A_61 : vector<16xi32> to vector<16x1xi32>
      %gather3A_63 = vector.shape_cast %broadcast_in_dim3A_62 : vector<16x1xi32> to vector<16xi32>
      %gather3A_64 = tpu.dynamic_gather %get3A_20[%gather3A_63] in [0] : vector<16xf32>, vector<16xi32> -> vector<16xf32>
      %mul3A_65 = arith.constant 8 : i32
      %mul3A_66 = arith.muli %mul3A_65, %scan3A_15 : i32
      %add3A_67 = arith.constant 1 : i32
      %add3A_68 = arith.addi %mul3A_66, %add3A_67 : i32
      %mul3A_69 = arith.constant 16 : i32
      %mul3A_70 = arith.muli %mul3A_69, %add3A_68 : i32
      %get3A_71 = arith.index_cast %mul3A_70 : i32 to index
      %get3A_72 = tpu.vector_load %arg5[%get3A_71] {strides = array<i32>} : memref<4096xf32, #tpu.memory_space<vmem>>, vector<16xf32>,
      %get3A_73 = vector.shape_cast %get3A_72 : vector<16xf32> to vector<16xf32>
      %sub3A_74 = arith.subf %get3A_73, %gather3A_64 : vector<16xf32>
      %div3A_75 = arith.constant 0.00999999977 : f32
      %div3A_76 = vector.broadcast %div3A_75 : f32 to vector<16xf32>
      %div3A_77 = arith.divf %sub3A_74, %div3A_76 : vector<16xf32>
      %neg3A_78 = arith.constant 0.000000e+00 : f32
      %neg3A_79 = vector.broadcast %neg3A_78 : f32 to vector<16xf32>
      %neg3A_80 = arith.subf %neg3A_79, %div3A_77 : vector<16xf32>
      %exp3A_81 = math.exp %neg3A_80 : vector<16xf32>
      %add3A_82 = arith.constant 1.000000e+00 : f32
      %add3A_83 = vector.broadcast %add3A_82 : f32 to vector<16xf32>
      %add3A_84 = arith.addf %add3A_83, %exp3A_81 : vector<16xf32>
      %div3A_85 = arith.constant 1.000000e+00 : f32
      %div3A_86 = vector.broadcast %div3A_85 : f32 to vector<16xf32>
      %div3A_87 = arith.divf %div3A_86, %add3A_84 : vector<16xf32>
      %swap3A_88 = arith.index_cast %mul3A_70 : i32 to index
      %swap3A_89 = tpu.vector_load %arg7[%swap3A_88] {strides = array<i32>} : memref<4096xf32, #tpu.memory_space<vmem>>, vector<16xf32>,
      %swap3A_90 = vector.shape_cast %swap3A_89 : vector<16xf32> to vector<16xf32>
      %swap3A_91 = vector.shape_cast %div3A_87 : vector<16xf32> to vector<16xf32>
      tpu.vector_store %arg7[%swap3A_88], %swap3A_91 {strides = array<i32>} : memref<4096xf32, #tpu.memory_space<vmem>>, vector<16xf32>,
      %add3A_92 = arith.constant 4 : i32
      %add3A_93 = vector.broadcast %add3A_92 : i32 to vector<16xi32>
      %add3A_94 = arith.addi %shift_right_arithmetic3A_6, %add3A_93 : vector<16xi32>
      %lt3A_95 = arith.constant 0 : i32
      %lt3A_96 = vector.broadcast %lt3A_95 : i32 to vector<16xi32>
      %lt3A_97 = arith.cmpi slt, %add3A_94, %lt3A_96 : vector<16xi32>
      %add3A_98 = arith.constant 16 : i32
      %add3A_99 = vector.broadcast %add3A_98 : i32 to vector<16xi32>
      %add3A_100 = arith.addi %add3A_94, %add3A_99 : vector<16xi32>
      %select_n3A_101 = arith.select %lt3A_97, %add3A_100, %add3A_94 : vector<16xi1>, vector<16xi32>
      %broadcast_in_dim3A_102 = vector.shape_cast %select_n3A_101 : vector<16xi32> to vector<16x1xi32>
      %gather3A_103 = vector.shape_cast %broadcast_in_dim3A_102 : vector<16x1xi32> to vector<16xi32>
      %gather3A_104 = tpu.dynamic_gather %get3A_20[%gather3A_103] in [0] : vector<16xf32>, vector<16xi32> -> vector<16xf32>
      %mul3A_105 = arith.constant 8 : i32
      %mul3A_106 = arith.muli %mul3A_105, %scan3A_15 : i32
      %add3A_107 = arith.constant 2 : i32
      %add3A_108 = arith.addi %mul3A_106, %add3A_107 : i32
      %mul3A_109 = arith.constant 16 : i32
      %mul3A_110 = arith.muli %mul3A_109, %add3A_108 : i32
      %get3A_111 = arith.index_cast %mul3A_110 : i32 to index
      %get3A_112 = tpu.vector_load %arg5[%get3A_111] {strides = array<i32>} : memref<4096xf32, #tpu.memory_space<vmem>>, vector<16xf32>,
      %get3A_113 = vector.shape_cast %get3A_112 : vector<16xf32> to vector<16xf32>
      %sub3A_114 = arith.subf %get3A_113, %gather3A_104 : vector<16xf32>
      %div3A_115 = arith.constant 0.00999999977 : f32
      %div3A_116 = vector.broadcast %div3A_115 : f32 to vector<16xf32>
      %div3A_117 = arith.divf %sub3A_114, %div3A_116 : vector<16xf32>
      %neg3A_118 = arith.constant 0.000000e+00 : f32
      %neg3A_119 = vector.broadcast %neg3A_118 : f32 to vector<16xf32>
      %neg3A_120 = arith.subf %neg3A_119, %div3A_117 : vector<16xf32>
      %exp3A_121 = math.exp %neg3A_120 : vector<16xf32>
      %add3A_122 = arith.constant 1.000000e+00 : f32
      %add3A_123 = vector.broadcast %add3A_122 : f32 to vector<16xf32>
      %add3A_124 = arith.addf %add3A_123, %exp3A_121 : vector<16xf32>
      %div3A_125 = arith.constant 1.000000e+00 : f32
      %div3A_126 = vector.broadcast %div3A_125 : f32 to vector<16xf32>
      %div3A_127 = arith.divf %div3A_126, %add3A_124 : vector<16xf32>
      %swap3A_128 = arith.index_cast %mul3A_110 : i32 to index
      %swap3A_129 = tpu.vector_load %arg7[%swap3A_128] {strides = array<i32>} : memref<4096xf32, #tpu.memory_space<vmem>>, vector<16xf32>,
      %swap3A_130 = vector.shape_cast %swap3A_129 : vector<16xf32> to vector<16xf32>
      %swap3A_131 = vector.shape_cast %div3A_127 : vector<16xf32> to vector<16xf32>
      tpu.vector_store %arg7[%swap3A_128], %swap3A_131 {strides = array<i32>} : memref<4096xf32, #tpu.memory_space<vmem>>, vector<16xf32>,
      %add3A_132 = arith.constant 6 : i32
      %add3A_133 = vector.broadcast %add3A_132 : i32 to vector<16xi32>
      %add3A_134 = arith.addi %shift_right_arithmetic3A_6, %add3A_133 : vector<16xi32>
      %lt3A_135 = arith.constant 0 : i32
      %lt3A_136 = vector.broadcast %lt3A_135 : i32 to vector<16xi32>
      %lt3A_137 = arith.cmpi slt, %add3A_134, %lt3A_136 : vector<16xi32>
      %add3A_138 = arith.constant 16 : i32
      %add3A_139 = vector.broadcast %add3A_138 : i32 to vector<16xi32>
      %add3A_140 = arith.addi %add3A_134, %add3A_139 : vector<16xi32>
      %select_n3A_141 = arith.select %lt3A_137, %add3A_140, %add3A_134 : vector<16xi1>, vector<16xi32>
      %broadcast_in_dim3A_142 = vector.shape_cast %select_n3A_141 : vector<16xi32> to vector<16x1xi32>
      %gather3A_143 = vector.shape_cast %broadcast_in_dim3A_142 : vector<16x1xi32> to vector<16xi32>
      %gather3A_144 = tpu.dynamic_gather %get3A_20[%gather3A_143] in [0] : vector<16xf32>, vector<16xi32> -> vector<16xf32>
      %mul3A_145 = arith.constant 8 : i32
      %mul3A_146 = arith.muli %mul3A_145, %scan3A_15 : i32
      %add3A_147 = arith.constant 3 : i32
      %add3A_148 = arith.addi %mul3A_146, %add3A_147 : i32
      %mul3A_149 = arith.constant 16 : i32
      %mul3A_150 = arith.muli %mul3A_149, %add3A_148 : i32
      %get3A_151 = arith.index_cast %mul3A_150 : i32 to index
      %get3A_152 = tpu.vector_load %arg5[%get3A_151] {strides = array<i32>} : memref<4096xf32, #tpu.memory_space<vmem>>, vector<16xf32>,
      %get3A_153 = vector.shape_cast %get3A_152 : vector<16xf32> to vector<16xf32>
      %sub3A_154 = arith.subf %get3A_153, %gather3A_144 : vector<16xf32>
      %div3A_155 = arith.constant 0.00999999977 : f32
      %div3A_156 = vector.broadcast %div3A_155 : f32 to vector<16xf32>
      %div3A_157 = arith.divf %sub3A_154, %div3A_156 : vector<16xf32>
      %neg3A_158 = arith.constant 0.000000e+00 : f32
      %neg3A_159 = vector.broadcast %neg3A_158 : f32 to vector<16xf32>
      %neg3A_160 = arith.subf %neg3A_159, %div3A_157 : vector<16xf32>
      %exp3A_161 = math.exp %neg3A_160 : vector<16xf32>
      %add3A_162 = arith.constant 1.000000e+00 : f32
      %add3A_163 = vector.broadcast %add3A_162 : f32 to vector<16xf32>
      %add3A_164 = arith.addf %add3A_163, %exp3A_161 : vector<16xf32>
      %div3A_165 = arith.constant 1.000000e+00 : f32
      %div3A_166 = vector.broadcast %div3A_165 : f32 to vector<16xf32>
      %div3A_167 = arith.divf %div3A_166, %add3A_164 : vector<16xf32>
      %swap3A_168 = arith.index_cast %mul3A_150 : i32 to index
      %swap3A_169 = tpu.vector_load %arg7[%swap3A_168] {strides = array<i32>} : memref<4096xf32, #tpu.memory_space<vmem>>, vector<16xf32>,
      %swap3A_170 = vector.shape_cast %swap3A_169 : vector<16xf32> to vector<16xf32>
      %swap3A_171 = vector.shape_cast %div3A_167 : vector<16xf32> to vector<16xf32>
      tpu.vector_store %arg7[%swap3A_168], %swap3A_171 {strides = array<i32>} : memref<4096xf32, #tpu.memory_space<vmem>>, vector<16xf32>,
      %add3A_172 = arith.constant 8 : i32
      %add3A_173 = vector.broadcast %add3A_172 : i32 to vector<16xi32>
      %add3A_174 = arith.addi %shift_right_arithmetic3A_6, %add3A_173 : vector<16xi32>
      %lt3A_175 = arith.constant 0 : i32
      %lt3A_176 = vector.broadcast %lt3A_175 : i32 to vector<16xi32>
      %lt3A_177 = arith.cmpi slt, %add3A_174, %lt3A_176 : vector<16xi32>
      %add3A_178 = arith.constant 16 : i32
      %add3A_179 = vector.broadcast %add3A_178 : i32 to vector<16xi32>
      %add3A_180 = arith.addi %add3A_174, %add3A_179 : vector<16xi32>
      %select_n3A_181 = arith.select %lt3A_177, %add3A_180, %add3A_174 : vector<16xi1>, vector<16xi32>
      %broadcast_in_dim3A_182 = vector.shape_cast %select_n3A_181 : vector<16xi32> to vector<16x1xi32>
      %gather3A_183 = vector.shape_cast %broadcast_in_dim3A_182 : vector<16x1xi32> to vector<16xi32>
      %gather3A_184 = tpu.dynamic_gather %get3A_20[%gather3A_183] in [0] : vector<16xf32>, vector<16xi32> -> vector<16xf32>
      %mul3A_185 = arith.constant 8 : i32
      %mul3A_186 = arith.muli %mul3A_185, %scan3A_15 : i32
      %add3A_187 = arith.constant 4 : i32
      %add3A_188 = arith.addi %mul3A_186, %add3A_187 : i32
      %mul3A_189 = arith.constant 16 : i32
      %mul3A_190 = arith.muli %mul3A_189, %add3A_188 : i32
      %get3A_191 = arith.index_cast %mul3A_190 : i32 to index
      %get3A_192 = tpu.vector_load %arg5[%get3A_191] {strides = array<i32>} : memref<4096xf32, #tpu.memory_space<vmem>>, vector<16xf32>,
      %get3A_193 = vector.shape_cast %get3A_192 : vector<16xf32> to vector<16xf32>
      %sub3A_194 = arith.subf %get3A_193, %gather3A_184 : vector<16xf32>
      %div3A_195 = arith.constant 0.00999999977 : f32
      %div3A_196 = vector.broadcast %div3A_195 : f32 to vector<16xf32>
      %div3A_197 = arith.divf %sub3A_194, %div3A_196 : vector<16xf32>
      %neg3A_198 = arith.constant 0.000000e+00 : f32
      %neg3A_199 = vector.broadcast %neg3A_198 : f32 to vector<16xf32>
      %neg3A_200 = arith.subf %neg3A_199, %div3A_197 : vector<16xf32>
      %exp3A_201 = math.exp %neg3A_200 : vector<16xf32>
      %add3A_202 = arith.constant 1.000000e+00 : f32
      %add3A_203 = vector.broadcast %add3A_202 : f32 to vector<16xf32>
      %add3A_204 = arith.addf %add3A_203, %exp3A_201 : vector<16xf32>
      %div3A_205 = arith.constant 1.000000e+00 : f32
      %div3A_206 = vector.broadcast %div3A_205 : f32 to vector<16xf32>
      %div3A_207 = arith.divf %div3A_206, %add3A_204 : vector<16xf32>
      %swap3A_208 = arith.index_cast %mul3A_190 : i32 to index
      %swap3A_209 = tpu.vector_load %arg7[%swap3A_208] {strides = array<i32>} : memref<4096xf32, #tpu.memory_space<vmem>>, vector<16xf32>,
      %swap3A_210 = vector.shape_cast %swap3A_209 : vector<16xf32> to vector<16xf32>
      %swap3A_211 = vector.shape_cast %div3A_207 : vector<16xf32> to vector<16xf32>
      tpu.vector_store %arg7[%swap3A_208], %swap3A_211 {strides = array<i32>} : memref<4096xf32, #tpu.memory_space<vmem>>, vector<16xf32>,
      %add3A_212 = arith.constant 10 : i32
      %add3A_213 = vector.broadcast %add3A_212 : i32 to vector<16xi32>
      %add3A_214 = arith.addi %shift_right_arithmetic3A_6, %add3A_213 : vector<16xi32>
      %lt3A_215 = arith.constant 0 : i32
      %lt3A_216 = vector.broadcast %lt3A_215 : i32 to vector<16xi32>
      %lt3A_217 = arith.cmpi slt, %add3A_214, %lt3A_216 : vector<16xi32>
      %add3A_218 = arith.constant 16 : i32
      %add3A_219 = vector.broadcast %add3A_218 : i32 to vector<16xi32>
      %add3A_220 = arith.addi %add3A_214, %add3A_219 : vector<16xi32>
      %select_n3A_221 = arith.select %lt3A_217, %add3A_220, %add3A_214 : vector<16xi1>, vector<16xi32>
      %broadcast_in_dim3A_222 = vector.shape_cast %select_n3A_221 : vector<16xi32> to vector<16x1xi32>
      %gather3A_223 = vector.shape_cast %broadcast_in_dim3A_222 : vector<16x1xi32> to vector<16xi32>
      %gather3A_224 = tpu.dynamic_gather %get3A_20[%gather3A_223] in [0] : vector<16xf32>, vector<16xi32> -> vector<16xf32>
      %mul3A_225 = arith.constant 8 : i32
      %mul3A_226 = arith.muli %mul3A_225, %scan3A_15 : i32
      %add3A_227 = arith.constant 5 : i32
      %add3A_228 = arith.addi %mul3A_226, %add3A_227 : i32
      %mul3A_229 = arith.constant 16 : i32
      %mul3A_230 = arith.muli %mul3A_229, %add3A_228 : i32
      %get3A_231 = arith.index_cast %mul3A_230 : i32 to index
      %get3A_232 = tpu.vector_load %arg5[%get3A_231] {strides = array<i32>} : memref<4096xf32, #tpu.memory_space<vmem>>, vector<16xf32>,
      %get3A_233 = vector.shape_cast %get3A_232 : vector<16xf32> to vector<16xf32>
      %sub3A_234 = arith.subf %get3A_233, %gather3A_224 : vector<16xf32>
      %div3A_235 = arith.constant 0.00999999977 : f32
      %div3A_236 = vector.broadcast %div3A_235 : f32 to vector<16xf32>
      %div3A_237 = arith.divf %sub3A_234, %div3A_236 : vector<16xf32>
      %neg3A_238 = arith.constant 0.000000e+00 : f32
      %neg3A_239 = vector.broadcast %neg3A_238 : f32 to vector<16xf32>
      %neg3A_240 = arith.subf %neg3A_239, %div3A_237 : vector<16xf32>
      %exp3A_241 = math.exp %neg3A_240 : vector<16xf32>
      %add3A_242 = arith.constant 1.000000e+00 : f32
      %add3A_243 = vector.broadcast %add3A_242 : f32 to vector<16xf32>
      %add3A_244 = arith.addf %add3A_243, %exp3A_241 : vector<16xf32>
      %div3A_245 = arith.constant 1.000000e+00 : f32
      %div3A_246 = vector.broadcast %div3A_245 : f32 to vector<16xf32>
      %div3A_247 = arith.divf %div3A_246, %add3A_244 : vector<16xf32>
      %swap3A_248 = arith.index_cast %mul3A_230 : i32 to index
      %swap3A_249 = tpu.vector_load %arg7[%swap3A_248] {strides = array<i32>} : memref<4096xf32, #tpu.memory_space<vmem>>, vector<16xf32>,
      %swap3A_250 = vector.shape_cast %swap3A_249 : vector<16xf32> to vector<16xf32>
      %swap3A_251 = vector.shape_cast %div3A_247 : vector<16xf32> to vector<16xf32>
      tpu.vector_store %arg7[%swap3A_248], %swap3A_251 {strides = array<i32>} : memref<4096xf32, #tpu.memory_space<vmem>>, vector<16xf32>,
      %add3A_252 = arith.constant 12 : i32
      %add3A_253 = vector.broadcast %add3A_252 : i32 to vector<16xi32>
      %add3A_254 = arith.addi %shift_right_arithmetic3A_6, %add3A_253 : vector<16xi32>
      %lt3A_255 = arith.constant 0 : i32
      %lt3A_256 = vector.broadcast %lt3A_255 : i32 to vector<16xi32>
      %lt3A_257 = arith.cmpi slt, %add3A_254, %lt3A_256 : vector<16xi32>
      %add3A_258 = arith.constant 16 : i32
      %add3A_259 = vector.broadcast %add3A_258 : i32 to vector<16xi32>
      %add3A_260 = arith.addi %add3A_254, %add3A_259 : vector<16xi32>
      %select_n3A_261 = arith.select %lt3A_257, %add3A_260, %add3A_254 : vector<16xi1>, vector<16xi32>
      %broadcast_in_dim3A_262 = vector.shape_cast %select_n3A_261 : vector<16xi32> to vector<16x1xi32>
      %gather3A_263 = vector.shape_cast %broadcast_in_dim3A_262 : vector<16x1xi32> to vector<16xi32>
      %gather3A_264 = tpu.dynamic_gather %get3A_20[%gather3A_263] in [0] : vector<16xf32>, vector<16xi32> -> vector<16xf32>
      %mul3A_265 = arith.constant 8 : i32
      %mul3A_266 = arith.muli %mul3A_265, %scan3A_15 : i32
      %add3A_267 = arith.constant 6 : i32
      %add3A_268 = arith.addi %mul3A_266, %add3A_267 : i32
      %mul3A_269 = arith.constant 16 : i32
      %mul3A_270 = arith.muli %mul3A_269, %add3A_268 : i32
      %get3A_271 = arith.index_cast %mul3A_270 : i32 to index
      %get3A_272 = tpu.vector_load %arg5[%get3A_271] {strides = array<i32>} : memref<4096xf32, #tpu.memory_space<vmem>>, vector<16xf32>,
      %get3A_273 = vector.shape_cast %get3A_272 : vector<16xf32> to vector<16xf32>
      %sub3A_274 = arith.subf %get3A_273, %gather3A_264 : vector<16xf32>
      %div3A_275 = arith.constant 0.00999999977 : f32
      %div3A_276 = vector.broadcast %div3A_275 : f32 to vector<16xf32>
      %div3A_277 = arith.divf %sub3A_274, %div3A_276 : vector<16xf32>
      %neg3A_278 = arith.constant 0.000000e+00 : f32
      %neg3A_279 = vector.broadcast %neg3A_278 : f32 to vector<16xf32>
      %neg3A_280 = arith.subf %neg3A_279, %div3A_277 : vector<16xf32>
      %exp3A_281 = math.exp %neg3A_280 : vector<16xf32>
      %add3A_282 = arith.constant 1.000000e+00 : f32
      %add3A_283 = vector.broadcast %add3A_282 : f32 to vector<16xf32>
      %add3A_284 = arith.addf %add3A_283, %exp3A_281 : vector<16xf32>
      %div3A_285 = arith.constant 1.000000e+00 : f32
      %div3A_286 = vector.broadcast %div3A_285 : f32 to vector<16xf32>
      %div3A_287 = arith.divf %div3A_286, %add3A_284 : vector<16xf32>
      %swap3A_288 = arith.index_cast %mul3A_270 : i32 to index
      %swap3A_289 = tpu.vector_load %arg7[%swap3A_288] {strides = array<i32>} : memref<4096xf32, #tpu.memory_space<vmem>>, vector<16xf32>,
      %swap3A_290 = vector.shape_cast %swap3A_289 : vector<16xf32> to vector<16xf32>
      %swap3A_291 = vector.shape_cast %div3A_287 : vector<16xf32> to vector<16xf32>
      tpu.vector_store %arg7[%swap3A_288], %swap3A_291 {strides = array<i32>} : memref<4096xf32, #tpu.memory_space<vmem>>, vector<16xf32>,
      %add3A_292 = arith.constant 14 : i32
      %add3A_293 = vector.broadcast %add3A_292 : i32 to vector<16xi32>
      %add3A_294 = arith.addi %shift_right_arithmetic3A_6, %add3A_293 : vector<16xi32>
      %lt3A_295 = arith.constant 0 : i32
      %lt3A_296 = vector.broadcast %lt3A_295 : i32 to vector<16xi32>
      %lt3A_297 = arith.cmpi slt, %add3A_294, %lt3A_296 : vector<16xi32>
      %add3A_298 = arith.constant 16 : i32
      %add3A_299 = vector.broadcast %add3A_298 : i32 to vector<16xi32>
      %add3A_300 = arith.addi %add3A_294, %add3A_299 : vector<16xi32>
      %select_n3A_301 = arith.select %lt3A_297, %add3A_300, %add3A_294 : vector<16xi1>, vector<16xi32>
      %broadcast_in_dim3A_302 = vector.shape_cast %select_n3A_301 : vector<16xi32> to vector<16x1xi32>
      %gather3A_303 = vector.shape_cast %broadcast_in_dim3A_302 : vector<16x1xi32> to vector<16xi32>
      %gather3A_304 = tpu.dynamic_gather %get3A_20[%gather3A_303] in [0] : vector<16xf32>, vector<16xi32> -> vector<16xf32>
      %mul3A_305 = arith.constant 8 : i32
      %mul3A_306 = arith.muli %mul3A_305, %scan3A_15 : i32
      %add3A_307 = arith.constant 7 : i32
      %add3A_308 = arith.addi %mul3A_306, %add3A_307 : i32
      %mul3A_309 = arith.constant 16 : i32
      %mul3A_310 = arith.muli %mul3A_309, %add3A_308 : i32
      %get3A_311 = arith.index_cast %mul3A_310 : i32 to index
      %get3A_312 = tpu.vector_load %arg5[%get3A_311] {strides = array<i32>} : memref<4096xf32, #tpu.memory_space<vmem>>, vector<16xf32>,
      %get3A_313 = vector.shape_cast %get3A_312 : vector<16xf32> to vector<16xf32>
      %sub3A_314 = arith.subf %get3A_313, %gather3A_304 : vector<16xf32>
      %div3A_315 = arith.constant 0.00999999977 : f32
      %div3A_316 = vector.broadcast %div3A_315 : f32 to vector<16xf32>
      %div3A_317 = arith.divf %sub3A_314, %div3A_316 : vector<16xf32>
      %neg3A_318 = arith.constant 0.000000e+00 : f32
      %neg3A_319 = vector.broadcast %neg3A_318 : f32 to vector<16xf32>
      %neg3A_320 = arith.subf %neg3A_319, %div3A_317 : vector<16xf32>
      %exp3A_321 = math.exp %neg3A_320 : vector<16xf32>
      %add3A_322 = arith.constant 1.000000e+00 : f32
      %add3A_323 = vector.broadcast %add3A_322 : f32 to vector<16xf32>
      %add3A_324 = arith.addf %add3A_323, %exp3A_321 : vector<16xf32>
      %div3A_325 = arith.constant 1.000000e+00 : f32
      %div3A_326 = vector.broadcast %div3A_325 : f32 to vector<16xf32>
      %div3A_327 = arith.divf %div3A_326, %add3A_324 : vector<16xf32>
      %swap3A_328 = arith.index_cast %mul3A_310 : i32 to index
      %swap3A_329 = tpu.vector_load %arg7[%swap3A_328] {strides = array<i32>} : memref<4096xf32, #tpu.memory_space<vmem>>, vector<16xf32>,
      %swap3A_330 = vector.shape_cast %swap3A_329 : vector<16xf32> to vector<16xf32>
      %swap3A_331 = vector.shape_cast %div3A_327 : vector<16xf32> to vector<16xf32>
      tpu.vector_store %arg7[%swap3A_328], %swap3A_331 {strides = array<i32>} : memref<4096xf32, #tpu.memory_space<vmem>>, vector<16xf32>,
      %scan3A_332 = arith.constant 0 : i32
      scf.yield %scan3A_332 : i32
    }
    %scan3A_12 = arith.constant 32 : i32
    %mul3A_13 = arith.constant 4096 : i32
    %mul3A_14 = arith.muli %mul3A_13, %add3A : i32
    "tpu.region"() ({
      %run_scoped3A = tpu.sem_alloc : memref<!tpu.dma_semaphore, #tpu.memory_space<semaphore_mem>>
      %dma_start3A = tpu.memref_slice %arg4[%mul3A_14] : memref<131072xf32, #tpu.memory_space<hbm>> -> memref<4096xf32, #tpu.memory_space<hbm>>
      %dma_start3A_15 = tpu.memref_slice %arg4[%mul3A_14] : memref<131072xf32, #tpu.memory_space<hbm>> -> memref<4096xf32, #tpu.memory_space<hbm>>
      tpu.enqueue_dma source(%arg7 : memref<4096xf32, #tpu.memory_space<vmem>>) target(%dma_start3A_15 : memref<4096xf32, #tpu.memory_space<hbm>>) target_semaphore(%run_scoped3A : memref<!tpu.dma_semaphore, #tpu.memory_space<semaphore_mem>>)
      %dma_wait3A = tpu.memref_slice %arg4[%mul3A_14] : memref<131072xf32, #tpu.memory_space<hbm>> -> memref<4096xf32, #tpu.memory_space<hbm>>
      %dma_wait3A_16 = tpu.memref_slice %arg4[%mul3A_14] : memref<131072xf32, #tpu.memory_space<hbm>> -> memref<4096xf32, #tpu.memory_space<hbm>>
      tpu.wait_dma2 semaphore(%run_scoped3A : memref<!tpu.dma_semaphore, #tpu.memory_space<semaphore_mem>>) src(%arg7 : memref<4096xf32, #tpu.memory_space<vmem>>) dst(%dma_wait3A_16 : memref<4096xf32, #tpu.memory_space<hbm>>)
      tpu.yield
    }) : () -> ()
    return
  }
}

</mosaic_0001>

<sc_bundles>
// kernel: body.8.cloned.1.call-start
scs
__scs_entry_jumppad:
0x0: {  	(pc) =	sbr.rel $0x88, $3  }
0x1: {  	(tag) =	ssettag $0x0;
	lr =	simm.s32 $0x1  }
0x2: {  	[smem:$0x3FA0] =	sst lr;
	_ =	strace $0xD0000000  }
0x3: {  	_ = 	snop  }
0x4: {  	_ = 	snop  }
0x5: {  	_ = 	snop  }
0x6: {  	_ = 	snop  }
0x7: {  	_ = 	snop  }
__scs_overlays_trampoline_lowered:
0x8: {  	[smem:$0x3FAF] =	sst s0  }
0x9: {  	[smem:$0x3FB0] =	sst s1  }
0xa: {  	[smem:$0x3FB1] =	sst s2  }
0xb: {  	[smem:$0x3FB2] =	sst s3  }
0xc: {  	[smem:$0x3FB3] =	sst s4  }
0xd: {  	[smem:$0x3FB4] =	sst s5  }
0xe: {  	[smem:$0x3FB5] =	sst s6  }
0xf: {  	[smem:$0x3FB6] =	sst s7  }
0x10: {  	[smem:$0x3FB7] =	sst s8  }
0x11: {  	[smem:$0x3FB8] =	sst s9;
	s0 =	simm.s32 @!p0 $0x0  }
0x12: {  	s1 =	sld [smem:$0x3F9E];
	s0 =	simm.s32 @p0 $0x1  }
0x13: {  	[smem:$0x3FB9] =	sst s0;
	s0 =	simm.s32 @!p1 $0x0  }
0x14: {  	s2 =	sld [smem:$0x3F9D];
	s0 =	simm.s32 @p1 $0x1  }
0x15: {  	[smem:$0x3FBA] =	sst s0;
	s0 =	simm.s32 @!p2 $0x0  }
0x16: {  	s3 =	sld [smem:$0x3FDB];
	s0 =	simm.s32 @p2 $0x1  }
0x17: {  	s4 =	simm.s32 $0x1BF5;
	[smem:$0x3FBC] =	sst s0  }
0x18: {  	s0 =	sld [smem:$0x3F9F];
	_ =	swait.ge [sflag:s4], $0x0  }
0x19: {  	s7 =	sld [smem:$0x3FA0]  }
0x1a: {  	s8 =	sadd.s32 $0xFFFFE003, lr  }
0x1b: {  	s9 =	sadd.s32 $0xFFFFFEF7, lr;
	s5 =	simm.s32 $0xFFFFFFFF;
	p2 =	slt.u32 s8, $0xFFFFF086  }
0x1c: {  	p1 =	slt.u32 s9, $0xF7A;
	s5 =	simm.s32 @!p2 $0x0  }
0x1d: {  	s5 =	simm.s32 @p1 $0x1;
	p0 =	seq.s32 s7, s2  }
0x1e: {  	s7 =	smul.u32 @!p0 $0xF7A, s2;
	p2 =	seq.s32 @!p0 s5, $0x0  }
0x1f: {  	s9 =	smul.u32 $0xF7A, s1;
	s8 =	simm.s32 @!p0 $0x1BF5;
	p2 =	por !p2, p0  }
0x20: {  	[sflag:s8] =	ssyncset.s32 @!p0 $0xFFFFF086;
	s6 =	sadd.s32 @!p0 s3, s7;
	s7 =	simm.s32 @!p0 $0x108  }
0x21: {  	s3 =	sadd.s32 s3, s9;
	s6 =	sadd.s32 @!p0 $0x88, s6;
	s7 =	simm.s32 @p2 $0x1082  }
0x22: {  	[simem:s7], [sflag:s8] =	dma.local @!p0 [hbm:s6], $0xF7A  }
0x23: {  	s9 =	sor.u32 $0xD0000000, s2;
	s6 =	simm.s32 $0x108;
	_ =	swait.ge @!p0 [sflag:s8], $0x0  }
0x24: {  	s3 =	sadd.s32 $0x88, s3;
	s6 =	simm.s32 @!p1 $0x1082;
	[sflag:s4] =	ssyncset.s32 $0xFFFFF086  }
0x25: {  	[simem:s6], [sflag:s4] =	dma.local [hbm:s3], $0xF7A  }
0x26: {  	[smem:$0x3FA0] =	sst s1;
	(tag) =	ssettag s2;
	_ =	strace s9  }
0x27: {  	s1 =	sld [smem:$0x3FB0]  }
0x28: {  	s2 =	sld [smem:$0x3FB1]  }
0x29: {  	s4 =	sld [smem:$0x3FB3]  }
0x2a: {  	p0 =	seq.s32 s5, $0x0;
	s5 =	sld [smem:$0x3FB4]  }
0x2b: {  	s6 =	sld [smem:$0x3FB5]  }
0x2c: {  	s7 =	sld [smem:$0x3FB6]  }
0x2d: {  	s3 =	simm.s32 $0x108;
	s8 =	sld [smem:$0x3FB7]  }
0x2e: {  	s3 =	simm.s32 @!p0 $0x1082;
	s9 =	sld [smem:$0x3FB8]  }
0x2f: {  	lr =	sadd.s32 s0, s3;
	s0 =	sld [smem:$0x3FAF]  }
0x30: {  	s3 =	sld [smem:$0x3FB2]  }
0x31: {  	[smem:$0x3FBB] =	sst s10  }
0x32: {  	s10 =	sld [smem:$0x3FB9];
	_ =	sdelay $0x3  }
0x33: {  	p0 =	seq.s32 s10, $0x1;
	s10 =	sld [smem:$0x3FBB];
	_ =	sdelay $0x3  }
0x34: {  	[smem:$0x3FBB] =	sst s10  }
0x35: {  	s10 =	sld [smem:$0x3FBA];
	_ =	sdelay $0x3  }
0x36: {  	p1 =	seq.s32 s10, $0x1;
	s10 =	sld [smem:$0x3FBB];
	_ =	sdelay $0x3  }
0x37: {  	[smem:$0x3FBB] =	sst s10  }
0x38: {  	s10 =	sld [smem:$0x3FBC]  }
0x39: {  	_ = 	snop;
	(pc) =	sbr.ind lr, $3  }
0x3a: {  	_ = 	snop  }
0x3b: {  	_ = 	snop  }
0x3c: {  	p2 =	seq.s32 s10, $0x1;
	s10 =	sld [smem:$0x3FBB]  }
0x3d: {  	_ =	shalt  }
0x3e: {  	_ =	shalt  }
0x3f: {  	_ =	shalt  }
0x40: {  	_ =	shalt  }
0x41: {  	_ =	shalt  }
0x42: {  	_ =	shalt  }
0x43: {  	_ =	shalt  }
0x44: {  	_ =	shalt  }
0x45: {  	_ =	shalt  }
0x46: {  	_ =	shalt  }
0x47: {  	_ =	shalt  }
0x48: {  	_ =	shalt  }
0x49: {  	_ =	shalt  }
0x4a: {  	_ =	shalt  }
0x4b: {  	_ =	shalt  }
0x4c: {  	_ =	shalt  }
0x4d: {  	_ =	shalt  }
0x4e: {  	_ =	shalt  }
0x4f: {  	_ =	shalt  }
0x50: {  	_ =	shalt  }
0x51: {  	_ =	shalt  }
0x52: {  	_ =	shalt  }
0x53: {  	_ =	shalt  }
0x54: {  	_ =	shalt  }
0x55: {  	_ =	shalt  }
0x56: {  	_ =	shalt  }
0x57: {  	_ =	shalt  }
0x58: {  	_ =	shalt  }
0x59: {  	_ =	shalt  }
0x5a: {  	_ =	shalt  }
0x5b: {  	_ =	shalt  }
0x5c: {  	_ =	shalt  }
0x5d: {  	_ =	shalt  }
0x5e: {  	_ =	shalt  }
0x5f: {  	_ =	shalt  }
0x60: {  	_ =	shalt  }
0x61: {  	_ =	shalt  }
0x62: {  	_ =	shalt  }
0x63: {  	_ =	shalt  }
0x64: {  	_ =	shalt  }
0x65: {  	_ =	shalt  }
0x66: {  	_ =	shalt  }
0x67: {  	_ =	shalt  }
0x68: {  	_ =	shalt  }
0x69: {  	_ =	shalt  }
0x6a: {  	_ =	shalt  }
0x6b: {  	_ =	shalt  }
0x6c: {  	_ =	shalt  }
0x6d: {  	_ =	shalt  }
0x6e: {  	_ =	shalt  }
0x6f: {  	_ =	shalt  }
0x70: {  	_ =	shalt  }
0x71: {  	_ =	shalt  }
0x72: {  	_ =	shalt  }
0x73: {  	_ =	shalt  }
0x74: {  	_ =	shalt  }
0x75: {  	_ =	shalt  }
0x76: {  	_ =	shalt  }
0x77: {  	_ =	shalt  }
0x78: {  	_ =	shalt  }
0x79: {  	_ =	shalt  }
0x7a: {  	_ =	shalt  }
0x7b: {  	_ =	shalt  }
0x7c: {  	_ =	shalt  }
0x7d: {  	_ =	shalt  }
0x7e: {  	_ =	shalt  }
0x7f: {  	_ =	shalt  }
0x80: {  	_ =	shalt  }
0x81: {  	_ =	shalt  }
0x82: {  	_ =	shalt  }
0x83: {  	_ =	shalt  }
0x84: {  	_ =	shalt  }
0x85: {  	_ =	shalt  }
0x86: {  	_ =	shalt  }
0x87: {  	_ =	shalt  }
.Lfunc_end0:
.L_simem_size_0:
called_computation_lowered:
.L_overlay_start_0:
0x88: {  	s2 =	sld [smem:$0x3FD9]  }
0x89: {  	s3 =	sld [smem:$0x3FFE];
	_ =	sdelay $0x1  }
0x8a: {  	s1 =	srdreg.scid  }
0x8b: {  	s0 =	sand.u32 $0x1, s1  }
0x8c: {  	s17 =	sshll.u32 s0, $0xA;
	s2 =	sadd.s32 s3, s2  }
0x8d: {  	s2 =	sadd.s32 s2, s17  }
0x8e: {  	[smem:$0x3FC7] =	sst s2  }
0x8f: {  	_ = 	snop  }
0x90: {  	s2 =	sld [smem:$0x3FD0];
	(tm) =	ssettm $0x1  }
0x91: {  	s18 =	sld [smem:$0x3FFB];
	_ =	sdelay $0x3  }
0x92: {  	_ =	strace s18  }
0x93: {  	s3 =	sld [smem:$0x3FFC];
	_ =	sdelay $0x3  }
0x94: {  	_ =	strace s3  }
0x95: {  	s3 =	sld [smem:$0x3FFD];
	_ =	sdelay $0x3  }
0x96: {  	_ =	strace s3  }
0x97: {  	_ =	strace $0x8FFFFFFF  }
0x98: {  	s19 =	sld [smem:$0x3FDB];
	_ =	sdelay $0x1  }
0x99: {  	s4 =	simm.s32 $_scs_section_size  }
0x9a: {  	s5 =	simm.s32 $_size__tile_overlayer_lowered;
	s6 =	simm.s32 $_tile_overlayer_lowered  }
0x9b: {  	s22 =	simm.s32 $0x1BFF;
	s21 =	sshll.u32 s6, $0x1;
	s3 =	sadd.s32 s4, s19  }
0x9c: {  	s7 =	simm.s32 $0x0;
	s20 =	sshll.u32 s5, $0x1;
	s5 =	sadd.s32 s21, s3  }
0x9d: {  	[timem:s7], [sflag:s22] =	dma.local [hbm:s5], s20  }
0x9e: {  	_ =	swait.ge [sflag:s22], s20  }
0x9f: {  	s4 =	ssub.s32 $0x0, s20;
	[sflag:s22] =	ssyncset.done $0x0  }
0xa0: {  	[sflag:s22] =	ssyncadd.s32 s4;
	_ =	sdelay $0x1  }
0xa1: {  	s23 =	simm.s32 $0x1B8B  }
0xa2: {  	_ =	swait.ge [sflag:s23], $0x1  }
0xa3: {  	[sflag:s23] =	ssyncset.done $0x0  }
0xa4: {  	s25 =	simm.s32 $0x1B8E;
	s24 =	sld [smem:$0x3FFE];
	[sflag:s23] =	ssyncadd.s32 $0xFFFFFFFF  }
0xa5: {  	s26 =	simm.s32 $execute0_lowered;
	[smem:$0x3FD2] =	sst s25  }
0xa6: {  	s5 =	sshll.u32 s26, $0x1;
	_ =	strace $0x8000004C;
	[dreg:$0x1] =	wrdreg $0xFFFFFFFF  }
0xa7: {  	s28 =	simm.s32 $_size_execute0_lowered;
	s3 =	sadd.s32 s3, s5;
	[dreg:$0x0] =	wrdreg $0x0  }
0xa8: {  	s5 =	sshll.u32 s28, $0x1;
	[dreg:$0x2] =	wrdreg s3  }
0xa9: {  	[dreg:$0x3] =	wrdreg s5  }
0xaa: {  	[dreg:$0x4] =	wrdreg $0xC0  }
0xab: {  	_ =	task [dreg:s7], $0x5FFFF  }
0xac: {  	[dreg:$0x1] =	wrdreg $0xFFFFFFFF  }
0xad: {  	[dreg:$0x0] =	wrdreg $0x60  }
0xae: {  	[dreg:$0x2] =	wrdreg s2  }
0xaf: {  	[dreg:$0x3] =	wrdreg s24  }
0xb0: {  	[dreg:$0x4] =	wrdreg $0x9  }
0xb1: {  	_ =	task.clear_ibuf [dreg:s7], $0x5FFFF;
	_ =	strace $0x9000004C  }
0xb2: {  	s29 =	simm.s32 $0x9;
	_ =	strace $0x8000004E  }
0xb3: {  	_ =	swait.ge [sflag:s29], $0x1  }
0xb4: {  	[sflag:s29] =	ssyncadd.s32 $0xFFFFFFFF  }
0xb5: {  	_ =	strace $0x9000004E  }
0xb6: {  	_ =	sfence  }
0xb7: {  	s30 =	sld [smem:$0x0];
	_ =	sdelay $0x2  }
0xb8: {  	s31 =	sshll.u32 s1, $0xD;
	s1 =	sshrl.u32 s1, $0x2  }
0xb9: {  	s3 =	sand.u32 $0x4000, s31;
	s1 =	sadd.s32 s1, s30  }
0xba: {  	s0 =	sor.u32 s3, s0;
	s1 =	sshll.u32 s1, $0x11  }
0xbb: {  	s0 =	sor.u32 s1, s0  }
0xbc: {  	s0 =	sadd.s32 $0x8F2B, s0  }
0xbd: {  	[sflag:s0] =	ssyncadd.remote.s32 $0x1  }
0xbe: {  	_ =	sfence.sel $0xFFFF  }
0xbf: {  	[dreg:$0x0] =	wrdreg $0xFFFFFFFF;
	(pc) =	sbr.abs _section_cstart, $3  }
0xc0: {  	[dreg:$0x1] =	wrdreg $0xFFFFFFFF  }
0xc1: {  	_ =	task.clear_ibuf [dreg:s7], $0x2FFFF;
	_ =	strace $0x9FFFFFFF  }
0xc2: {  	(tm) =	ssettm $0x7FFFFFFF  }
0xc3: {  	_ =	shalt  }
tec
execute0_lowered:
.L_overlay_start_1:
0x0: {  	(tag) =	ssettag $0x1  }
0x1: {  	v0 =	vimm.f32 $9.999999770e-03;
	v1 =	vimm.s32 $0x67452301;
	v2 =	vimm.s32 $0xDCFE98BA  }
0x2: {  	s3 =	rddreg [dreg:$0x0];
	v3 =	vimm.s32 $0x54761032;
	v4 =	vimm.s32 $0xBA98FEDC;
	v5 =	vimm.s32 $0x32107654  }
0x3: {  	s4 =	rddreg [dreg:$0x1];
	s1 =	simm.s32 $0x0;
	v7 =	vlaneseq.u32;
	vm0 =	vmmov $0x3;
	vm1 =	vmmov $0xf  }
0x4: {  	vm2 =	vmmov $0x3f;
	vm3 =	vmmov $0xff;
	vm4 =	vmmov $0x3ff;
	[smem:$0x7FF] =	sst s1  }
0x5: {  	s0 =	rddreg [dreg:$0x2];
	v1 =	vunpack.c.l.s4.s8 v1;
	v2 =	vunpack.c.l.s4.s8 v2;
	v3 =	vunpack.c.l.s4.s8 v3;
	_ =	strace $0x8000004D  }
0x6: {  	v4 =	vunpack.c.l.s4.s8 v4;
	v5 =	vunpack.c.l.s4.s8 v5;
	(erf) = vrcp.f32 v0  }
0x7: {  	v0 =	vimm.s32 $0xEFCDAB89;
	v2 =	vunpack.c.0.s8.s32 v2;
	v3 =	vunpack.c.0.s8.s32 v3  }
0x8: {  	s5 =	srdreg.scid;
	s2 =	stileid.u32;
	v4 =	vunpack.c.0.s8.s32 v4;
	v5 =	vunpack.c.0.s8.s32 v5;
	v0 =	vunpack.c.l.s4.s8 v0  }
0x9: {  	vm5 =	vmmov $0xfff;
	s10 =	simm.s32 $0x1200;
	s5 =	sand.u32 $0x1, s5;
	s6 =	sshll.u32 s2, $0x1;
	v1 =	vunpack.c.0.s8.s32 v1;
	v3 =	vcombine.low v3, v2  }
0xa: {  	s11 =	simm.s32 $0x1400;
	s12 =	simm.s32 $0x0;
	s6 =	sor.u32 s5, s6;
	v4 =	vcombine.low v5, v4;
	v5 =	vand.u32 $0x1, v7;
	v0 =	vunpack.c.0.s8.s32 v0  }
0xb: {  	vm6 =	vmmov $0x3fff;
	s5 =	ssub.s32 $0x2, s5;
	s7 =	sshll.u32 s6, $0x6;
	s8 =	sshll.u32 s6, $0x1;
	v5 =	vmul.u32 $0x8, v5;
	v3 =	vand.u32 $0xF, v3  }
0xc: {  	s9 =	sshrl.u32 s5, $0x1;
	s6 =	sshll.u32 s6, $0x9;
	s7 =	sadd.s32 s7, s4;
	v4 =	vand.u32 $0xF, v4;
	v6 =	vcombine.low v1, v0;
	v1 =	vshrl.u32 v7, $0x3  }
0xd: {  	s8 =	sadd.s32 s8, s4;
	s9 =	ssub.s32 s5, s9;
	s3 =	sadd.s32 s3, s6;
	v0 =	vimm.f32 $0.0e+00;
	v7 =	vor.u32 $0x4, v1;
	v8 =	vor.u32 $0x6, v1  }
0xe: {  	s4 =	sadd.s32 $0xE00, s7;
	s5 =	sadd.s32 $0x1C00, s7;
	s6 =	sadd.s32 $0x1A00, s8;
	v9 =	vor.u32 $0x8, v1;
	v10 =	vor.u32 $0xA, v1;
	v11 =	vor.u32 $0xC, v1  }
0xf: {  	s7 =	smax.u32 s9, $0x1;
	s8 =	simm.s32 $0x1;
	s9 =	simm.s32 $0x1000;
	v13 =	vor.u32 $0xE, v1;
	v2 =	vand.u32 $0xF, v6;
	v6 =	vor.u32 $0x2, v1;
	v12 =	vpop (erf)  }
.LBB2_1:
0x10: {  	[tilespmem:s1], [sflag:$0x1] =	stream.linear.gather [hbm4b:s3+s1], $0x1000, $0x38;
	[tilespmem:$0x1480] =	vst v63  }
0x11: {  	_ =	swait.ge [sflag:s8], $0x1000  }
0x12: {  	[sflag:s8] =	ssyncset.done $0x0  }
0x13: {  	[sflag:s8] =	ssyncadd.s32 $0xFFFFF000  }
0x14: {  	[tilespmem:s9], [sflag:$0x1] =	stream.linear.gather [hbm4b:s4+s1], $0x200, $0x38;
	[tilespmem:$0x1480] =	vst v63  }
0x15: {  	_ =	swait.ge [sflag:s8], $0x200  }
0x16: {  	[sflag:s8] =	ssyncset.done $0x0  }
0x17: {  	[sflag:s8] =	ssyncadd.s32 $0xFFFFFE00  }
0x18: {  	s13 =	simm.s32 $0x40;
	s14 =	simm.s32 $0x0;
	[tilespmem:$0x1400] =	vst v0  }
.LBB2_2:
0x19: {  	s15 =	sshra.s32 s14, $0x2  }
0x1a: {  	v17 =	vld [tilespmem:s15+$0x1000];
	_ =	sdelay $0x1  }
0x1b: {  	v14 =	vld [tilespmem:s13+$0xFFFFFFC0];
	_ =	sdelay $0x2  }
0x1c: {  	v15 =	vperm.xlane v17, v1;
	_ =	sdelay $0x1  }
0x1d: {  	v14 =	vsub.f32 v14, v15;
	_ =	sdelay $0x1  }
0x1e: {  	v14 =	vmul.f32 v14, v12;
	_ =	sdelay $0x1  }
0x1f: {  	v14 =	vsub.f32 $0.0e+00, v14;
	_ =	sdelay $0x1  }
0x20: {  	v14 =	vmul.f32 $1.442695020e+00, v14;
	_ =	sdelay $0x1  }
0x21: {  	(erf) = vpow2.f32 v14;
	_ =	sdelay $0x8  }
0x22: {  	v14 =	vpop (erf)  }
0x23: {  	v14 =	vadd.f32 $1.000000000e+00, v14;
	_ =	sdelay $0x1  }
0x24: {  	(erf) = vrcp.f32 v14;
	_ =	sdelay $0x7  }
0x25: {  	v15 =	vld [tilespmem:$0x1400]  }
0x26: {  	v14 =	vpop (erf)  }
0x27: {  	v16 =	vsub.f32 $1.000000000e+00, v14;
	_ =	sdelay $0x1  }
0x28: {  	v16 =	vmul.f32 v16, v14  }
0x29: {  	v19 =	vadd.f32 v14, v15  }
0x2a: {  	v15 =	vperm.xlane v16, v2  }
0x2b: {  	[tilespmem:$0x1400] =	vst v19  }
0x2c: {  	v37 =	vld [tilespmem:s13+$0xFFFFFFD0];
	v15 =	vadd.f32 v16, v15;
	_ =	sdelay $0x1  }
0x2d: {  	v18 =	vperm.xlane v15, v3  }
0x2e: {  	v20 =	vperm.xlane v17, v6  }
0x2f: {  	v15 =	vadd.f32 v15, v18  }
0x30: {  	v16 =	vsub.f32 v37, v20  }
0x31: {  	v18 =	vperm.xlane v15, v4  }
0x32: {  	v16 =	vmul.f32 v16, v12  }
0x33: {  	v15 =	vadd.f32 v15, v18  }
0x34: {  	v16 =	vsub.f32 $0.0e+00, v16  }
0x35: {  	v15 =	vmul.f32 $-1.000000000e+02, v15  }
0x36: {  	v16 =	vmul.f32 $1.442695020e+00, v16  }
0x37: {  	(erf) = vrcp.f32 v15  }
0x38: {  	(erf) = vpow2.f32 v16;
	_ =	sdelay $0x7  }
0x39: {  	v15 =	vpop (erf)  }
0x3a: {  	v16 =	vpop (erf)  }
0x3b: {  	v16 =	vadd.f32 $1.000000000e+00, v16;
	_ =	sdelay $0x1  }
0x3c: {  	(erf) = vrcp.f32 v16;
	_ =	sdelay $0x8  }
0x3d: {  	v38 =	vpop (erf)  }
0x3e: {  	v39 =	vsub.f32 $1.000000000e+00, v38;
	_ =	sdelay $0x1  }
0x3f: {  	v16 =	vmul.f32 v39, v38  }
0x40: {  	v40 =	vadd.f32 v38, v19  }
0x41: {  	v41 =	vperm.xlane v16, v2  }
0x42: {  	[tilespmem:$0x1400] =	vst v40  }
0x43: {  	v42 =	vld [tilespmem:s13+$0xFFFFFFE0];
	v16 =	vadd.f32 v16, v41;
	_ =	sdelay $0x1  }
0x44: {  	v21 =	vperm.xlane v16, v3  }
0x45: {  	v22 =	vperm.xlane v17, v7  }
0x46: {  	v16 =	vadd.f32 v16, v21  }
0x47: {  	v19 =	vsub.f32 v42, v22  }
0x48: {  	v21 =	vperm.xlane v16, v4  }
0x49: {  	v19 =	vmul.f32 v19, v12  }
0x4a: {  	v16 =	vadd.f32 v16, v21  }
0x4b: {  	v19 =	vsub.f32 $0.0e+00, v19  }
0x4c: {  	v16 =	vmul.f32 $-1.000000000e+02, v16  }
0x4d: {  	v19 =	vmul.f32 $1.442695020e+00, v19  }
0x4e: {  	(erf) = vrcp.f32 v16  }
0x4f: {  	(erf) = vpow2.f32 v19;
	_ =	sdelay $0x7  }
0x50: {  	v43 =	vpop (erf)  }
0x51: {  	v44 =	vpop (erf)  }
0x52: {  	v16 =	vadd.f32 $1.000000000e+00, v44;
	_ =	sdelay $0x1  }
0x53: {  	(erf) = vrcp.f32 v16;
	_ =	sdelay $0x8  }
0x54: {  	v45 =	vpop (erf)  }
0x55: {  	v46 =	vsub.f32 $1.000000000e+00, v45;
	_ =	sdelay $0x1  }
0x56: {  	v16 =	vmul.f32 v46, v45  }
0x57: {  	v20 =	vadd.f32 v45, v40  }
0x58: {  	v47 =	vperm.xlane v16, v2  }
0x59: {  	[tilespmem:$0x1400] =	vst v20  }
0x5a: {  	v48 =	vld [tilespmem:s13+$0xFFFFFFF0];
	v16 =	vadd.f32 v16, v47;
	_ =	sdelay $0x1  }
0x5b: {  	v23 =	vperm.xlane v16, v3  }
0x5c: {  	v24 =	vperm.xlane v17, v8  }
0x5d: {  	v16 =	vadd.f32 v16, v23  }
0x5e: {  	v22 =	vsub.f32 v48, v24  }
0x5f: {  	v23 =	vperm.xlane v16, v4  }
0x60: {  	v22 =	vmul.f32 v22, v12  }
0x61: {  	v16 =	vadd.f32 v16, v23  }
0x62: {  	v22 =	vsub.f32 $0.0e+00, v22  }
0x63: {  	v16 =	vmul.f32 $-1.000000000e+02, v16  }
0x64: {  	v22 =	vmul.f32 $1.442695020e+00, v22  }
0x65: {  	(erf) = vrcp.f32 v16  }
0x66: {  	(erf) = vpow2.f32 v22;
	_ =	sdelay $0x7  }
0x67: {  	v16 =	vpop (erf)  }
0x68: {  	v22 =	vpop (erf)  }
0x69: {  	v22 =	vadd.f32 $1.000000000e+00, v22;
	_ =	sdelay $0x1  }
0x6a: {  	(erf) = vrcp.f32 v22;
	_ =	sdelay $0x8  }
0x6b: {  	v22 =	vpop (erf)  }
0x6c: {  	v49 =	vsub.f32 $1.000000000e+00, v22;
	_ =	sdelay $0x1  }
0x6d: {  	v23 =	vmul.f32 v49, v22  }
0x6e: {  	v50 =	vadd.f32 v22, v20  }
0x6f: {  	v51 =	vperm.xlane v23, v2  }
0x70: {  	[tilespmem:$0x1400] =	vst v50  }
0x71: {  	v52 =	vld [tilespmem:s13+$0x0];
	v20 =	vadd.f32 v23, v51;
	_ =	sdelay $0x1  }
0x72: {  	v25 =	vperm.xlane v20, v3  }
0x73: {  	v26 =	vperm.xlane v17, v9  }
0x74: {  	v20 =	vadd.f32 v20, v25  }
0x75: {  	v23 =	vsub.f32 v52, v26  }
0x76: {  	v25 =	vperm.xlane v20, v4  }
0x77: {  	v23 =	vmul.f32 v23, v12  }
0x78: {  	v20 =	vadd.f32 v20, v25  }
0x79: {  	v23 =	vsub.f32 $0.0e+00, v23  }
0x7a: {  	v20 =	vmul.f32 $-1.000000000e+02, v20  }
0x7b: {  	v23 =	vmul.f32 $1.442695020e+00, v23  }
0x7c: {  	(erf) = vrcp.f32 v20  }
0x7d: {  	(erf) = vpow2.f32 v23;
	_ =	sdelay $0x7  }
0x7e: {  	v20 =	vpop (erf)  }
0x7f: {  	v23 =	vpop (erf)  }
0x80: {  	v23 =	vadd.f32 $1.000000000e+00, v23;
	_ =	sdelay $0x1  }
0x81: {  	(erf) = vrcp.f32 v23;
	_ =	sdelay $0x8  }
0x82: {  	v23 =	vpop (erf)  }
0x83: {  	v53 =	vsub.f32 $1.000000000e+00, v23;
	_ =	sdelay $0x1  }
0x84: {  	v25 =	vmul.f32 v53, v23  }
0x85: {  	v24 =	vadd.f32 v23, v50  }
0x86: {  	v54 =	vperm.xlane v25, v2  }
0x87: {  	[tilespmem:$0x1400] =	vst v24  }
0x88: {  	v55 =	vld [tilespmem:s13+$0x10];
	v25 =	vadd.f32 v25, v54;
	_ =	sdelay $0x1  }
0x89: {  	v27 =	vperm.xlane v25, v3  }
0x8a: {  	v28 =	vperm.xlane v17, v10  }
0x8b: {  	v25 =	vadd.f32 v25, v27  }
0x8c: {  	v26 =	vsub.f32 v55, v28  }
0x8d: {  	v27 =	vperm.xlane v25, v4  }
0x8e: {  	v26 =	vmul.f32 v26, v12  }
0x8f: {  	v25 =	vadd.f32 v25, v27  }
0x90: {  	v26 =	vsub.f32 $0.0e+00, v26  }
0x91: {  	v25 =	vmul.f32 $-1.000000000e+02, v25  }
0x92: {  	v26 =	vmul.f32 $1.442695020e+00, v26  }
0x93: {  	(erf) = vrcp.f32 v25  }
0x94: {  	(erf) = vpow2.f32 v26;
	_ =	sdelay $0x7  }
0x95: {  	v25 =	vpop (erf)  }
0x96: {  	v26 =	vpop (erf)  }
0x97: {  	v26 =	vadd.f32 $1.000000000e+00, v26;
	_ =	sdelay $0x1  }
0x98: {  	(erf) = vrcp.f32 v26;
	_ =	sdelay $0x8  }
0x99: {  	v26 =	vpop (erf)  }
0x9a: {  	v56 =	vsub.f32 $1.000000000e+00, v26;
	_ =	sdelay $0x1  }
0x9b: {  	v27 =	vmul.f32 v56, v26  }
0x9c: {  	v24 =	vadd.f32 v26, v24  }
0x9d: {  	v57 =	vperm.xlane v27, v2  }
0x9e: {  	[tilespmem:$0x1400] =	vst v24  }
0x9f: {  	v58 =	vld [tilespmem:s13+$0x20];
	v27 =	vadd.f32 v27, v57;
	_ =	sdelay $0x1  }
0xa0: {  	v29 =	vperm.xlane v27, v3  }
0xa1: {  	v30 =	vperm.xlane v17, v11  }
0xa2: {  	v27 =	vadd.f32 v27, v29  }
0xa3: {  	v28 =	vsub.f32 v58, v30  }
0xa4: {  	v29 =	vperm.xlane v27, v4  }
0xa5: {  	v28 =	vmul.f32 v28, v12  }
0xa6: {  	v27 =	vadd.f32 v27, v29  }
0xa7: {  	v28 =	vsub.f32 $0.0e+00, v28  }
0xa8: {  	v27 =	vmul.f32 $-1.000000000e+02, v27  }
0xa9: {  	v28 =	vmul.f32 $1.442695020e+00, v28  }
0xaa: {  	(erf) = vrcp.f32 v27  }
0xab: {  	(erf) = vpow2.f32 v28;
	_ =	sdelay $0x7  }
0xac: {  	v27 =	vpop (erf)  }
0xad: {  	v28 =	vpop (erf)  }
0xae: {  	v28 =	vadd.f32 $1.000000000e+00, v28;
	_ =	sdelay $0x1  }
0xaf: {  	(erf) = vrcp.f32 v28;
	_ =	sdelay $0x8  }
0xb0: {  	v28 =	vpop (erf)  }
0xb1: {  	v59 =	vsub.f32 $1.000000000e+00, v28;
	_ =	sdelay $0x1  }
0xb2: {  	v29 =	vmul.f32 v59, v28  }
0xb3: {  	v24 =	vadd.f32 v28, v24  }
0xb4: {  	v60 =	vperm.xlane v29, v2  }
0xb5: {  	[tilespmem:$0x1400] =	vst v24  }
0xb6: {  	v61 =	vld [tilespmem:s13+$0x30];
	v29 =	vadd.f32 v29, v60;
	_ =	sdelay $0x1  }
0xb7: {  	v31 =	vperm.xlane v29, v3  }
0xb8: {  	v17 =	vperm.xlane v17, v13  }
0xb9: {  	v29 =	vadd.f32 v29, v31  }
0xba: {  	v17 =	vsub.f32 v61, v17  }
0xbb: {  	v62 =	vperm.xlane v29, v4  }
0xbc: {  	v17 =	vmul.f32 v17, v12  }
0xbd: {  	v29 =	vadd.f32 v29, v62  }
0xbe: {  	v17 =	vsub.f32 $0.0e+00, v17  }
0xbf: {  	v29 =	vmul.f32 $-1.000000000e+02, v29  }
0xc0: {  	v17 =	vmul.f32 $1.442695020e+00, v17  }
0xc1: {  	(erf) = vrcp.f32 v29  }
0xc2: {  	(erf) = vpow2.f32 v17;
	_ =	sdelay $0x7  }
0xc3: {  	v63 =	vpop (erf)  }
0xc4: {  	v35 =	vpop (erf)  }
0xc5: {  	v29 =	vadd.f32 $1.000000000e+00, v35;
	_ =	sdelay $0x1  }
0xc6: {  	(erf) = vrcp.f32 v29;
	_ =	sdelay $0x2  }
0xc7: {  	v37 =	vperm.xlane v38, v2;
	_ =	sdelay $0x1  }
0xc8: {  	v36 =	vperm.xlane v14, v2;
	v18 =	vadd.f32 v38, v37;
	_ =	sdelay $0x1  }
0xc9: {  	v14 =	vadd.f32 v14, v36;
	v30 =	vperm.xlane v18, v3;
	_ =	sdelay $0x1  }
0xca: {  	v18 =	vadd.f32 v18, v30;
	v29 =	vperm.xlane v14, v3;
	v38 =	vpop (erf)  }
0xcb: {  	v39 =	vsub.f32 $1.000000000e+00, v38  }
0xcc: {  	v32 =	vperm.xlane v18, v4;
	v14 =	vadd.f32 v14, v29  }
0xcd: {  	v30 =	vmul.f32 v39, v38  }
0xce: {  	v18 =	vadd.f32 v18, v32;
	v40 =	vperm.xlane v14, v4  }
0xcf: {  	v42 =	vperm.xlane v30, v2  }
0xd0: {  	v18 =	vadd.f32 $-2.000000000e+00, v18;
	v14 =	vadd.f32 v14, v40  }
0xd1: {  	v41 =	vperm.xlane v45, v2;
	v44 =	vperm.xlane v22, v2;
	v30 =	vadd.f32 v30, v42  }
0xd2: {  	v46 =	vperm.xlane v23, v2;
	v18 =	vmul.f32 v43, v18;
	v14 =	vadd.f32 $-2.000000000e+00, v14  }
0xd3: {  	v21 =	vadd.f32 v45, v41;
	v47 =	vperm.xlane v26, v2;
	v43 =	vperm.xlane v30, v3  }
0xd4: {  	v18 =	vperm.xlane v18, v5;
	v14 =	vmul.f32 v15, v14  }
0xd5: {  	v50 =	vperm.xlane v28, v2;
	v15 =	vperm.xlane v21, v3;
	v19 =	vadd.f32 v30, v43  }
0xd6: {  	v51 =	vperm.xlane v38, v2;
	v14 =	vperm.xlane v14, v5  }
0xd7: {  	v15 =	vadd.f32 v21, v15;
	v21 =	vadd.f32 v22, v44;
	v48 =	vperm.xlane v19, v4  }
0xd8: {  	v22 =	vadd.f32 v23, v46;
	v23 =	vadd.f32 v28, v50;
	v14 =	vsel vm0, v14, v18  }
0xd9: {  	v49 =	vperm.xlane v21, v3;
	v18 =	vadd.f32 v26, v47;
	v19 =	vadd.f32 v19, v48  }
0xda: {  	v45 =	vperm.xlane v15, v4;
	v52 =	vperm.xlane v22, v3;
	v26 =	vadd.f32 v38, v51  }
0xdb: {  	v21 =	vadd.f32 v21, v49;
	v53 =	vperm.xlane v18, v3;
	v19 =	vmul.f32 $-1.000000000e+02, v19  }
0xdc: {  	v54 =	vperm.xlane v23, v3;
	v22 =	vadd.f32 v22, v52;
	v55 =	vperm.xlane v26, v3  }
0xdd: {  	v32 =	vperm.xlane v21, v4;
	v18 =	vadd.f32 v18, v53;
	(erf) = vrcp.f32 v19  }
0xde: {  	v15 =	vadd.f32 v15, v45;
	v23 =	vadd.f32 v23, v54;
	v56 =	vperm.xlane v22, v4  }
0xdf: {  	v21 =	vadd.f32 v21, v32;
	v57 =	vperm.xlane v18, v4;
	v19 =	vadd.f32 v26, v55  }
0xe0: {  	v15 =	vadd.f32 $-2.000000000e+00, v15;
	v58 =	vperm.xlane v23, v4;
	v22 =	vadd.f32 v22, v56  }
0xe1: {  	v21 =	vadd.f32 $-2.000000000e+00, v21;
	v18 =	vadd.f32 v18, v57;
	v59 =	vperm.xlane v19, v4  }
0xe2: {  	v15 =	vmul.f32 v16, v15;
	v60 =	vadd.f32 v23, v58;
	v22 =	vadd.f32 $-2.000000000e+00, v22  }
0xe3: {  	v20 =	vmul.f32 v20, v21;
	v18 =	vadd.f32 $-2.000000000e+00, v18;
	v19 =	vadd.f32 v19, v59  }
0xe4: {  	v15 =	vperm.xlane v15, v5;
	v16 =	vadd.f32 $-2.000000000e+00, v60;
	v61 =	vmul.f32 v25, v22  }
0xe5: {  	v18 =	vmul.f32 v27, v18;
	v20 =	vperm.xlane v20, v5;
	v19 =	vadd.f32 $-2.000000000e+00, v19  }
0xe6: {  	v14 =	vsel vm1, v14, v15;
	v16 =	vmul.f32 v63, v16;
	v15 =	vperm.xlane v61, v5;
	v62 =	vpop (erf)  }
0xe7: {  	p0 =	sne.s32 s14, $0x7C0;
	v14 =	vsel vm2, v14, v20;
	v18 =	vperm.xlane v18, v5;
	v17 =	vmul.f32 v62, v19  }
.Ltmp0:
0xe8: {  	v14 =	vsel vm3, v14, v15;
	v15 =	vperm.xlane v16, v5;
	(pc) =	sbr.rel @p0 .LBB2_2-.Ltmp0, $4  }
0xe9: {  	v63 =	vadd.f32 v38, v24;
	v14 =	vsel vm4, v14, v18;
	v17 =	vperm.xlane v17, v5  }
0xea: {  	v14 =	vsel vm5, v14, v15  }
0xeb: {  	[tilespmem:$0x1400] =	vst v63;
	v14 =	vsel vm6, v14, v17  }
0xec: {  	s14 =	sadd.s32 $0x40, s14;
	s13 =	sadd.s32 $0x80, s13;
	[tilespmem:s15+$0x1200] =	vst v14  }
0xed: {  	[hbm4b:s5+s1] =	stream.linear.scatter [tilespmem:s10], [sflag:$0x1], $0x200, $0x38;
	[tilespmem:$0x1480] =	vst v63  }
0xee: {  	s12 =	sadd.s32 $0x1, s12;
	_ =	swait.ge [sflag:s8], $0x200  }
0xef: {  	p0 =	sne.s32 s12, s7;
	[sflag:s8] =	ssyncset.done $0x0  }
.Ltmp1:
0xf0: {  	[sflag:s8] =	ssyncadd.s32 $0xFFFFFE00;
	(pc) =	sbr.rel @p0 .LBB2_1-.Ltmp1, $4  }
0xf1: {  	[hbm4b:s6+s1] =	stream.linear.scatter [tilespmem:s11], [sflag:$0x1], $0x10, $0x38;
	[tilespmem:$0x1480] =	vst v63  }
0xf2: {  	_ =	swait.ge [sflag:s8], $0x10  }
0xf3: {  	[sflag:s8] =	ssyncset.done $0x0  }
0xf4: {  	[sflag:s8] =	ssyncadd.s32 $0xFFFFFFF0  }
0xf5: {  	_ =	sfence.sel $0x180000  }
0xf6: {  	[bflag:$0x0] =	sbarrier.arrive $0xFFFF  }
0xf7: {  	p0 =	sne.s32 s2, $0x0;
	_ =	strace $0x9000004D  }
0xf8: {  	s0 =	sadd.s32 @!p0 $0x100000, s0;
	[bflag:$0x2] =	sbarrier.arrive $0xFFFF  }
0xf9: {  	[sflag:s0] =	ssyncadd.tile.s32 @!p0 $0x1;
	_ =	shalt  }
.Lfunc_end2:
_tile_overlayer_lowered:
.L_overlay_start_2:
0xfa: {  	(tag) =	ssettag $0x2  }
0xfb: {  	s0 =	rddreg [dreg:$0x0];
	s2 =	stileid.u32  }
0xfc: {  	s1 =	rddreg [dreg:$0x1];
	p0 =	sne.s32 s2, $0x0  }
0xfd: {  	s3 =	rddreg [dreg:$0x2];
	[bflag:$0x3] =	sbarrier.arrive $0xFFFF;
	s2 =	simm.s32 @!p0 $0x1C01  }
0xfe: {  	[timem:s3], [sflag:s2] =	dma.local @!p0 [hbm:s0], s1  }
0xff: {  	s0 =	simm.s32 @!p0 $0x1  }
0x100: {  	_ =	swait.ge @!p0 [sflag:s0], s1  }
0x101: {  	s1 =	ssub.s32 @!p0 $0x0, s1;
	[sflag:s0] =	ssyncset.done @!p0 $0x0  }
0x102: {  	[sflag:s0] =	ssyncadd.s32 @!p0 s1  }
0x103: {  	[bflag:$0x3] =	sbarrier.arrive $0xFFFF  }
0x104: {  	_ =	shalt  }

// kernel: kernel.4.cloned.1.call-start
scs
__scs_entry_jumppad:
0x0: {  	(pc) =	sbr.rel $0x88, $3  }
0x1: {  	(tag) =	ssettag $0x0;
	lr =	simm.s32 $0x1  }
0x2: {  	[smem:$0x3FA0] =	sst lr;
	_ =	strace $0xD0000000  }
0x3: {  	_ = 	snop  }
0x4: {  	_ = 	snop  }
0x5: {  	_ = 	snop  }
0x6: {  	_ = 	snop  }
0x7: {  	_ = 	snop  }
__scs_overlays_trampoline_lowered:
0x8: {  	[smem:$0x3FAF] =	sst s0  }
0x9: {  	[smem:$0x3FB0] =	sst s1  }
0xa: {  	[smem:$0x3FB1] =	sst s2  }
0xb: {  	[smem:$0x3FB2] =	sst s3  }
0xc: {  	[smem:$0x3FB3] =	sst s4  }
0xd: {  	[smem:$0x3FB4] =	sst s5  }
0xe: {  	[smem:$0x3FB5] =	sst s6  }
0xf: {  	[smem:$0x3FB6] =	sst s7  }
0x10: {  	[smem:$0x3FB7] =	sst s8  }
0x11: {  	[smem:$0x3FB8] =	sst s9;
	s0 =	simm.s32 @!p0 $0x0  }
0x12: {  	s1 =	sld [smem:$0x3F9E];
	s0 =	simm.s32 @p0 $0x1  }
0x13: {  	[smem:$0x3FB9] =	sst s0;
	s0 =	simm.s32 @!p1 $0x0  }
0x14: {  	s2 =	sld [smem:$0x3F9D];
	s0 =	simm.s32 @p1 $0x1  }
0x15: {  	[smem:$0x3FBA] =	sst s0;
	s0 =	simm.s32 @!p2 $0x0  }
0x16: {  	s3 =	sld [smem:$0x3FDB];
	s0 =	simm.s32 @p2 $0x1  }
0x17: {  	s4 =	simm.s32 $0x1BF5;
	[smem:$0x3FBC] =	sst s0  }
0x18: {  	s0 =	sld [smem:$0x3F9F];
	_ =	swait.ge [sflag:s4], $0x0  }
0x19: {  	s7 =	sld [smem:$0x3FA0]  }
0x1a: {  	s8 =	sadd.s32 $0xFFFFE003, lr  }
0x1b: {  	s9 =	sadd.s32 $0xFFFFFEF7, lr;
	s5 =	simm.s32 $0xFFFFFFFF;
	p2 =	slt.u32 s8, $0xFFFFF086  }
0x1c: {  	p1 =	slt.u32 s9, $0xF7A;
	s5 =	simm.s32 @!p2 $0x0  }
0x1d: {  	s5 =	simm.s32 @p1 $0x1;
	p0 =	seq.s32 s7, s2  }
0x1e: {  	s7 =	smul.u32 @!p0 $0xF7A, s2;
	p2 =	seq.s32 @!p0 s5, $0x0  }
0x1f: {  	s9 =	smul.u32 $0xF7A, s1;
	s8 =	simm.s32 @!p0 $0x1BF5;
	p2 =	por !p2, p0  }
0x20: {  	[sflag:s8] =	ssyncset.s32 @!p0 $0xFFFFF086;
	s6 =	sadd.s32 @!p0 s3, s7;
	s7 =	simm.s32 @!p0 $0x108  }
0x21: {  	s3 =	sadd.s32 s3, s9;
	s6 =	sadd.s32 @!p0 $0x88, s6;
	s7 =	simm.s32 @p2 $0x1082  }
0x22: {  	[simem:s7], [sflag:s8] =	dma.local @!p0 [hbm:s6], $0xF7A  }
0x23: {  	s9 =	sor.u32 $0xD0000000, s2;
	s6 =	simm.s32 $0x108;
	_ =	swait.ge @!p0 [sflag:s8], $0x0  }
0x24: {  	s3 =	sadd.s32 $0x88, s3;
	s6 =	simm.s32 @!p1 $0x1082;
	[sflag:s4] =	ssyncset.s32 $0xFFFFF086  }
0x25: {  	[simem:s6], [sflag:s4] =	dma.local [hbm:s3], $0xF7A  }
0x26: {  	[smem:$0x3FA0] =	sst s1;
	(tag) =	ssettag s2;
	_ =	strace s9  }
0x27: {  	s1 =	sld [smem:$0x3FB0]  }
0x28: {  	s2 =	sld [smem:$0x3FB1]  }
0x29: {  	s4 =	sld [smem:$0x3FB3]  }
0x2a: {  	p0 =	seq.s32 s5, $0x0;
	s5 =	sld [smem:$0x3FB4]  }
0x2b: {  	s6 =	sld [smem:$0x3FB5]  }
0x2c: {  	s7 =	sld [smem:$0x3FB6]  }
0x2d: {  	s3 =	simm.s32 $0x108;
	s8 =	sld [smem:$0x3FB7]  }
0x2e: {  	s3 =	simm.s32 @!p0 $0x1082;
	s9 =	sld [smem:$0x3FB8]  }
0x2f: {  	lr =	sadd.s32 s0, s3;
	s0 =	sld [smem:$0x3FAF]  }
0x30: {  	s3 =	sld [smem:$0x3FB2]  }
0x31: {  	[smem:$0x3FBB] =	sst s10  }
0x32: {  	s10 =	sld [smem:$0x3FB9];
	_ =	sdelay $0x3  }
0x33: {  	p0 =	seq.s32 s10, $0x1;
	s10 =	sld [smem:$0x3FBB];
	_ =	sdelay $0x3  }
0x34: {  	[smem:$0x3FBB] =	sst s10  }
0x35: {  	s10 =	sld [smem:$0x3FBA];
	_ =	sdelay $0x3  }
0x36: {  	p1 =	seq.s32 s10, $0x1;
	s10 =	sld [smem:$0x3FBB];
	_ =	sdelay $0x3  }
0x37: {  	[smem:$0x3FBB] =	sst s10  }
0x38: {  	s10 =	sld [smem:$0x3FBC]  }
0x39: {  	_ = 	snop;
	(pc) =	sbr.ind lr, $3  }
0x3a: {  	_ = 	snop  }
0x3b: {  	_ = 	snop  }
0x3c: {  	p2 =	seq.s32 s10, $0x1;
	s10 =	sld [smem:$0x3FBB]  }
0x3d: {  	_ =	shalt  }
0x3e: {  	_ =	shalt  }
0x3f: {  	_ =	shalt  }
0x40: {  	_ =	shalt  }
0x41: {  	_ =	shalt  }
0x42: {  	_ =	shalt  }
0x43: {  	_ =	shalt  }
0x44: {  	_ =	shalt  }
0x45: {  	_ =	shalt  }
0x46: {  	_ =	shalt  }
0x47: {  	_ =	shalt  }
0x48: {  	_ =	shalt  }
0x49: {  	_ =	shalt  }
0x4a: {  	_ =	shalt  }
0x4b: {  	_ =	shalt  }
0x4c: {  	_ =	shalt  }
0x4d: {  	_ =	shalt  }
0x4e: {  	_ =	shalt  }
0x4f: {  	_ =	shalt  }
0x50: {  	_ =	shalt  }
0x51: {  	_ =	shalt  }
0x52: {  	_ =	shalt  }
0x53: {  	_ =	shalt  }
0x54: {  	_ =	shalt  }
0x55: {  	_ =	shalt  }
0x56: {  	_ =	shalt  }
0x57: {  	_ =	shalt  }
0x58: {  	_ =	shalt  }
0x59: {  	_ =	shalt  }
0x5a: {  	_ =	shalt  }
0x5b: {  	_ =	shalt  }
0x5c: {  	_ =	shalt  }
0x5d: {  	_ =	shalt  }
0x5e: {  	_ =	shalt  }
0x5f: {  	_ =	shalt  }
0x60: {  	_ =	shalt  }
0x61: {  	_ =	shalt  }
0x62: {  	_ =	shalt  }
0x63: {  	_ =	shalt  }
0x64: {  	_ =	shalt  }
0x65: {  	_ =	shalt  }
0x66: {  	_ =	shalt  }
0x67: {  	_ =	shalt  }
0x68: {  	_ =	shalt  }
0x69: {  	_ =	shalt  }
0x6a: {  	_ =	shalt  }
0x6b: {  	_ =	shalt  }
0x6c: {  	_ =	shalt  }
0x6d: {  	_ =	shalt  }
0x6e: {  	_ =	shalt  }
0x6f: {  	_ =	shalt  }
0x70: {  	_ =	shalt  }
0x71: {  	_ =	shalt  }
0x72: {  	_ =	shalt  }
0x73: {  	_ =	shalt  }
0x74: {  	_ =	shalt  }
0x75: {  	_ =	shalt  }
0x76: {  	_ =	shalt  }
0x77: {  	_ =	shalt  }
0x78: {  	_ =	shalt  }
0x79: {  	_ =	shalt  }
0x7a: {  	_ =	shalt  }
0x7b: {  	_ =	shalt  }
0x7c: {  	_ =	shalt  }
0x7d: {  	_ =	shalt  }
0x7e: {  	_ =	shalt  }
0x7f: {  	_ =	shalt  }
0x80: {  	_ =	shalt  }
0x81: {  	_ =	shalt  }
0x82: {  	_ =	shalt  }
0x83: {  	_ =	shalt  }
0x84: {  	_ =	shalt  }
0x85: {  	_ =	shalt  }
0x86: {  	_ =	shalt  }
0x87: {  	_ =	shalt  }
.Lfunc_end0:
.L_simem_size_0:
called_computation.1_lowered:
.L_overlay_start_0:
0x88: {  	s2 =	sld [smem:$0x3FD9]  }
0x89: {  	s3 =	sld [smem:$0x3FFE];
	_ =	sdelay $0x1  }
0x8a: {  	s1 =	srdreg.scid  }
0x8b: {  	s0 =	sand.u32 $0x1, s1  }
0x8c: {  	s17 =	sshll.u32 s0, $0xA;
	s2 =	sadd.s32 s3, s2  }
0x8d: {  	s2 =	sadd.s32 s2, s17  }
0x8e: {  	[smem:$0x3FC7] =	sst s2  }
0x8f: {  	_ = 	snop  }
0x90: {  	s2 =	sld [smem:$0x3FD0];
	(tm) =	ssettm $0x1  }
0x91: {  	s18 =	sld [smem:$0x3FFB];
	_ =	sdelay $0x3  }
0x92: {  	_ =	strace s18  }
0x93: {  	s3 =	sld [smem:$0x3FFC];
	_ =	sdelay $0x3  }
0x94: {  	_ =	strace s3  }
0x95: {  	s3 =	sld [smem:$0x3FFD];
	_ =	sdelay $0x3  }
0x96: {  	_ =	strace s3  }
0x97: {  	_ =	strace $0x8FFFFFFF  }
0x98: {  	s19 =	sld [smem:$0x3FDB];
	_ =	sdelay $0x1  }
0x99: {  	s4 =	simm.s32 $_scs_section_size  }
0x9a: {  	s5 =	simm.s32 $_size__tile_overlayer_lowered;
	s6 =	simm.s32 $_tile_overlayer_lowered  }
0x9b: {  	s22 =	simm.s32 $0x1BFF;
	s21 =	sshll.u32 s6, $0x1;
	s3 =	sadd.s32 s4, s19  }
0x9c: {  	s7 =	simm.s32 $0x0;
	s20 =	sshll.u32 s5, $0x1;
	s5 =	sadd.s32 s21, s3  }
0x9d: {  	[timem:s7], [sflag:s22] =	dma.local [hbm:s5], s20  }
0x9e: {  	_ =	swait.ge [sflag:s22], s20  }
0x9f: {  	s4 =	ssub.s32 $0x0, s20;
	[sflag:s22] =	ssyncset.done $0x0  }
0xa0: {  	[sflag:s22] =	ssyncadd.s32 s4;
	_ =	sdelay $0x1  }
0xa1: {  	s23 =	simm.s32 $0x1B8B  }
0xa2: {  	_ =	swait.ge [sflag:s23], $0x1  }
0xa3: {  	[sflag:s23] =	ssyncset.done $0x0  }
0xa4: {  	s25 =	simm.s32 $0x1B8E;
	s24 =	sld [smem:$0x3FFE];
	[sflag:s23] =	ssyncadd.s32 $0xFFFFFFFF  }
0xa5: {  	s26 =	simm.s32 $execute0_lowered;
	[smem:$0x3FD2] =	sst s25  }
0xa6: {  	s5 =	sshll.u32 s26, $0x1;
	_ =	strace $0x80000046;
	[dreg:$0x1] =	wrdreg $0xFFFFFFFF  }
0xa7: {  	s28 =	simm.s32 $_size_execute0_lowered;
	s3 =	sadd.s32 s3, s5;
	[dreg:$0x0] =	wrdreg $0x0  }
0xa8: {  	s5 =	sshll.u32 s28, $0x1;
	[dreg:$0x2] =	wrdreg s3  }
0xa9: {  	[dreg:$0x3] =	wrdreg s5  }
0xaa: {  	[dreg:$0x4] =	wrdreg $0xC0  }
0xab: {  	_ =	task [dreg:s7], $0x5FFFF  }
0xac: {  	[dreg:$0x1] =	wrdreg $0xFFFFFFFF  }
0xad: {  	[dreg:$0x0] =	wrdreg $0x60  }
0xae: {  	[dreg:$0x2] =	wrdreg s2  }
0xaf: {  	[dreg:$0x3] =	wrdreg s24  }
0xb0: {  	[dreg:$0x4] =	wrdreg $0x9  }
0xb1: {  	_ =	task.clear_ibuf [dreg:s7], $0x5FFFF;
	_ =	strace $0x90000046  }
0xb2: {  	s29 =	simm.s32 $0x9;
	_ =	strace $0x80000048  }
0xb3: {  	_ =	swait.ge [sflag:s29], $0x1  }
0xb4: {  	[sflag:s29] =	ssyncadd.s32 $0xFFFFFFFF  }
0xb5: {  	_ =	strace $0x90000048  }
0xb6: {  	_ =	sfence  }
0xb7: {  	s30 =	sld [smem:$0x0];
	_ =	sdelay $0x2  }
0xb8: {  	s31 =	sshll.u32 s1, $0xD;
	s1 =	sshrl.u32 s1, $0x2  }
0xb9: {  	s3 =	sand.u32 $0x4000, s31;
	s1 =	sadd.s32 s1, s30  }
0xba: {  	s0 =	sor.u32 s3, s0;
	s1 =	sshll.u32 s1, $0x11  }
0xbb: {  	s0 =	sor.u32 s1, s0  }
0xbc: {  	s0 =	sadd.s32 $0x8F2B, s0  }
0xbd: {  	[sflag:s0] =	ssyncadd.remote.s32 $0x1  }
0xbe: {  	_ =	sfence.sel $0xFFFF  }
0xbf: {  	[dreg:$0x0] =	wrdreg $0xFFFFFFFF;
	(pc) =	sbr.abs _section_cstart, $3  }
0xc0: {  	[dreg:$0x1] =	wrdreg $0xFFFFFFFF  }
0xc1: {  	_ =	task.clear_ibuf [dreg:s7], $0x2FFFF;
	_ =	strace $0x9FFFFFFF  }
0xc2: {  	(tm) =	ssettm $0x7FFFFFFF  }
0xc3: {  	_ =	shalt  }
tec
execute0_lowered:
.L_overlay_start_1:
0x0: {  	(tag) =	ssettag $0x1  }
0x1: {  	v0 =	vimm.s32 $0xEFCDAB89;
	v1 =	vimm.s32 $0x67452301  }
0x2: {  	vm4 =	vcmask $0xB08;
	vm0 =	vcmask $0x300;
	vm6 =	vcmask $0x1310  }
0x3: {  	vm1 =	vcmask $0x1B18;
	v2 =	vimm.s32 $0xDCFE98BA;
	v3 =	vimm.s32 $0x54761032  }
0x4: {  	vm7 =	vcmask $0x2B28;
	vm5 =	vcmask $0x3330;
	vm2 =	vcmask $0x700  }
0x5: {  	v4 =	vimm.s32 $0xBA98FEDC;
	v5 =	vimm.s32 $0x32107654;
	vm9 =	vcmask $0x338  }
0x6: {  	v6 =	vimm.s32 $0x76325410;
	vm8 =	vcmask $0x2318;
	vm3 =	vcmask $0x3328  }
0x7: {  	vm10 =	vcmask $0xF00;
	v7 =	vlaneseq.u32;
	vm11 =	vmmov $0xfff  }
0x8: {  	vm12 =	vmmov $0x3fff;
	v0 =	vunpack.c.l.s4.s8 v0;
	v1 =	vunpack.c.l.s4.s8 v1  }
0x9: {  	vm0 =	vmor vm0, vm4;
	v2 =	vunpack.c.l.s4.s8 v2;
	v3 =	vunpack.c.l.s4.s8 v3  }
0xa: {  	v4 =	vunpack.c.l.s4.s8 v4;
	v5 =	vunpack.c.l.s4.s8 v5;
	vm4 =	vmor vm9, vm4  }
0xb: {  	vm0 =	vmor vm0, vm6;
	v0 =	vunpack.c.0.s8.s32 v0;
	v1 =	vunpack.c.0.s8.s32 v1  }
0xc: {  	vm4 =	vmor vm4, vm6;
	vm0 =	vmor vm0, vm1;
	vm1 =	vcmask $0x2320  }
0xd: {  	v0 =	vcombine.low v1, v0;
	v1 =	vunpack.c.0.s8.s32 v2;
	v2 =	vunpack.c.0.s8.s32 v3  }
0xe: {  	v6 =	vunpack.c.l.s4.s8 v6;
	vm6 =	vmor vm4, vm8;
	vm0 =	vmor vm0, vm1  }
0xf: {  	v3 =	vimm.s32 $0x75643120;
	v1 =	vcombine.low v2, v1;
	v2 =	vimm.s32 $0xFDECB9A8  }
0x10: {  	vm1 =	vcmask $0x3B38;
	v3 =	vunpack.c.l.s4.s8 v3;
	v2 =	vunpack.c.l.s4.s8 v2  }
0x11: {  	vm6 =	vmor vm6, vm7;
	vm0 =	vmor vm0, vm7;
	vm7 =	vmmov $0xf  }
0x12: {  	vm0 =	vmor vm0, vm5;
	v3 =	vunpack.c.0.s8.s32 v3;
	v2 =	vunpack.c.0.s8.s32 v2  }
0x13: {  	vm5 =	vmor vm6, vm5;
	vm0 =	vmor vm0, vm1;
	vm1 =	vcmask $0x1710  }
0x14: {  	vm1 =	vmor vm2, vm1;
	vm2 =	vcmask $0x2720;
	v2 =	vcombine.low v3, v2  }
0x15: {  	v3 =	vunpack.c.0.s8.s32 v4;
	v4 =	vunpack.c.0.s8.s32 v5;
	v5 =	vimm.s32 $0xFEBADC98  }
0x16: {  	vm1 =	vmor vm1, vm2;
	vm2 =	vcmask $0x3730;
	v5 =	vunpack.c.l.s4.s8 v5  }
0x17: {  	vm6 =	vmmov $0x3;
	vm1 =	vmor vm1, vm2;
	vm2 =	vcmask $0x1308  }
0x18: {  	v3 =	vcombine.low v4, v3;
	v4 =	vunpack.c.0.s8.s32 v5;
	v5 =	vunpack.c.0.s8.s32 v6  }
0x19: {  	s3 =	rddreg [dreg:$0x0];
	v0 =	vand.u32 $0xF, v0;
	v1 =	vand.u32 $0xF, v1;
	vm2 =	vmor vm9, vm2  }
0x1a: {  	s4 =	rddreg [dreg:$0x1];
	v6 =	vimm.s32 $0x75634120;
	v4 =	vcombine.low v5, v4;
	v5 =	vimm.s32 $0xFDEBC9A8  }
0x1b: {  	s0 =	rddreg [dreg:$0x2];
	vm2 =	vmor vm2, vm8;
	v6 =	vunpack.c.l.s4.s8 v6;
	v5 =	vunpack.c.l.s4.s8 v5  }
0x1c: {  	s5 =	srdreg.scid;
	s1 =	stileid.u32;
	vm9 =	vcmask $0x730;
	vm8 =	vmmov $0x3f;
	vm2 =	vmor vm2, vm3  }
0x1d: {  	s2 =	simm.s32 $0x0;
	s5 =	sand.u32 $0x1, s5;
	s6 =	sshll.u32 s1, $0x1;
	vm3 =	vcmask $0x2F20;
	v6 =	vunpack.c.0.s8.s32 v6;
	v5 =	vunpack.c.0.s8.s32 v5  }
0x1e: {  	[smem:$0x7FF] =	sst s2;
	s6 =	sor.u32 s5, s6;
	s5 =	ssub.s32 $0x2, s5;
	v2 =	vand.u32 $0xF, v2;
	vm3 =	vmor vm10, vm3;
	vm10 =	vcmask $0x2710  }
0x1f: {  	_ =	strace $0x80000047;
	s7 =	sshll.u32 s6, $0x6;
	s8 =	sshrl.u32 s5, $0x1;
	vm4 =	vmor vm9, vm10;
	v5 =	vcombine.low v6, v5;
	v6 =	vshrl.u32 v7, $0x3  }
0x20: {  	s6 =	sshll.u32 s6, $0x9;
	s4 =	sadd.s32 s7, s4;
	s5 =	ssub.s32 s5, s8;
	vm9 =	vmmov $0xff;
	vm10 =	vmmov $0x3ff;
	v6 =	vmul.u32 $0x8, v6  }
0x21: {  	s3 =	sadd.s32 s3, s6;
	s6 =	simm.s32 $0x1;
	s7 =	simm.s32 $0x1000;
	v3 =	vand.u32 $0xF, v3;
	v4 =	vand.u32 $0xF, v4;
	v7 =	vand.u32 $0x1, v7  }
0x22: {  	s8 =	simm.s32 $0x0;
	s4 =	sadd.s32 $0xE00, s4;
	s5 =	smax.u32 s5, $0x1;
	v7 =	vmul.u32 $0x8, v7;
	v5 =	vand.u32 $0xF, v5;
	v6 =	vor.u32 $0x5, v6  }
.LBB2_1:
0x23: {  	[tilespmem:s2], [sflag:$0x1] =	stream.linear.gather [hbm4b:s3+s2], $0x1000, $0x38;
	[tilespmem:$0x1200] =	vst v63  }
0x24: {  	_ =	swait.ge [sflag:s6], $0x1000  }
0x25: {  	[sflag:s6] =	ssyncset.done $0x0  }
0x26: {  	s11 =	simm.s32 $0x40;
	[sflag:s6] =	ssyncadd.s32 $0xFFFFF000  }
0x27: {  	v8 =	vld [tilespmem:s11+$0x10]  }
0x28: {  	v12 =	vld [tilespmem:s11+$0xFFFFFFC0]  }
0x29: {  	v11 =	vld [tilespmem:s11+$0xFFFFFFD0]  }
0x2a: {  	v10 =	vld [tilespmem:s11+$0x20];
	_ =	sdelay $0x1  }
0x2b: {  	v9 =	vperm.xlane v8, v0  }
0x2c: {  	v15 =	vperm.xlane v12, v0  }
0x2d: {  	v13 =	vperm.xlane v11, v0;
	v14 =	vmin.f32 v8, v9;
	v8 =	vmax.f32 v8, v9;
	v9 =	vld [tilespmem:s11+$0xFFFFFFF0]  }
0x2e: {  	s12 =	simm.s32 $0x40;
	s10 =	simm.s32 $0x40;
	s9 =	simm.s32 $0x0;
	v16 =	vmin.f32 v12, v15;
	v8 =	vsel vm0, v14, v8;
	v14 =	vperm.xlane v10, v0  }
.LBB2_2:
0x2f: {  	p0 =	sne.s32 s12, $0x7C0  }
0x30: {  	v12 =	vmax.f32 v12, v15;
	v15 =	vmax.f32 v11, v13;
	v17 =	vperm.xlane v8, v1;
	s11 =	sadd.s32 $0x80, s11;
	s13 =	smov.u32 s12;
	s12 =	sadd.s32 $0x40, s12  }
0x31: {  	v11 =	vmin.f32 v11, v13;
	v12 =	vsel vm0, v16, v12;
	v13 =	vmin.f32 v10, v14  }
0x32: {  	v11 =	vsel vm0, v11, v15;
	v15 =	vperm.xlane v9, v0;
	v10 =	vmax.f32 v10, v14;
	v14 =	vld [tilespmem:s10+$0x30]  }
0x33: {  	v16 =	vperm.xlane v11, v1;
	v18 =	vmax.f32 v8, v17;
	v10 =	vsel vm0, v13, v10  }
0x34: {  	v13 =	vmin.f32 v9, v15;
	v9 =	vmax.f32 v9, v15;
	v15 =	vperm.xlane v10, v1  }
0x35: {  	v19 =	vperm.xlane v12, v1;
	v8 =	vmin.f32 v8, v17;
	v9 =	vsel vm0, v13, v9  }
0x36: {  	v8 =	vsel vm1, v8, v18;
	v13 =	vmax.f32 v11, v16;
	v17 =	vmin.f32 v10, v15  }
0x37: {  	v18 =	vmax.f32 v12, v19;
	v11 =	vmin.f32 v11, v16;
	v16 =	vperm.xlane v14, v0  }
0x38: {  	v11 =	vsel vm1, v11, v13;
	v13 =	vperm.xlane v8, v2;
	v10 =	vmax.f32 v10, v15  }
0x39: {  	v12 =	vmin.f32 v12, v19;
	v19 =	vperm.xlane v9, v1;
	v15 =	vperm.xlane v11, v2  }
0x3a: {  	v12 =	vsel vm1, v12, v18;
	v18 =	vmin.f32 v8, v13;
	v20 =	vmax.f32 v14, v16  }
0x3b: {  	v21 =	vmin.f32 v9, v19;
	v9 =	vmax.f32 v9, v19;
	v14 =	vmin.f32 v14, v16  }
0x3c: {  	v10 =	vsel vm1, v17, v10;
	v16 =	vperm.xlane v12, v2;
	v14 =	vsel vm0, v14, v20  }
0x3d: {  	v17 =	vperm.xlane v10, v2;
	v9 =	vsel vm1, v21, v9;
	v19 =	vperm.xlane v14, v1  }
0x3e: {  	v21 =	vmax.f32 v11, v15;
	v22 =	vperm.xlane v9, v2;
	v20 =	vmin.f32 v12, v16  }
0x3f: {  	v8 =	vmax.f32 v8, v13;
	v13 =	vmin.f32 v10, v17;
	v23 =	vmin.f32 v14, v19  }
0x40: {  	v10 =	vmax.f32 v10, v17;
	v24 =	vmin.f32 v9, v22;
	v14 =	vmax.f32 v14, v19  }
0x41: {  	v10 =	vsel vm2, v10, v13;
	v9 =	vmax.f32 v9, v22;
	v13 =	vsel vm1, v23, v14;
	v17 =	vld [tilespmem:s10+$0xFFFFFFE0]  }
0x42: {  	v9 =	vsel vm2, v9, v24;
	v14 =	vperm.xlane v10, v3;
	v19 =	vperm.xlane v13, v2  }
0x43: {  	v8 =	vsel vm2, v8, v18;
	v12 =	vmax.f32 v12, v16;
	v16 =	vperm.xlane v9, v3  }
0x44: {  	v18 =	vperm.xlane v8, v3;
	v22 =	vmin.f32 v10, v14;
	v23 =	vmin.f32 v13, v19  }
0x45: {  	v11 =	vmin.f32 v11, v15;
	v15 =	vmin.f32 v9, v16;
	v10 =	vmax.f32 v10, v14  }
0x46: {  	v11 =	vsel vm2, v21, v11;
	v12 =	vsel vm2, v12, v20;
	v10 =	vsel vm3, v22, v10  }
0x47: {  	v13 =	vmax.f32 v13, v19;
	v20 =	vperm.xlane v10, v4;
	v14 =	vperm.xlane v17, v0  }
0x48: {  	v21 =	vperm.xlane v11, v3;
	v19 =	vperm.xlane v12, v3;
	v13 =	vsel vm2, v13, v23  }
0x49: {  	v9 =	vmax.f32 v9, v16;
	v16 =	vmin.f32 v8, v18;
	v22 =	vmin.f32 v17, v14  }
0x4a: {  	v8 =	vmax.f32 v8, v18;
	v23 =	vmax.f32 v11, v21;
	v18 =	vmax.f32 v10, v20  }
0x4b: {  	v24 =	vmax.f32 v12, v19;
	v10 =	vmin.f32 v10, v20;
	v14 =	vmax.f32 v17, v14  }
0x4c: {  	v12 =	vmin.f32 v12, v19;
	v14 =	vsel vm0, v22, v14  }
0x4d: {  	v9 =	vsel vm3, v15, v9;
	v8 =	vsel vm3, v16, v8;
	v12 =	vsel vm3, v12, v24;
	v15 =	vld [tilespmem:s10+$0x0];
	s10 =	smov.u32 s11  }
0x4e: {  	v10 =	vsel vm4, v18, v10;
	v17 =	vperm.xlane v13, v3;
	v16 =	vperm.xlane v14, v1  }
0x4f: {  	v11 =	vmin.f32 v11, v21;
	v18 =	vperm.xlane v9, v4;
	v19 =	vperm.xlane v10, v5  }
0x50: {  	v20 =	vperm.xlane v12, v4;
	v21 =	vmin.f32 v14, v16;
	v14 =	vmax.f32 v14, v16  }
0x51: {  	v16 =	vperm.xlane v8, v4;
	v14 =	vsel vm1, v21, v14;
	v21 =	vmax.f32 v13, v17  }
0x52: {  	v24 =	vmin.f32 v9, v18;
	v25 =	vmin.f32 v10, v19;
	v22 =	vperm.xlane v14, v2  }
0x53: {  	v11 =	vsel vm3, v11, v23;
	v26 =	vmax.f32 v8, v16;
	v23 =	vperm.xlane v15, v0  }
0x54: {  	v10 =	vmax.f32 v10, v19;
	v27 =	vmin.f32 v14, v22;
	v14 =	vmax.f32 v14, v22  }
0x55: {  	v9 =	vmax.f32 v9, v18;
	v8 =	vmin.f32 v8, v16;
	v18 =	vmax.f32 v15, v23  }
0x56: {  	v8 =	vsel vm4, v26, v8;
	v14 =	vsel vm2, v14, v27;
	v15 =	vmin.f32 v15, v23  }
0x57: {  	v16 =	vmin.f32 v12, v20;
	v12 =	vmax.f32 v12, v20;
	v15 =	vsel vm0, v15, v18  }
0x58: {  	v10 =	vsel vm5, v10, v25;
	v18 =	vperm.xlane v11, v4;
	v19 =	vperm.xlane v15, v1  }
0x59: {  	v9 =	vsel vm4, v9, v24;
	v12 =	vsel vm4, v12, v16;
	v16 =	vperm.xlane v14, v3  }
0x5a: {  	v10 =	vperm.xlane v10, v6;
	v20 =	vmin.f32 v11, v18;
	v22 =	vmax.f32 v15, v19  }
0x5b: {  	v11 =	vmax.f32 v11, v18;
	v18 =	vmin.f32 v14, v16;
	v15 =	vmin.f32 v15, v19  }
0x5c: {  	v10 =	vperm.xlane v10, v7;
	v11 =	vsel vm4, v11, v20;
	v15 =	vsel vm1, v15, v22  }
0x5d: {  	v13 =	vmin.f32 v13, v17;
	v19 =	vperm.xlane v11, v5;
	v20 =	vperm.xlane v15, v2  }
0x5e: {  	v13 =	vsel vm3, v13, v21;
	v17 =	vperm.xlane v12, v5;
	v14 =	vmax.f32 v14, v16  }
0x5f: {  	v14 =	vsel vm3, v18, v14;
	v16 =	vmin.f32 v11, v19;
	v11 =	vmax.f32 v11, v19  }
0x60: {  	v18 =	vmin.f32 v12, v17;
	v11 =	vsel vm5, v11, v16;
	v16 =	vperm.xlane v13, v4  }
0x61: {  	v19 =	vmin.f32 v15, v20;
	v15 =	vmax.f32 v15, v20;
	v11 =	vperm.xlane v11, v6  }
0x62: {  	v20 =	vperm.xlane v14, v4;
	v15 =	vsel vm2, v15, v19;
	v19 =	vmin.f32 v13, v16  }
0x63: {  	v12 =	vmax.f32 v12, v17;
	v13 =	vmax.f32 v13, v16;
	v11 =	vperm.xlane v11, v7  }
0x64: {  	v12 =	vsel vm5, v12, v18;
	v16 =	vperm.xlane v15, v3;
	v13 =	vsel vm4, v13, v19  }
0x65: {  	v17 =	vmin.f32 v14, v20;
	v14 =	vmax.f32 v14, v20;
	v18 =	vperm.xlane v13, v5  }
0x66: {  	v12 =	vperm.xlane v12, v6;
	v14 =	vsel vm4, v14, v17;
	v17 =	vmin.f32 v15, v16  }
0x67: {  	v15 =	vmax.f32 v15, v16;
	v16 =	vmin.f32 v13, v18;
	v13 =	vmax.f32 v13, v18  }
0x68: {  	v12 =	vperm.xlane v12, v7;
	v15 =	vsel vm3, v17, v15;
	v13 =	vsel vm5, v13, v16  }
0x69: {  	v16 =	vperm.xlane v15, v4;
	v13 =	vperm.xlane v13, v6  }
0x6a: {  	v11 =	vsel vm6, v12, v11;
	v12 =	vperm.xlane v14, v5;
	v17 =	vperm.xlane v9, v5  }
0x6b: {  	v18 =	vmin.f32 v15, v16;
	v15 =	vmax.f32 v15, v16;
	v13 =	vperm.xlane v13, v7  }
0x6c: {  	v19 =	vmin.f32 v9, v17;
	v16 =	vmin.f32 v14, v12;
	v15 =	vsel vm4, v15, v18  }
0x6d: {  	v9 =	vmax.f32 v9, v17;
	v12 =	vmax.f32 v14, v12;
	v14 =	vperm.xlane v15, v5  }
0x6e: {  	v9 =	vsel vm5, v9, v19;
	v12 =	vsel vm5, v12, v16;
	v16 =	vperm.xlane v8, v5  }
0x6f: {  	v9 =	vperm.xlane v9, v6;
	v17 =	vmin.f32 v15, v14;
	v14 =	vmax.f32 v15, v14  }
0x70: {  	v12 =	vperm.xlane v12, v6;
	v15 =	vmin.f32 v8, v16;
	v14 =	vsel vm5, v14, v17  }
0x71: {  	v9 =	vperm.xlane v9, v7;
	v8 =	vmax.f32 v8, v16;
	v14 =	vperm.xlane v14, v6  }
0x72: {  	v12 =	vperm.xlane v12, v7;
	v8 =	vsel vm5, v8, v15  }
0x73: {  	v8 =	vperm.xlane v8, v6;
	v14 =	vperm.xlane v14, v7  }
0x74: {  	v11 =	vsel vm7, v11, v12  }
0x75: {  	v9 =	vsel vm8, v11, v9;
	v8 =	vperm.xlane v8, v7  }
0x76: {  	v9 =	vsel vm9, v9, v14  }
0x77: {  	v8 =	vsel vm10, v9, v8  }
0x78: {  	v8 =	vsel vm11, v8, v10  }
0x79: {  	s14 =	sshra.s32 s9, $0x2;
	s9 =	smov.u32 s13;
	v8 =	vsel vm12, v8, v13  }
0x7a: {  	[tilespmem:s14+$0x1000] =	vst v8  }
0x7b: {  	v8 =	vld [tilespmem:s11+$0x10];
	_ =	sdelay $0x1  }
0x7c: {  	v12 =	vld [tilespmem:s11+$0xFFFFFFC0]  }
0x7d: {  	v11 =	vld [tilespmem:s11+$0xFFFFFFD0]  }
0x7e: {  	v10 =	vld [tilespmem:s11+$0x20]  }
.Ltmp0:
0x7f: {  	v13 =	vperm.xlane v8, v0;
	(pc) =	sbr.rel @p0 .LBB2_2-.Ltmp0, $4  }
0x80: {  	v9 =	vld [tilespmem:s11+$0xFFFFFFF0]  }
0x81: {  	v15 =	vperm.xlane v12, v0;
	v14 =	vmin.f32 v8, v13;
	v8 =	vmax.f32 v8, v13  }
0x82: {  	v13 =	vperm.xlane v11, v0;
	v8 =	vsel vm0, v14, v8  }
0x83: {  	v16 =	vmin.f32 v12, v15;
	v14 =	vperm.xlane v10, v0  }
0x84: {  	v12 =	vmax.f32 v12, v15;
	v57 =	vmax.f32 v11, v13;
	v17 =	vperm.xlane v8, v1  }
0x85: {  	v58 =	vmin.f32 v11, v13;
	v12 =	vsel vm0, v16, v12;
	v59 =	vmin.f32 v10, v14  }
0x86: {  	v11 =	vsel vm0, v58, v57;
	v60 =	vperm.xlane v9, v0;
	v61 =	vmax.f32 v10, v14  }
0x87: {  	v62 =	vld [tilespmem:s10+$0x30];
	v63 =	vperm.xlane v11, v1;
	v18 =	vmax.f32 v8, v17;
	v10 =	vsel vm0, v59, v61  }
0x88: {  	v38 =	vld [tilespmem:s10+$0xFFFFFFE0];
	v19 =	vperm.xlane v12, v1;
	v8 =	vmin.f32 v8, v17;
	v21 =	vmin.f32 v9, v60  }
0x89: {  	v53 =	vld [tilespmem:s10+$0x0];
	v22 =	vmax.f32 v9, v60;
	v23 =	vperm.xlane v10, v1;
	v8 =	vsel vm1, v8, v18  }
0x8a: {  	v9 =	vsel vm0, v21, v22;
	v24 =	vmax.f32 v11, v63;
	v26 =	vmax.f32 v12, v19  }
0x8b: {  	v11 =	vmin.f32 v11, v63;
	v28 =	vperm.xlane v8, v2;
	v12 =	vmin.f32 v12, v19  }
0x8c: {  	v25 =	vmin.f32 v10, v23;
	v27 =	vperm.xlane v62, v0;
	v11 =	vsel vm1, v11, v24  }
0x8d: {  	v10 =	vmax.f32 v10, v23;
	v30 =	vperm.xlane v9, v1;
	v44 =	vperm.xlane v38, v0  }
0x8e: {  	v12 =	vsel vm1, v12, v26;
	v63 =	vperm.xlane v53, v0;
	v29 =	vperm.xlane v11, v2  }
0x8f: {  	v31 =	vmin.f32 v8, v28;
	v32 =	vperm.xlane v12, v2;
	v10 =	vsel vm1, v25, v10  }
0x90: {  	v8 =	vmax.f32 v8, v28;
	v20 =	vmax.f32 v62, v27;
	v21 =	vmin.f32 v9, v30  }
0x91: {  	v9 =	vmax.f32 v9, v30;
	v14 =	vmin.f32 v62, v27;
	v17 =	vperm.xlane v10, v2  }
0x92: {  	v8 =	vsel vm2, v8, v31;
	v47 =	vmin.f32 v38, v44;
	v30 =	vmax.f32 v53, v63  }
0x93: {  	v16 =	vmin.f32 v53, v63;
	v14 =	vsel vm0, v14, v20;
	v9 =	vsel vm1, v21, v9  }
0x94: {  	v34 =	vmin.f32 v12, v32;
	v35 =	vmax.f32 v11, v29;
	v12 =	vmax.f32 v12, v32  }
0x95: {  	v18 =	vperm.xlane v8, v3;
	v11 =	vmin.f32 v11, v29;
	v15 =	vsel vm0, v16, v30  }
0x96: {  	v33 =	vperm.xlane v14, v1;
	v22 =	vperm.xlane v9, v2;
	v36 =	vmin.f32 v10, v17  }
0x97: {  	v10 =	vmax.f32 v10, v17;
	v12 =	vsel vm2, v12, v34;
	v11 =	vsel vm2, v35, v11  }
0x98: {  	v10 =	vsel vm2, v10, v36;
	v46 =	vperm.xlane v12, v3;
	v21 =	vperm.xlane v11, v3  }
0x99: {  	v48 =	vmin.f32 v8, v18;
	v8 =	vmax.f32 v8, v18;
	v23 =	vmin.f32 v14, v33  }
0x9a: {  	v24 =	vmin.f32 v9, v22;
	v14 =	vmax.f32 v14, v33;
	v9 =	vmax.f32 v9, v22  }
0x9b: {  	v39 =	vperm.xlane v10, v3;
	v8 =	vsel vm3, v48, v8;
	v33 =	vperm.xlane v15, v1  }
0x9c: {  	v37 =	vsel vm1, v23, v14;
	v9 =	vsel vm2, v9, v24;
	v49 =	vmax.f32 v11, v21  }
0x9d: {  	v51 =	vmax.f32 v12, v46;
	v14 =	vmax.f32 v38, v44;
	v12 =	vmin.f32 v12, v46  }
0x9e: {  	v11 =	vmin.f32 v11, v21;
	v59 =	vperm.xlane v8, v4;
	v40 =	vperm.xlane v37, v2  }
0x9f: {  	v41 =	vperm.xlane v9, v3;
	v42 =	vmin.f32 v10, v39;
	v10 =	vmax.f32 v10, v39  }
0xa0: {  	v14 =	vsel vm0, v47, v14;
	v12 =	vsel vm3, v12, v51;
	v11 =	vsel vm3, v11, v49  }
0xa1: {  	v36 =	vmax.f32 v15, v33;
	v15 =	vmin.f32 v15, v33;
	v10 =	vsel vm3, v42, v10  }
0xa2: {  	v52 =	vperm.xlane v14, v1;
	v58 =	vperm.xlane v12, v4;
	v26 =	vmax.f32 v8, v59  }
0xa3: {  	v8 =	vmin.f32 v8, v59;
	v32 =	vperm.xlane v11, v4;
	v15 =	vsel vm1, v15, v36  }
0xa4: {  	v23 =	vmin.f32 v37, v40;
	v43 =	vmin.f32 v9, v41;
	v45 =	vperm.xlane v10, v4  }
0xa5: {  	v13 =	vmax.f32 v37, v40;
	v9 =	vmax.f32 v9, v41;
	v8 =	vsel vm4, v26, v8  }
0xa6: {  	v39 =	vperm.xlane v15, v2;
	v13 =	vsel vm2, v13, v23;
	v9 =	vsel vm3, v43, v9  }
0xa7: {  	v56 =	vmin.f32 v14, v52;
	v14 =	vmax.f32 v14, v52;
	v31 =	vmin.f32 v12, v58  }
0xa8: {  	v12 =	vmax.f32 v12, v58;
	v35 =	vmin.f32 v11, v32;
	v11 =	vmax.f32 v11, v32  }
0xa9: {  	v58 =	vperm.xlane v8, v5;
	v50 =	vmax.f32 v10, v45;
	v10 =	vmin.f32 v10, v45  }
0xaa: {  	v54 =	vperm.xlane v13, v3;
	v55 =	vperm.xlane v9, v4;
	v14 =	vsel vm1, v56, v14  }
0xab: {  	v12 =	vsel vm4, v12, v31;
	v11 =	vsel vm4, v11, v35;
	v43 =	vmin.f32 v15, v39  }
0xac: {  	v15 =	vmax.f32 v15, v39;
	v10 =	vsel vm4, v50, v10;
	v61 =	vperm.xlane v14, v2  }
0xad: {  	v38 =	vperm.xlane v11, v5;
	v40 =	vperm.xlane v12, v5;
	v15 =	vsel vm2, v15, v43  }
0xae: {  	v57 =	vperm.xlane v10, v5;
	v60 =	vmax.f32 v13, v54;
	v62 =	vmin.f32 v9, v55  }
0xaf: {  	v9 =	vmax.f32 v9, v55;
	v13 =	vmin.f32 v13, v54;
	v47 =	vperm.xlane v15, v3  }
0xb0: {  	v27 =	vmin.f32 v14, v61;
	v14 =	vmax.f32 v14, v61;
	v9 =	vsel vm4, v9, v62  }
0xb1: {  	v13 =	vsel vm3, v13, v60;
	v41 =	vmin.f32 v11, v38;
	v11 =	vmax.f32 v11, v38  }
0xb2: {  	v44 =	vmin.f32 v12, v40;
	v12 =	vmax.f32 v12, v40;
	v60 =	vmin.f32 v8, v58  }
0xb3: {  	v8 =	vmax.f32 v8, v58;
	v25 =	vmin.f32 v10, v57;
	v10 =	vmax.f32 v10, v57  }
0xb4: {  	v14 =	vsel vm2, v14, v27;
	v11 =	vsel vm5, v11, v41;
	v42 =	vperm.xlane v13, v4  }
0xb5: {  	v12 =	vsel vm5, v12, v44;
	v49 =	vmin.f32 v15, v47;
	v34 =	vperm.xlane v14, v3  }
0xb6: {  	v15 =	vmax.f32 v15, v47;
	v53 =	vperm.xlane v9, v5;
	v8 =	vsel vm5, v8, v60  }
0xb7: {  	v10 =	vsel vm5, v10, v25;
	v37 =	vmin.f32 v14, v34;
	v14 =	vmax.f32 v14, v34  }
0xb8: {  	v11 =	vperm.xlane v11, v6;
	v12 =	vperm.xlane v12, v6;
	v14 =	vsel vm3, v37, v14  }
0xb9: {  	v15 =	vsel vm3, v49, v15;
	v8 =	vperm.xlane v8, v6;
	v45 =	vperm.xlane v14, v4  }
0xba: {  	v10 =	vperm.xlane v10, v6;
	v46 =	vmin.f32 v13, v42;
	v13 =	vmax.f32 v13, v42  }
0xbb: {  	v51 =	vperm.xlane v15, v4;
	v48 =	vmin.f32 v14, v45;
	v14 =	vmax.f32 v14, v45  }
0xbc: {  	v56 =	vmin.f32 v9, v53;
	v9 =	vmax.f32 v9, v53;
	v14 =	vsel vm4, v14, v48  }
0xbd: {  	v54 =	vmin.f32 v15, v51;
	v15 =	vmax.f32 v15, v51;
	v52 =	vperm.xlane v14, v5  }
0xbe: {  	v11 =	vperm.xlane v11, v7;
	v13 =	vsel vm4, v13, v46;
	v15 =	vsel vm4, v15, v54  }
0xbf: {  	v57 =	vperm.xlane v15, v5;
	v55 =	vmin.f32 v14, v52;
	v14 =	vmax.f32 v14, v52  }
0xc0: {  	v12 =	vperm.xlane v12, v7;
	v9 =	vsel vm5, v9, v56;
	v14 =	vsel vm5, v14, v55  }
0xc1: {  	v59 =	vmin.f32 v15, v57;
	v15 =	vmax.f32 v15, v57;
	v14 =	vperm.xlane v14, v6  }
0xc2: {  	v18 =	vperm.xlane v13, v5;
	v9 =	vperm.xlane v9, v6;
	v15 =	vsel vm5, v15, v59  }
0xc3: {  	v11 =	vsel vm6, v12, v11;
	v15 =	vperm.xlane v15, v6;
	v14 =	vperm.xlane v14, v7  }
0xc4: {  	v50 =	vmin.f32 v13, v18;
	v13 =	vmax.f32 v13, v18;
	v9 =	vperm.xlane v9, v7  }
0xc5: {  	v61 =	vsel vm5, v13, v50;
	v62 =	vperm.xlane v15, v7;
	v11 =	vsel vm7, v11, v14  }
0xc6: {  	v8 =	vperm.xlane v8, v7;
	v12 =	vperm.xlane v61, v6;
	v9 =	vsel vm8, v11, v9  }
0xc7: {  	v10 =	vperm.xlane v10, v7;
	v9 =	vsel vm9, v9, v62  }
0xc8: {  	v63 =	vperm.xlane v12, v7;
	v8 =	vsel vm10, v9, v8  }
0xc9: {  	s8 =	sadd.s32 $0x1, s8;
	v8 =	vsel vm11, v8, v10  }
0xca: {  	s9 =	sshra.s32 s9, $0x2;
	p0 =	sne.s32 s8, s5;
	v8 =	vsel vm12, v8, v63  }
.Ltmp1:
0xcb: {  	[tilespmem:s9+$0x1000] =	vst v8;
	(pc) =	sbr.rel @p0 .LBB2_1-.Ltmp1, $4  }
0xcc: {  	[hbm4b:s4+s2] =	stream.linear.scatter [tilespmem:s7], [sflag:$0x1], $0x200, $0x38;
	[tilespmem:$0x1200] =	vst v63  }
0xcd: {  	_ =	swait.ge [sflag:s6], $0x200  }
0xce: {  	[sflag:s6] =	ssyncset.done $0x0  }
0xcf: {  	[sflag:s6] =	ssyncadd.s32 $0xFFFFFE00  }
0xd0: {  	_ =	sfence.sel $0x180000  }
0xd1: {  	[bflag:$0x0] =	sbarrier.arrive $0xFFFF  }
0xd2: {  	p0 =	sne.s32 s1, $0x0;
	_ =	strace $0x90000047  }
0xd3: {  	s0 =	sadd.s32 @!p0 $0x100000, s0;
	[bflag:$0x2] =	sbarrier.arrive $0xFFFF  }
0xd4: {  	[sflag:s0] =	ssyncadd.tile.s32 @!p0 $0x1;
	_ =	shalt  }
.Lfunc_end2:
_tile_overlayer_lowered:
.L_overlay_start_2:
0xd5: {  	(tag) =	ssettag $0x2  }
0xd6: {  	s0 =	rddreg [dreg:$0x0];
	s2 =	stileid.u32  }
0xd7: {  	s1 =	rddreg [dreg:$0x1];
	p0 =	sne.s32 s2, $0x0  }
0xd8: {  	s3 =	rddreg [dreg:$0x2];
	[bflag:$0x3] =	sbarrier.arrive $0xFFFF;
	s2 =	simm.s32 @!p0 $0x1C01  }
0xd9: {  	[timem:s3], [sflag:s2] =	dma.local @!p0 [hbm:s0], s1  }
0xda: {  	s0 =	simm.s32 @!p0 $0x1  }
0xdb: {  	_ =	swait.ge @!p0 [sflag:s0], s1  }
0xdc: {  	s1 =	ssub.s32 @!p0 $0x0, s1;
	[sflag:s0] =	ssyncset.done @!p0 $0x0  }
0xdd: {  	[sflag:s0] =	ssyncadd.s32 @!p0 s1  }
0xde: {  	[bflag:$0x3] =	sbarrier.arrive $0xFFFF  }
0xdf: {  	_ =	shalt  }

// kernel: kernel.7.cloned.1.call-start
scs
__scs_entry_jumppad:
0x0: {  	(pc) =	sbr.rel $0x88, $3  }
0x1: {  	(tag) =	ssettag $0x0;
	lr =	simm.s32 $0x1  }
0x2: {  	[smem:$0x3FA0] =	sst lr;
	_ =	strace $0xD0000000  }
0x3: {  	_ = 	snop  }
0x4: {  	_ = 	snop  }
0x5: {  	_ = 	snop  }
0x6: {  	_ = 	snop  }
0x7: {  	_ = 	snop  }
__scs_overlays_trampoline_lowered:
0x8: {  	[smem:$0x3FAF] =	sst s0  }
0x9: {  	[smem:$0x3FB0] =	sst s1  }
0xa: {  	[smem:$0x3FB1] =	sst s2  }
0xb: {  	[smem:$0x3FB2] =	sst s3  }
0xc: {  	[smem:$0x3FB3] =	sst s4  }
0xd: {  	[smem:$0x3FB4] =	sst s5  }
0xe: {  	[smem:$0x3FB5] =	sst s6  }
0xf: {  	[smem:$0x3FB6] =	sst s7  }
0x10: {  	[smem:$0x3FB7] =	sst s8  }
0x11: {  	[smem:$0x3FB8] =	sst s9;
	s0 =	simm.s32 @!p0 $0x0  }
0x12: {  	s1 =	sld [smem:$0x3F9E];
	s0 =	simm.s32 @p0 $0x1  }
0x13: {  	[smem:$0x3FB9] =	sst s0;
	s0 =	simm.s32 @!p1 $0x0  }
0x14: {  	s2 =	sld [smem:$0x3F9D];
	s0 =	simm.s32 @p1 $0x1  }
0x15: {  	[smem:$0x3FBA] =	sst s0;
	s0 =	simm.s32 @!p2 $0x0  }
0x16: {  	s3 =	sld [smem:$0x3FDB];
	s0 =	simm.s32 @p2 $0x1  }
0x17: {  	s4 =	simm.s32 $0x1BF5;
	[smem:$0x3FBC] =	sst s0  }
0x18: {  	s0 =	sld [smem:$0x3F9F];
	_ =	swait.ge [sflag:s4], $0x0  }
0x19: {  	s7 =	sld [smem:$0x3FA0]  }
0x1a: {  	s8 =	sadd.s32 $0xFFFFE003, lr  }
0x1b: {  	s9 =	sadd.s32 $0xFFFFFEF7, lr;
	s5 =	simm.s32 $0xFFFFFFFF;
	p2 =	slt.u32 s8, $0xFFFFF086  }
0x1c: {  	p1 =	slt.u32 s9, $0xF7A;
	s5 =	simm.s32 @!p2 $0x0  }
0x1d: {  	s5 =	simm.s32 @p1 $0x1;
	p0 =	seq.s32 s7, s2  }
0x1e: {  	s7 =	smul.u32 @!p0 $0xF7A, s2;
	p2 =	seq.s32 @!p0 s5, $0x0  }
0x1f: {  	s9 =	smul.u32 $0xF7A, s1;
	s8 =	simm.s32 @!p0 $0x1BF5;
	p2 =	por !p2, p0  }
0x20: {  	[sflag:s8] =	ssyncset.s32 @!p0 $0xFFFFF086;
	s6 =	sadd.s32 @!p0 s3, s7;
	s7 =	simm.s32 @!p0 $0x108  }
0x21: {  	s3 =	sadd.s32 s3, s9;
	s6 =	sadd.s32 @!p0 $0x88, s6;
	s7 =	simm.s32 @p2 $0x1082  }
0x22: {  	[simem:s7], [sflag:s8] =	dma.local @!p0 [hbm:s6], $0xF7A  }
0x23: {  	s9 =	sor.u32 $0xD0000000, s2;
	s6 =	simm.s32 $0x108;
	_ =	swait.ge @!p0 [sflag:s8], $0x0  }
0x24: {  	s3 =	sadd.s32 $0x88, s3;
	s6 =	simm.s32 @!p1 $0x1082;
	[sflag:s4] =	ssyncset.s32 $0xFFFFF086  }
0x25: {  	[simem:s6], [sflag:s4] =	dma.local [hbm:s3], $0xF7A  }
0x26: {  	[smem:$0x3FA0] =	sst s1;
	(tag) =	ssettag s2;
	_ =	strace s9  }
0x27: {  	s1 =	sld [smem:$0x3FB0]  }
0x28: {  	s2 =	sld [smem:$0x3FB1]  }
0x29: {  	s4 =	sld [smem:$0x3FB3]  }
0x2a: {  	p0 =	seq.s32 s5, $0x0;
	s5 =	sld [smem:$0x3FB4]  }
0x2b: {  	s6 =	sld [smem:$0x3FB5]  }
0x2c: {  	s7 =	sld [smem:$0x3FB6]  }
0x2d: {  	s3 =	simm.s32 $0x108;
	s8 =	sld [smem:$0x3FB7]  }
0x2e: {  	s3 =	simm.s32 @!p0 $0x1082;
	s9 =	sld [smem:$0x3FB8]  }
0x2f: {  	lr =	sadd.s32 s0, s3;
	s0 =	sld [smem:$0x3FAF]  }
0x30: {  	s3 =	sld [smem:$0x3FB2]  }
0x31: {  	[smem:$0x3FBB] =	sst s10  }
0x32: {  	s10 =	sld [smem:$0x3FB9];
	_ =	sdelay $0x3  }
0x33: {  	p0 =	seq.s32 s10, $0x1;
	s10 =	sld [smem:$0x3FBB];
	_ =	sdelay $0x3  }
0x34: {  	[smem:$0x3FBB] =	sst s10  }
0x35: {  	s10 =	sld [smem:$0x3FBA];
	_ =	sdelay $0x3  }
0x36: {  	p1 =	seq.s32 s10, $0x1;
	s10 =	sld [smem:$0x3FBB];
	_ =	sdelay $0x3  }
0x37: {  	[smem:$0x3FBB] =	sst s10  }
0x38: {  	s10 =	sld [smem:$0x3FBC]  }
0x39: {  	_ = 	snop;
	(pc) =	sbr.ind lr, $3  }
0x3a: {  	_ = 	snop  }
0x3b: {  	_ = 	snop  }
0x3c: {  	p2 =	seq.s32 s10, $0x1;
	s10 =	sld [smem:$0x3FBB]  }
0x3d: {  	_ =	shalt  }
0x3e: {  	_ =	shalt  }
0x3f: {  	_ =	shalt  }
0x40: {  	_ =	shalt  }
0x41: {  	_ =	shalt  }
0x42: {  	_ =	shalt  }
0x43: {  	_ =	shalt  }
0x44: {  	_ =	shalt  }
0x45: {  	_ =	shalt  }
0x46: {  	_ =	shalt  }
0x47: {  	_ =	shalt  }
0x48: {  	_ =	shalt  }
0x49: {  	_ =	shalt  }
0x4a: {  	_ =	shalt  }
0x4b: {  	_ =	shalt  }
0x4c: {  	_ =	shalt  }
0x4d: {  	_ =	shalt  }
0x4e: {  	_ =	shalt  }
0x4f: {  	_ =	shalt  }
0x50: {  	_ =	shalt  }
0x51: {  	_ =	shalt  }
0x52: {  	_ =	shalt  }
0x53: {  	_ =	shalt  }
0x54: {  	_ =	shalt  }
0x55: {  	_ =	shalt  }
0x56: {  	_ =	shalt  }
0x57: {  	_ =	shalt  }
0x58: {  	_ =	shalt  }
0x59: {  	_ =	shalt  }
0x5a: {  	_ =	shalt  }
0x5b: {  	_ =	shalt  }
0x5c: {  	_ =	shalt  }
0x5d: {  	_ =	shalt  }
0x5e: {  	_ =	shalt  }
0x5f: {  	_ =	shalt  }
0x60: {  	_ =	shalt  }
0x61: {  	_ =	shalt  }
0x62: {  	_ =	shalt  }
0x63: {  	_ =	shalt  }
0x64: {  	_ =	shalt  }
0x65: {  	_ =	shalt  }
0x66: {  	_ =	shalt  }
0x67: {  	_ =	shalt  }
0x68: {  	_ =	shalt  }
0x69: {  	_ =	shalt  }
0x6a: {  	_ =	shalt  }
0x6b: {  	_ =	shalt  }
0x6c: {  	_ =	shalt  }
0x6d: {  	_ =	shalt  }
0x6e: {  	_ =	shalt  }
0x6f: {  	_ =	shalt  }
0x70: {  	_ =	shalt  }
0x71: {  	_ =	shalt  }
0x72: {  	_ =	shalt  }
0x73: {  	_ =	shalt  }
0x74: {  	_ =	shalt  }
0x75: {  	_ =	shalt  }
0x76: {  	_ =	shalt  }
0x77: {  	_ =	shalt  }
0x78: {  	_ =	shalt  }
0x79: {  	_ =	shalt  }
0x7a: {  	_ =	shalt  }
0x7b: {  	_ =	shalt  }
0x7c: {  	_ =	shalt  }
0x7d: {  	_ =	shalt  }
0x7e: {  	_ =	shalt  }
0x7f: {  	_ =	shalt  }
0x80: {  	_ =	shalt  }
0x81: {  	_ =	shalt  }
0x82: {  	_ =	shalt  }
0x83: {  	_ =	shalt  }
0x84: {  	_ =	shalt  }
0x85: {  	_ =	shalt  }
0x86: {  	_ =	shalt  }
0x87: {  	_ =	shalt  }
.Lfunc_end0:
.L_simem_size_0:
called_computation.2_lowered:
.L_overlay_start_0:
0x88: {  	s2 =	sld [smem:$0x3FD9]  }
0x89: {  	s3 =	sld [smem:$0x3FFE];
	_ =	sdelay $0x1  }
0x8a: {  	s1 =	srdreg.scid  }
0x8b: {  	s0 =	sand.u32 $0x1, s1  }
0x8c: {  	s17 =	sshll.u32 s0, $0xA;
	s2 =	sadd.s32 s3, s2  }
0x8d: {  	s2 =	sadd.s32 s2, s17  }
0x8e: {  	[smem:$0x3FC7] =	sst s2  }
0x8f: {  	_ = 	snop  }
0x90: {  	s2 =	sld [smem:$0x3FD0];
	(tm) =	ssettm $0x1  }
0x91: {  	s18 =	sld [smem:$0x3FFB];
	_ =	sdelay $0x3  }
0x92: {  	_ =	strace s18  }
0x93: {  	s3 =	sld [smem:$0x3FFC];
	_ =	sdelay $0x3  }
0x94: {  	_ =	strace s3  }
0x95: {  	s3 =	sld [smem:$0x3FFD];
	_ =	sdelay $0x3  }
0x96: {  	_ =	strace s3  }
0x97: {  	_ =	strace $0x8FFFFFFF  }
0x98: {  	s19 =	sld [smem:$0x3FDB];
	_ =	sdelay $0x1  }
0x99: {  	s4 =	simm.s32 $_scs_section_size  }
0x9a: {  	s5 =	simm.s32 $_size__tile_overlayer_lowered;
	s6 =	simm.s32 $_tile_overlayer_lowered  }
0x9b: {  	s22 =	simm.s32 $0x1BFF;
	s21 =	sshll.u32 s6, $0x1;
	s3 =	sadd.s32 s4, s19  }
0x9c: {  	s7 =	simm.s32 $0x0;
	s20 =	sshll.u32 s5, $0x1;
	s5 =	sadd.s32 s21, s3  }
0x9d: {  	[timem:s7], [sflag:s22] =	dma.local [hbm:s5], s20  }
0x9e: {  	_ =	swait.ge [sflag:s22], s20  }
0x9f: {  	s4 =	ssub.s32 $0x0, s20;
	[sflag:s22] =	ssyncset.done $0x0  }
0xa0: {  	[sflag:s22] =	ssyncadd.s32 s4;
	_ =	sdelay $0x1  }
0xa1: {  	s23 =	simm.s32 $0x1B8B  }
0xa2: {  	_ =	swait.ge [sflag:s23], $0x1  }
0xa3: {  	[sflag:s23] =	ssyncset.done $0x0  }
0xa4: {  	s25 =	simm.s32 $0x1B8E;
	s24 =	sld [smem:$0x3FFE];
	[sflag:s23] =	ssyncadd.s32 $0xFFFFFFFF  }
0xa5: {  	s26 =	simm.s32 $execute0_lowered;
	[smem:$0x3FD2] =	sst s25  }
0xa6: {  	s5 =	sshll.u32 s26, $0x1;
	_ =	strace $0x80000049;
	[dreg:$0x1] =	wrdreg $0xFFFFFFFF  }
0xa7: {  	s28 =	simm.s32 $_size_execute0_lowered;
	s3 =	sadd.s32 s3, s5;
	[dreg:$0x0] =	wrdreg $0x0  }
0xa8: {  	s5 =	sshll.u32 s28, $0x1;
	[dreg:$0x2] =	wrdreg s3  }
0xa9: {  	[dreg:$0x3] =	wrdreg s5  }
0xaa: {  	[dreg:$0x4] =	wrdreg $0xC0  }
0xab: {  	_ =	task [dreg:s7], $0x5FFFF  }
0xac: {  	[dreg:$0x1] =	wrdreg $0xFFFFFFFF  }
0xad: {  	[dreg:$0x0] =	wrdreg $0x60  }
0xae: {  	[dreg:$0x2] =	wrdreg s2  }
0xaf: {  	[dreg:$0x3] =	wrdreg s24  }
0xb0: {  	[dreg:$0x4] =	wrdreg $0x9  }
0xb1: {  	_ =	task.clear_ibuf [dreg:s7], $0x5FFFF;
	_ =	strace $0x90000049  }
0xb2: {  	s29 =	simm.s32 $0x9;
	_ =	strace $0x8000004B  }
0xb3: {  	_ =	swait.ge [sflag:s29], $0x1  }
0xb4: {  	[sflag:s29] =	ssyncadd.s32 $0xFFFFFFFF  }
0xb5: {  	_ =	strace $0x9000004B  }
0xb6: {  	_ =	sfence  }
0xb7: {  	s30 =	sld [smem:$0x0];
	_ =	sdelay $0x2  }
0xb8: {  	s31 =	sshll.u32 s1, $0xD;
	s1 =	sshrl.u32 s1, $0x2  }
0xb9: {  	s3 =	sand.u32 $0x4000, s31;
	s1 =	sadd.s32 s1, s30  }
0xba: {  	s0 =	sor.u32 s3, s0;
	s1 =	sshll.u32 s1, $0x11  }
0xbb: {  	s0 =	sor.u32 s1, s0  }
0xbc: {  	s0 =	sadd.s32 $0x8F2B, s0  }
0xbd: {  	[sflag:s0] =	ssyncadd.remote.s32 $0x1  }
0xbe: {  	_ =	sfence.sel $0xFFFF  }
0xbf: {  	[dreg:$0x0] =	wrdreg $0xFFFFFFFF;
	(pc) =	sbr.abs _section_cstart, $3  }
0xc0: {  	[dreg:$0x1] =	wrdreg $0xFFFFFFFF  }
0xc1: {  	_ =	task.clear_ibuf [dreg:s7], $0x2FFFF;
	_ =	strace $0x9FFFFFFF  }
0xc2: {  	(tm) =	ssettm $0x7FFFFFFF  }
0xc3: {  	_ =	shalt  }
tec
execute0_lowered:
.L_overlay_start_1:
0x0: {  	(tag) =	ssettag $0x1  }
0x1: {  	s3 =	rddreg [dreg:$0x0]  }
0x2: {  	s4 =	rddreg [dreg:$0x1];
	s1 =	simm.s32 $0x0  }
0x3: {  	[smem:$0x7FF] =	sst s1  }
0x4: {  	s0 =	rddreg [dreg:$0x2];
	v0 =	vimm.f32 $9.999999770e-03;
	_ =	strace $0x8000004A  }
0x5: {  	(erf) = vrcp.f32 v0;
	_ =	sdelay $0x1  }
0x6: {  	s5 =	srdreg.scid;
	s2 =	stileid.u32  }
0x7: {  	s5 =	sand.u32 $0x1, s5;
	s6 =	sshll.u32 s2, $0x1  }
0x8: {  	s6 =	sor.u32 s5, s6  }
0x9: {  	s5 =	ssub.s32 $0x2, s5;
	s7 =	sshll.u32 s6, $0x6;
	v0 =	vlaneseq.u32  }
0xa: {  	s6 =	sshll.u32 s6, $0x9;
	s8 =	sshrl.u32 s5, $0x1;
	s7 =	sadd.s32 s7, s4;
	v0 =	vshrl.u32 v0, $0x3  }
0xb: {  	s9 =	sadd.s32 s6, s4;
	s8 =	ssub.s32 s5, s8;
	s3 =	sadd.s32 s3, s6;
	v1 =	vor.u32 $0x2, v0  }
0xc: {  	s4 =	sadd.s32 $0xE00, s7;
	s5 =	sadd.s32 $0x1600, s9;
	s6 =	smax.u32 s8, $0x1;
	v2 =	vor.u32 $0x4, v0;
	v3 =	vor.u32 $0x6, v0;
	v4 =	vor.u32 $0x8, v0  }
0xd: {  	s7 =	simm.s32 $0x1;
	v6 =	vor.u32 $0xA, v0;
	v7 =	vor.u32 $0xC, v0;
	v8 =	vor.u32 $0xE, v0;
	s8 =	simm.s32 $0x1200;
	s9 =	simm.s32 $0x0;
	v5 =	vpop (erf)  }
.LBB2_1:
0xe: {  	[tilespmem:s1], [sflag:$0x1] =	stream.linear.gather [hbm4b:s3+s1], $0x1000, $0x38;
	[tilespmem:$0x2200] =	vst v63  }
0xf: {  	_ =	swait.ge [sflag:s7], $0x1000  }
0x10: {  	[sflag:s7] =	ssyncset.done $0x0  }
0x11: {  	s10 =	simm.s32 $0x1000;
	[sflag:s7] =	ssyncadd.s32 $0xFFFFF000  }
0x12: {  	[tilespmem:s10], [sflag:$0x1] =	stream.linear.gather [hbm4b:s4+s1], $0x200, $0x38;
	[tilespmem:$0x2200] =	vst v63  }
0x13: {  	_ =	swait.ge [sflag:s7], $0x200  }
0x14: {  	[sflag:s7] =	ssyncset.done $0x0  }
0x15: {  	[sflag:s7] =	ssyncadd.s32 $0xFFFFFE00  }
0x16: {  	v9 =	vld [tilespmem:s10+$0x0]  }
0x17: {  	s10 =	simm.s32 $0x0  }
0x18: {  	v10 =	vld [tilespmem:s10+$0x20]  }
0x19: {  	v11 =	vld [tilespmem:s10+$0x10];
	_ =	sdelay $0x1  }
0x1a: {  	v12 =	vld [tilespmem:s10+$0x60];
	v13 =	vperm.xlane v9, v2  }
0x1b: {  	v14 =	vld [tilespmem:s10+$0x0];
	v16 =	vperm.xlane v9, v1  }
0x1c: {  	v17 =	vld [tilespmem:s10+$0x30];
	v18 =	vperm.xlane v9, v4;
	v10 =	vsub.f32 v10, v13  }
0x1d: {  	v15 =	vld [tilespmem:s10+$0x40];
	v49 =	vperm.xlane v9, v7;
	v19 =	vperm.xlane v9, v8;
	v11 =	vsub.f32 v11, v16  }
0x1e: {  	v53 =	vld [tilespmem:s10+$0x50];
	v20 =	vperm.xlane v9, v0;
	v10 =	vmul.f32 v10, v5  }
0x1f: {  	v50 =	vperm.xlane v9, v3;
	v12 =	vsub.f32 v12, v49;
	v11 =	vmul.f32 v11, v5  }
0x20: {  	v9 =	vperm.xlane v9, v6;
	v51 =	vsub.f32 v14, v20;
	v10 =	vsub.f32 $0.0e+00, v10  }
0x21: {  	v16 =	vsub.f32 v17, v50;
	v12 =	vmul.f32 v12, v5;
	v11 =	vsub.f32 $0.0e+00, v11  }
0x22: {  	v54 =	vld [tilespmem:s10+$0x70];
	v52 =	vsub.f32 v15, v18;
	v13 =	vmul.f32 v51, v5;
	v10 =	vmul.f32 $1.442695020e+00, v10  }
0x23: {  	v9 =	vsub.f32 v53, v9;
	v16 =	vmul.f32 v16, v5;
	v11 =	vmul.f32 $1.442695020e+00, v11  }
0x24: {  	v14 =	vmul.f32 v52, v5;
	v12 =	vsub.f32 $0.0e+00, v12;
	(erf) = vpow2.f32 v10  }
0x25: {  	v13 =	vsub.f32 $0.0e+00, v13;
	v55 =	vsub.f32 $0.0e+00, v16;
	(erf) = vpow2.f32 v11  }
0x26: {  	v9 =	vmul.f32 v9, v5;
	v14 =	vsub.f32 $0.0e+00, v14;
	v12 =	vmul.f32 $1.442695020e+00, v12  }
0x27: {  	v56 =	vsub.f32 v54, v19;
	v10 =	vmul.f32 $1.442695020e+00, v13;
	v13 =	vmul.f32 $1.442695020e+00, v55  }
0x28: {  	v11 =	vmul.f32 $1.442695020e+00, v14;
	(erf) = vpow2.f32 v12  }
0x29: {  	(erf) = vpow2.f32 v10;
	v10 =	vmul.f32 v56, v5  }
0x2a: {  	v9 =	vsub.f32 $0.0e+00, v9;
	(erf) = vpow2.f32 v11  }
0x2b: {  	(erf) = vpow2.f32 v13;
	v10 =	vsub.f32 $0.0e+00, v10  }
0x2c: {  	v9 =	vmul.f32 $1.442695020e+00, v9  }
0x2d: {  	v10 =	vmul.f32 $1.442695020e+00, v10;
	v11 =	vpop (erf)  }
0x2e: {  	(erf) = vpow2.f32 v9;
	v9 =	vadd.f32 $1.000000000e+00, v11;
	v11 =	vpop (erf)  }
0x2f: {  	(erf) = vpow2.f32 v10;
	v10 =	vadd.f32 $1.000000000e+00, v11;
	_ =	sdelay $0x1  }
0x30: {  	v11 =	vpop (erf)  }
0x31: {  	v57 =	vpop (erf);
	(erf) = vrcp.f32 v9  }
0x32: {  	v11 =	vadd.f32 $1.000000000e+00, v11;
	(erf) = vrcp.f32 v10;
	v10 =	vpop (erf)  }
0x33: {  	v58 =	vpop (erf)  }
0x34: {  	v9 =	vadd.f32 $1.000000000e+00, v57;
	(erf) = vrcp.f32 v11;
	v11 =	vadd.f32 $1.000000000e+00, v58  }
0x35: {  	v10 =	vadd.f32 $1.000000000e+00, v10  }
0x36: {  	(erf) = vrcp.f32 v9  }
0x37: {  	(erf) = vrcp.f32 v10  }
0x38: {  	(erf) = vrcp.f32 v11;
	v11 =	vpop (erf)  }
0x39: {  	v59 =	vpop (erf);
	v11 =	vadd.f32 $1.000000000e+00, v11  }
0x3a: {  	v12 =	vadd.f32 $1.000000000e+00, v59  }
0x3b: {  	(erf) = vrcp.f32 v11  }
0x3c: {  	s14 =	simm.s32 $0x80;
	(erf) = vrcp.f32 v12  }
0x3d: {  	v9 =	vld [tilespmem:s14+$0x70];
	v60 =	vpop (erf)  }
0x3e: {  	v10 =	vld [tilespmem:s14+$0x30];
	[tilespmem:s10+$0x1220] =	vst v60;
	v61 =	vpop (erf)  }
0x3f: {  	[tilespmem:s10+$0x1210] =	vst v61;
	v62 =	vpop (erf)  }
0x40: {  	[tilespmem:s10+$0x1260] =	vst v62;
	v63 =	vpop (erf)  }
0x41: {  	[tilespmem:s10+$0x1200] =	vst v63;
	v11 =	vpop (erf)  }
0x42: {  	s12 =	simm.s32 $0x400;
	s13 =	simm.s32 $0x1010;
	s11 =	simm.s32 $0x1010;
	[tilespmem:s10+$0x1240] =	vst v11;
	v11 =	vpop (erf)  }
.LBB2_2:
0x43: {  	p0 =	sne.s32 s12, $0x3E00  }
0x44: {  	s13 =	sadd.s32 $0x10, s13;
	[tilespmem:s10+$0x1230] =	vst v11;
	v11 =	vpop (erf);
	s15 =	smov.u32 s12;
	s12 =	sadd.s32 $0x200, s12  }
0x45: {  	[tilespmem:s10+$0x1250] =	vst v11;
	v11 =	vpop (erf)  }
0x46: {  	[tilespmem:s10+$0x1270] =	vst v11;
	s10 =	smov.u32 s14  }
0x47: {  	v11 =	vld [tilespmem:s11+$0x0];
	s11 =	smov.u32 s13  }
0x48: {  	v12 =	vld [tilespmem:s10+$0x60]  }
0x49: {  	v13 =	vld [tilespmem:s10+$0x20]  }
0x4a: {  	v14 =	vld [tilespmem:s10+$0x40]  }
0x4b: {  	v15 =	vld [tilespmem:s10+$0x10]  }
0x4c: {  	v16 =	vperm.xlane v11, v1;
	v17 =	vperm.xlane v11, v2;
	v18 =	vld [tilespmem:s10+$0x50]  }
0x4d: {  	v20 =	vperm.xlane v11, v4;
	v21 =	vperm.xlane v11, v8;
	v19 =	vld [tilespmem:s10+$0x0]  }
0x4e: {  	v22 =	vperm.xlane v11, v6;
	v13 =	vsub.f32 v13, v17;
	v17 =	vperm.xlane v11, v3  }
0x4f: {  	v23 =	vperm.xlane v11, v0;
	v11 =	vperm.xlane v11, v7;
	v14 =	vsub.f32 v14, v20  }
0x50: {  	v15 =	vsub.f32 v15, v16;
	v13 =	vmul.f32 v13, v5;
	v10 =	vsub.f32 v10, v17  }
0x51: {  	v11 =	vsub.f32 v12, v11;
	v14 =	vmul.f32 v14, v5;
	v16 =	vsub.f32 v18, v22  }
0x52: {  	v9 =	vsub.f32 v9, v21;
	v12 =	vsub.f32 v19, v23;
	v15 =	vmul.f32 v15, v5  }
0x53: {  	v13 =	vsub.f32 $0.0e+00, v13;
	v10 =	vmul.f32 v10, v5;
	v11 =	vmul.f32 v11, v5  }
0x54: {  	v16 =	vmul.f32 v16, v5;
	v12 =	vmul.f32 v12, v5;
	v15 =	vsub.f32 $0.0e+00, v15  }
0x55: {  	v9 =	vmul.f32 v9, v5;
	v13 =	vmul.f32 $1.442695020e+00, v13;
	v11 =	vsub.f32 $0.0e+00, v11  }
0x56: {  	v16 =	vsub.f32 $0.0e+00, v16;
	v12 =	vsub.f32 $0.0e+00, v12;
	v15 =	vmul.f32 $1.442695020e+00, v15  }
0x57: {  	v14 =	vsub.f32 $0.0e+00, v14;
	v11 =	vmul.f32 $1.442695020e+00, v11;
	(erf) = vpow2.f32 v13  }
0x58: {  	v10 =	vsub.f32 $0.0e+00, v10;
	v12 =	vmul.f32 $1.442695020e+00, v12;
	(erf) = vpow2.f32 v15  }
0x59: {  	v9 =	vsub.f32 $0.0e+00, v9;
	v13 =	vmul.f32 $1.442695020e+00, v14;
	(erf) = vpow2.f32 v11  }
0x5a: {  	v10 =	vmul.f32 $1.442695020e+00, v10;
	(erf) = vpow2.f32 v12  }
0x5b: {  	v11 =	vmul.f32 $1.442695020e+00, v16;
	(erf) = vpow2.f32 v13  }
0x5c: {  	v9 =	vmul.f32 $1.442695020e+00, v9;
	(erf) = vpow2.f32 v10  }
0x5d: {  	(erf) = vpow2.f32 v11  }
0x5e: {  	(erf) = vpow2.f32 v9;
	_ =	sdelay $0x1  }
0x5f: {  	v9 =	vpop (erf)  }
0x60: {  	v9 =	vadd.f32 $1.000000000e+00, v9;
	v10 =	vpop (erf)  }
0x61: {  	v13 =	vadd.f32 $1.000000000e+00, v10;
	v11 =	vpop (erf)  }
0x62: {  	v11 =	vadd.f32 $1.000000000e+00, v11;
	v12 =	vpop (erf);
	(erf) = vrcp.f32 v9  }
0x63: {  	v14 =	vadd.f32 $1.000000000e+00, v12;
	(erf) = vrcp.f32 v13;
	v10 =	vpop (erf)  }
0x64: {  	v13 =	vadd.f32 $1.000000000e+00, v10;
	v12 =	vpop (erf);
	(erf) = vrcp.f32 v11  }
0x65: {  	v11 =	vadd.f32 $1.000000000e+00, v12;
	(erf) = vrcp.f32 v14;
	v9 =	vpop (erf)  }
0x66: {  	v9 =	vadd.f32 $1.000000000e+00, v9;
	(erf) = vrcp.f32 v13;
	v10 =	vpop (erf)  }
0x67: {  	v10 =	vadd.f32 $1.000000000e+00, v10;
	(erf) = vrcp.f32 v11  }
0x68: {  	(erf) = vrcp.f32 v9  }
0x69: {  	(erf) = vrcp.f32 v10  }
0x6a: {  	s14 =	sshra.s32 s15, $0x2  }
0x6b: {  	v10 =	vld [tilespmem:s14+$0x30];
	v11 =	vpop (erf)  }
.Ltmp0:
0x6c: {  	v9 =	vld [tilespmem:s14+$0x70];
	[tilespmem:s10+$0x1220] =	vst v11;
	v11 =	vpop (erf);
	(pc) =	sbr.rel @p0 .LBB2_2-.Ltmp0, $4  }
0x6d: {  	[tilespmem:s10+$0x1210] =	vst v11;
	v11 =	vpop (erf)  }
0x6e: {  	[tilespmem:s10+$0x1260] =	vst v11;
	v11 =	vpop (erf)  }
0x6f: {  	[tilespmem:s10+$0x1200] =	vst v11;
	v11 =	vpop (erf)  }
0x70: {  	[tilespmem:s10+$0x1240] =	vst v11;
	v11 =	vpop (erf)  }
0x71: {  	[tilespmem:s10+$0x1230] =	vst v11;
	v11 =	vpop (erf)  }
0x72: {  	[tilespmem:s10+$0x1250] =	vst v11;
	v11 =	vpop (erf)  }
0x73: {  	[tilespmem:s10+$0x1270] =	vst v11  }
0x74: {  	v11 =	vld [tilespmem:s11+$0x0];
	_ =	sdelay $0x1  }
0x75: {  	v13 =	vld [tilespmem:s14+$0x20]  }
0x76: {  	v15 =	vld [tilespmem:s14+$0x10]  }
0x77: {  	v14 =	vld [tilespmem:s14+$0x40]  }
0x78: {  	v12 =	vld [tilespmem:s14+$0x60];
	v16 =	vperm.xlane v11, v2  }
0x79: {  	v19 =	vld [tilespmem:s14+$0x0];
	v18 =	vperm.xlane v11, v1;
	v20 =	vperm.xlane v11, v4  }
0x7a: {  	v21 =	vperm.xlane v11, v8;
	v58 =	vperm.xlane v11, v3;
	v13 =	vsub.f32 v13, v16  }
0x7b: {  	v22 =	vperm.xlane v11, v6;
	v59 =	vperm.xlane v11, v7;
	v15 =	vsub.f32 v15, v18  }
0x7c: {  	v17 =	vld [tilespmem:s14+$0x50];
	v11 =	vperm.xlane v11, v0;
	v14 =	vsub.f32 v14, v20;
	v13 =	vmul.f32 v13, v5  }
0x7d: {  	v10 =	vsub.f32 v10, v58;
	v12 =	vsub.f32 v12, v59;
	v15 =	vmul.f32 v15, v5  }
0x7e: {  	v11 =	vsub.f32 v19, v11;
	v13 =	vsub.f32 $0.0e+00, v13  }
0x7f: {  	v14 =	vmul.f32 v14, v5;
	v12 =	vmul.f32 v12, v5;
	v15 =	vsub.f32 $0.0e+00, v15  }
0x80: {  	v9 =	vsub.f32 v9, v21;
	v10 =	vmul.f32 v10, v5;
	v13 =	vmul.f32 $1.442695020e+00, v13  }
0x81: {  	v60 =	vsub.f32 v17, v22;
	v11 =	vmul.f32 v11, v5;
	v15 =	vmul.f32 $1.442695020e+00, v15  }
0x82: {  	v9 =	vmul.f32 v9, v5;
	v12 =	vsub.f32 $0.0e+00, v12;
	(erf) = vpow2.f32 v13  }
0x83: {  	v11 =	vsub.f32 $0.0e+00, v11;
	v14 =	vsub.f32 $0.0e+00, v14;
	(erf) = vpow2.f32 v15  }
0x84: {  	v16 =	vmul.f32 v60, v5;
	v10 =	vsub.f32 $0.0e+00, v10;
	v12 =	vmul.f32 $1.442695020e+00, v12  }
0x85: {  	v9 =	vsub.f32 $0.0e+00, v9;
	v11 =	vmul.f32 $1.442695020e+00, v11;
	v14 =	vmul.f32 $1.442695020e+00, v14  }
0x86: {  	v61 =	vsub.f32 $0.0e+00, v16;
	v10 =	vmul.f32 $1.442695020e+00, v10;
	(erf) = vpow2.f32 v12  }
0x87: {  	v9 =	vmul.f32 $1.442695020e+00, v9;
	(erf) = vpow2.f32 v11  }
0x88: {  	v11 =	vmul.f32 $1.442695020e+00, v61;
	(erf) = vpow2.f32 v14  }
0x89: {  	(erf) = vpow2.f32 v10  }
0x8a: {  	(erf) = vpow2.f32 v11  }
0x8b: {  	(erf) = vpow2.f32 v9;
	v9 =	vpop (erf)  }
0x8c: {  	v10 =	vpop (erf)  }
0x8d: {  	v10 =	vadd.f32 $1.000000000e+00, v10  }
0x8e: {  	v9 =	vadd.f32 $1.000000000e+00, v9  }
0x8f: {  	v11 =	vpop (erf)  }
0x90: {  	v62 =	vpop (erf);
	(erf) = vrcp.f32 v9  }
0x91: {  	v9 =	vadd.f32 $1.000000000e+00, v62;
	(erf) = vrcp.f32 v10;
	v10 =	vpop (erf)  }
0x92: {  	v11 =	vadd.f32 $1.000000000e+00, v11;
	v10 =	vadd.f32 $1.000000000e+00, v10;
	_ =	sdelay $0x1  }
0x93: {  	(erf) = vrcp.f32 v11;
	v63 =	vpop (erf)  }
0x94: {  	(erf) = vrcp.f32 v9;
	v11 =	vadd.f32 $1.000000000e+00, v63;
	v9 =	vpop (erf)  }
0x95: {  	v9 =	vadd.f32 $1.000000000e+00, v9;
	(erf) = vrcp.f32 v10;
	v10 =	vpop (erf)  }
0x96: {  	(erf) = vrcp.f32 v11;
	v10 =	vadd.f32 $1.000000000e+00, v10  }
0x97: {  	(erf) = vrcp.f32 v9  }
0x98: {  	(erf) = vrcp.f32 v10;
	_ =	sdelay $0x1  }
0x99: {  	v9 =	vpop (erf)  }
0x9a: {  	[tilespmem:s14+$0x1220] =	vst v9;
	v9 =	vpop (erf)  }
0x9b: {  	[tilespmem:s14+$0x1210] =	vst v9;
	v9 =	vpop (erf)  }
0x9c: {  	[tilespmem:s14+$0x1260] =	vst v9;
	v9 =	vpop (erf)  }
0x9d: {  	[tilespmem:s14+$0x1200] =	vst v9;
	v9 =	vpop (erf)  }
0x9e: {  	[tilespmem:s14+$0x1240] =	vst v9;
	v9 =	vpop (erf)  }
0x9f: {  	s9 =	sadd.s32 $0x1, s9;
	[tilespmem:s14+$0x1230] =	vst v9;
	v9 =	vpop (erf)  }
0xa0: {  	p0 =	sne.s32 s9, s6;
	[tilespmem:s14+$0x1250] =	vst v9;
	v9 =	vpop (erf)  }
.Ltmp1:
0xa1: {  	[tilespmem:s14+$0x1270] =	vst v9;
	(pc) =	sbr.rel @p0 .LBB2_1-.Ltmp1, $4  }
0xa2: {  	[hbm4b:s5+s1] =	stream.linear.scatter [tilespmem:s8], [sflag:$0x1], $0x1000, $0x38;
	[tilespmem:$0x2200] =	vst v63  }
0xa3: {  	_ =	swait.ge [sflag:s7], $0x1000  }
0xa4: {  	[sflag:s7] =	ssyncset.done $0x0  }
0xa5: {  	[sflag:s7] =	ssyncadd.s32 $0xFFFFF000  }
0xa6: {  	_ =	sfence.sel $0x180000  }
0xa7: {  	[bflag:$0x0] =	sbarrier.arrive $0xFFFF  }
0xa8: {  	p0 =	sne.s32 s2, $0x0;
	_ =	strace $0x9000004A  }
0xa9: {  	s0 =	sadd.s32 @!p0 $0x100000, s0;
	[bflag:$0x2] =	sbarrier.arrive $0xFFFF  }
0xaa: {  	[sflag:s0] =	ssyncadd.tile.s32 @!p0 $0x1;
	_ =	shalt  }
.Lfunc_end2:
_tile_overlayer_lowered:
.L_overlay_start_2:
0xab: {  	(tag) =	ssettag $0x2  }
0xac: {  	s0 =	rddreg [dreg:$0x0];
	s2 =	stileid.u32  }
0xad: {  	s1 =	rddreg [dreg:$0x1];
	p0 =	sne.s32 s2, $0x0  }
0xae: {  	s3 =	rddreg [dreg:$0x2];
	[bflag:$0x3] =	sbarrier.arrive $0xFFFF;
	s2 =	simm.s32 @!p0 $0x1C01  }
0xaf: {  	[timem:s3], [sflag:s2] =	dma.local @!p0 [hbm:s0], s1  }
0xb0: {  	s0 =	simm.s32 @!p0 $0x1  }
0xb1: {  	_ =	swait.ge @!p0 [sflag:s0], s1  }
0xb2: {  	s1 =	ssub.s32 @!p0 $0x0, s1;
	[sflag:s0] =	ssyncset.done @!p0 $0x0  }
0xb3: {  	[sflag:s0] =	ssyncadd.s32 @!p0 s1  }
0xb4: {  	[bflag:$0x3] =	sbarrier.arrive $0xFFFF  }
0xb5: {  	_ =	shalt  }

</sc_bundles>
